<compile_context>
chip_gen: v7x
topology: tpu7x:2x2x1
jax: 0.10.2.dev20260603
libtpu: 0.0.44.dev20260713+nightly
codegen_flags: <defaults>
</compile_context>

<pallas_src>
import functools

import jax
import jax.numpy as jnp
from jax import lax
from jax.experimental import pallas as pl
from jax.experimental.pallas import tpu as pltpu
from jax.experimental.pallas import tpu_sc as plsc

N = 10000
N_PAD = 10240
E = 160000
E_PAD = 163840
D = 256
H = 8
DH = D // H
DFF = D * 3
EPS = 1e-5
HW = 16

NC = 2
NS = 16
CHUNK = 128

ROWS_Q = N_PAD // (2 * NC)
SLICE_ROWS = ROWS_Q + 8
TRASH = ROWS_Q

K2C = 128
K2_CHUNKS = 40
K2_STRIDE = E_PAD // (NC * NS)

ROW_BLK = 1024
EDGE_BLK = 2048



def _qkv_body(x_ref, w_ref, b_ref, q_ref, kv_ref):
    qkv = jnp.dot(x_ref[...], w_ref[...], preferred_element_type=jnp.float32)
    qkv = qkv + b_ref[...]

    def pack(x):
        u = jax.lax.bitcast_convert_type(x, jnp.int32)
        r = (u + 0x7FFF + ((u >> 16) & 1)) >> 16
        lo = r[:, :D // 2] & 0xFFFF
        hi = r[:, D // 2:] << 16
        return lo | hi

    q_ref[...] = pack(qkv[:, :D] * (1.0 / (DH ** 0.5)))
    kv_ref[...] = jnp.concatenate(
        [pack(qkv[:, D:2 * D]), pack(qkv[:, 2 * D:])], axis=1)


def _qkv_proj(x_pad, wt, b):
    return pl.pallas_call(
        _qkv_body,
        grid=(N_PAD // ROW_BLK,),
        in_specs=[
            pl.BlockSpec((ROW_BLK, D), lambda i: (i, 0)),
            pl.BlockSpec((D, 3 * D), lambda i: (0, 0)),
            pl.BlockSpec((1, 3 * D), lambda i: (0, 0)),
        ],
        out_specs=[
            pl.BlockSpec((ROW_BLK, D // 2), lambda i: (i, 0)),
            pl.BlockSpec((ROW_BLK, D), lambda i: (i, 0)),
        ],
        out_shape=[
            jax.ShapeDtypeStruct((N_PAD, D // 2), jnp.int32),
            jax.ShapeDtypeStruct((N_PAD, D), jnp.int32),
        ],
    )(x_pad, wt, b)



def _gather_body(q_hbm, kv_hbm, row_hbm, col_hbm,
                 qe_hbm, kve_hbm,
                 rowi0, coli0, qb0, kvb0,
                 rowi1, coli1, qb1, kvb1,
                 g0, g1, w0, w1):
    c = lax.axis_index("c")
    s = lax.axis_index("s")
    w = c * NS + s
    wbase = w * K2_STRIDE

    sets = ((rowi0, coli0, qb0, kvb0, g0, w0),
            (rowi1, coli1, qb1, kvb1, g1, w1))

    def idx_and_gather(i, p):
        rowi, coli, qb, kvb, gsem, _ = sets[p]
        base = wbase + i * K2C
        pltpu.sync_copy(row_hbm.at[pl.ds(base, K2C)], rowi)
        pltpu.sync_copy(col_hbm.at[pl.ds(base, K2C)], coli)
        pltpu.async_copy(q_hbm.at[rowi], qb, gsem)
        pltpu.async_copy(kv_hbm.at[coli], kvb, gsem)

    def wait_gathers(p):
        rowi, coli, qb, kvb, gsem, _ = sets[p]
        pltpu.make_async_copy(q_hbm.at[rowi], qb, gsem).wait()
        pltpu.make_async_copy(kv_hbm.at[coli], kvb, gsem).wait()

    def issue_writes(i, p):
        _, _, qb, kvb, _, wsem = sets[p]
        base = wbase + i * K2C
        pltpu.async_copy(qb, qe_hbm.at[pl.ds(base, K2C)], wsem)
        pltpu.async_copy(kvb, kve_hbm.at[pl.ds(base, K2C)], wsem)

    def wait_writes(i, p):
        _, _, qb, kvb, _, wsem = sets[p]
        base = wbase + i * K2C
        pltpu.make_async_copy(qb, qe_hbm.at[pl.ds(base, K2C)], wsem).wait()
        pltpu.make_async_copy(kvb, kve_hbm.at[pl.ds(base, K2C)], wsem).wait()

    idx_and_gather(0, 0)

    def pair(j, carry):
        @pl.when(j > 0)
        def _():
            wait_writes(2 * j - 1, 1)
        idx_and_gather(2 * j + 1, 1)
        wait_gathers(0)
        issue_writes(2 * j, 0)

        @pl.when(j < K2_CHUNKS // 2 - 1)
        def _():
            wait_writes(2 * j, 0)
            idx_and_gather(2 * j + 2, 0)
        wait_gathers(1)
        issue_writes(2 * j + 1, 1)
        return carry

    lax.fori_loop(0, K2_CHUNKS // 2, pair, 0)
    wait_writes(K2_CHUNKS - 2, 0)
    wait_writes(K2_CHUNKS - 1, 1)


def _edge_gather(q_t, kv_t, row_pad, col_pad):
    mesh = plsc.VectorSubcoreMesh(core_axis_name="c", subcore_axis_name="s",
                                  num_cores=NC, num_subcores=NS)
    buf = lambda: [pltpu.VMEM((K2C,), jnp.int32),
                   pltpu.VMEM((K2C,), jnp.int32),
                   pltpu.VMEM((K2C, D // 2), jnp.int32),
                   pltpu.VMEM((K2C, D), jnp.int32)]
    f = pl.kernel(
        _gather_body,
        out_type=[
            jax.ShapeDtypeStruct((E_PAD, D // 2), jnp.int32),
            jax.ShapeDtypeStruct((E_PAD, D), jnp.int32),
        ],
        mesh=mesh,
        scratch_types=[*buf(), *buf(),
                       pltpu.SemaphoreType.DMA, pltpu.SemaphoreType.DMA,
                       pltpu.SemaphoreType.DMA, pltpu.SemaphoreType.DMA],
    )
    return f(q_t, kv_t, row_pad, col_pad)



def _unpack(w):
    f_lo = jax.lax.bitcast_convert_type(w << 16, jnp.float32)
    f_hi = jax.lax.bitcast_convert_type(w & jnp.int32(-65536), jnp.float32)
    return jnp.concatenate([f_lo, f_hi], axis=1)


def _score_body(q_ref, kv_ref, hmap_ref, prodt_ref, ext_ref):
    kv = kv_ref[...]
    qk = _unpack(q_ref[...]) * _unpack(kv[:, :D // 2])
    s = jnp.dot(qk, hmap_ref[...], preferred_element_type=jnp.float32)
    ex = jnp.exp(s)
    exd = jnp.dot(ex, hmap_ref[...].T, preferred_element_type=jnp.float32)
    prod = exd * _unpack(kv[:, D // 2:])
    prodt_ref[...] = prod.T
    ext_ref[...] = ex.T


def _edge_scores(qe, kve, hmap):
    return pl.pallas_call(
        _score_body,
        grid=(E_PAD // EDGE_BLK,),
        in_specs=[
            pl.BlockSpec((EDGE_BLK, D // 2), lambda i: (i, 0)),
            pl.BlockSpec((EDGE_BLK, D), lambda i: (i, 0)),
            pl.BlockSpec((D, HW), lambda i: (0, 0)),
        ],
        out_specs=[
            pl.BlockSpec((D, EDGE_BLK), lambda i: (0, i)),
            pl.BlockSpec((HW, EDGE_BLK), lambda i: (0, i)),
        ],
        out_shape=[
            jax.ShapeDtypeStruct((D, E_PAD), jnp.float32),
            jax.ShapeDtypeStruct((HW, E_PAD), jnp.float32),
        ],
    )(qe, kve, hmap)



DPT = 8
K4_BLK = 2048
N_K4CHUNKS = E_PAD // K4_BLK
EIGHTH = E_PAD // 8


STAGE_C = 1024


def _scatter_body(prodt_hbm, ext_hbm, row_hbm, out_hbm, parts_hbm,
                  rowb, datab, rowb1, datab1, acc, stage, dsem0, dsem1):
    c = lax.axis_index("c")
    s = lax.axis_index("s")
    wid = c * NS + s
    start = wid * DPT

    def zero_acc():
        def zloop(z, carry):
            acc[pl.ds(z * 16, 16)] = jnp.zeros((16,), jnp.float32)
            return carry
        lax.fori_loop(0, (DPT * N_PAD) // 16, zloop, 0)

    def scan(src_hbm, src_start, chunk_lo, chunk_hi):
        sets = ((rowb, datab, dsem0), (rowb1, datab1, dsem1))

        def issue(j, p):
            rb, db, sem = sets[p]
            base = j * K4_BLK
            pltpu.async_copy(row_hbm.at[pl.ds(base, K4_BLK)], rb, sem)
            pltpu.async_copy(
                src_hbm.at[pl.ds(src_start, DPT), pl.ds(base, K4_BLK)],
                db, sem)

        def wait(j, p):
            rb, db, sem = sets[p]
            base = j * K4_BLK
            pltpu.make_async_copy(
                row_hbm.at[pl.ds(base, K4_BLK)], rb, sem).wait()
            pltpu.make_async_copy(
                src_hbm.at[pl.ds(src_start, DPT), pl.ds(base, K4_BLK)],
                db, sem).wait()

        def compute(p):
            rb, db, _ = sets[p]

            @plsc.parallel_loop(0, K4_BLK // 16, unroll=8)
            def group(g):
                rv = rb[pl.ds(g * 16, 16)]
                for d in range(DPT):
                    vals = db[d, pl.ds(g * 16, 16)]
                    plsc.addupdate_scatter(acc, [rv + d * N_PAD], vals)

        issue(chunk_lo, 0)

        def pair(i, carry):
            j = chunk_lo + 2 * i

            @pl.when(j + 1 < chunk_hi)
            def _():
                issue(j + 1, 1)
            wait(j, 0)
            compute(0)

            @pl.when(j + 1 < chunk_hi)
            def _():
                @pl.when(j + 2 < chunk_hi)
                def _():
                    issue(j + 2, 0)
                wait(j + 1, 1)
                compute(1)
            return carry
        lax.fori_loop(0, (chunk_hi - chunk_lo + 1) // 2, pair, 0)

    def copy_out(dst_slab):
        def slab(b, carry):
            def mv(g, carry2):
                for d in range(DPT):
                    stage[d, pl.ds(g * 16, 16)] = (
                        acc[pl.ds(d * N_PAD + b * STAGE_C + g * 16, 16)])
                return carry2
            lax.fori_loop(0, STAGE_C // 16, mv, 0)
            pltpu.sync_copy(stage, dst_slab(b))
            return carry
        lax.fori_loop(0, N_PAD // STAGE_C, slab, 0)

    zero_acc()
    scan(prodt_hbm, start, 0, N_K4CHUNKS)
    copy_out(lambda b: out_hbm.at[pl.ds(start, DPT),
                                  pl.ds(b * STAGE_C, STAGE_C)])

    @pl.when(wid < 16)
    def _():
        zero_acc()
        nch = N_K4CHUNKS // 8
        scan(ext_hbm, (wid % 2) * DPT, (wid // 2) * nch, (wid // 2 + 1) * nch)
        copy_out(lambda b: parts_hbm.at[wid, pl.ds(0, DPT),
                                        pl.ds(b * STAGE_C, STAGE_C)])


def _segment_scatter(prodt, ext, row_pad):
    mesh = plsc.VectorSubcoreMesh(core_axis_name="c", subcore_axis_name="s",
                                  num_cores=NC, num_subcores=NS)
    f = pl.kernel(
        _scatter_body,
        out_type=[
            jax.ShapeDtypeStruct((D, N_PAD), jnp.float32),
            jax.ShapeDtypeStruct((16, DPT, N_PAD), jnp.float32),
        ],
        mesh=mesh,
        compiler_params=pltpu.CompilerParams(needs_layout_passes=False),
        scratch_types=[
            pltpu.VMEM((K4_BLK,), jnp.int32),
            pltpu.VMEM((DPT, K4_BLK), jnp.float32),
            pltpu.VMEM((K4_BLK,), jnp.int32),
            pltpu.VMEM((DPT, K4_BLK), jnp.float32),
            pltpu.VMEM((DPT * N_PAD,), jnp.float32),
            pltpu.VMEM((DPT, STAGE_C), jnp.float32),
            pltpu.SemaphoreType.DMA,
            pltpu.SemaphoreType.DMA,
        ],
    )
    return f(prodt, ext, row_pad)



def _ln(v, w, b):
    mu = jnp.mean(v, axis=-1, keepdims=True)
    var = jnp.mean((v - mu) ** 2, axis=-1, keepdims=True)
    return (v - mu) * lax.rsqrt(var + EPS) * w + b


def _epi_body(at_ref, parts_ref, hmap_ref, w1_ref, b1_ref, w2_ref, b2_ref,
              ln1w_ref, ln1b_ref, ln2w_ref, ln2b_ref, out_ref):
    a_raw = at_ref[...].T
    den_lo = parts_ref[0, :, :]
    den_hi = parts_ref[1, :, :]
    for p in range(1, 8):
        den_lo = den_lo + parts_ref[2 * p, :, :]
        den_hi = den_hi + parts_ref[2 * p + 1, :, :]
    den = jnp.concatenate([den_lo, den_hi], axis=0).T
    dexp = jnp.dot(den, hmap_ref[...].T,
                   preferred_element_type=jnp.float32)
    attn = jnp.where(dexp > 0.0, a_raw / dexp, 0.0)
    a = _ln(attn, ln1w_ref[...], ln1b_ref[...])
    hh = jnp.maximum(
        jnp.dot(a, w1_ref[...], preferred_element_type=jnp.float32)
        + b1_ref[...], 0.0)
    o = jnp.dot(hh, w2_ref[...], preferred_element_type=jnp.float32) + b2_ref[...]
    out_ref[...] = _ln(o, ln2w_ref[...], ln2b_ref[...])


def _epilogue(out_t, parts, hmap, w1t, b1, w2t, b2, ln1w, ln1b, ln2w, ln2b):
    blk = 1024
    return pl.pallas_call(
        _epi_body,
        grid=(N_PAD // blk,),
        in_specs=[
            pl.BlockSpec((D, blk), lambda i: (0, i)),
            pl.BlockSpec((16, DPT, blk), lambda i: (0, 0, i)),
            pl.BlockSpec((D, HW), lambda i: (0, 0)),
            pl.BlockSpec((D, DFF), lambda i: (0, 0)),
            pl.BlockSpec((1, DFF), lambda i: (0, 0)),
            pl.BlockSpec((DFF, D), lambda i: (0, 0)),
            pl.BlockSpec((1, D), lambda i: (0, 0)),
            pl.BlockSpec((1, D), lambda i: (0, 0)),
            pl.BlockSpec((1, D), lambda i: (0, 0)),
            pl.BlockSpec((1, D), lambda i: (0, 0)),
            pl.BlockSpec((1, D), lambda i: (0, 0)),
        ],
        out_specs=pl.BlockSpec((blk, D), lambda i: (i, 0)),
        out_shape=jax.ShapeDtypeStruct((N_PAD, D), jnp.float32),
    )(out_t, parts, hmap, w1t, b1, w2t, b2, ln1w, ln1b, ln2w, ln2b)



def kernel(x, edge_index, Q_w, Q_b, K_w, K_b, V_w, V_b, W1, b1, W2, b2,
           ln1_w, ln1_b, ln2_w, ln2_b):
    row = edge_index[0].astype(jnp.int32)
    col = edge_index[1].astype(jnp.int32)
    row_pad = jnp.concatenate(
        [row, jnp.full((E_PAD - E,), N, dtype=jnp.int32)])
    col_pad = jnp.concatenate(
        [col, jnp.zeros((E_PAD - E,), dtype=jnp.int32)])
    row_pad = row_pad.reshape(16, E_PAD // 16).T.reshape(E_PAD)
    col_pad = col_pad.reshape(16, E_PAD // 16).T.reshape(E_PAD)

    x_pad = jnp.concatenate(
        [x, jnp.zeros((N_PAD - N, D), dtype=jnp.float32)], axis=0)

    wt = jnp.concatenate([Q_w, K_w, V_w], axis=0).T
    bqkv = jnp.concatenate([Q_b, K_b, V_b]).reshape(1, 3 * D)
    q_t, kv_t = _qkv_proj(x_pad, wt, bqkv)

    qe, kve = _edge_gather(q_t, kv_t, row_pad, col_pad)

    hmap = (jnp.arange(D)[:, None] // DH ==
            jnp.arange(HW)[None, :]).astype(jnp.float32)
    prodt, ext = _edge_scores(qe, kve, hmap)

    out_t, parts = _segment_scatter(prodt, ext, row_pad)

    out = _epilogue(out_t, parts, hmap,
                    W1.T, b1.reshape(1, DFF), W2.T, b2.reshape(1, D),
                    ln1_w.reshape(1, D), ln1_b.reshape(1, D),
                    ln2_w.reshape(1, D), ln2_b.reshape(1, D))
    return out[:N]

# --- scband reference (transcript-rebuilt; emitter-appended) ---
"""Pipeline reference for scband-sparse-khop-graph-attention-8143257994120 (READ-ONLY COPY).

The authoritative reference and input builder live on the scoring server;
editing this copy changes nothing except your own understanding.
"""

import jax, jax.numpy as jnp
import numpy as np

N = 10000
E = 160000
D = 256
H = 8
DH = D // H
DFF = D * 3
EPS = 1e-5


def _make_edges():
    # Unique edges (matches torch coalesce() which merges duplicates; the
    # sparsity pattern is what matters since sampled_addmm uses beta=0).
    rng = np.random.default_rng(0)
    chosen = np.unique(rng.integers(0, N * N, size=E + 8192))
    while chosen.shape[0] < E:
        extra = rng.integers(0, N * N, size=E)
        chosen = np.unique(np.concatenate([chosen, extra]))
    chosen = chosen[:E]
    rows = (chosen // N).astype(np.int64)
    cols = (chosen % N).astype(np.int64)
    return jnp.asarray(np.stack([rows, cols], axis=0))


def _lin_params(key, out_d, in_d):
    k1, k2 = jax.random.split(key)
    w = jax.random.normal(k1, (out_d, in_d), dtype=jnp.float32) * (1.0 / np.sqrt(in_d))
    b = jax.random.normal(k2, (out_d,), dtype=jnp.float32) * 0.01
    return w, b


def setup_inputs(seed: int = 0) -> dict:
    key = jax.random.key(seed)
    ks = jax.random.split(key, 8)
    x = jax.random.normal(ks[0], (N, D), dtype=jnp.float32)
    edge_index = _make_edges()
    Q_w, Q_b = _lin_params(ks[1], D, D)
    K_w, K_b = _lin_params(ks[2], D, D)
    V_w, V_b = _lin_params(ks[3], D, D)
    W1, b1 = _lin_params(ks[4], DFF, D)
    W2, b2 = _lin_params(ks[5], D, DFF)
    ln1_w = jnp.ones((D,), dtype=jnp.float32)
    ln1_b = jnp.zeros((D,), dtype=jnp.float32)
    ln2_w = jnp.ones((D,), dtype=jnp.float32)
    ln2_b = jnp.zeros((D,), dtype=jnp.float32)
    return {"x": x, "edge_index": edge_index, "Q_w": Q_w, "Q_b": Q_b,
            "K_w": K_w, "K_b": K_b, "V_w": V_w, "V_b": V_b,
            "W1": W1, "b1": b1, "W2": W2, "b2": b2,
            "ln1_w": ln1_w, "ln1_b": ln1_b, "ln2_w": ln2_w, "ln2_b": ln2_b}


def _layernorm(x, w, b):
    mu = jnp.mean(x, axis=-1, keepdims=True)
    var = jnp.mean((x - mu) ** 2, axis=-1, keepdims=True)
    return (x - mu) / jnp.sqrt(var + EPS) * w + b


def reference(x, edge_index, Q_w, Q_b, K_w, K_b, V_w, V_b, W1, b1, W2, b2,
              ln1_w, ln1_b, ln2_w, ln2_b):
    row = edge_index[0]
    col = edge_index[1]
    QX = (x @ Q_w.T + Q_b).reshape(N, H, DH)
    KX = (x @ K_w.T + K_b).reshape(N, H, DH)
    VX = (x @ V_w.T + V_b).reshape(N, H, DH)
    # Sparse sampled QK^T per head on the adjacency pattern (sampled_addmm, beta=0)
    q_e = jnp.take(QX, row, axis=0)          # (E, H, DH)
    k_e = jnp.take(KX, col, axis=0)          # (E, H, DH)
    scores = jnp.sum(q_e * k_e, axis=-1) / (DH ** 0.5)  # (E, H)
    # Row-wise segment softmax (utils.softmax over row_index)
    m = jax.ops.segment_max(scores, row, num_segments=N)    # (N, H)
    ex = jnp.exp(scores - jnp.take(m, row, axis=0))
    denom = jax.ops.segment_sum(ex, row, num_segments=N)    # (N, H)
    probs = ex / jnp.take(denom, row, axis=0)               # (E, H)
    # Sparse B @ V per head (torch.sparse.mm)
    v_e = jnp.take(VX, col, axis=0)                         # (E, H, DH)
    out = jax.ops.segment_sum(probs[..., None] * v_e, row, num_segments=N)  # (N, H, DH)
    attn_out = out.reshape(N, D)
    a = _layernorm(attn_out, ln1_w, ln1_b)
    h = jax.nn.relu(a @ W1.T + b1)
    o = h @ W2.T + b2
    return _layernorm(o, ln2_w, ln2_b)

if __name__ == "__main__":
    import jax
    _d = setup_inputs()
    print(jax.jit(kernel)(*tuple(_d.values())))

</pallas_src>

<mosaic_0001>
#map = affine_map<(d0, d1) -> (0, 0)>
#map1 = affine_map<(d0, d1) -> (0)>
module attributes {stable_mosaic.version = 14 : i64} {
  func.func @_gather_body(%arg0: i32, %arg1: i32, %arg2: memref<10240x128xi32, #tpu.memory_space<hbm>>, %arg3: memref<10240x256xi32, #tpu.memory_space<hbm>>, %arg4: memref<163840xi32, #tpu.memory_space<hbm>>, %arg5: memref<163840xi32, #tpu.memory_space<hbm>>, %arg6: memref<163840x128xi32, #tpu.memory_space<hbm>>, %arg7: memref<163840x256xi32, #tpu.memory_space<hbm>>, %arg8: memref<128xi32, #tpu.memory_space<vmem>>, %arg9: memref<128xi32, #tpu.memory_space<vmem>>, %arg10: memref<128x128xi32, #tpu.memory_space<vmem>>, %arg11: memref<128x256xi32, #tpu.memory_space<vmem>>, %arg12: memref<128xi32, #tpu.memory_space<vmem>>, %arg13: memref<128xi32, #tpu.memory_space<vmem>>, %arg14: memref<128x128xi32, #tpu.memory_space<vmem>>, %arg15: memref<128x256xi32, #tpu.memory_space<vmem>>, %arg16: memref<!tpu.dma_semaphore, #tpu.memory_space<semaphore_mem>>, %arg17: memref<!tpu.dma_semaphore, #tpu.memory_space<semaphore_mem>>, %arg18: memref<!tpu.dma_semaphore, #tpu.memory_space<semaphore_mem>>, %arg19: memref<!tpu.dma_semaphore, #tpu.memory_space<semaphore_mem>>) attributes {dimension_semantics = [#tpu.dimension_semantics<core_parallel>, #tpu.dimension_semantics<subcore_parallel>], iteration_bounds = array<i64: 2, 16>, scalar_prefetch = 0 : i64, scratch_operands = 12 : i64, tpu.core_type = #tpu.core_type<sc_vector_subcore>, window_params = [{transform_indices = #map}, {transform_indices = #map}, {transform_indices = #map1}, {transform_indices = #map1}, {transform_indices = #map}, {transform_indices = #map}]} {
    %mul3A = arith.constant 16 : i32
    %mul3A_0 = arith.muli %arg0, %mul3A : i32
    %add3A = arith.addi %mul3A_0, %arg1 : i32
    %mul3A_1 = arith.constant 5120 : i32
    %mul3A_2 = arith.muli %add3A, %mul3A_1 : i32
    %add3A_3 = arith.constant 0 : i32
    %add3A_4 = arith.addi %mul3A_2, %add3A_3 : i32
    "tpu.region"() ({
      %run_scoped3A = tpu.sem_alloc : memref<!tpu.dma_semaphore, #tpu.memory_space<semaphore_mem>>
      %dma_start3A_34 = tpu.memref_slice %arg4[%add3A_4] : memref<163840xi32, #tpu.memory_space<hbm>> -> memref<128xi32, #tpu.memory_space<hbm>>
      %dma_start3A_35 = tpu.memref_slice %arg4[%add3A_4] : memref<163840xi32, #tpu.memory_space<hbm>> -> memref<128xi32, #tpu.memory_space<hbm>>
      tpu.enqueue_dma source(%dma_start3A_35 : memref<128xi32, #tpu.memory_space<hbm>>) target(%arg8 : memref<128xi32, #tpu.memory_space<vmem>>) target_semaphore(%run_scoped3A : memref<!tpu.dma_semaphore, #tpu.memory_space<semaphore_mem>>)
      %dma_wait3A_36 = tpu.memref_slice %arg4[%add3A_4] : memref<163840xi32, #tpu.memory_space<hbm>> -> memref<128xi32, #tpu.memory_space<hbm>>
      %dma_wait3A_37 = tpu.memref_slice %arg4[%add3A_4] : memref<163840xi32, #tpu.memory_space<hbm>> -> memref<128xi32, #tpu.memory_space<hbm>>
      tpu.wait_dma2 semaphore(%run_scoped3A : memref<!tpu.dma_semaphore, #tpu.memory_space<semaphore_mem>>) src(%dma_wait3A_37 : memref<128xi32, #tpu.memory_space<hbm>>) dst(%arg8 : memref<128xi32, #tpu.memory_space<vmem>>)
      tpu.yield
    }) : () -> ()
    "tpu.region"() ({
      %run_scoped3A = tpu.sem_alloc : memref<!tpu.dma_semaphore, #tpu.memory_space<semaphore_mem>>
      %dma_start3A_34 = tpu.memref_slice %arg5[%add3A_4] : memref<163840xi32, #tpu.memory_space<hbm>> -> memref<128xi32, #tpu.memory_space<hbm>>
      %dma_start3A_35 = tpu.memref_slice %arg5[%add3A_4] : memref<163840xi32, #tpu.memory_space<hbm>> -> memref<128xi32, #tpu.memory_space<hbm>>
      tpu.enqueue_dma source(%dma_start3A_35 : memref<128xi32, #tpu.memory_space<hbm>>) target(%arg9 : memref<128xi32, #tpu.memory_space<vmem>>) target_semaphore(%run_scoped3A : memref<!tpu.dma_semaphore, #tpu.memory_space<semaphore_mem>>)
      %dma_wait3A_36 = tpu.memref_slice %arg5[%add3A_4] : memref<163840xi32, #tpu.memory_space<hbm>> -> memref<128xi32, #tpu.memory_space<hbm>>
      %dma_wait3A_37 = tpu.memref_slice %arg5[%add3A_4] : memref<163840xi32, #tpu.memory_space<hbm>> -> memref<128xi32, #tpu.memory_space<hbm>>
      tpu.wait_dma2 semaphore(%run_scoped3A : memref<!tpu.dma_semaphore, #tpu.memory_space<semaphore_mem>>) src(%dma_wait3A_37 : memref<128xi32, #tpu.memory_space<hbm>>) dst(%arg9 : memref<128xi32, #tpu.memory_space<vmem>>)
      tpu.yield
    }) : () -> ()
    %dma_start3A = arith.constant 0 : i32
    %dma_start3A_5 = arith.constant 0 : i32
    %dma_start3A_6 = tpu.memref_slice %arg2[%dma_start3A, %dma_start3A_5] : memref<10240x128xi32, #tpu.memory_space<hbm>> -> memref<10240x128xi32, #tpu.memory_space<hbm>>
    tpu.enqueue_indirect_dma source(%dma_start3A_6 : memref<10240x128xi32, #tpu.memory_space<hbm>>) target(%arg10 : memref<128x128xi32, #tpu.memory_space<vmem>>) offsets(%arg8 : memref<128xi32, #tpu.memory_space<vmem>>) semaphore(%arg16 : memref<!tpu.dma_semaphore, #tpu.memory_space<semaphore_mem>>)
    %dma_start3A_7 = arith.constant 0 : i32
    %dma_start3A_8 = arith.constant 0 : i32
    %dma_start3A_9 = tpu.memref_slice %arg3[%dma_start3A_7, %dma_start3A_8] : memref<10240x256xi32, #tpu.memory_space<hbm>> -> memref<10240x256xi32, #tpu.memory_space<hbm>>
    tpu.enqueue_indirect_dma source(%dma_start3A_9 : memref<10240x256xi32, #tpu.memory_space<hbm>>) target(%arg11 : memref<128x256xi32, #tpu.memory_space<vmem>>) offsets(%arg9 : memref<128xi32, #tpu.memory_space<vmem>>) semaphore(%arg16 : memref<!tpu.dma_semaphore, #tpu.memory_space<semaphore_mem>>)
    %scan3A = arith.constant 0 : i32
    %scan3A_10 = arith.constant 0 : i32
    %scan3A_11 = arith.constant 20 : i32
    %scan3A_12 = arith.addi %scan3A_10, %scan3A_11 : i32
    %scan3A_13 = arith.constant 1 : i32
    scf.for %scan3A_34 = %scan3A_10 to %scan3A_12 step %scan3A_13  : i32 {
      %gt3A = arith.constant 0 : i32
      %gt3A_35 = arith.cmpi sgt, %scan3A_34, %gt3A : i32
      %convert_element_type3A = arith.extui %gt3A_35 : i1 to i32
      %cond3A = arith.constant 0 : i32
      %cond3A_36 = arith.cmpi ne, %convert_element_type3A, %cond3A : i32
      scf.if %cond3A_36 {
        %mul3A_94 = arith.constant 2 : i32
        %mul3A_95 = arith.muli %mul3A_94, %scan3A_34 : i32
        %sub3A = arith.constant 1 : i32
        %sub3A_96 = arith.subi %mul3A_95, %sub3A : i32
        %mul3A_97 = arith.constant 128 : i32
        %mul3A_98 = arith.muli %sub3A_96, %mul3A_97 : i32
        %add3A_99 = arith.addi %mul3A_2, %mul3A_98 : i32
        %dma_wait3A_100 = arith.constant 0 : i32
        %dma_wait3A_101 = tpu.memref_slice %arg6[%add3A_99, %dma_wait3A_100] : memref<163840x128xi32, #tpu.memory_space<hbm>> -> memref<128x128xi32, #tpu.memory_space<hbm>>
        %dma_wait3A_102 = arith.constant 0 : i32
        %dma_wait3A_103 = tpu.memref_slice %arg6[%add3A_99, %dma_wait3A_102] : memref<163840x128xi32, #tpu.memory_space<hbm>> -> memref<128x128xi32, #tpu.memory_space<hbm>>
        tpu.wait_dma2 semaphore(%arg19 : memref<!tpu.dma_semaphore, #tpu.memory_space<semaphore_mem>>) src(%arg14 : memref<128x128xi32, #tpu.memory_space<vmem>>) dst(%dma_wait3A_103 : memref<128x128xi32, #tpu.memory_space<hbm>>)
        %dma_wait3A_104 = arith.constant 0 : i32
        %dma_wait3A_105 = tpu.memref_slice %arg7[%add3A_99, %dma_wait3A_104] : memref<163840x256xi32, #tpu.memory_space<hbm>> -> memref<128x256xi32, #tpu.memory_space<hbm>>
        %dma_wait3A_106 = arith.constant 0 : i32
        %dma_wait3A_107 = tpu.memref_slice %arg7[%add3A_99, %dma_wait3A_106] : memref<163840x256xi32, #tpu.memory_space<hbm>> -> memref<128x256xi32, #tpu.memory_space<hbm>>
        tpu.wait_dma2 semaphore(%arg19 : memref<!tpu.dma_semaphore, #tpu.memory_space<semaphore_mem>>) src(%arg15 : memref<128x256xi32, #tpu.memory_space<vmem>>) dst(%dma_wait3A_107 : memref<128x256xi32, #tpu.memory_space<hbm>>)
      } else {
      }
      %mul3A_37 = arith.constant 2 : i32
      %mul3A_38 = arith.muli %mul3A_37, %scan3A_34 : i32
      %add3A_39 = arith.constant 1 : i32
      %add3A_40 = arith.addi %mul3A_38, %add3A_39 : i32
      %mul3A_41 = arith.constant 128 : i32
      %mul3A_42 = arith.muli %add3A_40, %mul3A_41 : i32
      %add3A_43 = arith.addi %mul3A_2, %mul3A_42 : i32
      "tpu.region"() ({
        %run_scoped3A = tpu.sem_alloc : memref<!tpu.dma_semaphore, #tpu.memory_space<semaphore_mem>>
        %dma_start3A_94 = tpu.memref_slice %arg4[%add3A_43] : memref<163840xi32, #tpu.memory_space<hbm>> -> memref<128xi32, #tpu.memory_space<hbm>>
        %dma_start3A_95 = tpu.memref_slice %arg4[%add3A_43] : memref<163840xi32, #tpu.memory_space<hbm>> -> memref<128xi32, #tpu.memory_space<hbm>>
        tpu.enqueue_dma source(%dma_start3A_95 : memref<128xi32, #tpu.memory_space<hbm>>) target(%arg12 : memref<128xi32, #tpu.memory_space<vmem>>) target_semaphore(%run_scoped3A : memref<!tpu.dma_semaphore, #tpu.memory_space<semaphore_mem>>)
        %dma_wait3A_96 = tpu.memref_slice %arg4[%add3A_43] : memref<163840xi32, #tpu.memory_space<hbm>> -> memref<128xi32, #tpu.memory_space<hbm>>
        %dma_wait3A_97 = tpu.memref_slice %arg4[%add3A_43] : memref<163840xi32, #tpu.memory_space<hbm>> -> memref<128xi32, #tpu.memory_space<hbm>>
        tpu.wait_dma2 semaphore(%run_scoped3A : memref<!tpu.dma_semaphore, #tpu.memory_space<semaphore_mem>>) src(%dma_wait3A_97 : memref<128xi32, #tpu.memory_space<hbm>>) dst(%arg12 : memref<128xi32, #tpu.memory_space<vmem>>)
        tpu.yield
      }) : () -> ()
      "tpu.region"() ({
        %run_scoped3A = tpu.sem_alloc : memref<!tpu.dma_semaphore, #tpu.memory_space<semaphore_mem>>
        %dma_start3A_94 = tpu.memref_slice %arg5[%add3A_43] : memref<163840xi32, #tpu.memory_space<hbm>> -> memref<128xi32, #tpu.memory_space<hbm>>
        %dma_start3A_95 = tpu.memref_slice %arg5[%add3A_43] : memref<163840xi32, #tpu.memory_space<hbm>> -> memref<128xi32, #tpu.memory_space<hbm>>
        tpu.enqueue_dma source(%dma_start3A_95 : memref<128xi32, #tpu.memory_space<hbm>>) target(%arg13 : memref<128xi32, #tpu.memory_space<vmem>>) target_semaphore(%run_scoped3A : memref<!tpu.dma_semaphore, #tpu.memory_space<semaphore_mem>>)
        %dma_wait3A_96 = tpu.memref_slice %arg5[%add3A_43] : memref<163840xi32, #tpu.memory_space<hbm>> -> memref<128xi32, #tpu.memory_space<hbm>>
        %dma_wait3A_97 = tpu.memref_slice %arg5[%add3A_43] : memref<163840xi32, #tpu.memory_space<hbm>> -> memref<128xi32, #tpu.memory_space<hbm>>
        tpu.wait_dma2 semaphore(%run_scoped3A : memref<!tpu.dma_semaphore, #tpu.memory_space<semaphore_mem>>) src(%dma_wait3A_97 : memref<128xi32, #tpu.memory_space<hbm>>) dst(%arg13 : memref<128xi32, #tpu.memory_space<vmem>>)
        tpu.yield
      }) : () -> ()
      %dma_start3A_44 = arith.constant 0 : i32
      %dma_start3A_45 = arith.constant 0 : i32
      %dma_start3A_46 = tpu.memref_slice %arg2[%dma_start3A_44, %dma_start3A_45] : memref<10240x128xi32, #tpu.memory_space<hbm>> -> memref<10240x128xi32, #tpu.memory_space<hbm>>
      tpu.enqueue_indirect_dma source(%dma_start3A_46 : memref<10240x128xi32, #tpu.memory_space<hbm>>) target(%arg14 : memref<128x128xi32, #tpu.memory_space<vmem>>) offsets(%arg12 : memref<128xi32, #tpu.memory_space<vmem>>) semaphore(%arg17 : memref<!tpu.dma_semaphore, #tpu.memory_space<semaphore_mem>>)
      %dma_start3A_47 = arith.constant 0 : i32
      %dma_start3A_48 = arith.constant 0 : i32
      %dma_start3A_49 = tpu.memref_slice %arg3[%dma_start3A_47, %dma_start3A_48] : memref<10240x256xi32, #tpu.memory_space<hbm>> -> memref<10240x256xi32, #tpu.memory_space<hbm>>
      tpu.enqueue_indirect_dma source(%dma_start3A_49 : memref<10240x256xi32, #tpu.memory_space<hbm>>) target(%arg15 : memref<128x256xi32, #tpu.memory_space<vmem>>) offsets(%arg13 : memref<128xi32, #tpu.memory_space<vmem>>) semaphore(%arg17 : memref<!tpu.dma_semaphore, #tpu.memory_space<semaphore_mem>>)
      %dma_wait3A_50 = arith.constant 0 : i32
      %dma_wait3A_51 = arith.constant 0 : i32
      %dma_wait3A_52 = tpu.memref_slice %arg2[%dma_wait3A_50, %dma_wait3A_51] : memref<10240x128xi32, #tpu.memory_space<hbm>> -> memref<10240x128xi32, #tpu.memory_space<hbm>>
      tpu.wait_indirect_dma semaphore(%arg16 : memref<!tpu.dma_semaphore, #tpu.memory_space<semaphore_mem>>) src(%dma_wait3A_52 : memref<10240x128xi32, #tpu.memory_space<hbm>>) dst(%arg10 : memref<128x128xi32, #tpu.memory_space<vmem>>)
      %dma_wait3A_53 = arith.constant 0 : i32
      %dma_wait3A_54 = arith.constant 0 : i32
      %dma_wait3A_55 = tpu.memref_slice %arg3[%dma_wait3A_53, %dma_wait3A_54] : memref<10240x256xi32, #tpu.memory_space<hbm>> -> memref<10240x256xi32, #tpu.memory_space<hbm>>
      tpu.wait_indirect_dma semaphore(%arg16 : memref<!tpu.dma_semaphore, #tpu.memory_space<semaphore_mem>>) src(%dma_wait3A_55 : memref<10240x256xi32, #tpu.memory_space<hbm>>) dst(%arg11 : memref<128x256xi32, #tpu.memory_space<vmem>>)
      %mul3A_56 = arith.constant 2 : i32
      %mul3A_57 = arith.muli %mul3A_56, %scan3A_34 : i32
      %mul3A_58 = arith.constant 128 : i32
      %mul3A_59 = arith.muli %mul3A_57, %mul3A_58 : i32
      %add3A_60 = arith.addi %mul3A_2, %mul3A_59 : i32
      %dma_start3A_61 = arith.constant 0 : i32
      %dma_start3A_62 = tpu.memref_slice %arg6[%add3A_60, %dma_start3A_61] : memref<163840x128xi32, #tpu.memory_space<hbm>> -> memref<128x128xi32, #tpu.memory_space<hbm>>
      %dma_start3A_63 = arith.constant 0 : i32
      %dma_start3A_64 = tpu.memref_slice %arg6[%add3A_60, %dma_start3A_63] : memref<163840x128xi32, #tpu.memory_space<hbm>> -> memref<128x128xi32, #tpu.memory_space<hbm>>
      tpu.enqueue_dma source(%arg10 : memref<128x128xi32, #tpu.memory_space<vmem>>) target(%dma_start3A_64 : memref<128x128xi32, #tpu.memory_space<hbm>>) target_semaphore(%arg18 : memref<!tpu.dma_semaphore, #tpu.memory_space<semaphore_mem>>)
      %dma_start3A_65 = arith.constant 0 : i32
      %dma_start3A_66 = tpu.memref_slice %arg7[%add3A_60, %dma_start3A_65] : memref<163840x256xi32, #tpu.memory_space<hbm>> -> memref<128x256xi32, #tpu.memory_space<hbm>>
      %dma_start3A_67 = arith.constant 0 : i32
      %dma_start3A_68 = tpu.memref_slice %arg7[%add3A_60, %dma_start3A_67] : memref<163840x256xi32, #tpu.memory_space<hbm>> -> memref<128x256xi32, #tpu.memory_space<hbm>>
      tpu.enqueue_dma source(%arg11 : memref<128x256xi32, #tpu.memory_space<vmem>>) target(%dma_start3A_68 : memref<128x256xi32, #tpu.memory_space<hbm>>) target_semaphore(%arg18 : memref<!tpu.dma_semaphore, #tpu.memory_space<semaphore_mem>>)
      %lt3A = arith.constant 19 : i32
      %lt3A_69 = arith.cmpi slt, %scan3A_34, %lt3A : i32
      %convert_element_type3A_70 = arith.extui %lt3A_69 : i1 to i32
      %cond3A_71 = arith.constant 0 : i32
      %cond3A_72 = arith.cmpi ne, %convert_element_type3A_70, %cond3A_71 : i32
      scf.if %cond3A_72 {
        %mul3A_94 = arith.constant 2 : i32
        %mul3A_95 = arith.muli %mul3A_94, %scan3A_34 : i32
        %mul3A_96 = arith.constant 128 : i32
        %mul3A_97 = arith.muli %mul3A_95, %mul3A_96 : i32
        %add3A_98 = arith.addi %mul3A_2, %mul3A_97 : i32
        %dma_wait3A_99 = arith.constant 0 : i32
        %dma_wait3A_100 = tpu.memref_slice %arg6[%add3A_98, %dma_wait3A_99] : memref<163840x128xi32, #tpu.memory_space<hbm>> -> memref<128x128xi32, #tpu.memory_space<hbm>>
        %dma_wait3A_101 = arith.constant 0 : i32
        %dma_wait3A_102 = tpu.memref_slice %arg6[%add3A_98, %dma_wait3A_101] : memref<163840x128xi32, #tpu.memory_space<hbm>> -> memref<128x128xi32, #tpu.memory_space<hbm>>
        tpu.wait_dma2 semaphore(%arg18 : memref<!tpu.dma_semaphore, #tpu.memory_space<semaphore_mem>>) src(%arg10 : memref<128x128xi32, #tpu.memory_space<vmem>>) dst(%dma_wait3A_102 : memref<128x128xi32, #tpu.memory_space<hbm>>)
        %dma_wait3A_103 = arith.constant 0 : i32
        %dma_wait3A_104 = tpu.memref_slice %arg7[%add3A_98, %dma_wait3A_103] : memref<163840x256xi32, #tpu.memory_space<hbm>> -> memref<128x256xi32, #tpu.memory_space<hbm>>
        %dma_wait3A_105 = arith.constant 0 : i32
        %dma_wait3A_106 = tpu.memref_slice %arg7[%add3A_98, %dma_wait3A_105] : memref<163840x256xi32, #tpu.memory_space<hbm>> -> memref<128x256xi32, #tpu.memory_space<hbm>>
        tpu.wait_dma2 semaphore(%arg18 : memref<!tpu.dma_semaphore, #tpu.memory_space<semaphore_mem>>) src(%arg11 : memref<128x256xi32, #tpu.memory_space<vmem>>) dst(%dma_wait3A_106 : memref<128x256xi32, #tpu.memory_space<hbm>>)
        %mul3A_107 = arith.constant 2 : i32
        %mul3A_108 = arith.muli %mul3A_107, %scan3A_34 : i32
        %add3A_109 = arith.constant 2 : i32
        %add3A_110 = arith.addi %mul3A_108, %add3A_109 : i32
        %mul3A_111 = arith.constant 128 : i32
        %mul3A_112 = arith.muli %add3A_110, %mul3A_111 : i32
        %add3A_113 = arith.addi %mul3A_2, %mul3A_112 : i32
        "tpu.region"() ({
          %run_scoped3A = tpu.sem_alloc : memref<!tpu.dma_semaphore, #tpu.memory_space<semaphore_mem>>
          %dma_start3A_120 = tpu.memref_slice %arg4[%add3A_113] : memref<163840xi32, #tpu.memory_space<hbm>> -> memref<128xi32, #tpu.memory_space<hbm>>
          %dma_start3A_121 = tpu.memref_slice %arg4[%add3A_113] : memref<163840xi32, #tpu.memory_space<hbm>> -> memref<128xi32, #tpu.memory_space<hbm>>
          tpu.enqueue_dma source(%dma_start3A_121 : memref<128xi32, #tpu.memory_space<hbm>>) target(%arg8 : memref<128xi32, #tpu.memory_space<vmem>>) target_semaphore(%run_scoped3A : memref<!tpu.dma_semaphore, #tpu.memory_space<semaphore_mem>>)
          %dma_wait3A_122 = tpu.memref_slice %arg4[%add3A_113] : memref<163840xi32, #tpu.memory_space<hbm>> -> memref<128xi32, #tpu.memory_space<hbm>>
          %dma_wait3A_123 = tpu.memref_slice %arg4[%add3A_113] : memref<163840xi32, #tpu.memory_space<hbm>> -> memref<128xi32, #tpu.memory_space<hbm>>
          tpu.wait_dma2 semaphore(%run_scoped3A : memref<!tpu.dma_semaphore, #tpu.memory_space<semaphore_mem>>) src(%dma_wait3A_123 : memref<128xi32, #tpu.memory_space<hbm>>) dst(%arg8 : memref<128xi32, #tpu.memory_space<vmem>>)
          tpu.yield
        }) : () -> ()
        "tpu.region"() ({
          %run_scoped3A = tpu.sem_alloc : memref<!tpu.dma_semaphore, #tpu.memory_space<semaphore_mem>>
          %dma_start3A_120 = tpu.memref_slice %arg5[%add3A_113] : memref<163840xi32, #tpu.memory_space<hbm>> -> memref<128xi32, #tpu.memory_space<hbm>>
          %dma_start3A_121 = tpu.memref_slice %arg5[%add3A_113] : memref<163840xi32, #tpu.memory_space<hbm>> -> memref<128xi32, #tpu.memory_space<hbm>>
          tpu.enqueue_dma source(%dma_start3A_121 : memref<128xi32, #tpu.memory_space<hbm>>) target(%arg9 : memref<128xi32, #tpu.memory_space<vmem>>) target_semaphore(%run_scoped3A : memref<!tpu.dma_semaphore, #tpu.memory_space<semaphore_mem>>)
          %dma_wait3A_122 = tpu.memref_slice %arg5[%add3A_113] : memref<163840xi32, #tpu.memory_space<hbm>> -> memref<128xi32, #tpu.memory_space<hbm>>
          %dma_wait3A_123 = tpu.memref_slice %arg5[%add3A_113] : memref<163840xi32, #tpu.memory_space<hbm>> -> memref<128xi32, #tpu.memory_space<hbm>>
          tpu.wait_dma2 semaphore(%run_scoped3A : memref<!tpu.dma_semaphore, #tpu.memory_space<semaphore_mem>>) src(%dma_wait3A_123 : memref<128xi32, #tpu.memory_space<hbm>>) dst(%arg9 : memref<128xi32, #tpu.memory_space<vmem>>)
          tpu.yield
        }) : () -> ()
        %dma_start3A_114 = arith.constant 0 : i32
        %dma_start3A_115 = arith.constant 0 : i32
        %dma_start3A_116 = tpu.memref_slice %arg2[%dma_start3A_114, %dma_start3A_115] : memref<10240x128xi32, #tpu.memory_space<hbm>> -> memref<10240x128xi32, #tpu.memory_space<hbm>>
        tpu.enqueue_indirect_dma source(%dma_start3A_116 : memref<10240x128xi32, #tpu.memory_space<hbm>>) target(%arg10 : memref<128x128xi32, #tpu.memory_space<vmem>>) offsets(%arg8 : memref<128xi32, #tpu.memory_space<vmem>>) semaphore(%arg16 : memref<!tpu.dma_semaphore, #tpu.memory_space<semaphore_mem>>)
        %dma_start3A_117 = arith.constant 0 : i32
        %dma_start3A_118 = arith.constant 0 : i32
        %dma_start3A_119 = tpu.memref_slice %arg3[%dma_start3A_117, %dma_start3A_118] : memref<10240x256xi32, #tpu.memory_space<hbm>> -> memref<10240x256xi32, #tpu.memory_space<hbm>>
        tpu.enqueue_indirect_dma source(%dma_start3A_119 : memref<10240x256xi32, #tpu.memory_space<hbm>>) target(%arg11 : memref<128x256xi32, #tpu.memory_space<vmem>>) offsets(%arg9 : memref<128xi32, #tpu.memory_space<vmem>>) semaphore(%arg16 : memref<!tpu.dma_semaphore, #tpu.memory_space<semaphore_mem>>)
      } else {
      }
      %dma_wait3A_73 = arith.constant 0 : i32
      %dma_wait3A_74 = arith.constant 0 : i32
      %dma_wait3A_75 = tpu.memref_slice %arg2[%dma_wait3A_73, %dma_wait3A_74] : memref<10240x128xi32, #tpu.memory_space<hbm>> -> memref<10240x128xi32, #tpu.memory_space<hbm>>
      tpu.wait_indirect_dma semaphore(%arg17 : memref<!tpu.dma_semaphore, #tpu.memory_space<semaphore_mem>>) src(%dma_wait3A_75 : memref<10240x128xi32, #tpu.memory_space<hbm>>) dst(%arg14 : memref<128x128xi32, #tpu.memory_space<vmem>>)
      %dma_wait3A_76 = arith.constant 0 : i32
      %dma_wait3A_77 = arith.constant 0 : i32
      %dma_wait3A_78 = tpu.memref_slice %arg3[%dma_wait3A_76, %dma_wait3A_77] : memref<10240x256xi32, #tpu.memory_space<hbm>> -> memref<10240x256xi32, #tpu.memory_space<hbm>>
      tpu.wait_indirect_dma semaphore(%arg17 : memref<!tpu.dma_semaphore, #tpu.memory_space<semaphore_mem>>) src(%dma_wait3A_78 : memref<10240x256xi32, #tpu.memory_space<hbm>>) dst(%arg15 : memref<128x256xi32, #tpu.memory_space<vmem>>)
      %mul3A_79 = arith.constant 2 : i32
      %mul3A_80 = arith.muli %mul3A_79, %scan3A_34 : i32
      %add3A_81 = arith.constant 1 : i32
      %add3A_82 = arith.addi %mul3A_80, %add3A_81 : i32
      %mul3A_83 = arith.constant 128 : i32
      %mul3A_84 = arith.muli %add3A_82, %mul3A_83 : i32
      %add3A_85 = arith.addi %mul3A_2, %mul3A_84 : i32
      %dma_start3A_86 = arith.constant 0 : i32
      %dma_start3A_87 = tpu.memref_slice %arg6[%add3A_85, %dma_start3A_86] : memref<163840x128xi32, #tpu.memory_space<hbm>> -> memref<128x128xi32, #tpu.memory_space<hbm>>
      %dma_start3A_88 = arith.constant 0 : i32
      %dma_start3A_89 = tpu.memref_slice %arg6[%add3A_85, %dma_start3A_88] : memref<163840x128xi32, #tpu.memory_space<hbm>> -> memref<128x128xi32, #tpu.memory_space<hbm>>
      tpu.enqueue_dma source(%arg14 : memref<128x128xi32, #tpu.memory_space<vmem>>) target(%dma_start3A_89 : memref<128x128xi32, #tpu.memory_space<hbm>>) target_semaphore(%arg19 : memref<!tpu.dma_semaphore, #tpu.memory_space<semaphore_mem>>)
      %dma_start3A_90 = arith.constant 0 : i32
      %dma_start3A_91 = tpu.memref_slice %arg7[%add3A_85, %dma_start3A_90] : memref<163840x256xi32, #tpu.memory_space<hbm>> -> memref<128x256xi32, #tpu.memory_space<hbm>>
      %dma_start3A_92 = arith.constant 0 : i32
      %dma_start3A_93 = tpu.memref_slice %arg7[%add3A_85, %dma_start3A_92] : memref<163840x256xi32, #tpu.memory_space<hbm>> -> memref<128x256xi32, #tpu.memory_space<hbm>>
      tpu.enqueue_dma source(%arg15 : memref<128x256xi32, #tpu.memory_space<vmem>>) target(%dma_start3A_93 : memref<128x256xi32, #tpu.memory_space<hbm>>) target_semaphore(%arg19 : memref<!tpu.dma_semaphore, #tpu.memory_space<semaphore_mem>>)
    }
    %scan3A_14 = arith.constant 20 : i32
    %add3A_15 = arith.constant 4864 : i32
    %add3A_16 = arith.addi %mul3A_2, %add3A_15 : i32
    %dma_wait3A = arith.constant 0 : i32
    %dma_wait3A_17 = tpu.memref_slice %arg6[%add3A_16, %dma_wait3A] : memref<163840x128xi32, #tpu.memory_space<hbm>> -> memref<128x128xi32, #tpu.memory_space<hbm>>
    %dma_wait3A_18 = arith.constant 0 : i32
    %dma_wait3A_19 = tpu.memref_slice %arg6[%add3A_16, %dma_wait3A_18] : memref<163840x128xi32, #tpu.memory_space<hbm>> -> memref<128x128xi32, #tpu.memory_space<hbm>>
    tpu.wait_dma2 semaphore(%arg18 : memref<!tpu.dma_semaphore, #tpu.memory_space<semaphore_mem>>) src(%arg10 : memref<128x128xi32, #tpu.memory_space<vmem>>) dst(%dma_wait3A_19 : memref<128x128xi32, #tpu.memory_space<hbm>>)
    %dma_wait3A_20 = arith.constant 0 : i32
    %dma_wait3A_21 = tpu.memref_slice %arg7[%add3A_16, %dma_wait3A_20] : memref<163840x256xi32, #tpu.memory_space<hbm>> -> memref<128x256xi32, #tpu.memory_space<hbm>>
    %dma_wait3A_22 = arith.constant 0 : i32
    %dma_wait3A_23 = tpu.memref_slice %arg7[%add3A_16, %dma_wait3A_22] : memref<163840x256xi32, #tpu.memory_space<hbm>> -> memref<128x256xi32, #tpu.memory_space<hbm>>
    tpu.wait_dma2 semaphore(%arg18 : memref<!tpu.dma_semaphore, #tpu.memory_space<semaphore_mem>>) src(%arg11 : memref<128x256xi32, #tpu.memory_space<vmem>>) dst(%dma_wait3A_23 : memref<128x256xi32, #tpu.memory_space<hbm>>)
    %add3A_24 = arith.constant 4992 : i32
    %add3A_25 = arith.addi %mul3A_2, %add3A_24 : i32
    %dma_wait3A_26 = arith.constant 0 : i32
    %dma_wait3A_27 = tpu.memref_slice %arg6[%add3A_25, %dma_wait3A_26] : memref<163840x128xi32, #tpu.memory_space<hbm>> -> memref<128x128xi32, #tpu.memory_space<hbm>>
    %dma_wait3A_28 = arith.constant 0 : i32
    %dma_wait3A_29 = tpu.memref_slice %arg6[%add3A_25, %dma_wait3A_28] : memref<163840x128xi32, #tpu.memory_space<hbm>> -> memref<128x128xi32, #tpu.memory_space<hbm>>
    tpu.wait_dma2 semaphore(%arg19 : memref<!tpu.dma_semaphore, #tpu.memory_space<semaphore_mem>>) src(%arg14 : memref<128x128xi32, #tpu.memory_space<vmem>>) dst(%dma_wait3A_29 : memref<128x128xi32, #tpu.memory_space<hbm>>)
    %dma_wait3A_30 = arith.constant 0 : i32
    %dma_wait3A_31 = tpu.memref_slice %arg7[%add3A_25, %dma_wait3A_30] : memref<163840x256xi32, #tpu.memory_space<hbm>> -> memref<128x256xi32, #tpu.memory_space<hbm>>
    %dma_wait3A_32 = arith.constant 0 : i32
    %dma_wait3A_33 = tpu.memref_slice %arg7[%add3A_25, %dma_wait3A_32] : memref<163840x256xi32, #tpu.memory_space<hbm>> -> memref<128x256xi32, #tpu.memory_space<hbm>>
    tpu.wait_dma2 semaphore(%arg19 : memref<!tpu.dma_semaphore, #tpu.memory_space<semaphore_mem>>) src(%arg15 : memref<128x256xi32, #tpu.memory_space<vmem>>) dst(%dma_wait3A_33 : memref<128x256xi32, #tpu.memory_space<hbm>>)
    return
  }
}

#map = affine_map<(d0, d1) -> (0, 0)>
#map1 = affine_map<(d0, d1) -> (0)>
#map2 = affine_map<(d0, d1) -> (0, 0, 0)>
module attributes {stable_mosaic.version = 14 : i64} {
  func.func @_scatter_body(%arg0: i32, %arg1: i32, %arg2: memref<256x163840xf32, #tpu.memory_space<hbm>>, %arg3: memref<16x163840xf32, #tpu.memory_space<hbm>>, %arg4: memref<163840xi32, #tpu.memory_space<hbm>>, %arg5: memref<256x10240xf32, #tpu.memory_space<hbm>>, %arg6: memref<16x8x10240xf32, #tpu.memory_space<hbm>>, %arg7: memref<2048xi32, #tpu.memory_space<vmem>>, %arg8: memref<8x2048xf32, #tpu.memory_space<vmem>>, %arg9: memref<2048xi32, #tpu.memory_space<vmem>>, %arg10: memref<8x2048xf32, #tpu.memory_space<vmem>>, %arg11: memref<81920xf32, #tpu.memory_space<vmem>>, %arg12: memref<8x1024xf32, #tpu.memory_space<vmem>>, %arg13: memref<!tpu.dma_semaphore, #tpu.memory_space<semaphore_mem>>, %arg14: memref<!tpu.dma_semaphore, #tpu.memory_space<semaphore_mem>>) attributes {dimension_semantics = [#tpu.dimension_semantics<core_parallel>, #tpu.dimension_semantics<subcore_parallel>], iteration_bounds = array<i64: 2, 16>, scalar_prefetch = 0 : i64, scratch_operands = 8 : i64, tpu.core_type = #tpu.core_type<sc_vector_subcore>, window_params = [{transform_indices = #map}, {transform_indices = #map}, {transform_indices = #map1}, {transform_indices = #map}, {transform_indices = #map2}]} {
    %mul3A = arith.constant 16 : i32
    %mul3A_0 = arith.muli %arg0, %mul3A : i32
    %add3A = arith.addi %mul3A_0, %arg1 : i32
    %mul3A_1 = arith.constant 8 : i32
    %mul3A_2 = arith.muli %add3A, %mul3A_1 : i32
    %scan3A = arith.constant 0 : i32
    %scan3A_3 = arith.constant 0 : i32
    %scan3A_4 = arith.constant 5120 : i32
    %scan3A_5 = arith.addi %scan3A_3, %scan3A_4 : i32
    %scan3A_6 = arith.constant 1 : i32
    scf.for %scan3A_29 = %scan3A_3 to %scan3A_5 step %scan3A_6  : i32 {
      %broadcast_in_dim3A = arith.constant 0.000000e+00 : f32
      %broadcast_in_dim3A_30 = vector.broadcast %broadcast_in_dim3A : f32 to vector<16xf32>
      %mul3A_31 = arith.constant 16 : i32
      %mul3A_32 = arith.muli %scan3A_29, %mul3A_31 : i32
      %swap3A = arith.index_cast %mul3A_32 : i32 to index
      %swap3A_33 = tpu.vector_load %arg11[%swap3A] {strides = array<i32>} : memref<81920xf32, #tpu.memory_space<vmem>>, vector<16xf32>,
      tpu.vector_store %arg11[%swap3A], %broadcast_in_dim3A_30 {strides = array<i32>} : memref<81920xf32, #tpu.memory_space<vmem>>, vector<16xf32>,
    }
    %scan3A_7 = arith.constant 5120 : i32
    %dma_start3A = arith.constant 0 : i32
    %dma_start3A_8 = tpu.memref_slice %arg4[%dma_start3A] : memref<163840xi32, #tpu.memory_space<hbm>> -> memref<2048xi32, #tpu.memory_space<hbm>>
    %dma_start3A_9 = arith.constant 0 : i32
    %dma_start3A_10 = tpu.memref_slice %arg4[%dma_start3A_9] : memref<163840xi32, #tpu.memory_space<hbm>> -> memref<2048xi32, #tpu.memory_space<hbm>>
    tpu.enqueue_dma source(%dma_start3A_10 : memref<2048xi32, #tpu.memory_space<hbm>>) target(%arg7 : memref<2048xi32, #tpu.memory_space<vmem>>) target_semaphore(%arg13 : memref<!tpu.dma_semaphore, #tpu.memory_space<semaphore_mem>>)
    %dma_start3A_11 = arith.constant 0 : i32
    %dma_start3A_12 = tpu.memref_slice %arg2[%mul3A_2, %dma_start3A_11] : memref<256x163840xf32, #tpu.memory_space<hbm>> -> memref<8x2048xf32, #tpu.memory_space<hbm>>
    %dma_start3A_13 = arith.constant 0 : i32
    %dma_start3A_14 = tpu.memref_slice %arg2[%mul3A_2, %dma_start3A_13] : memref<256x163840xf32, #tpu.memory_space<hbm>> -> memref<8x2048xf32, #tpu.memory_space<hbm>>
    tpu.enqueue_dma source(%dma_start3A_14 : memref<8x2048xf32, #tpu.memory_space<hbm>>) target(%arg8 : memref<8x2048xf32, #tpu.memory_space<vmem>>) target_semaphore(%arg13 : memref<!tpu.dma_semaphore, #tpu.memory_space<semaphore_mem>>)
    %scan3A_15 = arith.constant 0 : i32
    %scan3A_16 = arith.constant 0 : i32
    %scan3A_17 = arith.constant 40 : i32
    %scan3A_18 = arith.addi %scan3A_16, %scan3A_17 : i32
    %scan3A_19 = arith.constant 1 : i32
    scf.for %scan3A_29 = %scan3A_16 to %scan3A_18 step %scan3A_19  : i32 {
      %mul3A_30 = arith.constant 2 : i32
      %mul3A_31 = arith.muli %mul3A_30, %scan3A_29 : i32
      %add3A_32 = arith.constant 0 : i32
      %add3A_33 = arith.addi %add3A_32, %mul3A_31 : i32
      %add3A_34 = arith.constant 1 : i32
      %add3A_35 = arith.addi %add3A_33, %add3A_34 : i32
      %lt3A_36 = arith.constant 80 : i32
      %lt3A_37 = arith.cmpi slt, %add3A_35, %lt3A_36 : i32
      %convert_element_type3A_38 = arith.extui %lt3A_37 : i1 to i32
      %cond3A_39 = arith.constant 0 : i32
      %cond3A_40 = arith.cmpi ne, %convert_element_type3A_38, %cond3A_39 : i32
      scf.if %cond3A_40 {
        %add3A_55 = arith.constant 1 : i32
        %add3A_56 = arith.addi %add3A_33, %add3A_55 : i32
        %mul3A_57 = arith.constant 2048 : i32
        %mul3A_58 = arith.muli %add3A_56, %mul3A_57 : i32
        %dma_start3A_59 = tpu.memref_slice %arg4[%mul3A_58] : memref<163840xi32, #tpu.memory_space<hbm>> -> memref<2048xi32, #tpu.memory_space<hbm>>
        %dma_start3A_60 = tpu.memref_slice %arg4[%mul3A_58] : memref<163840xi32, #tpu.memory_space<hbm>> -> memref<2048xi32, #tpu.memory_space<hbm>>
        tpu.enqueue_dma source(%dma_start3A_60 : memref<2048xi32, #tpu.memory_space<hbm>>) target(%arg9 : memref<2048xi32, #tpu.memory_space<vmem>>) target_semaphore(%arg14 : memref<!tpu.dma_semaphore, #tpu.memory_space<semaphore_mem>>)
        %dma_start3A_61 = tpu.memref_slice %arg2[%mul3A_2, %mul3A_58] : memref<256x163840xf32, #tpu.memory_space<hbm>> -> memref<8x2048xf32, #tpu.memory_space<hbm>>
        %dma_start3A_62 = tpu.memref_slice %arg2[%mul3A_2, %mul3A_58] : memref<256x163840xf32, #tpu.memory_space<hbm>> -> memref<8x2048xf32, #tpu.memory_space<hbm>>
        tpu.enqueue_dma source(%dma_start3A_62 : memref<8x2048xf32, #tpu.memory_space<hbm>>) target(%arg10 : memref<8x2048xf32, #tpu.memory_space<vmem>>) target_semaphore(%arg14 : memref<!tpu.dma_semaphore, #tpu.memory_space<semaphore_mem>>)
      } else {
      }
      %mul3A_41 = arith.constant 2048 : i32
      %mul3A_42 = arith.muli %add3A_33, %mul3A_41 : i32
      %dma_wait3A = tpu.memref_slice %arg4[%mul3A_42] : memref<163840xi32, #tpu.memory_space<hbm>> -> memref<2048xi32, #tpu.memory_space<hbm>>
      %dma_wait3A_43 = tpu.memref_slice %arg4[%mul3A_42] : memref<163840xi32, #tpu.memory_space<hbm>> -> memref<2048xi32, #tpu.memory_space<hbm>>
      tpu.wait_dma2 semaphore(%arg13 : memref<!tpu.dma_semaphore, #tpu.memory_space<semaphore_mem>>) src(%dma_wait3A_43 : memref<2048xi32, #tpu.memory_space<hbm>>) dst(%arg7 : memref<2048xi32, #tpu.memory_space<vmem>>)
      %dma_wait3A_44 = tpu.memref_slice %arg2[%mul3A_2, %mul3A_42] : memref<256x163840xf32, #tpu.memory_space<hbm>> -> memref<8x2048xf32, #tpu.memory_space<hbm>>
      %dma_wait3A_45 = tpu.memref_slice %arg2[%mul3A_2, %mul3A_42] : memref<256x163840xf32, #tpu.memory_space<hbm>> -> memref<8x2048xf32, #tpu.memory_space<hbm>>
      tpu.wait_dma2 semaphore(%arg13 : memref<!tpu.dma_semaphore, #tpu.memory_space<semaphore_mem>>) src(%dma_wait3A_45 : memref<8x2048xf32, #tpu.memory_space<hbm>>) dst(%arg8 : memref<8x2048xf32, #tpu.memory_space<vmem>>)
      %parallel_loop3A = arith.constant 0 : i32
      %parallel_loop3A_46 = arith.constant 128 : i32
      %parallel_loop3A_47 = arith.constant 1 : i32
      scf.for %parallel_loop3A_55 = %parallel_loop3A to %parallel_loop3A_46 step %parallel_loop3A_47  : i32 {
        %parallel_loop3A_56 = arith.constant 16 : i32
        %parallel_loop3A_57 = arith.muli %parallel_loop3A_55, %parallel_loop3A_56 : i32
        %parallel_loop3A_58 = arith.index_cast %parallel_loop3A_57 : i32 to index
        %parallel_loop3A_59 = tpu.vector_load %arg7[%parallel_loop3A_58] {strides = array<i32>} : memref<2048xi32, #tpu.memory_space<vmem>>, vector<16xi32>,
        %parallel_loop3A_60 = arith.constant 16 : i32
        %parallel_loop3A_61 = arith.muli %parallel_loop3A_55, %parallel_loop3A_60 : i32
        %parallel_loop3A_62 = arith.constant 0 : i32
        %parallel_loop3A_63 = arith.index_cast %parallel_loop3A_62 : i32 to index
        %parallel_loop3A_64 = arith.index_cast %parallel_loop3A_61 : i32 to index
        %parallel_loop3A_65 = tpu.vector_load %arg8[%parallel_loop3A_63, %parallel_loop3A_64] {strides = array<i32>} : memref<8x2048xf32, #tpu.memory_space<vmem>>, vector<16xf32>,
        %parallel_loop3A_66 = arith.constant 0 : i32
        %parallel_loop3A_67 = vector.broadcast %parallel_loop3A_66 : i32 to vector<16xi32>
        %parallel_loop3A_68 = arith.addi %parallel_loop3A_59, %parallel_loop3A_67 : vector<16xi32>
        tpu.vector_store_idx %arg11[%parallel_loop3A_68], %parallel_loop3A_65 {add = true} : memref<81920xf32, #tpu.memory_space<vmem>>[vector<16xi32>], vector<16xf32>,
        %parallel_loop3A_69 = arith.constant 16 : i32
        %parallel_loop3A_70 = arith.muli %parallel_loop3A_55, %parallel_loop3A_69 : i32
        %parallel_loop3A_71 = arith.constant 1 : i32
        %parallel_loop3A_72 = arith.index_cast %parallel_loop3A_71 : i32 to index
        %parallel_loop3A_73 = arith.index_cast %parallel_loop3A_70 : i32 to index
        %parallel_loop3A_74 = tpu.vector_load %arg8[%parallel_loop3A_72, %parallel_loop3A_73] {strides = array<i32>} : memref<8x2048xf32, #tpu.memory_space<vmem>>, vector<16xf32>,
        %parallel_loop3A_75 = arith.constant 10240 : i32
        %parallel_loop3A_76 = vector.broadcast %parallel_loop3A_75 : i32 to vector<16xi32>
        %parallel_loop3A_77 = arith.addi %parallel_loop3A_59, %parallel_loop3A_76 : vector<16xi32>
        tpu.vector_store_idx %arg11[%parallel_loop3A_77], %parallel_loop3A_74 {add = true} : memref<81920xf32, #tpu.memory_space<vmem>>[vector<16xi32>], vector<16xf32>,
        %parallel_loop3A_78 = arith.constant 16 : i32
        %parallel_loop3A_79 = arith.muli %parallel_loop3A_55, %parallel_loop3A_78 : i32
        %parallel_loop3A_80 = arith.constant 2 : i32
        %parallel_loop3A_81 = arith.index_cast %parallel_loop3A_80 : i32 to index
        %parallel_loop3A_82 = arith.index_cast %parallel_loop3A_79 : i32 to index
        %parallel_loop3A_83 = tpu.vector_load %arg8[%parallel_loop3A_81, %parallel_loop3A_82] {strides = array<i32>} : memref<8x2048xf32, #tpu.memory_space<vmem>>, vector<16xf32>,
        %parallel_loop3A_84 = arith.constant 20480 : i32
        %parallel_loop3A_85 = vector.broadcast %parallel_loop3A_84 : i32 to vector<16xi32>
        %parallel_loop3A_86 = arith.addi %parallel_loop3A_59, %parallel_loop3A_85 : vector<16xi32>
        tpu.vector_store_idx %arg11[%parallel_loop3A_86], %parallel_loop3A_83 {add = true} : memref<81920xf32, #tpu.memory_space<vmem>>[vector<16xi32>], vector<16xf32>,
        %parallel_loop3A_87 = arith.constant 16 : i32
        %parallel_loop3A_88 = arith.muli %parallel_loop3A_55, %parallel_loop3A_87 : i32
        %parallel_loop3A_89 = arith.constant 3 : i32
        %parallel_loop3A_90 = arith.index_cast %parallel_loop3A_89 : i32 to index
        %parallel_loop3A_91 = arith.index_cast %parallel_loop3A_88 : i32 to index
        %parallel_loop3A_92 = tpu.vector_load %arg8[%parallel_loop3A_90, %parallel_loop3A_91] {strides = array<i32>} : memref<8x2048xf32, #tpu.memory_space<vmem>>, vector<16xf32>,
        %parallel_loop3A_93 = arith.constant 30720 : i32
        %parallel_loop3A_94 = vector.broadcast %parallel_loop3A_93 : i32 to vector<16xi32>
        %parallel_loop3A_95 = arith.addi %parallel_loop3A_59, %parallel_loop3A_94 : vector<16xi32>
        tpu.vector_store_idx %arg11[%parallel_loop3A_95], %parallel_loop3A_92 {add = true} : memref<81920xf32, #tpu.memory_space<vmem>>[vector<16xi32>], vector<16xf32>,
        %parallel_loop3A_96 = arith.constant 16 : i32
        %parallel_loop3A_97 = arith.muli %parallel_loop3A_55, %parallel_loop3A_96 : i32
        %parallel_loop3A_98 = arith.constant 4 : i32
        %parallel_loop3A_99 = arith.index_cast %parallel_loop3A_98 : i32 to index
        %parallel_loop3A_100 = arith.index_cast %parallel_loop3A_97 : i32 to index
        %parallel_loop3A_101 = tpu.vector_load %arg8[%parallel_loop3A_99, %parallel_loop3A_100] {strides = array<i32>} : memref<8x2048xf32, #tpu.memory_space<vmem>>, vector<16xf32>,
        %parallel_loop3A_102 = arith.constant 40960 : i32
        %parallel_loop3A_103 = vector.broadcast %parallel_loop3A_102 : i32 to vector<16xi32>
        %parallel_loop3A_104 = arith.addi %parallel_loop3A_59, %parallel_loop3A_103 : vector<16xi32>
        tpu.vector_store_idx %arg11[%parallel_loop3A_104], %parallel_loop3A_101 {add = true} : memref<81920xf32, #tpu.memory_space<vmem>>[vector<16xi32>], vector<16xf32>,
        %parallel_loop3A_105 = arith.constant 16 : i32
        %parallel_loop3A_106 = arith.muli %parallel_loop3A_55, %parallel_loop3A_105 : i32
        %parallel_loop3A_107 = arith.constant 5 : i32
        %parallel_loop3A_108 = arith.index_cast %parallel_loop3A_107 : i32 to index
        %parallel_loop3A_109 = arith.index_cast %parallel_loop3A_106 : i32 to index
        %parallel_loop3A_110 = tpu.vector_load %arg8[%parallel_loop3A_108, %parallel_loop3A_109] {strides = array<i32>} : memref<8x2048xf32, #tpu.memory_space<vmem>>, vector<16xf32>,
        %parallel_loop3A_111 = arith.constant 51200 : i32
        %parallel_loop3A_112 = vector.broadcast %parallel_loop3A_111 : i32 to vector<16xi32>
        %parallel_loop3A_113 = arith.addi %parallel_loop3A_59, %parallel_loop3A_112 : vector<16xi32>
        tpu.vector_store_idx %arg11[%parallel_loop3A_113], %parallel_loop3A_110 {add = true} : memref<81920xf32, #tpu.memory_space<vmem>>[vector<16xi32>], vector<16xf32>,
        %parallel_loop3A_114 = arith.constant 16 : i32
        %parallel_loop3A_115 = arith.muli %parallel_loop3A_55, %parallel_loop3A_114 : i32
        %parallel_loop3A_116 = arith.constant 6 : i32
        %parallel_loop3A_117 = arith.index_cast %parallel_loop3A_116 : i32 to index
        %parallel_loop3A_118 = arith.index_cast %parallel_loop3A_115 : i32 to index
        %parallel_loop3A_119 = tpu.vector_load %arg8[%parallel_loop3A_117, %parallel_loop3A_118] {strides = array<i32>} : memref<8x2048xf32, #tpu.memory_space<vmem>>, vector<16xf32>,
        %parallel_loop3A_120 = arith.constant 61440 : i32
        %parallel_loop3A_121 = vector.broadcast %parallel_loop3A_120 : i32 to vector<16xi32>
        %parallel_loop3A_122 = arith.addi %parallel_loop3A_59, %parallel_loop3A_121 : vector<16xi32>
        tpu.vector_store_idx %arg11[%parallel_loop3A_122], %parallel_loop3A_119 {add = true} : memref<81920xf32, #tpu.memory_space<vmem>>[vector<16xi32>], vector<16xf32>,
        %parallel_loop3A_123 = arith.constant 16 : i32
        %parallel_loop3A_124 = arith.muli %parallel_loop3A_55, %parallel_loop3A_123 : i32
        %parallel_loop3A_125 = arith.constant 7 : i32
        %parallel_loop3A_126 = arith.index_cast %parallel_loop3A_125 : i32 to index
        %parallel_loop3A_127 = arith.index_cast %parallel_loop3A_124 : i32 to index
        %parallel_loop3A_128 = tpu.vector_load %arg8[%parallel_loop3A_126, %parallel_loop3A_127] {strides = array<i32>} : memref<8x2048xf32, #tpu.memory_space<vmem>>, vector<16xf32>,
        %parallel_loop3A_129 = arith.constant 71680 : i32
        %parallel_loop3A_130 = vector.broadcast %parallel_loop3A_129 : i32 to vector<16xi32>
        %parallel_loop3A_131 = arith.addi %parallel_loop3A_59, %parallel_loop3A_130 : vector<16xi32>
        tpu.vector_store_idx %arg11[%parallel_loop3A_131], %parallel_loop3A_128 {add = true} : memref<81920xf32, #tpu.memory_space<vmem>>[vector<16xi32>], vector<16xf32>,
      } {sc.loop_unroll_factor = 8 : i64, sc.parallel_access}
      %add3A_48 = arith.constant 1 : i32
      %add3A_49 = arith.addi %add3A_33, %add3A_48 : i32
      %lt3A_50 = arith.constant 80 : i32
      %lt3A_51 = arith.cmpi slt, %add3A_49, %lt3A_50 : i32
      %convert_element_type3A_52 = arith.extui %lt3A_51 : i1 to i32
      %cond3A_53 = arith.constant 0 : i32
      %cond3A_54 = arith.cmpi ne, %convert_element_type3A_52, %cond3A_53 : i32
      scf.if %cond3A_54 {
        %add3A_55 = arith.constant 2 : i32
        %add3A_56 = arith.addi %add3A_33, %add3A_55 : i32
        %lt3A_57 = arith.constant 80 : i32
        %lt3A_58 = arith.cmpi slt, %add3A_56, %lt3A_57 : i32
        %convert_element_type3A_59 = arith.extui %lt3A_58 : i1 to i32
        %cond3A_60 = arith.constant 0 : i32
        %cond3A_61 = arith.cmpi ne, %convert_element_type3A_59, %cond3A_60 : i32
        scf.if %cond3A_61 {
          %add3A_73 = arith.constant 2 : i32
          %add3A_74 = arith.addi %add3A_33, %add3A_73 : i32
          %mul3A_75 = arith.constant 2048 : i32
          %mul3A_76 = arith.muli %add3A_74, %mul3A_75 : i32
          %dma_start3A_77 = tpu.memref_slice %arg4[%mul3A_76] : memref<163840xi32, #tpu.memory_space<hbm>> -> memref<2048xi32, #tpu.memory_space<hbm>>
          %dma_start3A_78 = tpu.memref_slice %arg4[%mul3A_76] : memref<163840xi32, #tpu.memory_space<hbm>> -> memref<2048xi32, #tpu.memory_space<hbm>>
          tpu.enqueue_dma source(%dma_start3A_78 : memref<2048xi32, #tpu.memory_space<hbm>>) target(%arg7 : memref<2048xi32, #tpu.memory_space<vmem>>) target_semaphore(%arg13 : memref<!tpu.dma_semaphore, #tpu.memory_space<semaphore_mem>>)
          %dma_start3A_79 = tpu.memref_slice %arg2[%mul3A_2, %mul3A_76] : memref<256x163840xf32, #tpu.memory_space<hbm>> -> memref<8x2048xf32, #tpu.memory_space<hbm>>
          %dma_start3A_80 = tpu.memref_slice %arg2[%mul3A_2, %mul3A_76] : memref<256x163840xf32, #tpu.memory_space<hbm>> -> memref<8x2048xf32, #tpu.memory_space<hbm>>
          tpu.enqueue_dma source(%dma_start3A_80 : memref<8x2048xf32, #tpu.memory_space<hbm>>) target(%arg8 : memref<8x2048xf32, #tpu.memory_space<vmem>>) target_semaphore(%arg13 : memref<!tpu.dma_semaphore, #tpu.memory_space<semaphore_mem>>)
        } else {
        }
        %add3A_62 = arith.constant 1 : i32
        %add3A_63 = arith.addi %add3A_33, %add3A_62 : i32
        %mul3A_64 = arith.constant 2048 : i32
        %mul3A_65 = arith.muli %add3A_63, %mul3A_64 : i32
        %dma_wait3A_66 = tpu.memref_slice %arg4[%mul3A_65] : memref<163840xi32, #tpu.memory_space<hbm>> -> memref<2048xi32, #tpu.memory_space<hbm>>
        %dma_wait3A_67 = tpu.memref_slice %arg4[%mul3A_65] : memref<163840xi32, #tpu.memory_space<hbm>> -> memref<2048xi32, #tpu.memory_space<hbm>>
        tpu.wait_dma2 semaphore(%arg14 : memref<!tpu.dma_semaphore, #tpu.memory_space<semaphore_mem>>) src(%dma_wait3A_67 : memref<2048xi32, #tpu.memory_space<hbm>>) dst(%arg9 : memref<2048xi32, #tpu.memory_space<vmem>>)
        %dma_wait3A_68 = tpu.memref_slice %arg2[%mul3A_2, %mul3A_65] : memref<256x163840xf32, #tpu.memory_space<hbm>> -> memref<8x2048xf32, #tpu.memory_space<hbm>>
        %dma_wait3A_69 = tpu.memref_slice %arg2[%mul3A_2, %mul3A_65] : memref<256x163840xf32, #tpu.memory_space<hbm>> -> memref<8x2048xf32, #tpu.memory_space<hbm>>
        tpu.wait_dma2 semaphore(%arg14 : memref<!tpu.dma_semaphore, #tpu.memory_space<semaphore_mem>>) src(%dma_wait3A_69 : memref<8x2048xf32, #tpu.memory_space<hbm>>) dst(%arg10 : memref<8x2048xf32, #tpu.memory_space<vmem>>)
        %parallel_loop3A_70 = arith.constant 0 : i32
        %parallel_loop3A_71 = arith.constant 128 : i32
        %parallel_loop3A_72 = arith.constant 1 : i32
        scf.for %parallel_loop3A_73 = %parallel_loop3A_70 to %parallel_loop3A_71 step %parallel_loop3A_72  : i32 {
          %parallel_loop3A_74 = arith.constant 16 : i32
          %parallel_loop3A_75 = arith.muli %parallel_loop3A_73, %parallel_loop3A_74 : i32
          %parallel_loop3A_76 = arith.index_cast %parallel_loop3A_75 : i32 to index
          %parallel_loop3A_77 = tpu.vector_load %arg9[%parallel_loop3A_76] {strides = array<i32>} : memref<2048xi32, #tpu.memory_space<vmem>>, vector<16xi32>,
          %parallel_loop3A_78 = arith.constant 16 : i32
          %parallel_loop3A_79 = arith.muli %parallel_loop3A_73, %parallel_loop3A_78 : i32
          %parallel_loop3A_80 = arith.constant 0 : i32
          %parallel_loop3A_81 = arith.index_cast %parallel_loop3A_80 : i32 to index
          %parallel_loop3A_82 = arith.index_cast %parallel_loop3A_79 : i32 to index
          %parallel_loop3A_83 = tpu.vector_load %arg10[%parallel_loop3A_81, %parallel_loop3A_82] {strides = array<i32>} : memref<8x2048xf32, #tpu.memory_space<vmem>>, vector<16xf32>,
          %parallel_loop3A_84 = arith.constant 0 : i32
          %parallel_loop3A_85 = vector.broadcast %parallel_loop3A_84 : i32 to vector<16xi32>
          %parallel_loop3A_86 = arith.addi %parallel_loop3A_77, %parallel_loop3A_85 : vector<16xi32>
          tpu.vector_store_idx %arg11[%parallel_loop3A_86], %parallel_loop3A_83 {add = true} : memref<81920xf32, #tpu.memory_space<vmem>>[vector<16xi32>], vector<16xf32>,
          %parallel_loop3A_87 = arith.constant 16 : i32
          %parallel_loop3A_88 = arith.muli %parallel_loop3A_73, %parallel_loop3A_87 : i32
          %parallel_loop3A_89 = arith.constant 1 : i32
          %parallel_loop3A_90 = arith.index_cast %parallel_loop3A_89 : i32 to index
          %parallel_loop3A_91 = arith.index_cast %parallel_loop3A_88 : i32 to index
          %parallel_loop3A_92 = tpu.vector_load %arg10[%parallel_loop3A_90, %parallel_loop3A_91] {strides = array<i32>} : memref<8x2048xf32, #tpu.memory_space<vmem>>, vector<16xf32>,
          %parallel_loop3A_93 = arith.constant 10240 : i32
          %parallel_loop3A_94 = vector.broadcast %parallel_loop3A_93 : i32 to vector<16xi32>
          %parallel_loop3A_95 = arith.addi %parallel_loop3A_77, %parallel_loop3A_94 : vector<16xi32>
          tpu.vector_store_idx %arg11[%parallel_loop3A_95], %parallel_loop3A_92 {add = true} : memref<81920xf32, #tpu.memory_space<vmem>>[vector<16xi32>], vector<16xf32>,
          %parallel_loop3A_96 = arith.constant 16 : i32
          %parallel_loop3A_97 = arith.muli %parallel_loop3A_73, %parallel_loop3A_96 : i32
          %parallel_loop3A_98 = arith.constant 2 : i32
          %parallel_loop3A_99 = arith.index_cast %parallel_loop3A_98 : i32 to index
          %parallel_loop3A_100 = arith.index_cast %parallel_loop3A_97 : i32 to index
          %parallel_loop3A_101 = tpu.vector_load %arg10[%parallel_loop3A_99, %parallel_loop3A_100] {strides = array<i32>} : memref<8x2048xf32, #tpu.memory_space<vmem>>, vector<16xf32>,
          %parallel_loop3A_102 = arith.constant 20480 : i32
          %parallel_loop3A_103 = vector.broadcast %parallel_loop3A_102 : i32 to vector<16xi32>
          %parallel_loop3A_104 = arith.addi %parallel_loop3A_77, %parallel_loop3A_103 : vector<16xi32>
          tpu.vector_store_idx %arg11[%parallel_loop3A_104], %parallel_loop3A_101 {add = true} : memref<81920xf32, #tpu.memory_space<vmem>>[vector<16xi32>], vector<16xf32>,
          %parallel_loop3A_105 = arith.constant 16 : i32
          %parallel_loop3A_106 = arith.muli %parallel_loop3A_73, %parallel_loop3A_105 : i32
          %parallel_loop3A_107 = arith.constant 3 : i32
          %parallel_loop3A_108 = arith.index_cast %parallel_loop3A_107 : i32 to index
          %parallel_loop3A_109 = arith.index_cast %parallel_loop3A_106 : i32 to index
          %parallel_loop3A_110 = tpu.vector_load %arg10[%parallel_loop3A_108, %parallel_loop3A_109] {strides = array<i32>} : memref<8x2048xf32, #tpu.memory_space<vmem>>, vector<16xf32>,
          %parallel_loop3A_111 = arith.constant 30720 : i32
          %parallel_loop3A_112 = vector.broadcast %parallel_loop3A_111 : i32 to vector<16xi32>
          %parallel_loop3A_113 = arith.addi %parallel_loop3A_77, %parallel_loop3A_112 : vector<16xi32>
          tpu.vector_store_idx %arg11[%parallel_loop3A_113], %parallel_loop3A_110 {add = true} : memref<81920xf32, #tpu.memory_space<vmem>>[vector<16xi32>], vector<16xf32>,
          %parallel_loop3A_114 = arith.constant 16 : i32
          %parallel_loop3A_115 = arith.muli %parallel_loop3A_73, %parallel_loop3A_114 : i32
          %parallel_loop3A_116 = arith.constant 4 : i32
          %parallel_loop3A_117 = arith.index_cast %parallel_loop3A_116 : i32 to index
          %parallel_loop3A_118 = arith.index_cast %parallel_loop3A_115 : i32 to index
          %parallel_loop3A_119 = tpu.vector_load %arg10[%parallel_loop3A_117, %parallel_loop3A_118] {strides = array<i32>} : memref<8x2048xf32, #tpu.memory_space<vmem>>, vector<16xf32>,
          %parallel_loop3A_120 = arith.constant 40960 : i32
          %parallel_loop3A_121 = vector.broadcast %parallel_loop3A_120 : i32 to vector<16xi32>
          %parallel_loop3A_122 = arith.addi %parallel_loop3A_77, %parallel_loop3A_121 : vector<16xi32>
          tpu.vector_store_idx %arg11[%parallel_loop3A_122], %parallel_loop3A_119 {add = true} : memref<81920xf32, #tpu.memory_space<vmem>>[vector<16xi32>], vector<16xf32>,
          %parallel_loop3A_123 = arith.constant 16 : i32
          %parallel_loop3A_124 = arith.muli %parallel_loop3A_73, %parallel_loop3A_123 : i32
          %parallel_loop3A_125 = arith.constant 5 : i32
          %parallel_loop3A_126 = arith.index_cast %parallel_loop3A_125 : i32 to index
          %parallel_loop3A_127 = arith.index_cast %parallel_loop3A_124 : i32 to index
          %parallel_loop3A_128 = tpu.vector_load %arg10[%parallel_loop3A_126, %parallel_loop3A_127] {strides = array<i32>} : memref<8x2048xf32, #tpu.memory_space<vmem>>, vector<16xf32>,
          %parallel_loop3A_129 = arith.constant 51200 : i32
          %parallel_loop3A_130 = vector.broadcast %parallel_loop3A_129 : i32 to vector<16xi32>
          %parallel_loop3A_131 = arith.addi %parallel_loop3A_77, %parallel_loop3A_130 : vector<16xi32>
          tpu.vector_store_idx %arg11[%parallel_loop3A_131], %parallel_loop3A_128 {add = true} : memref<81920xf32, #tpu.memory_space<vmem>>[vector<16xi32>], vector<16xf32>,
          %parallel_loop3A_132 = arith.constant 16 : i32
          %parallel_loop3A_133 = arith.muli %parallel_loop3A_73, %parallel_loop3A_132 : i32
          %parallel_loop3A_134 = arith.constant 6 : i32
          %parallel_loop3A_135 = arith.index_cast %parallel_loop3A_134 : i32 to index
          %parallel_loop3A_136 = arith.index_cast %parallel_loop3A_133 : i32 to index
          %parallel_loop3A_137 = tpu.vector_load %arg10[%parallel_loop3A_135, %parallel_loop3A_136] {strides = array<i32>} : memref<8x2048xf32, #tpu.memory_space<vmem>>, vector<16xf32>,
          %parallel_loop3A_138 = arith.constant 61440 : i32
          %parallel_loop3A_139 = vector.broadcast %parallel_loop3A_138 : i32 to vector<16xi32>
          %parallel_loop3A_140 = arith.addi %parallel_loop3A_77, %parallel_loop3A_139 : vector<16xi32>
          tpu.vector_store_idx %arg11[%parallel_loop3A_140], %parallel_loop3A_137 {add = true} : memref<81920xf32, #tpu.memory_space<vmem>>[vector<16xi32>], vector<16xf32>,
          %parallel_loop3A_141 = arith.constant 16 : i32
          %parallel_loop3A_142 = arith.muli %parallel_loop3A_73, %parallel_loop3A_141 : i32
          %parallel_loop3A_143 = arith.constant 7 : i32
          %parallel_loop3A_144 = arith.index_cast %parallel_loop3A_143 : i32 to index
          %parallel_loop3A_145 = arith.index_cast %parallel_loop3A_142 : i32 to index
          %parallel_loop3A_146 = tpu.vector_load %arg10[%parallel_loop3A_144, %parallel_loop3A_145] {strides = array<i32>} : memref<8x2048xf32, #tpu.memory_space<vmem>>, vector<16xf32>,
          %parallel_loop3A_147 = arith.constant 71680 : i32
          %parallel_loop3A_148 = vector.broadcast %parallel_loop3A_147 : i32 to vector<16xi32>
          %parallel_loop3A_149 = arith.addi %parallel_loop3A_77, %parallel_loop3A_148 : vector<16xi32>
          tpu.vector_store_idx %arg11[%parallel_loop3A_149], %parallel_loop3A_146 {add = true} : memref<81920xf32, #tpu.memory_space<vmem>>[vector<16xi32>], vector<16xf32>,
        } {sc.loop_unroll_factor = 8 : i64, sc.parallel_access}
      } else {
      }
    }
    %scan3A_20 = arith.constant 40 : i32
    %scan3A_21 = arith.constant 0 : i32
    %scan3A_22 = arith.constant 0 : i32
    %scan3A_23 = arith.constant 10 : i32
    %scan3A_24 = arith.addi %scan3A_22, %scan3A_23 : i32
    %scan3A_25 = arith.constant 1 : i32
    scf.for %scan3A_29 = %scan3A_22 to %scan3A_24 step %scan3A_25  : i32 {
      %scan3A_30 = arith.constant 0 : i32
      %scan3A_31 = arith.constant 0 : i32
      %scan3A_32 = arith.constant 64 : i32
      %scan3A_33 = arith.addi %scan3A_31, %scan3A_32 : i32
      %scan3A_34 = arith.constant 1 : i32
      scf.for %scan3A_38 = %scan3A_31 to %scan3A_33 step %scan3A_34  : i32 {
        %mul3A_39 = arith.constant 1024 : i32
        %mul3A_40 = arith.muli %scan3A_29, %mul3A_39 : i32
        %add3A_41 = arith.constant 0 : i32
        %add3A_42 = arith.addi %add3A_41, %mul3A_40 : i32
        %mul3A_43 = arith.constant 16 : i32
        %mul3A_44 = arith.muli %scan3A_38, %mul3A_43 : i32
        %add3A_45 = arith.addi %add3A_42, %mul3A_44 : i32
        %get3A = arith.index_cast %add3A_45 : i32 to index
        %get3A_46 = tpu.vector_load %arg11[%get3A] {strides = array<i32>} : memref<81920xf32, #tpu.memory_space<vmem>>, vector<16xf32>,
        %mul3A_47 = arith.constant 16 : i32
        %mul3A_48 = arith.muli %scan3A_38, %mul3A_47 : i32
        %swap3A = arith.constant 0 : i32
        %swap3A_49 = arith.index_cast %swap3A : i32 to index
        %swap3A_50 = arith.index_cast %mul3A_48 : i32 to index
        %swap3A_51 = tpu.vector_load %arg12[%swap3A_49, %swap3A_50] {strides = array<i32>} : memref<8x1024xf32, #tpu.memory_space<vmem>>, vector<16xf32>,
        tpu.vector_store %arg12[%swap3A_49, %swap3A_50], %get3A_46 {strides = array<i32>} : memref<8x1024xf32, #tpu.memory_space<vmem>>, vector<16xf32>,
        %mul3A_52 = arith.constant 1024 : i32
        %mul3A_53 = arith.muli %scan3A_29, %mul3A_52 : i32
        %add3A_54 = arith.constant 10240 : i32
        %add3A_55 = arith.addi %add3A_54, %mul3A_53 : i32
        %mul3A_56 = arith.constant 16 : i32
        %mul3A_57 = arith.muli %scan3A_38, %mul3A_56 : i32
        %add3A_58 = arith.addi %add3A_55, %mul3A_57 : i32
        %get3A_59 = arith.index_cast %add3A_58 : i32 to index
        %get3A_60 = tpu.vector_load %arg11[%get3A_59] {strides = array<i32>} : memref<81920xf32, #tpu.memory_space<vmem>>, vector<16xf32>,
        %mul3A_61 = arith.constant 16 : i32
        %mul3A_62 = arith.muli %scan3A_38, %mul3A_61 : i32
        %swap3A_63 = arith.constant 1 : i32
        %swap3A_64 = arith.index_cast %swap3A_63 : i32 to index
        %swap3A_65 = arith.index_cast %mul3A_62 : i32 to index
        %swap3A_66 = tpu.vector_load %arg12[%swap3A_64, %swap3A_65] {strides = array<i32>} : memref<8x1024xf32, #tpu.memory_space<vmem>>, vector<16xf32>,
        tpu.vector_store %arg12[%swap3A_64, %swap3A_65], %get3A_60 {strides = array<i32>} : memref<8x1024xf32, #tpu.memory_space<vmem>>, vector<16xf32>,
        %mul3A_67 = arith.constant 1024 : i32
        %mul3A_68 = arith.muli %scan3A_29, %mul3A_67 : i32
        %add3A_69 = arith.constant 20480 : i32
        %add3A_70 = arith.addi %add3A_69, %mul3A_68 : i32
        %mul3A_71 = arith.constant 16 : i32
        %mul3A_72 = arith.muli %scan3A_38, %mul3A_71 : i32
        %add3A_73 = arith.addi %add3A_70, %mul3A_72 : i32
        %get3A_74 = arith.index_cast %add3A_73 : i32 to index
        %get3A_75 = tpu.vector_load %arg11[%get3A_74] {strides = array<i32>} : memref<81920xf32, #tpu.memory_space<vmem>>, vector<16xf32>,
        %mul3A_76 = arith.constant 16 : i32
        %mul3A_77 = arith.muli %scan3A_38, %mul3A_76 : i32
        %swap3A_78 = arith.constant 2 : i32
        %swap3A_79 = arith.index_cast %swap3A_78 : i32 to index
        %swap3A_80 = arith.index_cast %mul3A_77 : i32 to index
        %swap3A_81 = tpu.vector_load %arg12[%swap3A_79, %swap3A_80] {strides = array<i32>} : memref<8x1024xf32, #tpu.memory_space<vmem>>, vector<16xf32>,
        tpu.vector_store %arg12[%swap3A_79, %swap3A_80], %get3A_75 {strides = array<i32>} : memref<8x1024xf32, #tpu.memory_space<vmem>>, vector<16xf32>,
        %mul3A_82 = arith.constant 1024 : i32
        %mul3A_83 = arith.muli %scan3A_29, %mul3A_82 : i32
        %add3A_84 = arith.constant 30720 : i32
        %add3A_85 = arith.addi %add3A_84, %mul3A_83 : i32
        %mul3A_86 = arith.constant 16 : i32
        %mul3A_87 = arith.muli %scan3A_38, %mul3A_86 : i32
        %add3A_88 = arith.addi %add3A_85, %mul3A_87 : i32
        %get3A_89 = arith.index_cast %add3A_88 : i32 to index
        %get3A_90 = tpu.vector_load %arg11[%get3A_89] {strides = array<i32>} : memref<81920xf32, #tpu.memory_space<vmem>>, vector<16xf32>,
        %mul3A_91 = arith.constant 16 : i32
        %mul3A_92 = arith.muli %scan3A_38, %mul3A_91 : i32
        %swap3A_93 = arith.constant 3 : i32
        %swap3A_94 = arith.index_cast %swap3A_93 : i32 to index
        %swap3A_95 = arith.index_cast %mul3A_92 : i32 to index
        %swap3A_96 = tpu.vector_load %arg12[%swap3A_94, %swap3A_95] {strides = array<i32>} : memref<8x1024xf32, #tpu.memory_space<vmem>>, vector<16xf32>,
        tpu.vector_store %arg12[%swap3A_94, %swap3A_95], %get3A_90 {strides = array<i32>} : memref<8x1024xf32, #tpu.memory_space<vmem>>, vector<16xf32>,
        %mul3A_97 = arith.constant 1024 : i32
        %mul3A_98 = arith.muli %scan3A_29, %mul3A_97 : i32
        %add3A_99 = arith.constant 40960 : i32
        %add3A_100 = arith.addi %add3A_99, %mul3A_98 : i32
        %mul3A_101 = arith.constant 16 : i32
        %mul3A_102 = arith.muli %scan3A_38, %mul3A_101 : i32
        %add3A_103 = arith.addi %add3A_100, %mul3A_102 : i32
        %get3A_104 = arith.index_cast %add3A_103 : i32 to index
        %get3A_105 = tpu.vector_load %arg11[%get3A_104] {strides = array<i32>} : memref<81920xf32, #tpu.memory_space<vmem>>, vector<16xf32>,
        %mul3A_106 = arith.constant 16 : i32
        %mul3A_107 = arith.muli %scan3A_38, %mul3A_106 : i32
        %swap3A_108 = arith.constant 4 : i32
        %swap3A_109 = arith.index_cast %swap3A_108 : i32 to index
        %swap3A_110 = arith.index_cast %mul3A_107 : i32 to index
        %swap3A_111 = tpu.vector_load %arg12[%swap3A_109, %swap3A_110] {strides = array<i32>} : memref<8x1024xf32, #tpu.memory_space<vmem>>, vector<16xf32>,
        tpu.vector_store %arg12[%swap3A_109, %swap3A_110], %get3A_105 {strides = array<i32>} : memref<8x1024xf32, #tpu.memory_space<vmem>>, vector<16xf32>,
        %mul3A_112 = arith.constant 1024 : i32
        %mul3A_113 = arith.muli %scan3A_29, %mul3A_112 : i32
        %add3A_114 = arith.constant 51200 : i32
        %add3A_115 = arith.addi %add3A_114, %mul3A_113 : i32
        %mul3A_116 = arith.constant 16 : i32
        %mul3A_117 = arith.muli %scan3A_38, %mul3A_116 : i32
        %add3A_118 = arith.addi %add3A_115, %mul3A_117 : i32
        %get3A_119 = arith.index_cast %add3A_118 : i32 to index
        %get3A_120 = tpu.vector_load %arg11[%get3A_119] {strides = array<i32>} : memref<81920xf32, #tpu.memory_space<vmem>>, vector<16xf32>,
        %mul3A_121 = arith.constant 16 : i32
        %mul3A_122 = arith.muli %scan3A_38, %mul3A_121 : i32
        %swap3A_123 = arith.constant 5 : i32
        %swap3A_124 = arith.index_cast %swap3A_123 : i32 to index
        %swap3A_125 = arith.index_cast %mul3A_122 : i32 to index
        %swap3A_126 = tpu.vector_load %arg12[%swap3A_124, %swap3A_125] {strides = array<i32>} : memref<8x1024xf32, #tpu.memory_space<vmem>>, vector<16xf32>,
        tpu.vector_store %arg12[%swap3A_124, %swap3A_125], %get3A_120 {strides = array<i32>} : memref<8x1024xf32, #tpu.memory_space<vmem>>, vector<16xf32>,
        %mul3A_127 = arith.constant 1024 : i32
        %mul3A_128 = arith.muli %scan3A_29, %mul3A_127 : i32
        %add3A_129 = arith.constant 61440 : i32
        %add3A_130 = arith.addi %add3A_129, %mul3A_128 : i32
        %mul3A_131 = arith.constant 16 : i32
        %mul3A_132 = arith.muli %scan3A_38, %mul3A_131 : i32
        %add3A_133 = arith.addi %add3A_130, %mul3A_132 : i32
        %get3A_134 = arith.index_cast %add3A_133 : i32 to index
        %get3A_135 = tpu.vector_load %arg11[%get3A_134] {strides = array<i32>} : memref<81920xf32, #tpu.memory_space<vmem>>, vector<16xf32>,
        %mul3A_136 = arith.constant 16 : i32
        %mul3A_137 = arith.muli %scan3A_38, %mul3A_136 : i32
        %swap3A_138 = arith.constant 6 : i32
        %swap3A_139 = arith.index_cast %swap3A_138 : i32 to index
        %swap3A_140 = arith.index_cast %mul3A_137 : i32 to index
        %swap3A_141 = tpu.vector_load %arg12[%swap3A_139, %swap3A_140] {strides = array<i32>} : memref<8x1024xf32, #tpu.memory_space<vmem>>, vector<16xf32>,
        tpu.vector_store %arg12[%swap3A_139, %swap3A_140], %get3A_135 {strides = array<i32>} : memref<8x1024xf32, #tpu.memory_space<vmem>>, vector<16xf32>,
        %mul3A_142 = arith.constant 1024 : i32
        %mul3A_143 = arith.muli %scan3A_29, %mul3A_142 : i32
        %add3A_144 = arith.constant 71680 : i32
        %add3A_145 = arith.addi %add3A_144, %mul3A_143 : i32
        %mul3A_146 = arith.constant 16 : i32
        %mul3A_147 = arith.muli %scan3A_38, %mul3A_146 : i32
        %add3A_148 = arith.addi %add3A_145, %mul3A_147 : i32
        %get3A_149 = arith.index_cast %add3A_148 : i32 to index
        %get3A_150 = tpu.vector_load %arg11[%get3A_149] {strides = array<i32>} : memref<81920xf32, #tpu.memory_space<vmem>>, vector<16xf32>,
        %mul3A_151 = arith.constant 16 : i32
        %mul3A_152 = arith.muli %scan3A_38, %mul3A_151 : i32
        %swap3A_153 = arith.constant 7 : i32
        %swap3A_154 = arith.index_cast %swap3A_153 : i32 to index
        %swap3A_155 = arith.index_cast %mul3A_152 : i32 to index
        %swap3A_156 = tpu.vector_load %arg12[%swap3A_154, %swap3A_155] {strides = array<i32>} : memref<8x1024xf32, #tpu.memory_space<vmem>>, vector<16xf32>,
        tpu.vector_store %arg12[%swap3A_154, %swap3A_155], %get3A_150 {strides = array<i32>} : memref<8x1024xf32, #tpu.memory_space<vmem>>, vector<16xf32>,
      }
      %scan3A_35 = arith.constant 64 : i32
      %mul3A_36 = arith.constant 1024 : i32
      %mul3A_37 = arith.muli %scan3A_29, %mul3A_36 : i32
      "tpu.region"() ({
        %run_scoped3A = tpu.sem_alloc : memref<!tpu.dma_semaphore, #tpu.memory_space<semaphore_mem>>
        %dma_start3A_38 = tpu.memref_slice %arg5[%mul3A_2, %mul3A_37] : memref<256x10240xf32, #tpu.memory_space<hbm>> -> memref<8x1024xf32, #tpu.memory_space<hbm>>
        %dma_start3A_39 = tpu.memref_slice %arg5[%mul3A_2, %mul3A_37] : memref<256x10240xf32, #tpu.memory_space<hbm>> -> memref<8x1024xf32, #tpu.memory_space<hbm>>
        tpu.enqueue_dma source(%arg12 : memref<8x1024xf32, #tpu.memory_space<vmem>>) target(%dma_start3A_39 : memref<8x1024xf32, #tpu.memory_space<hbm>>) target_semaphore(%run_scoped3A : memref<!tpu.dma_semaphore, #tpu.memory_space<semaphore_mem>>)
        %dma_wait3A = tpu.memref_slice %arg5[%mul3A_2, %mul3A_37] : memref<256x10240xf32, #tpu.memory_space<hbm>> -> memref<8x1024xf32, #tpu.memory_space<hbm>>
        %dma_wait3A_40 = tpu.memref_slice %arg5[%mul3A_2, %mul3A_37] : memref<256x10240xf32, #tpu.memory_space<hbm>> -> memref<8x1024xf32, #tpu.memory_space<hbm>>
        tpu.wait_dma2 semaphore(%run_scoped3A : memref<!tpu.dma_semaphore, #tpu.memory_space<semaphore_mem>>) src(%arg12 : memref<8x1024xf32, #tpu.memory_space<vmem>>) dst(%dma_wait3A_40 : memref<8x1024xf32, #tpu.memory_space<hbm>>)
        tpu.yield
      }) : () -> ()
    }
    %scan3A_26 = arith.constant 10 : i32
    %lt3A = arith.constant 16 : i32
    %lt3A_27 = arith.cmpi slt, %add3A, %lt3A : i32
    %convert_element_type3A = arith.extui %lt3A_27 : i1 to i32
    %cond3A = arith.constant 0 : i32
    %cond3A_28 = arith.cmpi ne, %convert_element_type3A, %cond3A : i32
    scf.if %cond3A_28 {
      %scan3A_29 = arith.constant 0 : i32
      %scan3A_30 = arith.constant 0 : i32
      %scan3A_31 = arith.constant 5120 : i32
      %scan3A_32 = arith.addi %scan3A_30, %scan3A_31 : i32
      %scan3A_33 = arith.constant 1 : i32
      scf.for %scan3A_146 = %scan3A_30 to %scan3A_32 step %scan3A_33  : i32 {
        %broadcast_in_dim3A = arith.constant 0.000000e+00 : f32
        %broadcast_in_dim3A_147 = vector.broadcast %broadcast_in_dim3A : f32 to vector<16xf32>
        %mul3A_148 = arith.constant 16 : i32
        %mul3A_149 = arith.muli %scan3A_146, %mul3A_148 : i32
        %swap3A = arith.index_cast %mul3A_149 : i32 to index
        %swap3A_150 = tpu.vector_load %arg11[%swap3A] {strides = array<i32>} : memref<81920xf32, #tpu.memory_space<vmem>>, vector<16xf32>,
        tpu.vector_store %arg11[%swap3A], %broadcast_in_dim3A_147 {strides = array<i32>} : memref<81920xf32, #tpu.memory_space<vmem>>, vector<16xf32>,
      }
      %scan3A_34 = arith.constant 5120 : i32
      %jit3A = arith.constant 2 : i32
      %eq3A = arith.constant 0 : i32
      %eq3A_35 = arith.cmpi eq, %jit3A, %eq3A : i32
      %jit3A_36 = arith.constant 1 : i32
      %select_n3A = arith.select %eq3A_35, %jit3A_36, %jit3A : i32
      %rem3A = arith.remsi %add3A, %select_n3A : i32
      %ne3A = arith.constant 0 : i32
      %ne3A_37 = arith.cmpi ne, %rem3A, %ne3A : i32
      %lt3A_38 = arith.constant 0 : i32
      %lt3A_39 = arith.cmpi slt, %rem3A, %lt3A_38 : i32
      %lt3A_40 = arith.constant 0 : i32
      %lt3A_41 = arith.cmpi slt, %select_n3A, %lt3A_40 : i32
      %ne3A_42 = arith.xori %lt3A_39, %lt3A_41 : i1
      %and3A = arith.andi %ne3A_42, %ne3A_37 : i1
      %add3A_43 = arith.addi %rem3A, %select_n3A : i32
      %select_n3A_44 = arith.select %and3A, %add3A_43, %rem3A : i32
      %mul3A_45 = arith.constant 8 : i32
      %mul3A_46 = arith.muli %select_n3A_44, %mul3A_45 : i32
      %jit3A_47 = arith.constant 2 : i32
      %div3A = arith.divsi %add3A, %jit3A_47 : i32
      %sign3A = arith.constant 0 : i32
      %sign3A_48 = arith.cmpi sgt, %add3A, %sign3A : i32
      %sign3A_49 = arith.extui %sign3A_48 : i1 to i32
      %sign3A_50 = arith.constant 0 : i32
      %sign3A_51 = arith.cmpi slt, %add3A, %sign3A_50 : i32
      %sign3A_52 = arith.extui %sign3A_51 : i1 to i32
      %sign3A_53 = arith.subi %sign3A_49, %sign3A_52 : i32
      %sign3A_54 = arith.constant 0 : i32
      %sign3A_55 = arith.cmpi sgt, %jit3A_47, %sign3A_54 : i32
      %sign3A_56 = arith.extui %sign3A_55 : i1 to i32
      %sign3A_57 = arith.constant 0 : i32
      %sign3A_58 = arith.cmpi slt, %jit3A_47, %sign3A_57 : i32
      %sign3A_59 = arith.extui %sign3A_58 : i1 to i32
      %sign3A_60 = arith.subi %sign3A_56, %sign3A_59 : i32
      %ne3A_61 = arith.cmpi ne, %sign3A_53, %sign3A_60 : i32
      %rem3A_62 = arith.remsi %add3A, %jit3A_47 : i32
      %ne3A_63 = arith.constant 0 : i32
      %ne3A_64 = arith.cmpi ne, %rem3A_62, %ne3A_63 : i32
      %and3A_65 = arith.andi %ne3A_61, %ne3A_64 : i1
      %sub3A = arith.constant 1 : i32
      %sub3A_66 = arith.subi %div3A, %sub3A : i32
      %select_n3A_67 = arith.select %and3A_65, %sub3A_66, %div3A : i32
      %mul3A_68 = arith.constant 10 : i32
      %mul3A_69 = arith.muli %select_n3A_67, %mul3A_68 : i32
      %jit3A_70 = arith.constant 2 : i32
      %div3A_71 = arith.divsi %add3A, %jit3A_70 : i32
      %sign3A_72 = arith.constant 0 : i32
      %sign3A_73 = arith.cmpi sgt, %add3A, %sign3A_72 : i32
      %sign3A_74 = arith.extui %sign3A_73 : i1 to i32
      %sign3A_75 = arith.constant 0 : i32
      %sign3A_76 = arith.cmpi slt, %add3A, %sign3A_75 : i32
      %sign3A_77 = arith.extui %sign3A_76 : i1 to i32
      %sign3A_78 = arith.subi %sign3A_74, %sign3A_77 : i32
      %sign3A_79 = arith.constant 0 : i32
      %sign3A_80 = arith.cmpi sgt, %jit3A_70, %sign3A_79 : i32
      %sign3A_81 = arith.extui %sign3A_80 : i1 to i32
      %sign3A_82 = arith.constant 0 : i32
      %sign3A_83 = arith.cmpi slt, %jit3A_70, %sign3A_82 : i32
      %sign3A_84 = arith.extui %sign3A_83 : i1 to i32
      %sign3A_85 = arith.subi %sign3A_81, %sign3A_84 : i32
      %ne3A_86 = arith.cmpi ne, %sign3A_78, %sign3A_85 : i32
      %rem3A_87 = arith.remsi %add3A, %jit3A_70 : i32
      %ne3A_88 = arith.constant 0 : i32
      %ne3A_89 = arith.cmpi ne, %rem3A_87, %ne3A_88 : i32
      %and3A_90 = arith.andi %ne3A_86, %ne3A_89 : i1
      %sub3A_91 = arith.constant 1 : i32
      %sub3A_92 = arith.subi %div3A_71, %sub3A_91 : i32
      %select_n3A_93 = arith.select %and3A_90, %sub3A_92, %div3A_71 : i32
      %add3A_94 = arith.constant 1 : i32
      %add3A_95 = arith.addi %select_n3A_93, %add3A_94 : i32
      %mul3A_96 = arith.constant 10 : i32
      %mul3A_97 = arith.muli %add3A_95, %mul3A_96 : i32
      %mul3A_98 = arith.constant 2048 : i32
      %mul3A_99 = arith.muli %mul3A_69, %mul3A_98 : i32
      %dma_start3A_100 = tpu.memref_slice %arg4[%mul3A_99] : memref<163840xi32, #tpu.memory_space<hbm>> -> memref<2048xi32, #tpu.memory_space<hbm>>
      %dma_start3A_101 = tpu.memref_slice %arg4[%mul3A_99] : memref<163840xi32, #tpu.memory_space<hbm>> -> memref<2048xi32, #tpu.memory_space<hbm>>
      tpu.enqueue_dma source(%dma_start3A_101 : memref<2048xi32, #tpu.memory_space<hbm>>) target(%arg7 : memref<2048xi32, #tpu.memory_space<vmem>>) target_semaphore(%arg13 : memref<!tpu.dma_semaphore, #tpu.memory_space<semaphore_mem>>)
      %dma_start3A_102 = tpu.memref_slice %arg3[%mul3A_46, %mul3A_99] : memref<16x163840xf32, #tpu.memory_space<hbm>> -> memref<8x2048xf32, #tpu.memory_space<hbm>>
      %dma_start3A_103 = tpu.memref_slice %arg3[%mul3A_46, %mul3A_99] : memref<16x163840xf32, #tpu.memory_space<hbm>> -> memref<8x2048xf32, #tpu.memory_space<hbm>>
      tpu.enqueue_dma source(%dma_start3A_103 : memref<8x2048xf32, #tpu.memory_space<hbm>>) target(%arg8 : memref<8x2048xf32, #tpu.memory_space<vmem>>) target_semaphore(%arg13 : memref<!tpu.dma_semaphore, #tpu.memory_space<semaphore_mem>>)
      %sub3A_104 = arith.subi %mul3A_97, %mul3A_69 : i32
      %add3A_105 = arith.constant 1 : i32
      %add3A_106 = arith.addi %sub3A_104, %add3A_105 : i32
      %jit3A_107 = arith.constant 2 : i32
      %div3A_108 = arith.divsi %add3A_106, %jit3A_107 : i32
      %sign3A_109 = arith.constant 0 : i32
      %sign3A_110 = arith.cmpi sgt, %add3A_106, %sign3A_109 : i32
      %sign3A_111 = arith.extui %sign3A_110 : i1 to i32
      %sign3A_112 = arith.constant 0 : i32
      %sign3A_113 = arith.cmpi slt, %add3A_106, %sign3A_112 : i32
      %sign3A_114 = arith.extui %sign3A_113 : i1 to i32
      %sign3A_115 = arith.subi %sign3A_111, %sign3A_114 : i32
      %sign3A_116 = arith.constant 0 : i32
      %sign3A_117 = arith.cmpi sgt, %jit3A_107, %sign3A_116 : i32
      %sign3A_118 = arith.extui %sign3A_117 : i1 to i32
      %sign3A_119 = arith.constant 0 : i32
      %sign3A_120 = arith.cmpi slt, %jit3A_107, %sign3A_119 : i32
      %sign3A_121 = arith.extui %sign3A_120 : i1 to i32
      %sign3A_122 = arith.subi %sign3A_118, %sign3A_121 : i32
      %ne3A_123 = arith.cmpi ne, %sign3A_115, %sign3A_122 : i32
      %rem3A_124 = arith.remsi %add3A_106, %jit3A_107 : i32
      %ne3A_125 = arith.constant 0 : i32
      %ne3A_126 = arith.cmpi ne, %rem3A_124, %ne3A_125 : i32
      %and3A_127 = arith.andi %ne3A_123, %ne3A_126 : i1
      %sub3A_128 = arith.constant 1 : i32
      %sub3A_129 = arith.subi %div3A_108, %sub3A_128 : i32
      %select_n3A_130 = arith.select %and3A_127, %sub3A_129, %div3A_108 : i32
      %while3A = arith.constant 0 : i32
      %while3A_131 = arith.constant 0 : i32
      %while3A_132 = arith.subi %select_n3A_130, %while3A_131 : i32
      %while3A_133 = arith.addi %while3A_131, %while3A_132 : i32
      %while3A_134 = arith.constant 1 : i32
      %while3A_135 = arith.divsi %while3A_132, %while3A_134 : i32
      %while3A_136 = arith.muli %while3A_135, %while3A_134 : i32
      %while3A_137 = arith.addi %while3A_131, %while3A_136 : i32
      %while3A_138 = arith.constant 1 : i32
      scf.for %while3A_146 = %while3A_131 to %while3A_137 step %while3A_138  : i32 {
        %mul3A_147 = arith.constant 2 : i32
        %mul3A_148 = arith.muli %mul3A_147, %while3A_146 : i32
        %add3A_149 = arith.addi %mul3A_69, %mul3A_148 : i32
        %add3A_150 = arith.constant 1 : i32
        %add3A_151 = arith.addi %add3A_149, %add3A_150 : i32
        %lt3A_152 = arith.cmpi slt, %add3A_151, %mul3A_97 : i32
        %convert_element_type3A_153 = arith.extui %lt3A_152 : i1 to i32
        %cond3A_154 = arith.constant 0 : i32
        %cond3A_155 = arith.cmpi ne, %convert_element_type3A_153, %cond3A_154 : i32
        scf.if %cond3A_155 {
          %add3A_169 = arith.constant 1 : i32
          %add3A_170 = arith.addi %add3A_149, %add3A_169 : i32
          %mul3A_171 = arith.constant 2048 : i32
          %mul3A_172 = arith.muli %add3A_170, %mul3A_171 : i32
          %dma_start3A_173 = tpu.memref_slice %arg4[%mul3A_172] : memref<163840xi32, #tpu.memory_space<hbm>> -> memref<2048xi32, #tpu.memory_space<hbm>>
          %dma_start3A_174 = tpu.memref_slice %arg4[%mul3A_172] : memref<163840xi32, #tpu.memory_space<hbm>> -> memref<2048xi32, #tpu.memory_space<hbm>>
          tpu.enqueue_dma source(%dma_start3A_174 : memref<2048xi32, #tpu.memory_space<hbm>>) target(%arg9 : memref<2048xi32, #tpu.memory_space<vmem>>) target_semaphore(%arg14 : memref<!tpu.dma_semaphore, #tpu.memory_space<semaphore_mem>>)
          %dma_start3A_175 = tpu.memref_slice %arg3[%mul3A_46, %mul3A_172] : memref<16x163840xf32, #tpu.memory_space<hbm>> -> memref<8x2048xf32, #tpu.memory_space<hbm>>
          %dma_start3A_176 = tpu.memref_slice %arg3[%mul3A_46, %mul3A_172] : memref<16x163840xf32, #tpu.memory_space<hbm>> -> memref<8x2048xf32, #tpu.memory_space<hbm>>
          tpu.enqueue_dma source(%dma_start3A_176 : memref<8x2048xf32, #tpu.memory_space<hbm>>) target(%arg10 : memref<8x2048xf32, #tpu.memory_space<vmem>>) target_semaphore(%arg14 : memref<!tpu.dma_semaphore, #tpu.memory_space<semaphore_mem>>)
        } else {
        }
        %mul3A_156 = arith.constant 2048 : i32
        %mul3A_157 = arith.muli %add3A_149, %mul3A_156 : i32
        %dma_wait3A = tpu.memref_slice %arg4[%mul3A_157] : memref<163840xi32, #tpu.memory_space<hbm>> -> memref<2048xi32, #tpu.memory_space<hbm>>
        %dma_wait3A_158 = tpu.memref_slice %arg4[%mul3A_157] : memref<163840xi32, #tpu.memory_space<hbm>> -> memref<2048xi32, #tpu.memory_space<hbm>>
        tpu.wait_dma2 semaphore(%arg13 : memref<!tpu.dma_semaphore, #tpu.memory_space<semaphore_mem>>) src(%dma_wait3A_158 : memref<2048xi32, #tpu.memory_space<hbm>>) dst(%arg7 : memref<2048xi32, #tpu.memory_space<vmem>>)
        %dma_wait3A_159 = tpu.memref_slice %arg3[%mul3A_46, %mul3A_157] : memref<16x163840xf32, #tpu.memory_space<hbm>> -> memref<8x2048xf32, #tpu.memory_space<hbm>>
        %dma_wait3A_160 = tpu.memref_slice %arg3[%mul3A_46, %mul3A_157] : memref<16x163840xf32, #tpu.memory_space<hbm>> -> memref<8x2048xf32, #tpu.memory_space<hbm>>
        tpu.wait_dma2 semaphore(%arg13 : memref<!tpu.dma_semaphore, #tpu.memory_space<semaphore_mem>>) src(%dma_wait3A_160 : memref<8x2048xf32, #tpu.memory_space<hbm>>) dst(%arg8 : memref<8x2048xf32, #tpu.memory_space<vmem>>)
        %parallel_loop3A = arith.constant 0 : i32
        %parallel_loop3A_161 = arith.constant 128 : i32
        %parallel_loop3A_162 = arith.constant 1 : i32
        scf.for %parallel_loop3A_169 = %parallel_loop3A to %parallel_loop3A_161 step %parallel_loop3A_162  : i32 {
          %parallel_loop3A_170 = arith.constant 16 : i32
          %parallel_loop3A_171 = arith.muli %parallel_loop3A_169, %parallel_loop3A_170 : i32
          %parallel_loop3A_172 = arith.index_cast %parallel_loop3A_171 : i32 to index
          %parallel_loop3A_173 = tpu.vector_load %arg7[%parallel_loop3A_172] {strides = array<i32>} : memref<2048xi32, #tpu.memory_space<vmem>>, vector<16xi32>,
          %parallel_loop3A_174 = arith.constant 16 : i32
          %parallel_loop3A_175 = arith.muli %parallel_loop3A_169, %parallel_loop3A_174 : i32
          %parallel_loop3A_176 = arith.constant 0 : i32
          %parallel_loop3A_177 = arith.index_cast %parallel_loop3A_176 : i32 to index
          %parallel_loop3A_178 = arith.index_cast %parallel_loop3A_175 : i32 to index
          %parallel_loop3A_179 = tpu.vector_load %arg8[%parallel_loop3A_177, %parallel_loop3A_178] {strides = array<i32>} : memref<8x2048xf32, #tpu.memory_space<vmem>>, vector<16xf32>,
          %parallel_loop3A_180 = arith.constant 0 : i32
          %parallel_loop3A_181 = vector.broadcast %parallel_loop3A_180 : i32 to vector<16xi32>
          %parallel_loop3A_182 = arith.addi %parallel_loop3A_173, %parallel_loop3A_181 : vector<16xi32>
          tpu.vector_store_idx %arg11[%parallel_loop3A_182], %parallel_loop3A_179 {add = true} : memref<81920xf32, #tpu.memory_space<vmem>>[vector<16xi32>], vector<16xf32>,
          %parallel_loop3A_183 = arith.constant 16 : i32
          %parallel_loop3A_184 = arith.muli %parallel_loop3A_169, %parallel_loop3A_183 : i32
          %parallel_loop3A_185 = arith.constant 1 : i32
          %parallel_loop3A_186 = arith.index_cast %parallel_loop3A_185 : i32 to index
          %parallel_loop3A_187 = arith.index_cast %parallel_loop3A_184 : i32 to index
          %parallel_loop3A_188 = tpu.vector_load %arg8[%parallel_loop3A_186, %parallel_loop3A_187] {strides = array<i32>} : memref<8x2048xf32, #tpu.memory_space<vmem>>, vector<16xf32>,
          %parallel_loop3A_189 = arith.constant 10240 : i32
          %parallel_loop3A_190 = vector.broadcast %parallel_loop3A_189 : i32 to vector<16xi32>
          %parallel_loop3A_191 = arith.addi %parallel_loop3A_173, %parallel_loop3A_190 : vector<16xi32>
          tpu.vector_store_idx %arg11[%parallel_loop3A_191], %parallel_loop3A_188 {add = true} : memref<81920xf32, #tpu.memory_space<vmem>>[vector<16xi32>], vector<16xf32>,
          %parallel_loop3A_192 = arith.constant 16 : i32
          %parallel_loop3A_193 = arith.muli %parallel_loop3A_169, %parallel_loop3A_192 : i32
          %parallel_loop3A_194 = arith.constant 2 : i32
          %parallel_loop3A_195 = arith.index_cast %parallel_loop3A_194 : i32 to index
          %parallel_loop3A_196 = arith.index_cast %parallel_loop3A_193 : i32 to index
          %parallel_loop3A_197 = tpu.vector_load %arg8[%parallel_loop3A_195, %parallel_loop3A_196] {strides = array<i32>} : memref<8x2048xf32, #tpu.memory_space<vmem>>, vector<16xf32>,
          %parallel_loop3A_198 = arith.constant 20480 : i32
          %parallel_loop3A_199 = vector.broadcast %parallel_loop3A_198 : i32 to vector<16xi32>
          %parallel_loop3A_200 = arith.addi %parallel_loop3A_173, %parallel_loop3A_199 : vector<16xi32>
          tpu.vector_store_idx %arg11[%parallel_loop3A_200], %parallel_loop3A_197 {add = true} : memref<81920xf32, #tpu.memory_space<vmem>>[vector<16xi32>], vector<16xf32>,
          %parallel_loop3A_201 = arith.constant 16 : i32
          %parallel_loop3A_202 = arith.muli %parallel_loop3A_169, %parallel_loop3A_201 : i32
          %parallel_loop3A_203 = arith.constant 3 : i32
          %parallel_loop3A_204 = arith.index_cast %parallel_loop3A_203 : i32 to index
          %parallel_loop3A_205 = arith.index_cast %parallel_loop3A_202 : i32 to index
          %parallel_loop3A_206 = tpu.vector_load %arg8[%parallel_loop3A_204, %parallel_loop3A_205] {strides = array<i32>} : memref<8x2048xf32, #tpu.memory_space<vmem>>, vector<16xf32>,
          %parallel_loop3A_207 = arith.constant 30720 : i32
          %parallel_loop3A_208 = vector.broadcast %parallel_loop3A_207 : i32 to vector<16xi32>
          %parallel_loop3A_209 = arith.addi %parallel_loop3A_173, %parallel_loop3A_208 : vector<16xi32>
          tpu.vector_store_idx %arg11[%parallel_loop3A_209], %parallel_loop3A_206 {add = true} : memref<81920xf32, #tpu.memory_space<vmem>>[vector<16xi32>], vector<16xf32>,
          %parallel_loop3A_210 = arith.constant 16 : i32
          %parallel_loop3A_211 = arith.muli %parallel_loop3A_169, %parallel_loop3A_210 : i32
          %parallel_loop3A_212 = arith.constant 4 : i32
          %parallel_loop3A_213 = arith.index_cast %parallel_loop3A_212 : i32 to index
          %parallel_loop3A_214 = arith.index_cast %parallel_loop3A_211 : i32 to index
          %parallel_loop3A_215 = tpu.vector_load %arg8[%parallel_loop3A_213, %parallel_loop3A_214] {strides = array<i32>} : memref<8x2048xf32, #tpu.memory_space<vmem>>, vector<16xf32>,
          %parallel_loop3A_216 = arith.constant 40960 : i32
          %parallel_loop3A_217 = vector.broadcast %parallel_loop3A_216 : i32 to vector<16xi32>
          %parallel_loop3A_218 = arith.addi %parallel_loop3A_173, %parallel_loop3A_217 : vector<16xi32>
          tpu.vector_store_idx %arg11[%parallel_loop3A_218], %parallel_loop3A_215 {add = true} : memref<81920xf32, #tpu.memory_space<vmem>>[vector<16xi32>], vector<16xf32>,
          %parallel_loop3A_219 = arith.constant 16 : i32
          %parallel_loop3A_220 = arith.muli %parallel_loop3A_169, %parallel_loop3A_219 : i32
          %parallel_loop3A_221 = arith.constant 5 : i32
          %parallel_loop3A_222 = arith.index_cast %parallel_loop3A_221 : i32 to index
          %parallel_loop3A_223 = arith.index_cast %parallel_loop3A_220 : i32 to index
          %parallel_loop3A_224 = tpu.vector_load %arg8[%parallel_loop3A_222, %parallel_loop3A_223] {strides = array<i32>} : memref<8x2048xf32, #tpu.memory_space<vmem>>, vector<16xf32>,
          %parallel_loop3A_225 = arith.constant 51200 : i32
          %parallel_loop3A_226 = vector.broadcast %parallel_loop3A_225 : i32 to vector<16xi32>
          %parallel_loop3A_227 = arith.addi %parallel_loop3A_173, %parallel_loop3A_226 : vector<16xi32>
          tpu.vector_store_idx %arg11[%parallel_loop3A_227], %parallel_loop3A_224 {add = true} : memref<81920xf32, #tpu.memory_space<vmem>>[vector<16xi32>], vector<16xf32>,
          %parallel_loop3A_228 = arith.constant 16 : i32
          %parallel_loop3A_229 = arith.muli %parallel_loop3A_169, %parallel_loop3A_228 : i32
          %parallel_loop3A_230 = arith.constant 6 : i32
          %parallel_loop3A_231 = arith.index_cast %parallel_loop3A_230 : i32 to index
          %parallel_loop3A_232 = arith.index_cast %parallel_loop3A_229 : i32 to index
          %parallel_loop3A_233 = tpu.vector_load %arg8[%parallel_loop3A_231, %parallel_loop3A_232] {strides = array<i32>} : memref<8x2048xf32, #tpu.memory_space<vmem>>, vector<16xf32>,
          %parallel_loop3A_234 = arith.constant 61440 : i32
          %parallel_loop3A_235 = vector.broadcast %parallel_loop3A_234 : i32 to vector<16xi32>
          %parallel_loop3A_236 = arith.addi %parallel_loop3A_173, %parallel_loop3A_235 : vector<16xi32>
          tpu.vector_store_idx %arg11[%parallel_loop3A_236], %parallel_loop3A_233 {add = true} : memref<81920xf32, #tpu.memory_space<vmem>>[vector<16xi32>], vector<16xf32>,
          %parallel_loop3A_237 = arith.constant 16 : i32
          %parallel_loop3A_238 = arith.muli %parallel_loop3A_169, %parallel_loop3A_237 : i32
          %parallel_loop3A_239 = arith.constant 7 : i32
          %parallel_loop3A_240 = arith.index_cast %parallel_loop3A_239 : i32 to index
          %parallel_loop3A_241 = arith.index_cast %parallel_loop3A_238 : i32 to index
          %parallel_loop3A_242 = tpu.vector_load %arg8[%parallel_loop3A_240, %parallel_loop3A_241] {strides = array<i32>} : memref<8x2048xf32, #tpu.memory_space<vmem>>, vector<16xf32>,
          %parallel_loop3A_243 = arith.constant 71680 : i32
          %parallel_loop3A_244 = vector.broadcast %parallel_loop3A_243 : i32 to vector<16xi32>
          %parallel_loop3A_245 = arith.addi %parallel_loop3A_173, %parallel_loop3A_244 : vector<16xi32>
          tpu.vector_store_idx %arg11[%parallel_loop3A_245], %parallel_loop3A_242 {add = true} : memref<81920xf32, #tpu.memory_space<vmem>>[vector<16xi32>], vector<16xf32>,
        } {sc.loop_unroll_factor = 8 : i64, sc.parallel_access}
        %add3A_163 = arith.constant 1 : i32
        %add3A_164 = arith.addi %add3A_149, %add3A_163 : i32
        %lt3A_165 = arith.cmpi slt, %add3A_164, %mul3A_97 : i32
        %convert_element_type3A_166 = arith.extui %lt3A_165 : i1 to i32
        %cond3A_167 = arith.constant 0 : i32
        %cond3A_168 = arith.cmpi ne, %convert_element_type3A_166, %cond3A_167 : i32
        scf.if %cond3A_168 {
          %add3A_169 = arith.constant 2 : i32
          %add3A_170 = arith.addi %add3A_149, %add3A_169 : i32
          %lt3A_171 = arith.cmpi slt, %add3A_170, %mul3A_97 : i32
          %convert_element_type3A_172 = arith.extui %lt3A_171 : i1 to i32
          %cond3A_173 = arith.constant 0 : i32
          %cond3A_174 = arith.cmpi ne, %convert_element_type3A_172, %cond3A_173 : i32
          scf.if %cond3A_174 {
            %add3A_186 = arith.constant 2 : i32
            %add3A_187 = arith.addi %add3A_149, %add3A_186 : i32
            %mul3A_188 = arith.constant 2048 : i32
            %mul3A_189 = arith.muli %add3A_187, %mul3A_188 : i32
            %dma_start3A_190 = tpu.memref_slice %arg4[%mul3A_189] : memref<163840xi32, #tpu.memory_space<hbm>> -> memref<2048xi32, #tpu.memory_space<hbm>>
            %dma_start3A_191 = tpu.memref_slice %arg4[%mul3A_189] : memref<163840xi32, #tpu.memory_space<hbm>> -> memref<2048xi32, #tpu.memory_space<hbm>>
            tpu.enqueue_dma source(%dma_start3A_191 : memref<2048xi32, #tpu.memory_space<hbm>>) target(%arg7 : memref<2048xi32, #tpu.memory_space<vmem>>) target_semaphore(%arg13 : memref<!tpu.dma_semaphore, #tpu.memory_space<semaphore_mem>>)
            %dma_start3A_192 = tpu.memref_slice %arg3[%mul3A_46, %mul3A_189] : memref<16x163840xf32, #tpu.memory_space<hbm>> -> memref<8x2048xf32, #tpu.memory_space<hbm>>
            %dma_start3A_193 = tpu.memref_slice %arg3[%mul3A_46, %mul3A_189] : memref<16x163840xf32, #tpu.memory_space<hbm>> -> memref<8x2048xf32, #tpu.memory_space<hbm>>
            tpu.enqueue_dma source(%dma_start3A_193 : memref<8x2048xf32, #tpu.memory_space<hbm>>) target(%arg8 : memref<8x2048xf32, #tpu.memory_space<vmem>>) target_semaphore(%arg13 : memref<!tpu.dma_semaphore, #tpu.memory_space<semaphore_mem>>)
          } else {
          }
          %add3A_175 = arith.constant 1 : i32
          %add3A_176 = arith.addi %add3A_149, %add3A_175 : i32
          %mul3A_177 = arith.constant 2048 : i32
          %mul3A_178 = arith.muli %add3A_176, %mul3A_177 : i32
          %dma_wait3A_179 = tpu.memref_slice %arg4[%mul3A_178] : memref<163840xi32, #tpu.memory_space<hbm>> -> memref<2048xi32, #tpu.memory_space<hbm>>
          %dma_wait3A_180 = tpu.memref_slice %arg4[%mul3A_178] : memref<163840xi32, #tpu.memory_space<hbm>> -> memref<2048xi32, #tpu.memory_space<hbm>>
          tpu.wait_dma2 semaphore(%arg14 : memref<!tpu.dma_semaphore, #tpu.memory_space<semaphore_mem>>) src(%dma_wait3A_180 : memref<2048xi32, #tpu.memory_space<hbm>>) dst(%arg9 : memref<2048xi32, #tpu.memory_space<vmem>>)
          %dma_wait3A_181 = tpu.memref_slice %arg3[%mul3A_46, %mul3A_178] : memref<16x163840xf32, #tpu.memory_space<hbm>> -> memref<8x2048xf32, #tpu.memory_space<hbm>>
          %dma_wait3A_182 = tpu.memref_slice %arg3[%mul3A_46, %mul3A_178] : memref<16x163840xf32, #tpu.memory_space<hbm>> -> memref<8x2048xf32, #tpu.memory_space<hbm>>
          tpu.wait_dma2 semaphore(%arg14 : memref<!tpu.dma_semaphore, #tpu.memory_space<semaphore_mem>>) src(%dma_wait3A_182 : memref<8x2048xf32, #tpu.memory_space<hbm>>) dst(%arg10 : memref<8x2048xf32, #tpu.memory_space<vmem>>)
          %parallel_loop3A_183 = arith.constant 0 : i32
          %parallel_loop3A_184 = arith.constant 128 : i32
          %parallel_loop3A_185 = arith.constant 1 : i32
          scf.for %parallel_loop3A_186 = %parallel_loop3A_183 to %parallel_loop3A_184 step %parallel_loop3A_185  : i32 {
            %parallel_loop3A_187 = arith.constant 16 : i32
            %parallel_loop3A_188 = arith.muli %parallel_loop3A_186, %parallel_loop3A_187 : i32
            %parallel_loop3A_189 = arith.index_cast %parallel_loop3A_188 : i32 to index
            %parallel_loop3A_190 = tpu.vector_load %arg9[%parallel_loop3A_189] {strides = array<i32>} : memref<2048xi32, #tpu.memory_space<vmem>>, vector<16xi32>,
            %parallel_loop3A_191 = arith.constant 16 : i32
            %parallel_loop3A_192 = arith.muli %parallel_loop3A_186, %parallel_loop3A_191 : i32
            %parallel_loop3A_193 = arith.constant 0 : i32
            %parallel_loop3A_194 = arith.index_cast %parallel_loop3A_193 : i32 to index
            %parallel_loop3A_195 = arith.index_cast %parallel_loop3A_192 : i32 to index
            %parallel_loop3A_196 = tpu.vector_load %arg10[%parallel_loop3A_194, %parallel_loop3A_195] {strides = array<i32>} : memref<8x2048xf32, #tpu.memory_space<vmem>>, vector<16xf32>,
            %parallel_loop3A_197 = arith.constant 0 : i32
            %parallel_loop3A_198 = vector.broadcast %parallel_loop3A_197 : i32 to vector<16xi32>
            %parallel_loop3A_199 = arith.addi %parallel_loop3A_190, %parallel_loop3A_198 : vector<16xi32>
            tpu.vector_store_idx %arg11[%parallel_loop3A_199], %parallel_loop3A_196 {add = true} : memref<81920xf32, #tpu.memory_space<vmem>>[vector<16xi32>], vector<16xf32>,
            %parallel_loop3A_200 = arith.constant 16 : i32
            %parallel_loop3A_201 = arith.muli %parallel_loop3A_186, %parallel_loop3A_200 : i32
            %parallel_loop3A_202 = arith.constant 1 : i32
            %parallel_loop3A_203 = arith.index_cast %parallel_loop3A_202 : i32 to index
            %parallel_loop3A_204 = arith.index_cast %parallel_loop3A_201 : i32 to index
            %parallel_loop3A_205 = tpu.vector_load %arg10[%parallel_loop3A_203, %parallel_loop3A_204] {strides = array<i32>} : memref<8x2048xf32, #tpu.memory_space<vmem>>, vector<16xf32>,
            %parallel_loop3A_206 = arith.constant 10240 : i32
            %parallel_loop3A_207 = vector.broadcast %parallel_loop3A_206 : i32 to vector<16xi32>
            %parallel_loop3A_208 = arith.addi %parallel_loop3A_190, %parallel_loop3A_207 : vector<16xi32>
            tpu.vector_store_idx %arg11[%parallel_loop3A_208], %parallel_loop3A_205 {add = true} : memref<81920xf32, #tpu.memory_space<vmem>>[vector<16xi32>], vector<16xf32>,
            %parallel_loop3A_209 = arith.constant 16 : i32
            %parallel_loop3A_210 = arith.muli %parallel_loop3A_186, %parallel_loop3A_209 : i32
            %parallel_loop3A_211 = arith.constant 2 : i32
            %parallel_loop3A_212 = arith.index_cast %parallel_loop3A_211 : i32 to index
            %parallel_loop3A_213 = arith.index_cast %parallel_loop3A_210 : i32 to index
            %parallel_loop3A_214 = tpu.vector_load %arg10[%parallel_loop3A_212, %parallel_loop3A_213] {strides = array<i32>} : memref<8x2048xf32, #tpu.memory_space<vmem>>, vector<16xf32>,
            %parallel_loop3A_215 = arith.constant 20480 : i32
            %parallel_loop3A_216 = vector.broadcast %parallel_loop3A_215 : i32 to vector<16xi32>
            %parallel_loop3A_217 = arith.addi %parallel_loop3A_190, %parallel_loop3A_216 : vector<16xi32>
            tpu.vector_store_idx %arg11[%parallel_loop3A_217], %parallel_loop3A_214 {add = true} : memref<81920xf32, #tpu.memory_space<vmem>>[vector<16xi32>], vector<16xf32>,
            %parallel_loop3A_218 = arith.constant 16 : i32
            %parallel_loop3A_219 = arith.muli %parallel_loop3A_186, %parallel_loop3A_218 : i32
            %parallel_loop3A_220 = arith.constant 3 : i32
            %parallel_loop3A_221 = arith.index_cast %parallel_loop3A_220 : i32 to index
            %parallel_loop3A_222 = arith.index_cast %parallel_loop3A_219 : i32 to index
            %parallel_loop3A_223 = tpu.vector_load %arg10[%parallel_loop3A_221, %parallel_loop3A_222] {strides = array<i32>} : memref<8x2048xf32, #tpu.memory_space<vmem>>, vector<16xf32>,
            %parallel_loop3A_224 = arith.constant 30720 : i32
            %parallel_loop3A_225 = vector.broadcast %parallel_loop3A_224 : i32 to vector<16xi32>
            %parallel_loop3A_226 = arith.addi %parallel_loop3A_190, %parallel_loop3A_225 : vector<16xi32>
            tpu.vector_store_idx %arg11[%parallel_loop3A_226], %parallel_loop3A_223 {add = true} : memref<81920xf32, #tpu.memory_space<vmem>>[vector<16xi32>], vector<16xf32>,
            %parallel_loop3A_227 = arith.constant 16 : i32
            %parallel_loop3A_228 = arith.muli %parallel_loop3A_186, %parallel_loop3A_227 : i32
            %parallel_loop3A_229 = arith.constant 4 : i32
            %parallel_loop3A_230 = arith.index_cast %parallel_loop3A_229 : i32 to index
            %parallel_loop3A_231 = arith.index_cast %parallel_loop3A_228 : i32 to index
            %parallel_loop3A_232 = tpu.vector_load %arg10[%parallel_loop3A_230, %parallel_loop3A_231] {strides = array<i32>} : memref<8x2048xf32, #tpu.memory_space<vmem>>, vector<16xf32>,
            %parallel_loop3A_233 = arith.constant 40960 : i32
            %parallel_loop3A_234 = vector.broadcast %parallel_loop3A_233 : i32 to vector<16xi32>
            %parallel_loop3A_235 = arith.addi %parallel_loop3A_190, %parallel_loop3A_234 : vector<16xi32>
            tpu.vector_store_idx %arg11[%parallel_loop3A_235], %parallel_loop3A_232 {add = true} : memref<81920xf32, #tpu.memory_space<vmem>>[vector<16xi32>], vector<16xf32>,
            %parallel_loop3A_236 = arith.constant 16 : i32
            %parallel_loop3A_237 = arith.muli %parallel_loop3A_186, %parallel_loop3A_236 : i32
            %parallel_loop3A_238 = arith.constant 5 : i32
            %parallel_loop3A_239 = arith.index_cast %parallel_loop3A_238 : i32 to index
            %parallel_loop3A_240 = arith.index_cast %parallel_loop3A_237 : i32 to index
            %parallel_loop3A_241 = tpu.vector_load %arg10[%parallel_loop3A_239, %parallel_loop3A_240] {strides = array<i32>} : memref<8x2048xf32, #tpu.memory_space<vmem>>, vector<16xf32>,
            %parallel_loop3A_242 = arith.constant 51200 : i32
            %parallel_loop3A_243 = vector.broadcast %parallel_loop3A_242 : i32 to vector<16xi32>
            %parallel_loop3A_244 = arith.addi %parallel_loop3A_190, %parallel_loop3A_243 : vector<16xi32>
            tpu.vector_store_idx %arg11[%parallel_loop3A_244], %parallel_loop3A_241 {add = true} : memref<81920xf32, #tpu.memory_space<vmem>>[vector<16xi32>], vector<16xf32>,
            %parallel_loop3A_245 = arith.constant 16 : i32
            %parallel_loop3A_246 = arith.muli %parallel_loop3A_186, %parallel_loop3A_245 : i32
            %parallel_loop3A_247 = arith.constant 6 : i32
            %parallel_loop3A_248 = arith.index_cast %parallel_loop3A_247 : i32 to index
            %parallel_loop3A_249 = arith.index_cast %parallel_loop3A_246 : i32 to index
            %parallel_loop3A_250 = tpu.vector_load %arg10[%parallel_loop3A_248, %parallel_loop3A_249] {strides = array<i32>} : memref<8x2048xf32, #tpu.memory_space<vmem>>, vector<16xf32>,
            %parallel_loop3A_251 = arith.constant 61440 : i32
            %parallel_loop3A_252 = vector.broadcast %parallel_loop3A_251 : i32 to vector<16xi32>
            %parallel_loop3A_253 = arith.addi %parallel_loop3A_190, %parallel_loop3A_252 : vector<16xi32>
            tpu.vector_store_idx %arg11[%parallel_loop3A_253], %parallel_loop3A_250 {add = true} : memref<81920xf32, #tpu.memory_space<vmem>>[vector<16xi32>], vector<16xf32>,
            %parallel_loop3A_254 = arith.constant 16 : i32
            %parallel_loop3A_255 = arith.muli %parallel_loop3A_186, %parallel_loop3A_254 : i32
            %parallel_loop3A_256 = arith.constant 7 : i32
            %parallel_loop3A_257 = arith.index_cast %parallel_loop3A_256 : i32 to index
            %parallel_loop3A_258 = arith.index_cast %parallel_loop3A_255 : i32 to index
            %parallel_loop3A_259 = tpu.vector_load %arg10[%parallel_loop3A_257, %parallel_loop3A_258] {strides = array<i32>} : memref<8x2048xf32, #tpu.memory_space<vmem>>, vector<16xf32>,
            %parallel_loop3A_260 = arith.constant 71680 : i32
            %parallel_loop3A_261 = vector.broadcast %parallel_loop3A_260 : i32 to vector<16xi32>
            %parallel_loop3A_262 = arith.addi %parallel_loop3A_190, %parallel_loop3A_261 : vector<16xi32>
            tpu.vector_store_idx %arg11[%parallel_loop3A_262], %parallel_loop3A_259 {add = true} : memref<81920xf32, #tpu.memory_space<vmem>>[vector<16xi32>], vector<16xf32>,
          } {sc.loop_unroll_factor = 8 : i64, sc.parallel_access}
        } else {
        }
      }
      %while3A_139 = arith.constant 1 : i32
      scf.for %while3A_146 = %while3A_137 to %while3A_133 step %while3A_139  : i32 {
        %mul3A_147 = arith.constant 2 : i32
        %mul3A_148 = arith.muli %mul3A_147, %while3A_146 : i32
        %add3A_149 = arith.addi %mul3A_69, %mul3A_148 : i32
        %add3A_150 = arith.constant 1 : i32
        %add3A_151 = arith.addi %add3A_149, %add3A_150 : i32
        %lt3A_152 = arith.cmpi slt, %add3A_151, %mul3A_97 : i32
        %convert_element_type3A_153 = arith.extui %lt3A_152 : i1 to i32
        %cond3A_154 = arith.constant 0 : i32
        %cond3A_155 = arith.cmpi ne, %convert_element_type3A_153, %cond3A_154 : i32
        scf.if %cond3A_155 {
          %add3A_169 = arith.constant 1 : i32
          %add3A_170 = arith.addi %add3A_149, %add3A_169 : i32
          %mul3A_171 = arith.constant 2048 : i32
          %mul3A_172 = arith.muli %add3A_170, %mul3A_171 : i32
          %dma_start3A_173 = tpu.memref_slice %arg4[%mul3A_172] : memref<163840xi32, #tpu.memory_space<hbm>> -> memref<2048xi32, #tpu.memory_space<hbm>>
          %dma_start3A_174 = tpu.memref_slice %arg4[%mul3A_172] : memref<163840xi32, #tpu.memory_space<hbm>> -> memref<2048xi32, #tpu.memory_space<hbm>>
          tpu.enqueue_dma source(%dma_start3A_174 : memref<2048xi32, #tpu.memory_space<hbm>>) target(%arg9 : memref<2048xi32, #tpu.memory_space<vmem>>) target_semaphore(%arg14 : memref<!tpu.dma_semaphore, #tpu.memory_space<semaphore_mem>>)
          %dma_start3A_175 = tpu.memref_slice %arg3[%mul3A_46, %mul3A_172] : memref<16x163840xf32, #tpu.memory_space<hbm>> -> memref<8x2048xf32, #tpu.memory_space<hbm>>
          %dma_start3A_176 = tpu.memref_slice %arg3[%mul3A_46, %mul3A_172] : memref<16x163840xf32, #tpu.memory_space<hbm>> -> memref<8x2048xf32, #tpu.memory_space<hbm>>
          tpu.enqueue_dma source(%dma_start3A_176 : memref<8x2048xf32, #tpu.memory_space<hbm>>) target(%arg10 : memref<8x2048xf32, #tpu.memory_space<vmem>>) target_semaphore(%arg14 : memref<!tpu.dma_semaphore, #tpu.memory_space<semaphore_mem>>)
        } else {
        }
        %mul3A_156 = arith.constant 2048 : i32
        %mul3A_157 = arith.muli %add3A_149, %mul3A_156 : i32
        %dma_wait3A = tpu.memref_slice %arg4[%mul3A_157] : memref<163840xi32, #tpu.memory_space<hbm>> -> memref<2048xi32, #tpu.memory_space<hbm>>
        %dma_wait3A_158 = tpu.memref_slice %arg4[%mul3A_157] : memref<163840xi32, #tpu.memory_space<hbm>> -> memref<2048xi32, #tpu.memory_space<hbm>>
        tpu.wait_dma2 semaphore(%arg13 : memref<!tpu.dma_semaphore, #tpu.memory_space<semaphore_mem>>) src(%dma_wait3A_158 : memref<2048xi32, #tpu.memory_space<hbm>>) dst(%arg7 : memref<2048xi32, #tpu.memory_space<vmem>>)
        %dma_wait3A_159 = tpu.memref_slice %arg3[%mul3A_46, %mul3A_157] : memref<16x163840xf32, #tpu.memory_space<hbm>> -> memref<8x2048xf32, #tpu.memory_space<hbm>>
        %dma_wait3A_160 = tpu.memref_slice %arg3[%mul3A_46, %mul3A_157] : memref<16x163840xf32, #tpu.memory_space<hbm>> -> memref<8x2048xf32, #tpu.memory_space<hbm>>
        tpu.wait_dma2 semaphore(%arg13 : memref<!tpu.dma_semaphore, #tpu.memory_space<semaphore_mem>>) src(%dma_wait3A_160 : memref<8x2048xf32, #tpu.memory_space<hbm>>) dst(%arg8 : memref<8x2048xf32, #tpu.memory_space<vmem>>)
        %parallel_loop3A = arith.constant 0 : i32
        %parallel_loop3A_161 = arith.constant 128 : i32
        %parallel_loop3A_162 = arith.constant 1 : i32
        scf.for %parallel_loop3A_169 = %parallel_loop3A to %parallel_loop3A_161 step %parallel_loop3A_162  : i32 {
          %parallel_loop3A_170 = arith.constant 16 : i32
          %parallel_loop3A_171 = arith.muli %parallel_loop3A_169, %parallel_loop3A_170 : i32
          %parallel_loop3A_172 = arith.index_cast %parallel_loop3A_171 : i32 to index
          %parallel_loop3A_173 = tpu.vector_load %arg7[%parallel_loop3A_172] {strides = array<i32>} : memref<2048xi32, #tpu.memory_space<vmem>>, vector<16xi32>,
          %parallel_loop3A_174 = arith.constant 16 : i32
          %parallel_loop3A_175 = arith.muli %parallel_loop3A_169, %parallel_loop3A_174 : i32
          %parallel_loop3A_176 = arith.constant 0 : i32
          %parallel_loop3A_177 = arith.index_cast %parallel_loop3A_176 : i32 to index
          %parallel_loop3A_178 = arith.index_cast %parallel_loop3A_175 : i32 to index
          %parallel_loop3A_179 = tpu.vector_load %arg8[%parallel_loop3A_177, %parallel_loop3A_178] {strides = array<i32>} : memref<8x2048xf32, #tpu.memory_space<vmem>>, vector<16xf32>,
          %parallel_loop3A_180 = arith.constant 0 : i32
          %parallel_loop3A_181 = vector.broadcast %parallel_loop3A_180 : i32 to vector<16xi32>
          %parallel_loop3A_182 = arith.addi %parallel_loop3A_173, %parallel_loop3A_181 : vector<16xi32>
          tpu.vector_store_idx %arg11[%parallel_loop3A_182], %parallel_loop3A_179 {add = true} : memref<81920xf32, #tpu.memory_space<vmem>>[vector<16xi32>], vector<16xf32>,
          %parallel_loop3A_183 = arith.constant 16 : i32
          %parallel_loop3A_184 = arith.muli %parallel_loop3A_169, %parallel_loop3A_183 : i32
          %parallel_loop3A_185 = arith.constant 1 : i32
          %parallel_loop3A_186 = arith.index_cast %parallel_loop3A_185 : i32 to index
          %parallel_loop3A_187 = arith.index_cast %parallel_loop3A_184 : i32 to index
          %parallel_loop3A_188 = tpu.vector_load %arg8[%parallel_loop3A_186, %parallel_loop3A_187] {strides = array<i32>} : memref<8x2048xf32, #tpu.memory_space<vmem>>, vector<16xf32>,
          %parallel_loop3A_189 = arith.constant 10240 : i32
          %parallel_loop3A_190 = vector.broadcast %parallel_loop3A_189 : i32 to vector<16xi32>
          %parallel_loop3A_191 = arith.addi %parallel_loop3A_173, %parallel_loop3A_190 : vector<16xi32>
          tpu.vector_store_idx %arg11[%parallel_loop3A_191], %parallel_loop3A_188 {add = true} : memref<81920xf32, #tpu.memory_space<vmem>>[vector<16xi32>], vector<16xf32>,
          %parallel_loop3A_192 = arith.constant 16 : i32
          %parallel_loop3A_193 = arith.muli %parallel_loop3A_169, %parallel_loop3A_192 : i32
          %parallel_loop3A_194 = arith.constant 2 : i32
          %parallel_loop3A_195 = arith.index_cast %parallel_loop3A_194 : i32 to index
          %parallel_loop3A_196 = arith.index_cast %parallel_loop3A_193 : i32 to index
          %parallel_loop3A_197 = tpu.vector_load %arg8[%parallel_loop3A_195, %parallel_loop3A_196] {strides = array<i32>} : memref<8x2048xf32, #tpu.memory_space<vmem>>, vector<16xf32>,
          %parallel_loop3A_198 = arith.constant 20480 : i32
          %parallel_loop3A_199 = vector.broadcast %parallel_loop3A_198 : i32 to vector<16xi32>
          %parallel_loop3A_200 = arith.addi %parallel_loop3A_173, %parallel_loop3A_199 : vector<16xi32>
          tpu.vector_store_idx %arg11[%parallel_loop3A_200], %parallel_loop3A_197 {add = true} : memref<81920xf32, #tpu.memory_space<vmem>>[vector<16xi32>], vector<16xf32>,
          %parallel_loop3A_201 = arith.constant 16 : i32
          %parallel_loop3A_202 = arith.muli %parallel_loop3A_169, %parallel_loop3A_201 : i32
          %parallel_loop3A_203 = arith.constant 3 : i32
          %parallel_loop3A_204 = arith.index_cast %parallel_loop3A_203 : i32 to index
          %parallel_loop3A_205 = arith.index_cast %parallel_loop3A_202 : i32 to index
          %parallel_loop3A_206 = tpu.vector_load %arg8[%parallel_loop3A_204, %parallel_loop3A_205] {strides = array<i32>} : memref<8x2048xf32, #tpu.memory_space<vmem>>, vector<16xf32>,
          %parallel_loop3A_207 = arith.constant 30720 : i32
          %parallel_loop3A_208 = vector.broadcast %parallel_loop3A_207 : i32 to vector<16xi32>
          %parallel_loop3A_209 = arith.addi %parallel_loop3A_173, %parallel_loop3A_208 : vector<16xi32>
          tpu.vector_store_idx %arg11[%parallel_loop3A_209], %parallel_loop3A_206 {add = true} : memref<81920xf32, #tpu.memory_space<vmem>>[vector<16xi32>], vector<16xf32>,
          %parallel_loop3A_210 = arith.constant 16 : i32
          %parallel_loop3A_211 = arith.muli %parallel_loop3A_169, %parallel_loop3A_210 : i32
          %parallel_loop3A_212 = arith.constant 4 : i32
          %parallel_loop3A_213 = arith.index_cast %parallel_loop3A_212 : i32 to index
          %parallel_loop3A_214 = arith.index_cast %parallel_loop3A_211 : i32 to index
          %parallel_loop3A_215 = tpu.vector_load %arg8[%parallel_loop3A_213, %parallel_loop3A_214] {strides = array<i32>} : memref<8x2048xf32, #tpu.memory_space<vmem>>, vector<16xf32>,
          %parallel_loop3A_216 = arith.constant 40960 : i32
          %parallel_loop3A_217 = vector.broadcast %parallel_loop3A_216 : i32 to vector<16xi32>
          %parallel_loop3A_218 = arith.addi %parallel_loop3A_173, %parallel_loop3A_217 : vector<16xi32>
          tpu.vector_store_idx %arg11[%parallel_loop3A_218], %parallel_loop3A_215 {add = true} : memref<81920xf32, #tpu.memory_space<vmem>>[vector<16xi32>], vector<16xf32>,
          %parallel_loop3A_219 = arith.constant 16 : i32
          %parallel_loop3A_220 = arith.muli %parallel_loop3A_169, %parallel_loop3A_219 : i32
          %parallel_loop3A_221 = arith.constant 5 : i32
          %parallel_loop3A_222 = arith.index_cast %parallel_loop3A_221 : i32 to index
          %parallel_loop3A_223 = arith.index_cast %parallel_loop3A_220 : i32 to index
          %parallel_loop3A_224 = tpu.vector_load %arg8[%parallel_loop3A_222, %parallel_loop3A_223] {strides = array<i32>} : memref<8x2048xf32, #tpu.memory_space<vmem>>, vector<16xf32>,
          %parallel_loop3A_225 = arith.constant 51200 : i32
          %parallel_loop3A_226 = vector.broadcast %parallel_loop3A_225 : i32 to vector<16xi32>
          %parallel_loop3A_227 = arith.addi %parallel_loop3A_173, %parallel_loop3A_226 : vector<16xi32>
          tpu.vector_store_idx %arg11[%parallel_loop3A_227], %parallel_loop3A_224 {add = true} : memref<81920xf32, #tpu.memory_space<vmem>>[vector<16xi32>], vector<16xf32>,
          %parallel_loop3A_228 = arith.constant 16 : i32
          %parallel_loop3A_229 = arith.muli %parallel_loop3A_169, %parallel_loop3A_228 : i32
          %parallel_loop3A_230 = arith.constant 6 : i32
          %parallel_loop3A_231 = arith.index_cast %parallel_loop3A_230 : i32 to index
          %parallel_loop3A_232 = arith.index_cast %parallel_loop3A_229 : i32 to index
          %parallel_loop3A_233 = tpu.vector_load %arg8[%parallel_loop3A_231, %parallel_loop3A_232] {strides = array<i32>} : memref<8x2048xf32, #tpu.memory_space<vmem>>, vector<16xf32>,
          %parallel_loop3A_234 = arith.constant 61440 : i32
          %parallel_loop3A_235 = vector.broadcast %parallel_loop3A_234 : i32 to vector<16xi32>
          %parallel_loop3A_236 = arith.addi %parallel_loop3A_173, %parallel_loop3A_235 : vector<16xi32>
          tpu.vector_store_idx %arg11[%parallel_loop3A_236], %parallel_loop3A_233 {add = true} : memref<81920xf32, #tpu.memory_space<vmem>>[vector<16xi32>], vector<16xf32>,
          %parallel_loop3A_237 = arith.constant 16 : i32
          %parallel_loop3A_238 = arith.muli %parallel_loop3A_169, %parallel_loop3A_237 : i32
          %parallel_loop3A_239 = arith.constant 7 : i32
          %parallel_loop3A_240 = arith.index_cast %parallel_loop3A_239 : i32 to index
          %parallel_loop3A_241 = arith.index_cast %parallel_loop3A_238 : i32 to index
          %parallel_loop3A_242 = tpu.vector_load %arg8[%parallel_loop3A_240, %parallel_loop3A_241] {strides = array<i32>} : memref<8x2048xf32, #tpu.memory_space<vmem>>, vector<16xf32>,
          %parallel_loop3A_243 = arith.constant 71680 : i32
          %parallel_loop3A_244 = vector.broadcast %parallel_loop3A_243 : i32 to vector<16xi32>
          %parallel_loop3A_245 = arith.addi %parallel_loop3A_173, %parallel_loop3A_244 : vector<16xi32>
          tpu.vector_store_idx %arg11[%parallel_loop3A_245], %parallel_loop3A_242 {add = true} : memref<81920xf32, #tpu.memory_space<vmem>>[vector<16xi32>], vector<16xf32>,
        } {sc.loop_unroll_factor = 8 : i64, sc.parallel_access}
        %add3A_163 = arith.constant 1 : i32
        %add3A_164 = arith.addi %add3A_149, %add3A_163 : i32
        %lt3A_165 = arith.cmpi slt, %add3A_164, %mul3A_97 : i32
        %convert_element_type3A_166 = arith.extui %lt3A_165 : i1 to i32
        %cond3A_167 = arith.constant 0 : i32
        %cond3A_168 = arith.cmpi ne, %convert_element_type3A_166, %cond3A_167 : i32
        scf.if %cond3A_168 {
          %add3A_169 = arith.constant 2 : i32
          %add3A_170 = arith.addi %add3A_149, %add3A_169 : i32
          %lt3A_171 = arith.cmpi slt, %add3A_170, %mul3A_97 : i32
          %convert_element_type3A_172 = arith.extui %lt3A_171 : i1 to i32
          %cond3A_173 = arith.constant 0 : i32
          %cond3A_174 = arith.cmpi ne, %convert_element_type3A_172, %cond3A_173 : i32
          scf.if %cond3A_174 {
            %add3A_186 = arith.constant 2 : i32
            %add3A_187 = arith.addi %add3A_149, %add3A_186 : i32
            %mul3A_188 = arith.constant 2048 : i32
            %mul3A_189 = arith.muli %add3A_187, %mul3A_188 : i32
            %dma_start3A_190 = tpu.memref_slice %arg4[%mul3A_189] : memref<163840xi32, #tpu.memory_space<hbm>> -> memref<2048xi32, #tpu.memory_space<hbm>>
            %dma_start3A_191 = tpu.memref_slice %arg4[%mul3A_189] : memref<163840xi32, #tpu.memory_space<hbm>> -> memref<2048xi32, #tpu.memory_space<hbm>>
            tpu.enqueue_dma source(%dma_start3A_191 : memref<2048xi32, #tpu.memory_space<hbm>>) target(%arg7 : memref<2048xi32, #tpu.memory_space<vmem>>) target_semaphore(%arg13 : memref<!tpu.dma_semaphore, #tpu.memory_space<semaphore_mem>>)
            %dma_start3A_192 = tpu.memref_slice %arg3[%mul3A_46, %mul3A_189] : memref<16x163840xf32, #tpu.memory_space<hbm>> -> memref<8x2048xf32, #tpu.memory_space<hbm>>
            %dma_start3A_193 = tpu.memref_slice %arg3[%mul3A_46, %mul3A_189] : memref<16x163840xf32, #tpu.memory_space<hbm>> -> memref<8x2048xf32, #tpu.memory_space<hbm>>
            tpu.enqueue_dma source(%dma_start3A_193 : memref<8x2048xf32, #tpu.memory_space<hbm>>) target(%arg8 : memref<8x2048xf32, #tpu.memory_space<vmem>>) target_semaphore(%arg13 : memref<!tpu.dma_semaphore, #tpu.memory_space<semaphore_mem>>)
          } else {
          }
          %add3A_175 = arith.constant 1 : i32
          %add3A_176 = arith.addi %add3A_149, %add3A_175 : i32
          %mul3A_177 = arith.constant 2048 : i32
          %mul3A_178 = arith.muli %add3A_176, %mul3A_177 : i32
          %dma_wait3A_179 = tpu.memref_slice %arg4[%mul3A_178] : memref<163840xi32, #tpu.memory_space<hbm>> -> memref<2048xi32, #tpu.memory_space<hbm>>
          %dma_wait3A_180 = tpu.memref_slice %arg4[%mul3A_178] : memref<163840xi32, #tpu.memory_space<hbm>> -> memref<2048xi32, #tpu.memory_space<hbm>>
          tpu.wait_dma2 semaphore(%arg14 : memref<!tpu.dma_semaphore, #tpu.memory_space<semaphore_mem>>) src(%dma_wait3A_180 : memref<2048xi32, #tpu.memory_space<hbm>>) dst(%arg9 : memref<2048xi32, #tpu.memory_space<vmem>>)
          %dma_wait3A_181 = tpu.memref_slice %arg3[%mul3A_46, %mul3A_178] : memref<16x163840xf32, #tpu.memory_space<hbm>> -> memref<8x2048xf32, #tpu.memory_space<hbm>>
          %dma_wait3A_182 = tpu.memref_slice %arg3[%mul3A_46, %mul3A_178] : memref<16x163840xf32, #tpu.memory_space<hbm>> -> memref<8x2048xf32, #tpu.memory_space<hbm>>
          tpu.wait_dma2 semaphore(%arg14 : memref<!tpu.dma_semaphore, #tpu.memory_space<semaphore_mem>>) src(%dma_wait3A_182 : memref<8x2048xf32, #tpu.memory_space<hbm>>) dst(%arg10 : memref<8x2048xf32, #tpu.memory_space<vmem>>)
          %parallel_loop3A_183 = arith.constant 0 : i32
          %parallel_loop3A_184 = arith.constant 128 : i32
          %parallel_loop3A_185 = arith.constant 1 : i32
          scf.for %parallel_loop3A_186 = %parallel_loop3A_183 to %parallel_loop3A_184 step %parallel_loop3A_185  : i32 {
            %parallel_loop3A_187 = arith.constant 16 : i32
            %parallel_loop3A_188 = arith.muli %parallel_loop3A_186, %parallel_loop3A_187 : i32
            %parallel_loop3A_189 = arith.index_cast %parallel_loop3A_188 : i32 to index
            %parallel_loop3A_190 = tpu.vector_load %arg9[%parallel_loop3A_189] {strides = array<i32>} : memref<2048xi32, #tpu.memory_space<vmem>>, vector<16xi32>,
            %parallel_loop3A_191 = arith.constant 16 : i32
            %parallel_loop3A_192 = arith.muli %parallel_loop3A_186, %parallel_loop3A_191 : i32
            %parallel_loop3A_193 = arith.constant 0 : i32
            %parallel_loop3A_194 = arith.index_cast %parallel_loop3A_193 : i32 to index
            %parallel_loop3A_195 = arith.index_cast %parallel_loop3A_192 : i32 to index
            %parallel_loop3A_196 = tpu.vector_load %arg10[%parallel_loop3A_194, %parallel_loop3A_195] {strides = array<i32>} : memref<8x2048xf32, #tpu.memory_space<vmem>>, vector<16xf32>,
            %parallel_loop3A_197 = arith.constant 0 : i32
            %parallel_loop3A_198 = vector.broadcast %parallel_loop3A_197 : i32 to vector<16xi32>
            %parallel_loop3A_199 = arith.addi %parallel_loop3A_190, %parallel_loop3A_198 : vector<16xi32>
            tpu.vector_store_idx %arg11[%parallel_loop3A_199], %parallel_loop3A_196 {add = true} : memref<81920xf32, #tpu.memory_space<vmem>>[vector<16xi32>], vector<16xf32>,
            %parallel_loop3A_200 = arith.constant 16 : i32
            %parallel_loop3A_201 = arith.muli %parallel_loop3A_186, %parallel_loop3A_200 : i32
            %parallel_loop3A_202 = arith.constant 1 : i32
            %parallel_loop3A_203 = arith.index_cast %parallel_loop3A_202 : i32 to index
            %parallel_loop3A_204 = arith.index_cast %parallel_loop3A_201 : i32 to index
            %parallel_loop3A_205 = tpu.vector_load %arg10[%parallel_loop3A_203, %parallel_loop3A_204] {strides = array<i32>} : memref<8x2048xf32, #tpu.memory_space<vmem>>, vector<16xf32>,
            %parallel_loop3A_206 = arith.constant 10240 : i32
            %parallel_loop3A_207 = vector.broadcast %parallel_loop3A_206 : i32 to vector<16xi32>
            %parallel_loop3A_208 = arith.addi %parallel_loop3A_190, %parallel_loop3A_207 : vector<16xi32>
            tpu.vector_store_idx %arg11[%parallel_loop3A_208], %parallel_loop3A_205 {add = true} : memref<81920xf32, #tpu.memory_space<vmem>>[vector<16xi32>], vector<16xf32>,
            %parallel_loop3A_209 = arith.constant 16 : i32
            %parallel_loop3A_210 = arith.muli %parallel_loop3A_186, %parallel_loop3A_209 : i32
            %parallel_loop3A_211 = arith.constant 2 : i32
            %parallel_loop3A_212 = arith.index_cast %parallel_loop3A_211 : i32 to index
            %parallel_loop3A_213 = arith.index_cast %parallel_loop3A_210 : i32 to index
            %parallel_loop3A_214 = tpu.vector_load %arg10[%parallel_loop3A_212, %parallel_loop3A_213] {strides = array<i32>} : memref<8x2048xf32, #tpu.memory_space<vmem>>, vector<16xf32>,
            %parallel_loop3A_215 = arith.constant 20480 : i32
            %parallel_loop3A_216 = vector.broadcast %parallel_loop3A_215 : i32 to vector<16xi32>
            %parallel_loop3A_217 = arith.addi %parallel_loop3A_190, %parallel_loop3A_216 : vector<16xi32>
            tpu.vector_store_idx %arg11[%parallel_loop3A_217], %parallel_loop3A_214 {add = true} : memref<81920xf32, #tpu.memory_space<vmem>>[vector<16xi32>], vector<16xf32>,
            %parallel_loop3A_218 = arith.constant 16 : i32
            %parallel_loop3A_219 = arith.muli %parallel_loop3A_186, %parallel_loop3A_218 : i32
            %parallel_loop3A_220 = arith.constant 3 : i32
            %parallel_loop3A_221 = arith.index_cast %parallel_loop3A_220 : i32 to index
            %parallel_loop3A_222 = arith.index_cast %parallel_loop3A_219 : i32 to index
            %parallel_loop3A_223 = tpu.vector_load %arg10[%parallel_loop3A_221, %parallel_loop3A_222] {strides = array<i32>} : memref<8x2048xf32, #tpu.memory_space<vmem>>, vector<16xf32>,
            %parallel_loop3A_224 = arith.constant 30720 : i32
            %parallel_loop3A_225 = vector.broadcast %parallel_loop3A_224 : i32 to vector<16xi32>
            %parallel_loop3A_226 = arith.addi %parallel_loop3A_190, %parallel_loop3A_225 : vector<16xi32>
            tpu.vector_store_idx %arg11[%parallel_loop3A_226], %parallel_loop3A_223 {add = true} : memref<81920xf32, #tpu.memory_space<vmem>>[vector<16xi32>], vector<16xf32>,
            %parallel_loop3A_227 = arith.constant 16 : i32
            %parallel_loop3A_228 = arith.muli %parallel_loop3A_186, %parallel_loop3A_227 : i32
            %parallel_loop3A_229 = arith.constant 4 : i32
            %parallel_loop3A_230 = arith.index_cast %parallel_loop3A_229 : i32 to index
            %parallel_loop3A_231 = arith.index_cast %parallel_loop3A_228 : i32 to index
            %parallel_loop3A_232 = tpu.vector_load %arg10[%parallel_loop3A_230, %parallel_loop3A_231] {strides = array<i32>} : memref<8x2048xf32, #tpu.memory_space<vmem>>, vector<16xf32>,
            %parallel_loop3A_233 = arith.constant 40960 : i32
            %parallel_loop3A_234 = vector.broadcast %parallel_loop3A_233 : i32 to vector<16xi32>
            %parallel_loop3A_235 = arith.addi %parallel_loop3A_190, %parallel_loop3A_234 : vector<16xi32>
            tpu.vector_store_idx %arg11[%parallel_loop3A_235], %parallel_loop3A_232 {add = true} : memref<81920xf32, #tpu.memory_space<vmem>>[vector<16xi32>], vector<16xf32>,
            %parallel_loop3A_236 = arith.constant 16 : i32
            %parallel_loop3A_237 = arith.muli %parallel_loop3A_186, %parallel_loop3A_236 : i32
            %parallel_loop3A_238 = arith.constant 5 : i32
            %parallel_loop3A_239 = arith.index_cast %parallel_loop3A_238 : i32 to index
            %parallel_loop3A_240 = arith.index_cast %parallel_loop3A_237 : i32 to index
            %parallel_loop3A_241 = tpu.vector_load %arg10[%parallel_loop3A_239, %parallel_loop3A_240] {strides = array<i32>} : memref<8x2048xf32, #tpu.memory_space<vmem>>, vector<16xf32>,
            %parallel_loop3A_242 = arith.constant 51200 : i32
            %parallel_loop3A_243 = vector.broadcast %parallel_loop3A_242 : i32 to vector<16xi32>
            %parallel_loop3A_244 = arith.addi %parallel_loop3A_190, %parallel_loop3A_243 : vector<16xi32>
            tpu.vector_store_idx %arg11[%parallel_loop3A_244], %parallel_loop3A_241 {add = true} : memref<81920xf32, #tpu.memory_space<vmem>>[vector<16xi32>], vector<16xf32>,
            %parallel_loop3A_245 = arith.constant 16 : i32
            %parallel_loop3A_246 = arith.muli %parallel_loop3A_186, %parallel_loop3A_245 : i32
            %parallel_loop3A_247 = arith.constant 6 : i32
            %parallel_loop3A_248 = arith.index_cast %parallel_loop3A_247 : i32 to index
            %parallel_loop3A_249 = arith.index_cast %parallel_loop3A_246 : i32 to index
            %parallel_loop3A_250 = tpu.vector_load %arg10[%parallel_loop3A_248, %parallel_loop3A_249] {strides = array<i32>} : memref<8x2048xf32, #tpu.memory_space<vmem>>, vector<16xf32>,
            %parallel_loop3A_251 = arith.constant 61440 : i32
            %parallel_loop3A_252 = vector.broadcast %parallel_loop3A_251 : i32 to vector<16xi32>
            %parallel_loop3A_253 = arith.addi %parallel_loop3A_190, %parallel_loop3A_252 : vector<16xi32>
            tpu.vector_store_idx %arg11[%parallel_loop3A_253], %parallel_loop3A_250 {add = true} : memref<81920xf32, #tpu.memory_space<vmem>>[vector<16xi32>], vector<16xf32>,
            %parallel_loop3A_254 = arith.constant 16 : i32
            %parallel_loop3A_255 = arith.muli %parallel_loop3A_186, %parallel_loop3A_254 : i32
            %parallel_loop3A_256 = arith.constant 7 : i32
            %parallel_loop3A_257 = arith.index_cast %parallel_loop3A_256 : i32 to index
            %parallel_loop3A_258 = arith.index_cast %parallel_loop3A_255 : i32 to index
            %parallel_loop3A_259 = tpu.vector_load %arg10[%parallel_loop3A_257, %parallel_loop3A_258] {strides = array<i32>} : memref<8x2048xf32, #tpu.memory_space<vmem>>, vector<16xf32>,
            %parallel_loop3A_260 = arith.constant 71680 : i32
            %parallel_loop3A_261 = vector.broadcast %parallel_loop3A_260 : i32 to vector<16xi32>
            %parallel_loop3A_262 = arith.addi %parallel_loop3A_190, %parallel_loop3A_261 : vector<16xi32>
            tpu.vector_store_idx %arg11[%parallel_loop3A_262], %parallel_loop3A_259 {add = true} : memref<81920xf32, #tpu.memory_space<vmem>>[vector<16xi32>], vector<16xf32>,
          } {sc.loop_unroll_factor = 8 : i64, sc.parallel_access}
        } else {
        }
      }
      %scan3A_140 = arith.constant 0 : i32
      %scan3A_141 = arith.constant 0 : i32
      %scan3A_142 = arith.constant 10 : i32
      %scan3A_143 = arith.addi %scan3A_141, %scan3A_142 : i32
      %scan3A_144 = arith.constant 1 : i32
      scf.for %scan3A_146 = %scan3A_141 to %scan3A_143 step %scan3A_144  : i32 {
        %scan3A_147 = arith.constant 0 : i32
        %scan3A_148 = arith.constant 0 : i32
        %scan3A_149 = arith.constant 64 : i32
        %scan3A_150 = arith.addi %scan3A_148, %scan3A_149 : i32
        %scan3A_151 = arith.constant 1 : i32
        scf.for %scan3A_155 = %scan3A_148 to %scan3A_150 step %scan3A_151  : i32 {
          %mul3A_156 = arith.constant 1024 : i32
          %mul3A_157 = arith.muli %scan3A_146, %mul3A_156 : i32
          %add3A_158 = arith.constant 0 : i32
          %add3A_159 = arith.addi %add3A_158, %mul3A_157 : i32
          %mul3A_160 = arith.constant 16 : i32
          %mul3A_161 = arith.muli %scan3A_155, %mul3A_160 : i32
          %add3A_162 = arith.addi %add3A_159, %mul3A_161 : i32
          %get3A = arith.index_cast %add3A_162 : i32 to index
          %get3A_163 = tpu.vector_load %arg11[%get3A] {strides = array<i32>} : memref<81920xf32, #tpu.memory_space<vmem>>, vector<16xf32>,
          %mul3A_164 = arith.constant 16 : i32
          %mul3A_165 = arith.muli %scan3A_155, %mul3A_164 : i32
          %swap3A = arith.constant 0 : i32
          %swap3A_166 = arith.index_cast %swap3A : i32 to index
          %swap3A_167 = arith.index_cast %mul3A_165 : i32 to index
          %swap3A_168 = tpu.vector_load %arg12[%swap3A_166, %swap3A_167] {strides = array<i32>} : memref<8x1024xf32, #tpu.memory_space<vmem>>, vector<16xf32>,
          tpu.vector_store %arg12[%swap3A_166, %swap3A_167], %get3A_163 {strides = array<i32>} : memref<8x1024xf32, #tpu.memory_space<vmem>>, vector<16xf32>,
          %mul3A_169 = arith.constant 1024 : i32
          %mul3A_170 = arith.muli %scan3A_146, %mul3A_169 : i32
          %add3A_171 = arith.constant 10240 : i32
          %add3A_172 = arith.addi %add3A_171, %mul3A_170 : i32
          %mul3A_173 = arith.constant 16 : i32
          %mul3A_174 = arith.muli %scan3A_155, %mul3A_173 : i32
          %add3A_175 = arith.addi %add3A_172, %mul3A_174 : i32
          %get3A_176 = arith.index_cast %add3A_175 : i32 to index
          %get3A_177 = tpu.vector_load %arg11[%get3A_176] {strides = array<i32>} : memref<81920xf32, #tpu.memory_space<vmem>>, vector<16xf32>,
          %mul3A_178 = arith.constant 16 : i32
          %mul3A_179 = arith.muli %scan3A_155, %mul3A_178 : i32
          %swap3A_180 = arith.constant 1 : i32
          %swap3A_181 = arith.index_cast %swap3A_180 : i32 to index
          %swap3A_182 = arith.index_cast %mul3A_179 : i32 to index
          %swap3A_183 = tpu.vector_load %arg12[%swap3A_181, %swap3A_182] {strides = array<i32>} : memref<8x1024xf32, #tpu.memory_space<vmem>>, vector<16xf32>,
          tpu.vector_store %arg12[%swap3A_181, %swap3A_182], %get3A_177 {strides = array<i32>} : memref<8x1024xf32, #tpu.memory_space<vmem>>, vector<16xf32>,
          %mul3A_184 = arith.constant 1024 : i32
          %mul3A_185 = arith.muli %scan3A_146, %mul3A_184 : i32
          %add3A_186 = arith.constant 20480 : i32
          %add3A_187 = arith.addi %add3A_186, %mul3A_185 : i32
          %mul3A_188 = arith.constant 16 : i32
          %mul3A_189 = arith.muli %scan3A_155, %mul3A_188 : i32
          %add3A_190 = arith.addi %add3A_187, %mul3A_189 : i32
          %get3A_191 = arith.index_cast %add3A_190 : i32 to index
          %get3A_192 = tpu.vector_load %arg11[%get3A_191] {strides = array<i32>} : memref<81920xf32, #tpu.memory_space<vmem>>, vector<16xf32>,
          %mul3A_193 = arith.constant 16 : i32
          %mul3A_194 = arith.muli %scan3A_155, %mul3A_193 : i32
          %swap3A_195 = arith.constant 2 : i32
          %swap3A_196 = arith.index_cast %swap3A_195 : i32 to index
          %swap3A_197 = arith.index_cast %mul3A_194 : i32 to index
          %swap3A_198 = tpu.vector_load %arg12[%swap3A_196, %swap3A_197] {strides = array<i32>} : memref<8x1024xf32, #tpu.memory_space<vmem>>, vector<16xf32>,
          tpu.vector_store %arg12[%swap3A_196, %swap3A_197], %get3A_192 {strides = array<i32>} : memref<8x1024xf32, #tpu.memory_space<vmem>>, vector<16xf32>,
          %mul3A_199 = arith.constant 1024 : i32
          %mul3A_200 = arith.muli %scan3A_146, %mul3A_199 : i32
          %add3A_201 = arith.constant 30720 : i32
          %add3A_202 = arith.addi %add3A_201, %mul3A_200 : i32
          %mul3A_203 = arith.constant 16 : i32
          %mul3A_204 = arith.muli %scan3A_155, %mul3A_203 : i32
          %add3A_205 = arith.addi %add3A_202, %mul3A_204 : i32
          %get3A_206 = arith.index_cast %add3A_205 : i32 to index
          %get3A_207 = tpu.vector_load %arg11[%get3A_206] {strides = array<i32>} : memref<81920xf32, #tpu.memory_space<vmem>>, vector<16xf32>,
          %mul3A_208 = arith.constant 16 : i32
          %mul3A_209 = arith.muli %scan3A_155, %mul3A_208 : i32
          %swap3A_210 = arith.constant 3 : i32
          %swap3A_211 = arith.index_cast %swap3A_210 : i32 to index
          %swap3A_212 = arith.index_cast %mul3A_209 : i32 to index
          %swap3A_213 = tpu.vector_load %arg12[%swap3A_211, %swap3A_212] {strides = array<i32>} : memref<8x1024xf32, #tpu.memory_space<vmem>>, vector<16xf32>,
          tpu.vector_store %arg12[%swap3A_211, %swap3A_212], %get3A_207 {strides = array<i32>} : memref<8x1024xf32, #tpu.memory_space<vmem>>, vector<16xf32>,
          %mul3A_214 = arith.constant 1024 : i32
          %mul3A_215 = arith.muli %scan3A_146, %mul3A_214 : i32
          %add3A_216 = arith.constant 40960 : i32
          %add3A_217 = arith.addi %add3A_216, %mul3A_215 : i32
          %mul3A_218 = arith.constant 16 : i32
          %mul3A_219 = arith.muli %scan3A_155, %mul3A_218 : i32
          %add3A_220 = arith.addi %add3A_217, %mul3A_219 : i32
          %get3A_221 = arith.index_cast %add3A_220 : i32 to index
          %get3A_222 = tpu.vector_load %arg11[%get3A_221] {strides = array<i32>} : memref<81920xf32, #tpu.memory_space<vmem>>, vector<16xf32>,
          %mul3A_223 = arith.constant 16 : i32
          %mul3A_224 = arith.muli %scan3A_155, %mul3A_223 : i32
          %swap3A_225 = arith.constant 4 : i32
          %swap3A_226 = arith.index_cast %swap3A_225 : i32 to index
          %swap3A_227 = arith.index_cast %mul3A_224 : i32 to index
          %swap3A_228 = tpu.vector_load %arg12[%swap3A_226, %swap3A_227] {strides = array<i32>} : memref<8x1024xf32, #tpu.memory_space<vmem>>, vector<16xf32>,
          tpu.vector_store %arg12[%swap3A_226, %swap3A_227], %get3A_222 {strides = array<i32>} : memref<8x1024xf32, #tpu.memory_space<vmem>>, vector<16xf32>,
          %mul3A_229 = arith.constant 1024 : i32
          %mul3A_230 = arith.muli %scan3A_146, %mul3A_229 : i32
          %add3A_231 = arith.constant 51200 : i32
          %add3A_232 = arith.addi %add3A_231, %mul3A_230 : i32
          %mul3A_233 = arith.constant 16 : i32
          %mul3A_234 = arith.muli %scan3A_155, %mul3A_233 : i32
          %add3A_235 = arith.addi %add3A_232, %mul3A_234 : i32
          %get3A_236 = arith.index_cast %add3A_235 : i32 to index
          %get3A_237 = tpu.vector_load %arg11[%get3A_236] {strides = array<i32>} : memref<81920xf32, #tpu.memory_space<vmem>>, vector<16xf32>,
          %mul3A_238 = arith.constant 16 : i32
          %mul3A_239 = arith.muli %scan3A_155, %mul3A_238 : i32
          %swap3A_240 = arith.constant 5 : i32
          %swap3A_241 = arith.index_cast %swap3A_240 : i32 to index
          %swap3A_242 = arith.index_cast %mul3A_239 : i32 to index
          %swap3A_243 = tpu.vector_load %arg12[%swap3A_241, %swap3A_242] {strides = array<i32>} : memref<8x1024xf32, #tpu.memory_space<vmem>>, vector<16xf32>,
          tpu.vector_store %arg12[%swap3A_241, %swap3A_242], %get3A_237 {strides = array<i32>} : memref<8x1024xf32, #tpu.memory_space<vmem>>, vector<16xf32>,
          %mul3A_244 = arith.constant 1024 : i32
          %mul3A_245 = arith.muli %scan3A_146, %mul3A_244 : i32
          %add3A_246 = arith.constant 61440 : i32
          %add3A_247 = arith.addi %add3A_246, %mul3A_245 : i32
          %mul3A_248 = arith.constant 16 : i32
          %mul3A_249 = arith.muli %scan3A_155, %mul3A_248 : i32
          %add3A_250 = arith.addi %add3A_247, %mul3A_249 : i32
          %get3A_251 = arith.index_cast %add3A_250 : i32 to index
          %get3A_252 = tpu.vector_load %arg11[%get3A_251] {strides = array<i32>} : memref<81920xf32, #tpu.memory_space<vmem>>, vector<16xf32>,
          %mul3A_253 = arith.constant 16 : i32
          %mul3A_254 = arith.muli %scan3A_155, %mul3A_253 : i32
          %swap3A_255 = arith.constant 6 : i32
          %swap3A_256 = arith.index_cast %swap3A_255 : i32 to index
          %swap3A_257 = arith.index_cast %mul3A_254 : i32 to index
          %swap3A_258 = tpu.vector_load %arg12[%swap3A_256, %swap3A_257] {strides = array<i32>} : memref<8x1024xf32, #tpu.memory_space<vmem>>, vector<16xf32>,
          tpu.vector_store %arg12[%swap3A_256, %swap3A_257], %get3A_252 {strides = array<i32>} : memref<8x1024xf32, #tpu.memory_space<vmem>>, vector<16xf32>,
          %mul3A_259 = arith.constant 1024 : i32
          %mul3A_260 = arith.muli %scan3A_146, %mul3A_259 : i32
          %add3A_261 = arith.constant 71680 : i32
          %add3A_262 = arith.addi %add3A_261, %mul3A_260 : i32
          %mul3A_263 = arith.constant 16 : i32
          %mul3A_264 = arith.muli %scan3A_155, %mul3A_263 : i32
          %add3A_265 = arith.addi %add3A_262, %mul3A_264 : i32
          %get3A_266 = arith.index_cast %add3A_265 : i32 to index
          %get3A_267 = tpu.vector_load %arg11[%get3A_266] {strides = array<i32>} : memref<81920xf32, #tpu.memory_space<vmem>>, vector<16xf32>,
          %mul3A_268 = arith.constant 16 : i32
          %mul3A_269 = arith.muli %scan3A_155, %mul3A_268 : i32
          %swap3A_270 = arith.constant 7 : i32
          %swap3A_271 = arith.index_cast %swap3A_270 : i32 to index
          %swap3A_272 = arith.index_cast %mul3A_269 : i32 to index
          %swap3A_273 = tpu.vector_load %arg12[%swap3A_271, %swap3A_272] {strides = array<i32>} : memref<8x1024xf32, #tpu.memory_space<vmem>>, vector<16xf32>,
          tpu.vector_store %arg12[%swap3A_271, %swap3A_272], %get3A_267 {strides = array<i32>} : memref<8x1024xf32, #tpu.memory_space<vmem>>, vector<16xf32>,
        }
        %scan3A_152 = arith.constant 64 : i32
        %mul3A_153 = arith.constant 1024 : i32
        %mul3A_154 = arith.muli %scan3A_146, %mul3A_153 : i32
        "tpu.region"() ({
          %run_scoped3A = tpu.sem_alloc : memref<!tpu.dma_semaphore, #tpu.memory_space<semaphore_mem>>
          %dma_start3A_155 = arith.constant 0 : i32
          %dma_start3A_156 = tpu.memref_slice %arg6[%add3A, %dma_start3A_155, %mul3A_154] : memref<16x8x10240xf32, #tpu.memory_space<hbm>> -> memref<1x8x1024xf32, #tpu.memory_space<hbm>>
          %dma_start3A_157 = tpu.memref_squeeze %dma_start3A_156 : memref<1x8x1024xf32, #tpu.memory_space<hbm>> -> memref<8x1024xf32, #tpu.memory_space<hbm>>
          %dma_start3A_158 = arith.constant 0 : i32
          %dma_start3A_159 = tpu.memref_slice %arg6[%add3A, %dma_start3A_158, %mul3A_154] : memref<16x8x10240xf32, #tpu.memory_space<hbm>> -> memref<1x8x1024xf32, #tpu.memory_space<hbm>>
          %dma_start3A_160 = tpu.memref_squeeze %dma_start3A_159 : memref<1x8x1024xf32, #tpu.memory_space<hbm>> -> memref<8x1024xf32, #tpu.memory_space<hbm>>
          tpu.enqueue_dma source(%arg12 : memref<8x1024xf32, #tpu.memory_space<vmem>>) target(%dma_start3A_160 : memref<8x1024xf32, #tpu.memory_space<hbm>>) target_semaphore(%run_scoped3A : memref<!tpu.dma_semaphore, #tpu.memory_space<semaphore_mem>>)
          %dma_wait3A = arith.constant 0 : i32
          %dma_wait3A_161 = tpu.memref_slice %arg6[%add3A, %dma_wait3A, %mul3A_154] : memref<16x8x10240xf32, #tpu.memory_space<hbm>> -> memref<1x8x1024xf32, #tpu.memory_space<hbm>>
          %dma_wait3A_162 = tpu.memref_squeeze %dma_wait3A_161 : memref<1x8x1024xf32, #tpu.memory_space<hbm>> -> memref<8x1024xf32, #tpu.memory_space<hbm>>
          %dma_wait3A_163 = arith.constant 0 : i32
          %dma_wait3A_164 = tpu.memref_slice %arg6[%add3A, %dma_wait3A_163, %mul3A_154] : memref<16x8x10240xf32, #tpu.memory_space<hbm>> -> memref<1x8x1024xf32, #tpu.memory_space<hbm>>
          %dma_wait3A_165 = tpu.memref_squeeze %dma_wait3A_164 : memref<1x8x1024xf32, #tpu.memory_space<hbm>> -> memref<8x1024xf32, #tpu.memory_space<hbm>>
          tpu.wait_dma2 semaphore(%run_scoped3A : memref<!tpu.dma_semaphore, #tpu.memory_space<semaphore_mem>>) src(%arg12 : memref<8x1024xf32, #tpu.memory_space<vmem>>) dst(%dma_wait3A_165 : memref<8x1024xf32, #tpu.memory_space<hbm>>)
          tpu.yield
        }) : () -> ()
      }
      %scan3A_145 = arith.constant 10 : i32
    } else {
    }
    return
  }
}

module attributes {stable_mosaic.version = 14 : i64} {
  func.func @_qkv_body(%arg0: i32, %arg1: memref<1024x256xf32, #tpu.memory_space<vmem>>, %arg2: memref<256x768xf32, #tpu.memory_space<vmem>>, %arg3: memref<1x768xf32, #tpu.memory_space<vmem>>, %arg4: memref<1024x128xi32, #tpu.memory_space<vmem>>, %arg5: memref<1024x256xi32, #tpu.memory_space<vmem>>) attributes {dimension_semantics = [#tpu.dimension_semantics<arbitrary>], iteration_bounds = array<i64: 10>, scalar_prefetch = 0 : i64, scratch_operands = 0 : i64, tpu.core_type = #tpu.core_type<tc>, window_params = [{transform_indices = @transform_0, window_bounds = array<i64: 1024, 256>}, {pipeline_mode = #tpu.pipeline_mode<synchronous>, transform_indices = @transform_1, window_bounds = array<i64: 256, 768>}, {pipeline_mode = #tpu.pipeline_mode<synchronous>, transform_indices = @transform_2, window_bounds = array<i64: 1, 768>}, {transform_indices = @transform_3, window_bounds = array<i64: 1024, 128>}, {transform_indices = @transform_4, window_bounds = array<i64: 1024, 256>}]} {
    %get3A = arith.constant 0 : index
    %get3A_0 = arith.constant 0 : index
    %get3A_1 = vector.load %arg1[%get3A, %get3A_0] : memref<1024x256xf32, #tpu.memory_space<vmem>>, vector<1024x256xf32>
    %get3A_2 = arith.constant 0 : index
    %get3A_3 = arith.constant 0 : index
    %get3A_4 = vector.load %arg2[%get3A_2, %get3A_3] : memref<256x768xf32, #tpu.memory_space<vmem>>, vector<256x768xf32>
    %dot_general3A = arith.constant dense<0.000000e+00> : vector<1024x768xf32>
    %dot_general3A_5 = tpu.matmul %get3A_1, %get3A_4, %dot_general3A {dimension_numbers = #tpu.dot_dimension_numbers<[1], [0], [0], [1], [0, 0, 1, 1], [], []>, transpose_lhs_hint = false} : vector<1024x256xf32>, vector<256x768xf32>, vector<1024x768xf32> -> vector<1024x768xf32>
    %get3A_6 = arith.constant 0 : index
    %get3A_7 = arith.constant 0 : index
    %get3A_8 = vector.load %arg3[%get3A_6, %get3A_7] : memref<1x768xf32, #tpu.memory_space<vmem>>, vector<1x768xf32>
    %add3A = vector.broadcast %get3A_8 : vector<1x768xf32> to vector<1024x768xf32>
    %add3A_9 = arith.addf %dot_general3A_5, %add3A : vector<1024x768xf32>
    %slice3A = vector.extract_strided_slice %add3A_9 {offsets = [0, 0], sizes = [1024, 256], strides = [1, 1]} : vector<1024x768xf32> to vector<1024x256xf32>
    %mul3A = arith.constant 0.176776692 : f32
    %mul3A_10 = vector.broadcast %mul3A : f32 to vector<1024x256xf32>
    %mul3A_11 = arith.mulf %slice3A, %mul3A_10 : vector<1024x256xf32>
    %bitcast_convert_type3A = tpu.bitcast %mul3A_11 : vector<1024x256xf32> -> vector<1024x256xi32>
    %add3A_12 = arith.constant 32767 : i32
    %add3A_13 = vector.broadcast %add3A_12 : i32 to vector<1024x256xi32>
    %add3A_14 = arith.addi %bitcast_convert_type3A, %add3A_13 : vector<1024x256xi32>
    %shift_right_arithmetic3A = arith.constant 16 : i32
    %shift_right_arithmetic3A_15 = vector.broadcast %shift_right_arithmetic3A : i32 to vector<1024x256xi32>
    %shift_right_arithmetic3A_16 = arith.shrsi %bitcast_convert_type3A, %shift_right_arithmetic3A_15 : vector<1024x256xi32>
    %and3A = arith.constant 1 : i32
    %and3A_17 = vector.broadcast %and3A : i32 to vector<1024x256xi32>
    %and3A_18 = arith.andi %shift_right_arithmetic3A_16, %and3A_17 : vector<1024x256xi32>
    %add3A_19 = arith.addi %add3A_14, %and3A_18 : vector<1024x256xi32>
    %shift_right_arithmetic3A_20 = arith.constant 16 : i32
    %shift_right_arithmetic3A_21 = vector.broadcast %shift_right_arithmetic3A_20 : i32 to vector<1024x256xi32>
    %shift_right_arithmetic3A_22 = arith.shrsi %add3A_19, %shift_right_arithmetic3A_21 : vector<1024x256xi32>
    %slice3A_23 = vector.extract_strided_slice %shift_right_arithmetic3A_22 {offsets = [0, 0], sizes = [1024, 128], strides = [1, 1]} : vector<1024x256xi32> to vector<1024x128xi32>
    %and3A_24 = arith.constant 65535 : i32
    %and3A_25 = vector.broadcast %and3A_24 : i32 to vector<1024x128xi32>
    %and3A_26 = arith.andi %slice3A_23, %and3A_25 : vector<1024x128xi32>
    %slice3A_27 = vector.extract_strided_slice %shift_right_arithmetic3A_22 {offsets = [0, 128], sizes = [1024, 128], strides = [1, 1]} : vector<1024x256xi32> to vector<1024x128xi32>
    %shift_left3A = arith.constant 16 : i32
    %shift_left3A_28 = vector.broadcast %shift_left3A : i32 to vector<1024x128xi32>
    %shift_left3A_29 = arith.shli %slice3A_27, %shift_left3A_28 : vector<1024x128xi32>
    %or3A = arith.ori %and3A_26, %shift_left3A_29 : vector<1024x128xi32>
    %swap3A = arith.constant 0 : index
    %swap3A_30 = arith.constant 0 : index
    %swap3A_31 = vector.load %arg4[%swap3A, %swap3A_30] : memref<1024x128xi32, #tpu.memory_space<vmem>>, vector<1024x128xi32>
    tpu.vector_store %arg4[%swap3A, %swap3A_30], %or3A {strides = array<i32>} : memref<1024x128xi32, #tpu.memory_space<vmem>>, vector<1024x128xi32>,
    %slice3A_32 = vector.extract_strided_slice %add3A_9 {offsets = [0, 256], sizes = [1024, 256], strides = [1, 1]} : vector<1024x768xf32> to vector<1024x256xf32>
    %bitcast_convert_type3A_33 = tpu.bitcast %slice3A_32 : vector<1024x256xf32> -> vector<1024x256xi32>
    %add3A_34 = arith.constant 32767 : i32
    %add3A_35 = vector.broadcast %add3A_34 : i32 to vector<1024x256xi32>
    %add3A_36 = arith.addi %bitcast_convert_type3A_33, %add3A_35 : vector<1024x256xi32>
    %shift_right_arithmetic3A_37 = arith.constant 16 : i32
    %shift_right_arithmetic3A_38 = vector.broadcast %shift_right_arithmetic3A_37 : i32 to vector<1024x256xi32>
    %shift_right_arithmetic3A_39 = arith.shrsi %bitcast_convert_type3A_33, %shift_right_arithmetic3A_38 : vector<1024x256xi32>
    %and3A_40 = arith.constant 1 : i32
    %and3A_41 = vector.broadcast %and3A_40 : i32 to vector<1024x256xi32>
    %and3A_42 = arith.andi %shift_right_arithmetic3A_39, %and3A_41 : vector<1024x256xi32>
    %add3A_43 = arith.addi %add3A_36, %and3A_42 : vector<1024x256xi32>
    %shift_right_arithmetic3A_44 = arith.constant 16 : i32
    %shift_right_arithmetic3A_45 = vector.broadcast %shift_right_arithmetic3A_44 : i32 to vector<1024x256xi32>
    %shift_right_arithmetic3A_46 = arith.shrsi %add3A_43, %shift_right_arithmetic3A_45 : vector<1024x256xi32>
    %slice3A_47 = vector.extract_strided_slice %shift_right_arithmetic3A_46 {offsets = [0, 0], sizes = [1024, 128], strides = [1, 1]} : vector<1024x256xi32> to vector<1024x128xi32>
    %and3A_48 = arith.constant 65535 : i32
    %and3A_49 = vector.broadcast %and3A_48 : i32 to vector<1024x128xi32>
    %and3A_50 = arith.andi %slice3A_47, %and3A_49 : vector<1024x128xi32>
    %slice3A_51 = vector.extract_strided_slice %shift_right_arithmetic3A_46 {offsets = [0, 128], sizes = [1024, 128], strides = [1, 1]} : vector<1024x256xi32> to vector<1024x128xi32>
    %shift_left3A_52 = arith.constant 16 : i32
    %shift_left3A_53 = vector.broadcast %shift_left3A_52 : i32 to vector<1024x128xi32>
    %shift_left3A_54 = arith.shli %slice3A_51, %shift_left3A_53 : vector<1024x128xi32>
    %or3A_55 = arith.ori %and3A_50, %shift_left3A_54 : vector<1024x128xi32>
    %slice3A_56 = vector.extract_strided_slice %add3A_9 {offsets = [0, 512], sizes = [1024, 256], strides = [1, 1]} : vector<1024x768xf32> to vector<1024x256xf32>
    %bitcast_convert_type3A_57 = tpu.bitcast %slice3A_56 : vector<1024x256xf32> -> vector<1024x256xi32>
    %add3A_58 = arith.constant 32767 : i32
    %add3A_59 = vector.broadcast %add3A_58 : i32 to vector<1024x256xi32>
    %add3A_60 = arith.addi %bitcast_convert_type3A_57, %add3A_59 : vector<1024x256xi32>
    %shift_right_arithmetic3A_61 = arith.constant 16 : i32
    %shift_right_arithmetic3A_62 = vector.broadcast %shift_right_arithmetic3A_61 : i32 to vector<1024x256xi32>
    %shift_right_arithmetic3A_63 = arith.shrsi %bitcast_convert_type3A_57, %shift_right_arithmetic3A_62 : vector<1024x256xi32>
    %and3A_64 = arith.constant 1 : i32
    %and3A_65 = vector.broadcast %and3A_64 : i32 to vector<1024x256xi32>
    %and3A_66 = arith.andi %shift_right_arithmetic3A_63, %and3A_65 : vector<1024x256xi32>
    %add3A_67 = arith.addi %add3A_60, %and3A_66 : vector<1024x256xi32>
    %shift_right_arithmetic3A_68 = arith.constant 16 : i32
    %shift_right_arithmetic3A_69 = vector.broadcast %shift_right_arithmetic3A_68 : i32 to vector<1024x256xi32>
    %shift_right_arithmetic3A_70 = arith.shrsi %add3A_67, %shift_right_arithmetic3A_69 : vector<1024x256xi32>
    %slice3A_71 = vector.extract_strided_slice %shift_right_arithmetic3A_70 {offsets = [0, 0], sizes = [1024, 128], strides = [1, 1]} : vector<1024x256xi32> to vector<1024x128xi32>
    %and3A_72 = arith.constant 65535 : i32
    %and3A_73 = vector.broadcast %and3A_72 : i32 to vector<1024x128xi32>
    %and3A_74 = arith.andi %slice3A_71, %and3A_73 : vector<1024x128xi32>
    %slice3A_75 = vector.extract_strided_slice %shift_right_arithmetic3A_70 {offsets = [0, 128], sizes = [1024, 128], strides = [1, 1]} : vector<1024x256xi32> to vector<1024x128xi32>
    %shift_left3A_76 = arith.constant 16 : i32
    %shift_left3A_77 = vector.broadcast %shift_left3A_76 : i32 to vector<1024x128xi32>
    %shift_left3A_78 = arith.shli %slice3A_75, %shift_left3A_77 : vector<1024x128xi32>
    %or3A_79 = arith.ori %and3A_74, %shift_left3A_78 : vector<1024x128xi32>
    %concatenate3A = tpu.concatenate %or3A_55, %or3A_79 in 1 : vector<1024x128xi32>, vector<1024x128xi32> -> vector<1024x256xi32>
    %swap3A_80 = arith.constant 0 : index
    %swap3A_81 = arith.constant 0 : index
    %swap3A_82 = vector.load %arg5[%swap3A_80, %swap3A_81] : memref<1024x256xi32, #tpu.memory_space<vmem>>, vector<1024x256xi32>
    tpu.vector_store %arg5[%swap3A_80, %swap3A_81], %concatenate3A {strides = array<i32>} : memref<1024x256xi32, #tpu.memory_space<vmem>>, vector<1024x256xi32>,
    return
  }
  func.func @transform_0(%arg0: i32) -> (i32, i32) {
    %c0_i32 = arith.constant 0 : i32
    %c0_i32_0 = arith.constant 0 : i32
    return %arg0, %c0_i32 : i32, i32
  }
  func.func @transform_1(%arg0: i32) -> (i32, i32) {
    %c0_i32 = arith.constant 0 : i32
    %c0_i32_0 = arith.constant 0 : i32
    %c0_i32_1 = arith.constant 0 : i32
    return %c0_i32, %c0_i32_0 : i32, i32
  }
  func.func @transform_2(%arg0: i32) -> (i32, i32) {
    %c0_i32 = arith.constant 0 : i32
    %c0_i32_0 = arith.constant 0 : i32
    %c0_i32_1 = arith.constant 0 : i32
    return %c0_i32, %c0_i32_0 : i32, i32
  }
  func.func @transform_3(%arg0: i32) -> (i32, i32) {
    %c0_i32 = arith.constant 0 : i32
    %c0_i32_0 = arith.constant 0 : i32
    return %arg0, %c0_i32 : i32, i32
  }
  func.func @transform_4(%arg0: i32) -> (i32, i32) {
    %c0_i32 = arith.constant 0 : i32
    %c0_i32_0 = arith.constant 0 : i32
    return %arg0, %c0_i32 : i32, i32
  }
}

module attributes {stable_mosaic.version = 14 : i64} {
  func.func @_score_body(%arg0: i32, %arg1: memref<2048x128xi32, #tpu.memory_space<vmem>>, %arg2: memref<2048x256xi32, #tpu.memory_space<vmem>>, %arg3: memref<256x16xf32, #tpu.memory_space<vmem>>, %arg4: memref<256x2048xf32, #tpu.memory_space<vmem>>, %arg5: memref<16x2048xf32, #tpu.memory_space<vmem>>) attributes {dimension_semantics = [#tpu.dimension_semantics<arbitrary>], iteration_bounds = array<i64: 80>, scalar_prefetch = 0 : i64, scratch_operands = 0 : i64, tpu.core_type = #tpu.core_type<tc>, window_params = [{transform_indices = @transform_0, window_bounds = array<i64: 2048, 128>}, {transform_indices = @transform_1, window_bounds = array<i64: 2048, 256>}, {pipeline_mode = #tpu.pipeline_mode<synchronous>, transform_indices = @transform_2, window_bounds = array<i64: 256, 16>}, {transform_indices = @transform_3, window_bounds = array<i64: 256, 2048>}, {transform_indices = @transform_4, window_bounds = array<i64: 16, 2048>}]} {
    %get3A = arith.constant 0 : index
    %get3A_0 = arith.constant 0 : index
    %get3A_1 = vector.load %arg2[%get3A, %get3A_0] : memref<2048x256xi32, #tpu.memory_space<vmem>>, vector<2048x256xi32>
    %get3A_2 = arith.constant 0 : index
    %get3A_3 = arith.constant 0 : index
    %get3A_4 = vector.load %arg1[%get3A_2, %get3A_3] : memref<2048x128xi32, #tpu.memory_space<vmem>>, vector<2048x128xi32>
    %shift_left3A = arith.constant 16 : i32
    %shift_left3A_5 = vector.broadcast %shift_left3A : i32 to vector<2048x128xi32>
    %shift_left3A_6 = arith.shli %get3A_4, %shift_left3A_5 : vector<2048x128xi32>
    %bitcast_convert_type3A = tpu.bitcast %shift_left3A_6 : vector<2048x128xi32> -> vector<2048x128xf32>
    %and3A = arith.constant -65536 : i32
    %and3A_7 = vector.broadcast %and3A : i32 to vector<2048x128xi32>
    %and3A_8 = arith.andi %get3A_4, %and3A_7 : vector<2048x128xi32>
    %bitcast_convert_type3A_9 = tpu.bitcast %and3A_8 : vector<2048x128xi32> -> vector<2048x128xf32>
    %concatenate3A = tpu.concatenate %bitcast_convert_type3A, %bitcast_convert_type3A_9 in 1 : vector<2048x128xf32>, vector<2048x128xf32> -> vector<2048x256xf32>
    %slice3A = vector.extract_strided_slice %get3A_1 {offsets = [0, 0], sizes = [2048, 128], strides = [1, 1]} : vector<2048x256xi32> to vector<2048x128xi32>
    %shift_left3A_10 = arith.constant 16 : i32
    %shift_left3A_11 = vector.broadcast %shift_left3A_10 : i32 to vector<2048x128xi32>
    %shift_left3A_12 = arith.shli %slice3A, %shift_left3A_11 : vector<2048x128xi32>
    %bitcast_convert_type3A_13 = tpu.bitcast %shift_left3A_12 : vector<2048x128xi32> -> vector<2048x128xf32>
    %and3A_14 = arith.constant -65536 : i32
    %and3A_15 = vector.broadcast %and3A_14 : i32 to vector<2048x128xi32>
    %and3A_16 = arith.andi %slice3A, %and3A_15 : vector<2048x128xi32>
    %bitcast_convert_type3A_17 = tpu.bitcast %and3A_16 : vector<2048x128xi32> -> vector<2048x128xf32>
    %concatenate3A_18 = tpu.concatenate %bitcast_convert_type3A_13, %bitcast_convert_type3A_17 in 1 : vector<2048x128xf32>, vector<2048x128xf32> -> vector<2048x256xf32>
    %mul3A = arith.mulf %concatenate3A, %concatenate3A_18 : vector<2048x256xf32>
    %get3A_19 = arith.constant 0 : index
    %get3A_20 = arith.constant 0 : index
    %get3A_21 = vector.load %arg3[%get3A_19, %get3A_20] : memref<256x16xf32, #tpu.memory_space<vmem>>, vector<256x16xf32>
    %dot_general3A = arith.constant dense<0.000000e+00> : vector<2048x16xf32>
    %dot_general3A_22 = tpu.matmul %mul3A, %get3A_21, %dot_general3A {dimension_numbers = #tpu.dot_dimension_numbers<[1], [0], [0], [1], [0, 0, 1, 1], [], []>, transpose_lhs_hint = false} : vector<2048x256xf32>, vector<256x16xf32>, vector<2048x16xf32> -> vector<2048x16xf32>
    %exp3A = math.exp %dot_general3A_22 : vector<2048x16xf32>
    %get3A_23 = arith.constant 0 : index
    %get3A_24 = arith.constant 0 : index
    %get3A_25 = vector.load %arg3[%get3A_23, %get3A_24] : memref<256x16xf32, #tpu.memory_space<vmem>>, vector<256x16xf32>
    %transpose3A = tpu.transpose %get3A_25, [1, 0] : vector<256x16xf32> -> vector<16x256xf32>
    %dot_general3A_26 = arith.constant dense<0.000000e+00> : vector<2048x256xf32>
    %dot_general3A_27 = tpu.matmul %exp3A, %transpose3A, %dot_general3A_26 {dimension_numbers = #tpu.dot_dimension_numbers<[1], [0], [0], [1], [0, 0, 1, 1], [], []>, transpose_lhs_hint = false} : vector<2048x16xf32>, vector<16x256xf32>, vector<2048x256xf32> -> vector<2048x256xf32>
    %slice3A_28 = vector.extract_strided_slice %get3A_1 {offsets = [0, 128], sizes = [2048, 128], strides = [1, 1]} : vector<2048x256xi32> to vector<2048x128xi32>
    %shift_left3A_29 = arith.constant 16 : i32
    %shift_left3A_30 = vector.broadcast %shift_left3A_29 : i32 to vector<2048x128xi32>
    %shift_left3A_31 = arith.shli %slice3A_28, %shift_left3A_30 : vector<2048x128xi32>
    %bitcast_convert_type3A_32 = tpu.bitcast %shift_left3A_31 : vector<2048x128xi32> -> vector<2048x128xf32>
    %and3A_33 = arith.constant -65536 : i32
    %and3A_34 = vector.broadcast %and3A_33 : i32 to vector<2048x128xi32>
    %and3A_35 = arith.andi %slice3A_28, %and3A_34 : vector<2048x128xi32>
    %bitcast_convert_type3A_36 = tpu.bitcast %and3A_35 : vector<2048x128xi32> -> vector<2048x128xf32>
    %concatenate3A_37 = tpu.concatenate %bitcast_convert_type3A_32, %bitcast_convert_type3A_36 in 1 : vector<2048x128xf32>, vector<2048x128xf32> -> vector<2048x256xf32>
    %mul3A_38 = arith.mulf %dot_general3A_27, %concatenate3A_37 : vector<2048x256xf32>
    %transpose3A_39 = tpu.transpose %mul3A_38, [1, 0] : vector<2048x256xf32> -> vector<256x2048xf32>
    %swap3A = arith.constant 0 : index
    %swap3A_40 = arith.constant 0 : index
    %swap3A_41 = vector.load %arg4[%swap3A, %swap3A_40] : memref<256x2048xf32, #tpu.memory_space<vmem>>, vector<256x2048xf32>
    tpu.vector_store %arg4[%swap3A, %swap3A_40], %transpose3A_39 {strides = array<i32>} : memref<256x2048xf32, #tpu.memory_space<vmem>>, vector<256x2048xf32>,
    %transpose3A_42 = tpu.transpose %exp3A, [1, 0] : vector<2048x16xf32> -> vector<16x2048xf32>
    %swap3A_43 = arith.constant 0 : index
    %swap3A_44 = arith.constant 0 : index
    %swap3A_45 = vector.load %arg5[%swap3A_43, %swap3A_44] : memref<16x2048xf32, #tpu.memory_space<vmem>>, vector<16x2048xf32>
    tpu.vector_store %arg5[%swap3A_43, %swap3A_44], %transpose3A_42 {strides = array<i32>} : memref<16x2048xf32, #tpu.memory_space<vmem>>, vector<16x2048xf32>,
    return
  }
  func.func @transform_0(%arg0: i32) -> (i32, i32) {
    %c0_i32 = arith.constant 0 : i32
    %c0_i32_0 = arith.constant 0 : i32
    return %arg0, %c0_i32 : i32, i32
  }
  func.func @transform_1(%arg0: i32) -> (i32, i32) {
    %c0_i32 = arith.constant 0 : i32
    %c0_i32_0 = arith.constant 0 : i32
    return %arg0, %c0_i32 : i32, i32
  }
  func.func @transform_2(%arg0: i32) -> (i32, i32) {
    %c0_i32 = arith.constant 0 : i32
    %c0_i32_0 = arith.constant 0 : i32
    %c0_i32_1 = arith.constant 0 : i32
    return %c0_i32, %c0_i32_0 : i32, i32
  }
  func.func @transform_3(%arg0: i32) -> (i32, i32) {
    %c0_i32 = arith.constant 0 : i32
    %c0_i32_0 = arith.constant 0 : i32
    return %c0_i32, %arg0 : i32, i32
  }
  func.func @transform_4(%arg0: i32) -> (i32, i32) {
    %c0_i32 = arith.constant 0 : i32
    %c0_i32_0 = arith.constant 0 : i32
    return %c0_i32, %arg0 : i32, i32
  }
}

module attributes {stable_mosaic.version = 14 : i64} {
  func.func @_epi_body(%arg0: i32, %arg1: memref<256x1024xf32, #tpu.memory_space<vmem>>, %arg2: memref<16x8x1024xf32, #tpu.memory_space<vmem>>, %arg3: memref<256x16xf32, #tpu.memory_space<vmem>>, %arg4: memref<256x768xf32, #tpu.memory_space<vmem>>, %arg5: memref<1x768xf32, #tpu.memory_space<vmem>>, %arg6: memref<768x256xf32, #tpu.memory_space<vmem>>, %arg7: memref<1x256xf32, #tpu.memory_space<vmem>>, %arg8: memref<1x256xf32, #tpu.memory_space<vmem>>, %arg9: memref<1x256xf32, #tpu.memory_space<vmem>>, %arg10: memref<1x256xf32, #tpu.memory_space<vmem>>, %arg11: memref<1x256xf32, #tpu.memory_space<vmem>>, %arg12: memref<1024x256xf32, #tpu.memory_space<vmem>>) attributes {dimension_semantics = [#tpu.dimension_semantics<arbitrary>], iteration_bounds = array<i64: 10>, scalar_prefetch = 0 : i64, scratch_operands = 0 : i64, tpu.core_type = #tpu.core_type<tc>, window_params = [{transform_indices = @transform_0, window_bounds = array<i64: 256, 1024>}, {transform_indices = @transform_1, window_bounds = array<i64: 16, 8, 1024>}, {pipeline_mode = #tpu.pipeline_mode<synchronous>, transform_indices = @transform_2, window_bounds = array<i64: 256, 16>}, {pipeline_mode = #tpu.pipeline_mode<synchronous>, transform_indices = @transform_3, window_bounds = array<i64: 256, 768>}, {pipeline_mode = #tpu.pipeline_mode<synchronous>, transform_indices = @transform_4, window_bounds = array<i64: 1, 768>}, {pipeline_mode = #tpu.pipeline_mode<synchronous>, transform_indices = @transform_5, window_bounds = array<i64: 768, 256>}, {pipeline_mode = #tpu.pipeline_mode<synchronous>, transform_indices = @transform_6, window_bounds = array<i64: 1, 256>}, {pipeline_mode = #tpu.pipeline_mode<synchronous>, transform_indices = @transform_7, window_bounds = array<i64: 1, 256>}, {pipeline_mode = #tpu.pipeline_mode<synchronous>, transform_indices = @transform_8, window_bounds = array<i64: 1, 256>}, {pipeline_mode = #tpu.pipeline_mode<synchronous>, transform_indices = @transform_9, window_bounds = array<i64: 1, 256>}, {pipeline_mode = #tpu.pipeline_mode<synchronous>, transform_indices = @transform_10, window_bounds = array<i64: 1, 256>}, {transform_indices = @transform_11, window_bounds = array<i64: 1024, 256>}]} {
    %get3A = arith.constant 0 : index
    %get3A_0 = arith.constant 0 : index
    %get3A_1 = vector.load %arg1[%get3A, %get3A_0] : memref<256x1024xf32, #tpu.memory_space<vmem>>, vector<256x1024xf32>
    %transpose3A = tpu.transpose %get3A_1, [1, 0] : vector<256x1024xf32> -> vector<1024x256xf32>
    %get3A_2 = arith.constant 0 : index
    %get3A_3 = arith.constant 0 : index
    %get3A_4 = arith.constant 0 : index
    %get3A_5 = vector.load %arg2[%get3A_2, %get3A_3, %get3A_4] : memref<16x8x1024xf32, #tpu.memory_space<vmem>>, vector<1x8x1024xf32>
    %get3A_6 = vector.shape_cast %get3A_5 : vector<1x8x1024xf32> to vector<8x1024xf32>
    %get3A_7 = arith.constant 1 : index
    %get3A_8 = arith.constant 0 : index
    %get3A_9 = arith.constant 0 : index
    %get3A_10 = vector.load %arg2[%get3A_7, %get3A_8, %get3A_9] : memref<16x8x1024xf32, #tpu.memory_space<vmem>>, vector<1x8x1024xf32>
    %get3A_11 = vector.shape_cast %get3A_10 : vector<1x8x1024xf32> to vector<8x1024xf32>
    %get3A_12 = arith.constant 2 : index
    %get3A_13 = arith.constant 0 : index
    %get3A_14 = arith.constant 0 : index
    %get3A_15 = vector.load %arg2[%get3A_12, %get3A_13, %get3A_14] : memref<16x8x1024xf32, #tpu.memory_space<vmem>>, vector<1x8x1024xf32>
    %get3A_16 = vector.shape_cast %get3A_15 : vector<1x8x1024xf32> to vector<8x1024xf32>
    %add3A = arith.addf %get3A_6, %get3A_16 : vector<8x1024xf32>
    %get3A_17 = arith.constant 3 : index
    %get3A_18 = arith.constant 0 : index
    %get3A_19 = arith.constant 0 : index
    %get3A_20 = vector.load %arg2[%get3A_17, %get3A_18, %get3A_19] : memref<16x8x1024xf32, #tpu.memory_space<vmem>>, vector<1x8x1024xf32>
    %get3A_21 = vector.shape_cast %get3A_20 : vector<1x8x1024xf32> to vector<8x1024xf32>
    %add3A_22 = arith.addf %get3A_11, %get3A_21 : vector<8x1024xf32>
    %get3A_23 = arith.constant 4 : index
    %get3A_24 = arith.constant 0 : index
    %get3A_25 = arith.constant 0 : index
    %get3A_26 = vector.load %arg2[%get3A_23, %get3A_24, %get3A_25] : memref<16x8x1024xf32, #tpu.memory_space<vmem>>, vector<1x8x1024xf32>
    %get3A_27 = vector.shape_cast %get3A_26 : vector<1x8x1024xf32> to vector<8x1024xf32>
    %add3A_28 = arith.addf %add3A, %get3A_27 : vector<8x1024xf32>
    %get3A_29 = arith.constant 5 : index
    %get3A_30 = arith.constant 0 : index
    %get3A_31 = arith.constant 0 : index
    %get3A_32 = vector.load %arg2[%get3A_29, %get3A_30, %get3A_31] : memref<16x8x1024xf32, #tpu.memory_space<vmem>>, vector<1x8x1024xf32>
    %get3A_33 = vector.shape_cast %get3A_32 : vector<1x8x1024xf32> to vector<8x1024xf32>
    %add3A_34 = arith.addf %add3A_22, %get3A_33 : vector<8x1024xf32>
    %get3A_35 = arith.constant 6 : index
    %get3A_36 = arith.constant 0 : index
    %get3A_37 = arith.constant 0 : index
    %get3A_38 = vector.load %arg2[%get3A_35, %get3A_36, %get3A_37] : memref<16x8x1024xf32, #tpu.memory_space<vmem>>, vector<1x8x1024xf32>
    %get3A_39 = vector.shape_cast %get3A_38 : vector<1x8x1024xf32> to vector<8x1024xf32>
    %add3A_40 = arith.addf %add3A_28, %get3A_39 : vector<8x1024xf32>
    %get3A_41 = arith.constant 7 : index
    %get3A_42 = arith.constant 0 : index
    %get3A_43 = arith.constant 0 : index
    %get3A_44 = vector.load %arg2[%get3A_41, %get3A_42, %get3A_43] : memref<16x8x1024xf32, #tpu.memory_space<vmem>>, vector<1x8x1024xf32>
    %get3A_45 = vector.shape_cast %get3A_44 : vector<1x8x1024xf32> to vector<8x1024xf32>
    %add3A_46 = arith.addf %add3A_34, %get3A_45 : vector<8x1024xf32>
    %get3A_47 = arith.constant 8 : index
    %get3A_48 = arith.constant 0 : index
    %get3A_49 = arith.constant 0 : index
    %get3A_50 = vector.load %arg2[%get3A_47, %get3A_48, %get3A_49] : memref<16x8x1024xf32, #tpu.memory_space<vmem>>, vector<1x8x1024xf32>
    %get3A_51 = vector.shape_cast %get3A_50 : vector<1x8x1024xf32> to vector<8x1024xf32>
    %add3A_52 = arith.addf %add3A_40, %get3A_51 : vector<8x1024xf32>
    %get3A_53 = arith.constant 9 : index
    %get3A_54 = arith.constant 0 : index
    %get3A_55 = arith.constant 0 : index
    %get3A_56 = vector.load %arg2[%get3A_53, %get3A_54, %get3A_55] : memref<16x8x1024xf32, #tpu.memory_space<vmem>>, vector<1x8x1024xf32>
    %get3A_57 = vector.shape_cast %get3A_56 : vector<1x8x1024xf32> to vector<8x1024xf32>
    %add3A_58 = arith.addf %add3A_46, %get3A_57 : vector<8x1024xf32>
    %get3A_59 = arith.constant 10 : index
    %get3A_60 = arith.constant 0 : index
    %get3A_61 = arith.constant 0 : index
    %get3A_62 = vector.load %arg2[%get3A_59, %get3A_60, %get3A_61] : memref<16x8x1024xf32, #tpu.memory_space<vmem>>, vector<1x8x1024xf32>
    %get3A_63 = vector.shape_cast %get3A_62 : vector<1x8x1024xf32> to vector<8x1024xf32>
    %add3A_64 = arith.addf %add3A_52, %get3A_63 : vector<8x1024xf32>
    %get3A_65 = arith.constant 11 : index
    %get3A_66 = arith.constant 0 : index
    %get3A_67 = arith.constant 0 : index
    %get3A_68 = vector.load %arg2[%get3A_65, %get3A_66, %get3A_67] : memref<16x8x1024xf32, #tpu.memory_space<vmem>>, vector<1x8x1024xf32>
    %get3A_69 = vector.shape_cast %get3A_68 : vector<1x8x1024xf32> to vector<8x1024xf32>
    %add3A_70 = arith.addf %add3A_58, %get3A_69 : vector<8x1024xf32>
    %get3A_71 = arith.constant 12 : index
    %get3A_72 = arith.constant 0 : index
    %get3A_73 = arith.constant 0 : index
    %get3A_74 = vector.load %arg2[%get3A_71, %get3A_72, %get3A_73] : memref<16x8x1024xf32, #tpu.memory_space<vmem>>, vector<1x8x1024xf32>
    %get3A_75 = vector.shape_cast %get3A_74 : vector<1x8x1024xf32> to vector<8x1024xf32>
    %add3A_76 = arith.addf %add3A_64, %get3A_75 : vector<8x1024xf32>
    %get3A_77 = arith.constant 13 : index
    %get3A_78 = arith.constant 0 : index
    %get3A_79 = arith.constant 0 : index
    %get3A_80 = vector.load %arg2[%get3A_77, %get3A_78, %get3A_79] : memref<16x8x1024xf32, #tpu.memory_space<vmem>>, vector<1x8x1024xf32>
    %get3A_81 = vector.shape_cast %get3A_80 : vector<1x8x1024xf32> to vector<8x1024xf32>
    %add3A_82 = arith.addf %add3A_70, %get3A_81 : vector<8x1024xf32>
    %get3A_83 = arith.constant 14 : index
    %get3A_84 = arith.constant 0 : index
    %get3A_85 = arith.constant 0 : index
    %get3A_86 = vector.load %arg2[%get3A_83, %get3A_84, %get3A_85] : memref<16x8x1024xf32, #tpu.memory_space<vmem>>, vector<1x8x1024xf32>
    %get3A_87 = vector.shape_cast %get3A_86 : vector<1x8x1024xf32> to vector<8x1024xf32>
    %add3A_88 = arith.addf %add3A_76, %get3A_87 : vector<8x1024xf32>
    %get3A_89 = arith.constant 15 : index
    %get3A_90 = arith.constant 0 : index
    %get3A_91 = arith.constant 0 : index
    %get3A_92 = vector.load %arg2[%get3A_89, %get3A_90, %get3A_91] : memref<16x8x1024xf32, #tpu.memory_space<vmem>>, vector<1x8x1024xf32>
    %get3A_93 = vector.shape_cast %get3A_92 : vector<1x8x1024xf32> to vector<8x1024xf32>
    %add3A_94 = arith.addf %add3A_82, %get3A_93 : vector<8x1024xf32>
    %concatenate3A = tpu.concatenate %add3A_88, %add3A_94 in 0 : vector<8x1024xf32>, vector<8x1024xf32> -> vector<16x1024xf32>
    %transpose3A_95 = tpu.transpose %concatenate3A, [1, 0] : vector<16x1024xf32> -> vector<1024x16xf32>
    %get3A_96 = arith.constant 0 : index
    %get3A_97 = arith.constant 0 : index
    %get3A_98 = vector.load %arg3[%get3A_96, %get3A_97] : memref<256x16xf32, #tpu.memory_space<vmem>>, vector<256x16xf32>
    %transpose3A_99 = tpu.transpose %get3A_98, [1, 0] : vector<256x16xf32> -> vector<16x256xf32>
    %dot_general3A = arith.constant dense<0.000000e+00> : vector<1024x256xf32>
    %dot_general3A_100 = tpu.matmul %transpose3A_95, %transpose3A_99, %dot_general3A {dimension_numbers = #tpu.dot_dimension_numbers<[1], [0], [0], [1], [0, 0, 1, 1], [], []>, transpose_lhs_hint = false} : vector<1024x16xf32>, vector<16x256xf32>, vector<1024x256xf32> -> vector<1024x256xf32>
    %gt3A = arith.constant 0.000000e+00 : f32
    %gt3A_101 = vector.broadcast %gt3A : f32 to vector<1024x256xf32>
    %gt3A_102 = arith.cmpf ogt, %dot_general3A_100, %gt3A_101 : vector<1024x256xf32>
    %div3A = arith.divf %transpose3A, %dot_general3A_100 : vector<1024x256xf32>
    %jit3A = arith.constant 0.000000e+00 : f32
    %broadcast_in_dim3A = vector.broadcast %jit3A : f32 to vector<1024x256xf32>
    %select_n3A = arith.select %gt3A_102, %div3A, %broadcast_in_dim3A : vector<1024x256xi1>, vector<1024x256xf32>
    %get3A_103 = arith.constant 0 : index
    %get3A_104 = arith.constant 0 : index
    %get3A_105 = vector.load %arg8[%get3A_103, %get3A_104] : memref<1x256xf32, #tpu.memory_space<vmem>>, vector<1x256xf32>
    %get3A_106 = arith.constant 0 : index
    %get3A_107 = arith.constant 0 : index
    %get3A_108 = vector.load %arg9[%get3A_106, %get3A_107] : memref<1x256xf32, #tpu.memory_space<vmem>>, vector<1x256xf32>
    %reduce_sum3A = arith.constant dense<0.000000e+00> : vector<1024xf32>
    %reduce_sum3A_109 = vector.multi_reduction <add>, %select_n3A, %reduce_sum3A [1] : vector<1024x256xf32> to vector<1024xf32>
    %broadcast_in_dim3A_110 = vector.shape_cast %reduce_sum3A_109 : vector<1024xf32> to vector<1024x1xf32>
    %div3A_111 = arith.constant 2.560000e+02 : f32
    %div3A_112 = vector.broadcast %div3A_111 : f32 to vector<1024x1xf32>
    %div3A_113 = arith.divf %broadcast_in_dim3A_110, %div3A_112 : vector<1024x1xf32>
    %sub3A = vector.broadcast %div3A_113 : vector<1024x1xf32> to vector<1024x256xf32>
    %sub3A_114 = arith.subf %select_n3A, %sub3A : vector<1024x256xf32>
    %integer_pow3A = arith.mulf %sub3A_114, %sub3A_114 : vector<1024x256xf32>
    %reduce_sum3A_115 = arith.constant dense<0.000000e+00> : vector<1024xf32>
    %reduce_sum3A_116 = vector.multi_reduction <add>, %integer_pow3A, %reduce_sum3A_115 [1] : vector<1024x256xf32> to vector<1024xf32>
    %broadcast_in_dim3A_117 = vector.shape_cast %reduce_sum3A_116 : vector<1024xf32> to vector<1024x1xf32>
    %div3A_118 = arith.constant 2.560000e+02 : f32
    %div3A_119 = vector.broadcast %div3A_118 : f32 to vector<1024x1xf32>
    %div3A_120 = arith.divf %broadcast_in_dim3A_117, %div3A_119 : vector<1024x1xf32>
    %sub3A_121 = vector.broadcast %div3A_113 : vector<1024x1xf32> to vector<1024x256xf32>
    %sub3A_122 = arith.subf %select_n3A, %sub3A_121 : vector<1024x256xf32>
    %add3A_123 = arith.constant 9.99999974E-6 : f32
    %add3A_124 = vector.broadcast %add3A_123 : f32 to vector<1024x1xf32>
    %add3A_125 = arith.addf %div3A_120, %add3A_124 : vector<1024x1xf32>
    %rsqrt3A = math.rsqrt %add3A_125 : vector<1024x1xf32>
    %mul3A = vector.broadcast %rsqrt3A : vector<1024x1xf32> to vector<1024x256xf32>
    %mul3A_126 = arith.mulf %sub3A_122, %mul3A : vector<1024x256xf32>
    %mul3A_127 = vector.broadcast %get3A_105 : vector<1x256xf32> to vector<1024x256xf32>
    %mul3A_128 = arith.mulf %mul3A_126, %mul3A_127 : vector<1024x256xf32>
    %add3A_129 = vector.broadcast %get3A_108 : vector<1x256xf32> to vector<1024x256xf32>
    %add3A_130 = arith.addf %mul3A_128, %add3A_129 : vector<1024x256xf32>
    %get3A_131 = arith.constant 0 : index
    %get3A_132 = arith.constant 0 : index
    %get3A_133 = vector.load %arg4[%get3A_131, %get3A_132] : memref<256x768xf32, #tpu.memory_space<vmem>>, vector<256x768xf32>
    %dot_general3A_134 = arith.constant dense<0.000000e+00> : vector<1024x768xf32>
    %dot_general3A_135 = tpu.matmul %add3A_130, %get3A_133, %dot_general3A_134 {dimension_numbers = #tpu.dot_dimension_numbers<[1], [0], [0], [1], [0, 0, 1, 1], [], []>, transpose_lhs_hint = false} : vector<1024x256xf32>, vector<256x768xf32>, vector<1024x768xf32> -> vector<1024x768xf32>
    %get3A_136 = arith.constant 0 : index
    %get3A_137 = arith.constant 0 : index
    %get3A_138 = vector.load %arg5[%get3A_136, %get3A_137] : memref<1x768xf32, #tpu.memory_space<vmem>>, vector<1x768xf32>
    %add3A_139 = vector.broadcast %get3A_138 : vector<1x768xf32> to vector<1024x768xf32>
    %add3A_140 = arith.addf %dot_general3A_135, %add3A_139 : vector<1024x768xf32>
    %max3A = arith.constant 0.000000e+00 : f32
    %max3A_141 = vector.broadcast %max3A : f32 to vector<1024x768xf32>
    %max3A_142 = arith.maximumf %add3A_140, %max3A_141 : vector<1024x768xf32>
    %get3A_143 = arith.constant 0 : index
    %get3A_144 = arith.constant 0 : index
    %get3A_145 = vector.load %arg6[%get3A_143, %get3A_144] : memref<768x256xf32, #tpu.memory_space<vmem>>, vector<768x256xf32>
    %dot_general3A_146 = arith.constant dense<0.000000e+00> : vector<1024x256xf32>
    %dot_general3A_147 = tpu.matmul %max3A_142, %get3A_145, %dot_general3A_146 {dimension_numbers = #tpu.dot_dimension_numbers<[1], [0], [0], [1], [0, 0, 1, 1], [], []>, transpose_lhs_hint = false} : vector<1024x768xf32>, vector<768x256xf32>, vector<1024x256xf32> -> vector<1024x256xf32>
    %get3A_148 = arith.constant 0 : index
    %get3A_149 = arith.constant 0 : index
    %get3A_150 = vector.load %arg7[%get3A_148, %get3A_149] : memref<1x256xf32, #tpu.memory_space<vmem>>, vector<1x256xf32>
    %add3A_151 = vector.broadcast %get3A_150 : vector<1x256xf32> to vector<1024x256xf32>
    %add3A_152 = arith.addf %dot_general3A_147, %add3A_151 : vector<1024x256xf32>
    %get3A_153 = arith.constant 0 : index
    %get3A_154 = arith.constant 0 : index
    %get3A_155 = vector.load %arg10[%get3A_153, %get3A_154] : memref<1x256xf32, #tpu.memory_space<vmem>>, vector<1x256xf32>
    %get3A_156 = arith.constant 0 : index
    %get3A_157 = arith.constant 0 : index
    %get3A_158 = vector.load %arg11[%get3A_156, %get3A_157] : memref<1x256xf32, #tpu.memory_space<vmem>>, vector<1x256xf32>
    %reduce_sum3A_159 = arith.constant dense<0.000000e+00> : vector<1024xf32>
    %reduce_sum3A_160 = vector.multi_reduction <add>, %add3A_152, %reduce_sum3A_159 [1] : vector<1024x256xf32> to vector<1024xf32>
    %broadcast_in_dim3A_161 = vector.shape_cast %reduce_sum3A_160 : vector<1024xf32> to vector<1024x1xf32>
    %div3A_162 = arith.constant 2.560000e+02 : f32
    %div3A_163 = vector.broadcast %div3A_162 : f32 to vector<1024x1xf32>
    %div3A_164 = arith.divf %broadcast_in_dim3A_161, %div3A_163 : vector<1024x1xf32>
    %sub3A_165 = vector.broadcast %div3A_164 : vector<1024x1xf32> to vector<1024x256xf32>
    %sub3A_166 = arith.subf %add3A_152, %sub3A_165 : vector<1024x256xf32>
    %integer_pow3A_167 = arith.mulf %sub3A_166, %sub3A_166 : vector<1024x256xf32>
    %reduce_sum3A_168 = arith.constant dense<0.000000e+00> : vector<1024xf32>
    %reduce_sum3A_169 = vector.multi_reduction <add>, %integer_pow3A_167, %reduce_sum3A_168 [1] : vector<1024x256xf32> to vector<1024xf32>
    %broadcast_in_dim3A_170 = vector.shape_cast %reduce_sum3A_169 : vector<1024xf32> to vector<1024x1xf32>
    %div3A_171 = arith.constant 2.560000e+02 : f32
    %div3A_172 = vector.broadcast %div3A_171 : f32 to vector<1024x1xf32>
    %div3A_173 = arith.divf %broadcast_in_dim3A_170, %div3A_172 : vector<1024x1xf32>
    %sub3A_174 = vector.broadcast %div3A_164 : vector<1024x1xf32> to vector<1024x256xf32>
    %sub3A_175 = arith.subf %add3A_152, %sub3A_174 : vector<1024x256xf32>
    %add3A_176 = arith.constant 9.99999974E-6 : f32
    %add3A_177 = vector.broadcast %add3A_176 : f32 to vector<1024x1xf32>
    %add3A_178 = arith.addf %div3A_173, %add3A_177 : vector<1024x1xf32>
    %rsqrt3A_179 = math.rsqrt %add3A_178 : vector<1024x1xf32>
    %mul3A_180 = vector.broadcast %rsqrt3A_179 : vector<1024x1xf32> to vector<1024x256xf32>
    %mul3A_181 = arith.mulf %sub3A_175, %mul3A_180 : vector<1024x256xf32>
    %mul3A_182 = vector.broadcast %get3A_155 : vector<1x256xf32> to vector<1024x256xf32>
    %mul3A_183 = arith.mulf %mul3A_181, %mul3A_182 : vector<1024x256xf32>
    %add3A_184 = vector.broadcast %get3A_158 : vector<1x256xf32> to vector<1024x256xf32>
    %add3A_185 = arith.addf %mul3A_183, %add3A_184 : vector<1024x256xf32>
    %swap3A = arith.constant 0 : index
    %swap3A_186 = arith.constant 0 : index
    %swap3A_187 = vector.load %arg12[%swap3A, %swap3A_186] : memref<1024x256xf32, #tpu.memory_space<vmem>>, vector<1024x256xf32>
    tpu.vector_store %arg12[%swap3A, %swap3A_186], %add3A_185 {strides = array<i32>} : memref<1024x256xf32, #tpu.memory_space<vmem>>, vector<1024x256xf32>,
    return
  }
  func.func @transform_0(%arg0: i32) -> (i32, i32) {
    %c0_i32 = arith.constant 0 : i32
    %c0_i32_0 = arith.constant 0 : i32
    return %c0_i32, %arg0 : i32, i32
  }
  func.func @transform_1(%arg0: i32) -> (i32, i32, i32) {
    %c0_i32 = arith.constant 0 : i32
    %c0_i32_0 = arith.constant 0 : i32
    %c0_i32_1 = arith.constant 0 : i32
    return %c0_i32, %c0_i32_0, %arg0 : i32, i32, i32
  }
  func.func @transform_2(%arg0: i32) -> (i32, i32) {
    %c0_i32 = arith.constant 0 : i32
    %c0_i32_0 = arith.constant 0 : i32
    %c0_i32_1 = arith.constant 0 : i32
    return %c0_i32, %c0_i32_0 : i32, i32
  }
  func.func @transform_3(%arg0: i32) -> (i32, i32) {
    %c0_i32 = arith.constant 0 : i32
    %c0_i32_0 = arith.constant 0 : i32
    %c0_i32_1 = arith.constant 0 : i32
    return %c0_i32, %c0_i32_0 : i32, i32
  }
  func.func @transform_4(%arg0: i32) -> (i32, i32) {
    %c0_i32 = arith.constant 0 : i32
    %c0_i32_0 = arith.constant 0 : i32
    %c0_i32_1 = arith.constant 0 : i32
    return %c0_i32, %c0_i32_0 : i32, i32
  }
  func.func @transform_5(%arg0: i32) -> (i32, i32) {
    %c0_i32 = arith.constant 0 : i32
    %c0_i32_0 = arith.constant 0 : i32
    %c0_i32_1 = arith.constant 0 : i32
    return %c0_i32, %c0_i32_0 : i32, i32
  }
  func.func @transform_6(%arg0: i32) -> (i32, i32) {
    %c0_i32 = arith.constant 0 : i32
    %c0_i32_0 = arith.constant 0 : i32
    %c0_i32_1 = arith.constant 0 : i32
    return %c0_i32, %c0_i32_0 : i32, i32
  }
  func.func @transform_7(%arg0: i32) -> (i32, i32) {
    %c0_i32 = arith.constant 0 : i32
    %c0_i32_0 = arith.constant 0 : i32
    %c0_i32_1 = arith.constant 0 : i32
    return %c0_i32, %c0_i32_0 : i32, i32
  }
  func.func @transform_8(%arg0: i32) -> (i32, i32) {
    %c0_i32 = arith.constant 0 : i32
    %c0_i32_0 = arith.constant 0 : i32
    %c0_i32_1 = arith.constant 0 : i32
    return %c0_i32, %c0_i32_0 : i32, i32
  }
  func.func @transform_9(%arg0: i32) -> (i32, i32) {
    %c0_i32 = arith.constant 0 : i32
    %c0_i32_0 = arith.constant 0 : i32
    %c0_i32_1 = arith.constant 0 : i32
    return %c0_i32, %c0_i32_0 : i32, i32
  }
  func.func @transform_10(%arg0: i32) -> (i32, i32) {
    %c0_i32 = arith.constant 0 : i32
    %c0_i32_0 = arith.constant 0 : i32
    %c0_i32_1 = arith.constant 0 : i32
    return %c0_i32, %c0_i32_0 : i32, i32
  }
  func.func @transform_11(%arg0: i32) -> (i32, i32) {
    %c0_i32 = arith.constant 0 : i32
    %c0_i32_0 = arith.constant 0 : i32
    return %arg0, %c0_i32 : i32, i32
  }
}

</mosaic_0001>

<sc_bundles>
// kernel: kernel.10.cloned.1.call-start
scs
__scs_entry_jumppad:
0x0: {  	(pc) =	sbr.rel $0x88, $3  }
0x1: {  	(tag) =	ssettag $0x0;
	lr =	simm.s32 $0x1  }
0x2: {  	[smem:$0x3F91] =	sst lr;
	_ =	strace $0xD0000000  }
0x3: {  	_ = 	snop  }
0x4: {  	_ = 	snop  }
0x5: {  	_ = 	snop  }
0x6: {  	_ = 	snop  }
0x7: {  	_ = 	snop  }
__scs_overlays_trampoline_lowered:
0x8: {  	[smem:$0x3FA0] =	sst s0  }
0x9: {  	[smem:$0x3FA1] =	sst s1  }
0xa: {  	[smem:$0x3FA2] =	sst s2  }
0xb: {  	[smem:$0x3FA3] =	sst s3  }
0xc: {  	[smem:$0x3FA4] =	sst s4  }
0xd: {  	[smem:$0x3FA5] =	sst s5  }
0xe: {  	[smem:$0x3FA6] =	sst s6  }
0xf: {  	[smem:$0x3FA7] =	sst s7  }
0x10: {  	[smem:$0x3FA8] =	sst s8  }
0x11: {  	[smem:$0x3FA9] =	sst s9;
	s0 =	simm.s32 @!p0 $0x0  }
0x12: {  	s1 =	sld [smem:$0x3F8F];
	s0 =	simm.s32 @p0 $0x1  }
0x13: {  	[smem:$0x3FAA] =	sst s0;
	s0 =	simm.s32 @!p1 $0x0  }
0x14: {  	s2 =	sld [smem:$0x3F8E];
	s0 =	simm.s32 @p1 $0x1  }
0x15: {  	[smem:$0x3FAB] =	sst s0;
	s0 =	simm.s32 @!p2 $0x0  }
0x16: {  	s3 =	sld [smem:$0x3FDB];
	s0 =	simm.s32 @p2 $0x1  }
0x17: {  	s4 =	simm.s32 $0x1BF5;
	[smem:$0x3FAD] =	sst s0  }
0x18: {  	s0 =	sld [smem:$0x3F90];
	_ =	swait.ge [sflag:s4], $0x0  }
0x19: {  	s7 =	sld [smem:$0x3F91]  }
0x1a: {  	s8 =	sadd.s32 $0xFFFFE003, lr  }
0x1b: {  	s9 =	sadd.s32 $0xFFFFFEF7, lr;
	s5 =	simm.s32 $0xFFFFFFFF;
	p2 =	slt.u32 s8, $0xFFFFF086  }
0x1c: {  	p1 =	slt.u32 s9, $0xF7A;
	s5 =	simm.s32 @!p2 $0x0  }
0x1d: {  	s5 =	simm.s32 @p1 $0x1;
	p0 =	seq.s32 s7, s2  }
0x1e: {  	s7 =	smul.u32 @!p0 $0xF7A, s2;
	p2 =	seq.s32 @!p0 s5, $0x0  }
0x1f: {  	s9 =	smul.u32 $0xF7A, s1;
	s8 =	simm.s32 @!p0 $0x1BF5;
	p2 =	por !p2, p0  }
0x20: {  	[sflag:s8] =	ssyncset.s32 @!p0 $0xFFFFF086;
	s6 =	sadd.s32 @!p0 s3, s7;
	s7 =	simm.s32 @!p0 $0x108  }
0x21: {  	s3 =	sadd.s32 s3, s9;
	s6 =	sadd.s32 @!p0 $0x88, s6;
	s7 =	simm.s32 @p2 $0x1082  }
0x22: {  	[simem:s7], [sflag:s8] =	dma.local @!p0 [hbm:s6], $0xF7A  }
0x23: {  	s9 =	sor.u32 $0xD0000000, s2;
	s6 =	simm.s32 $0x108;
	_ =	swait.ge @!p0 [sflag:s8], $0x0  }
0x24: {  	s3 =	sadd.s32 $0x88, s3;
	s6 =	simm.s32 @!p1 $0x1082;
	[sflag:s4] =	ssyncset.s32 $0xFFFFF086  }
0x25: {  	[simem:s6], [sflag:s4] =	dma.local [hbm:s3], $0xF7A  }
0x26: {  	[smem:$0x3F91] =	sst s1;
	(tag) =	ssettag s2;
	_ =	strace s9  }
0x27: {  	s1 =	sld [smem:$0x3FA1]  }
0x28: {  	s2 =	sld [smem:$0x3FA2]  }
0x29: {  	s4 =	sld [smem:$0x3FA4]  }
0x2a: {  	p0 =	seq.s32 s5, $0x0;
	s5 =	sld [smem:$0x3FA5]  }
0x2b: {  	s6 =	sld [smem:$0x3FA6]  }
0x2c: {  	s7 =	sld [smem:$0x3FA7]  }
0x2d: {  	s3 =	simm.s32 $0x108;
	s8 =	sld [smem:$0x3FA8]  }
0x2e: {  	s3 =	simm.s32 @!p0 $0x1082;
	s9 =	sld [smem:$0x3FA9]  }
0x2f: {  	lr =	sadd.s32 s0, s3;
	s0 =	sld [smem:$0x3FA0]  }
0x30: {  	s3 =	sld [smem:$0x3FA3]  }
0x31: {  	[smem:$0x3FAC] =	sst s10  }
0x32: {  	s10 =	sld [smem:$0x3FAA];
	_ =	sdelay $0x3  }
0x33: {  	p0 =	seq.s32 s10, $0x1;
	s10 =	sld [smem:$0x3FAC];
	_ =	sdelay $0x3  }
0x34: {  	[smem:$0x3FAC] =	sst s10  }
0x35: {  	s10 =	sld [smem:$0x3FAB];
	_ =	sdelay $0x3  }
0x36: {  	p1 =	seq.s32 s10, $0x1;
	s10 =	sld [smem:$0x3FAC];
	_ =	sdelay $0x3  }
0x37: {  	[smem:$0x3FAC] =	sst s10  }
0x38: {  	s10 =	sld [smem:$0x3FAD]  }
0x39: {  	_ = 	snop;
	(pc) =	sbr.ind lr, $3  }
0x3a: {  	_ = 	snop  }
0x3b: {  	_ = 	snop  }
0x3c: {  	p2 =	seq.s32 s10, $0x1;
	s10 =	sld [smem:$0x3FAC]  }
0x3d: {  	_ =	shalt  }
0x3e: {  	_ =	shalt  }
0x3f: {  	_ =	shalt  }
0x40: {  	_ =	shalt  }
0x41: {  	_ =	shalt  }
0x42: {  	_ =	shalt  }
0x43: {  	_ =	shalt  }
0x44: {  	_ =	shalt  }
0x45: {  	_ =	shalt  }
0x46: {  	_ =	shalt  }
0x47: {  	_ =	shalt  }
0x48: {  	_ =	shalt  }
0x49: {  	_ =	shalt  }
0x4a: {  	_ =	shalt  }
0x4b: {  	_ =	shalt  }
0x4c: {  	_ =	shalt  }
0x4d: {  	_ =	shalt  }
0x4e: {  	_ =	shalt  }
0x4f: {  	_ =	shalt  }
0x50: {  	_ =	shalt  }
0x51: {  	_ =	shalt  }
0x52: {  	_ =	shalt  }
0x53: {  	_ =	shalt  }
0x54: {  	_ =	shalt  }
0x55: {  	_ =	shalt  }
0x56: {  	_ =	shalt  }
0x57: {  	_ =	shalt  }
0x58: {  	_ =	shalt  }
0x59: {  	_ =	shalt  }
0x5a: {  	_ =	shalt  }
0x5b: {  	_ =	shalt  }
0x5c: {  	_ =	shalt  }
0x5d: {  	_ =	shalt  }
0x5e: {  	_ =	shalt  }
0x5f: {  	_ =	shalt  }
0x60: {  	_ =	shalt  }
0x61: {  	_ =	shalt  }
0x62: {  	_ =	shalt  }
0x63: {  	_ =	shalt  }
0x64: {  	_ =	shalt  }
0x65: {  	_ =	shalt  }
0x66: {  	_ =	shalt  }
0x67: {  	_ =	shalt  }
0x68: {  	_ =	shalt  }
0x69: {  	_ =	shalt  }
0x6a: {  	_ =	shalt  }
0x6b: {  	_ =	shalt  }
0x6c: {  	_ =	shalt  }
0x6d: {  	_ =	shalt  }
0x6e: {  	_ =	shalt  }
0x6f: {  	_ =	shalt  }
0x70: {  	_ =	shalt  }
0x71: {  	_ =	shalt  }
0x72: {  	_ =	shalt  }
0x73: {  	_ =	shalt  }
0x74: {  	_ =	shalt  }
0x75: {  	_ =	shalt  }
0x76: {  	_ =	shalt  }
0x77: {  	_ =	shalt  }
0x78: {  	_ =	shalt  }
0x79: {  	_ =	shalt  }
0x7a: {  	_ =	shalt  }
0x7b: {  	_ =	shalt  }
0x7c: {  	_ =	shalt  }
0x7d: {  	_ =	shalt  }
0x7e: {  	_ =	shalt  }
0x7f: {  	_ =	shalt  }
0x80: {  	_ =	shalt  }
0x81: {  	_ =	shalt  }
0x82: {  	_ =	shalt  }
0x83: {  	_ =	shalt  }
0x84: {  	_ =	shalt  }
0x85: {  	_ =	shalt  }
0x86: {  	_ =	shalt  }
0x87: {  	_ =	shalt  }
.Lfunc_end0:
.L_simem_size_0:
called_computation.1_lowered:
.L_overlay_start_0:
0x88: {  	s2 =	sld [smem:$0x3FD9]  }
0x89: {  	s3 =	sld [smem:$0x3FFE];
	_ =	sdelay $0x1  }
0x8a: {  	s1 =	srdreg.scid  }
0x8b: {  	s0 =	sand.u32 $0x1, s1  }
0x8c: {  	s17 =	sshll.u32 s0, $0xA;
	s2 =	sadd.s32 s3, s2  }
0x8d: {  	s2 =	sadd.s32 s2, s17  }
0x8e: {  	[smem:$0x3FB8] =	sst s2  }
0x8f: {  	_ = 	snop  }
0x90: {  	s2 =	sld [smem:$0x3FD0];
	(tm) =	ssettm $0x1  }
0x91: {  	s18 =	sld [smem:$0x3FFB];
	_ =	sdelay $0x3  }
0x92: {  	_ =	strace s18  }
0x93: {  	s3 =	sld [smem:$0x3FFC];
	_ =	sdelay $0x3  }
0x94: {  	_ =	strace s3  }
0x95: {  	s3 =	sld [smem:$0x3FFD];
	_ =	sdelay $0x3  }
0x96: {  	_ =	strace s3  }
0x97: {  	_ =	strace $0x8FFFFFFF  }
0x98: {  	s19 =	sld [smem:$0x3FDB];
	_ =	sdelay $0x1  }
0x99: {  	s4 =	simm.s32 $_scs_section_size  }
0x9a: {  	s5 =	simm.s32 $_size__tile_overlayer_lowered;
	s6 =	simm.s32 $_tile_overlayer_lowered  }
0x9b: {  	s22 =	simm.s32 $0x1BFF;
	s21 =	sshll.u32 s6, $0x1;
	s3 =	sadd.s32 s4, s19  }
0x9c: {  	s7 =	simm.s32 $0x0;
	s20 =	sshll.u32 s5, $0x1;
	s5 =	sadd.s32 s21, s3  }
0x9d: {  	[timem:s7], [sflag:s22] =	dma.local [hbm:s5], s20  }
0x9e: {  	_ =	swait.ge [sflag:s22], s20  }
0x9f: {  	s4 =	ssub.s32 $0x0, s20;
	[sflag:s22] =	ssyncset.done $0x0  }
0xa0: {  	[sflag:s22] =	ssyncadd.s32 s4;
	_ =	sdelay $0x1  }
0xa1: {  	s23 =	simm.s32 $0x1B8B  }
0xa2: {  	_ =	swait.ge [sflag:s23], $0x1  }
0xa3: {  	[sflag:s23] =	ssyncset.done $0x0  }
0xa4: {  	s25 =	simm.s32 $0x1B8E;
	s24 =	sld [smem:$0x3FFE];
	[sflag:s23] =	ssyncadd.s32 $0xFFFFFFFF  }
0xa5: {  	s26 =	simm.s32 $execute0_lowered;
	[smem:$0x3FD2] =	sst s25  }
0xa6: {  	s5 =	sshll.u32 s26, $0x1;
	_ =	strace $0x80000049;
	[dreg:$0x1] =	wrdreg $0xFFFFFFFF  }
0xa7: {  	s28 =	simm.s32 $_size_execute0_lowered;
	s3 =	sadd.s32 s3, s5;
	[dreg:$0x0] =	wrdreg $0x0  }
0xa8: {  	s5 =	sshll.u32 s28, $0x1;
	[dreg:$0x2] =	wrdreg s3  }
0xa9: {  	[dreg:$0x3] =	wrdreg s5  }
0xaa: {  	[dreg:$0x4] =	wrdreg $0xC0  }
0xab: {  	_ =	task [dreg:s7], $0x5FFFF  }
0xac: {  	[dreg:$0x1] =	wrdreg $0xFFFFFFFF  }
0xad: {  	[dreg:$0x0] =	wrdreg $0x60  }
0xae: {  	[dreg:$0x2] =	wrdreg s24  }
0xaf: {  	[dreg:$0x3] =	wrdreg s2  }
0xb0: {  	[dreg:$0x4] =	wrdreg $0x9  }
0xb1: {  	_ =	task.clear_ibuf [dreg:s7], $0x5FFFF;
	_ =	strace $0x90000049  }
0xb2: {  	s29 =	simm.s32 $0x9;
	_ =	strace $0x8000004B  }
0xb3: {  	_ =	swait.ge [sflag:s29], $0x1  }
0xb4: {  	[sflag:s29] =	ssyncadd.s32 $0xFFFFFFFF  }
0xb5: {  	_ =	strace $0x9000004B  }
0xb6: {  	_ =	sfence  }
0xb7: {  	s30 =	sld [smem:$0x0];
	_ =	sdelay $0x2  }
0xb8: {  	s31 =	sshll.u32 s1, $0xD;
	s1 =	sshrl.u32 s1, $0x2  }
0xb9: {  	s3 =	sand.u32 $0x4000, s31;
	s1 =	sadd.s32 s1, s30  }
0xba: {  	s0 =	sor.u32 s3, s0;
	s1 =	sshll.u32 s1, $0x11  }
0xbb: {  	s0 =	sor.u32 s1, s0  }
0xbc: {  	s0 =	sadd.s32 $0x8F2B, s0  }
0xbd: {  	[sflag:s0] =	ssyncadd.remote.s32 $0x1  }
0xbe: {  	_ =	sfence.sel $0xFFFF  }
0xbf: {  	[dreg:$0x0] =	wrdreg $0xFFFFFFFF;
	(pc) =	sbr.abs _section_cstart, $3  }
0xc0: {  	[dreg:$0x1] =	wrdreg $0xFFFFFFFF  }
0xc1: {  	_ =	task.clear_ibuf [dreg:s7], $0x2FFFF;
	_ =	strace $0x9FFFFFFF  }
0xc2: {  	(tm) =	ssettm $0x7FFFFFFF  }
0xc3: {  	_ =	shalt  }
tec
execute0_lowered:
.L_overlay_start_1:
0x0: {  	(tag) =	ssettag $0x1  }
0x1: {  	s0 =	rddreg [dreg:$0x0];
	s1 =	srdreg.scid  }
0x2: {  	s3 =	simm.s32 $0x0;
	s15 =	stileid.u32;
	s9 =	simm.s32 $0x1  }
0x3: {  	s13 =	simm.s32 $0x1;
	s1 =	sand.u32 $0x1, s1;
	[smem:$0x7FF] =	sst s3  }
0x4: {  	s5 =	sand.u32 $0x1, s15;
	s4 =	sadd.s32 $0x7DF000, s0;
	s22 =	sadd.s32 $0x9000, s0  }
0x5: {  	s6 =	sadd.s32 $0x4000, s0;
	s11 =	sshrl.u32 s15, $0x1;
	s31 =	smul.u32 $0x14000, s15  }
0x6: {  	s2 =	sshll.u32 s1, $0x4;
	_ =	strace $0x8000004A;
	p0 =	seq.s32 s5, $0x1  }
0x7: {  	s10 =	ssub.s32 $0x2, s1;
	[dreg:$0x3] =	wrdreg s22;
	s2 =	sor.u32 s15, s2  }
0x8: {  	s5 =	simm.s32 $0x4800;
	s12 =	sshrl.u32 s10, $0x1;
	p1 =	seq.s32 s2, $0x0  }
0x9: {  	[dreg:$0x8] =	wrdreg s31;
	s7 =	smul.u32 $0x140000, s2;
	p1 =	por !p1, !p0  }
0xa: {  	s24 =	ssub.s32 s10, s12;
	s10 =	simm.s32 $0x140000;
	p1 =	por !p1, !p1  }
0xb: {  	s8 =	smul.u32 $0x14000, s2;
	s10 =	simm.s32 @!p0 $0x0;
	s9 =	simm.s32 @!p1 $0x0  }
0xc: {  	p0 =	sne.s32 s1, $0x0;
	s25 =	sshrl.u32 s7, $0x3;
	s23 =	ssub.s32 s11, s9  }
0xd: {  	s1 =	simm.s32 $0x0;
	s12 =	sadd.s32 s4, s25;
	s11 =	smul.u32 $0x5000, s23  }
0xe: {  	s25 =	simm.s32 $0x3;
	s9 =	sadd.s32 $0x59000, s0;
	s14 =	smul.u32 $0x28000, s23  }
0xf: {  	[dreg:$0x4] =	wrdreg s12;
	s0 =	smax.u32 s24, $0x1;
	s26 =	smul.u32 $0xA, s23  }
.Ltmp0:
0x10: {  	s24 =	simm.s32 $0x1D000;
	[dreg:$0x9] =	wrdreg s0;
	(pc) =	sbr.rel .LBB2_1-.Ltmp0, $4  }
0x11: {  	s23 =	simm.s32 $0x2;
	s28 =	sshrl.u32 s11, $0x3;
	s29 =	sadd.s32 s10, s14  }
0x12: {  	[dreg:$0x5] =	wrdreg s26;
	s2 =	sadd.s32 s6, s28;
	s30 =	sshrl.u32 s29, $0x3  }
0x13: {  	s14 =	sadd.s32 $0xA, s26;
	[dreg:$0x6] =	wrdreg s2;
	s2 =	sadd.s32 s22, s30  }
0x14: {  	v0 =	vimm.f32 $0.0e+00;
	s11 =	simm.s32 $0x5000;
	s22 =	simm.s32 $0x9000;
	[dreg:$0x7] =	wrdreg s2  }
.LBB2_27:
0x15: {  	s1 =	rddreg [dreg:$0xa]  }
0x16: {  	s0 =	rddreg [dreg:$0x9];
	s1 =	sadd.s32 $0x1, s1  }
0x17: {  	p1 =	sne.s32 s1, s0  }
.Ltmp1:
0x18: {  	_ = 	snop;
	(pc) =	sbr.rel @!p1 .LBB2_28-.Ltmp1, $2  }
0x19: {  	_ =	sdelay $0x2  }
0x1a: {  	s5 =	simm.s32 $0x4800;
	s11 =	simm.s32 $0x5000  }
.LBB2_1:
0x1b: {  	[dreg:$0xa] =	wrdreg s1;
	s0 =	simm.s32 $0x40;
	s1 =	simm.s32 $0x0  }
.LBB2_2:
0x1c: {  	p1 =	sne.s32 s0, $0x4FFC0;
	[tilespmem:s1+$0x9000] =	vst v0;
	s1 =	smov.u32 s0;
	s0 =	sadd.s32 $0x40, s0  }
.Ltmp2:
0x1d: {  	(pc) =	sbr.rel @p1 .LBB2_2-.Ltmp2, $2  }
0x1e: {  	_ =	sdelay $0x2  }
0x1f: {  	s1 =	sshra.s32 s1, $0x2  }
0x20: {  	[tilespmem:s1+$0x9000] =	vst v0;
	s28 =	simm.s32 $0x0  }
0x21: {  	[tilespmem:s28], [sflag:$0x1] =	stream.linear.gather [hbm4b:s6+s28], $0x800, $0x38;
	[tilespmem:$0x1F000] =	vst v63  }
0x22: {  	s0 =	rddreg [dreg:$0x4];
	s31 =	simm.s32 $0x800  }
0x23: {  	[tilespmem:s31], [sflag:$0x1] =	stream.linear.gather [hbm4b:s0+s28], $0x4000, $0x38;
	[tilespmem:$0x1F000] =	vst v63  }
.LBB2_4:
0x24: {  	s29 =	sshll.u32 s28, $0x5  }
0x25: {  	s0 =	sor.u32 $0x10, s29  }
0x26: {  	s1 =	sshll.u32 s0, $0x4;
	s0 =	sshll.u32 s0, $0xA  }
0x27: {  	s1 =	sadd.s32 s6, s1;
	s0 =	sadd.s32 s7, s0  }
0x28: {  	[tilespmem:s5], [sflag:$0x2] =	stream.linear.gather [hbm4b:s1+s3], $0x800, $0x38;
	[tilespmem:$0x1F000] =	vst v63  }
0x29: {  	s0 =	sshrl.u32 s0, $0x3  }
0x2a: {  	s0 =	sadd.s32 s4, s0  }
0x2b: {  	[tilespmem:s11], [sflag:$0x2] =	stream.linear.gather [hbm4b:s0+s3], $0x4000, $0x38;
	[tilespmem:$0x1F000] =	vst v63  }
0x2c: {  	_ =	swait.ge [sflag:s13], $0x800  }
0x2d: {  	[sflag:s13] =	ssyncset.done $0x0  }
0x2e: {  	[sflag:s13] =	ssyncadd.s32 $0xFFFFF800  }
0x2f: {  	_ =	swait.ge [sflag:s13], $0x4000  }
0x30: {  	[sflag:s13] =	ssyncset.done $0x0  }
0x31: {  	s26 =	simm.s32 $0x40;
	[sflag:s13] =	ssyncadd.s32 $0xFFFFC000  }
0x32: {  	v8 =	vld [tilespmem:s26+$0x30]  }
0x33: {  	v4 =	vld [tilespmem:s26+$0xFFFFFFD0]  }
0x34: {  	s30 =	simm.s32 $0xA00;
	v5 =	vld [tilespmem:s26+$0xFFFFFFE0]  }
0x35: {  	v7 =	vld [tilespmem:s30+$0xFFFFFE70]  }
0x36: {  	v6 =	vld [tilespmem:s26+$0xFFFFFFF0]  }
0x37: {  	v3 =	vld [tilespmem:s26+$0x0]  }
0x38: {  	v2 =	vld [tilespmem:s26+$0x10]  }
0x39: {  	v1 =	vld [tilespmem:s26+$0x20]  }
0x3a: {  	v11 =	vld [tilespmem:s30+$0xFFFFFE00]  }
0x3b: {  	v12 =	vld [tilespmem:s30+$0xFFFFFE10]  }
0x3c: {  	v13 =	vld [tilespmem:s30+$0xFFFFFE20]  }
0x3d: {  	v14 =	vld [tilespmem:s30+$0xFFFFFE30]  }
0x3e: {  	v15 =	vld [tilespmem:s30+$0xFFFFFE40]  }
0x3f: {  	v16 =	vld [tilespmem:s30+$0xFFFFFE50]  }
0x40: {  	v17 =	vld [tilespmem:s30+$0xFFFFFE60]  }
0x41: {  	[tilespmem:v8+s22+$0x0] =	vst.idx.add.f32.msk $0xffff, v7  }
0x42: {  	v7 =	vld [tilespmem:s26+$0xFFFFFFC0]  }
0x43: {  	[tilespmem:v4+s22+$0x0] =	vst.idx.add.f32.msk $0xffff, v12  }
0x44: {  	[tilespmem:v5+s22+$0x0] =	vst.idx.add.f32.msk $0xffff, v13  }
0x45: {  	[tilespmem:v6+s22+$0x0] =	vst.idx.add.f32.msk $0xffff, v14  }
0x46: {  	[tilespmem:v3+s22+$0x0] =	vst.idx.add.f32.msk $0xffff, v15  }
0x47: {  	[tilespmem:v2+s22+$0x0] =	vst.idx.add.f32.msk $0xffff, v16  }
0x48: {  	[tilespmem:v1+s22+$0x0] =	vst.idx.add.f32.msk $0xffff, v17  }
0x49: {  	v9 =	vld [tilespmem:s30+$0xFFFFFEF0]  }
0x4a: {  	v12 =	vld [tilespmem:s30+$0xFFFFFE90]  }
0x4b: {  	v10 =	vadd.s32 $0x2800, v8;
	v13 =	vld [tilespmem:s30+$0xFFFFFEA0]  }
0x4c: {  	v47 =	vadd.s32 $0x2800, v4;
	v14 =	vld [tilespmem:s30+$0xFFFFFEB0]  }
0x4d: {  	v19 =	vadd.s32 $0x2800, v5;
	v46 =	vld [tilespmem:s30+$0xFFFFFEC0]  }
0x4e: {  	v21 =	vadd.s32 $0x2800, v6;
	v18 =	vld [tilespmem:s30+$0xFFFFFED0]  }
0x4f: {  	v49 =	vadd.s32 $0x2800, v3;
	v20 =	vld [tilespmem:s30+$0xFFFFFEE0]  }
0x50: {  	v50 =	vadd.s32 $0x2800, v2;
	[tilespmem:v10+s22+$0x0] =	vst.idx.add.f32.msk $0xffff, v9  }
0x51: {  	v51 =	vadd.s32 $0x2800, v1;
	[tilespmem:v47+s22+$0x0] =	vst.idx.add.f32.msk $0xffff, v12  }
0x52: {  	[tilespmem:v19+s22+$0x0] =	vst.idx.add.f32.msk $0xffff, v13  }
0x53: {  	[tilespmem:v21+s22+$0x0] =	vst.idx.add.f32.msk $0xffff, v14  }
0x54: {  	[tilespmem:v49+s22+$0x0] =	vst.idx.add.f32.msk $0xffff, v46  }
0x55: {  	[tilespmem:v50+s22+$0x0] =	vst.idx.add.f32.msk $0xffff, v18  }
0x56: {  	[tilespmem:v51+s22+$0x0] =	vst.idx.add.f32.msk $0xffff, v20  }
0x57: {  	v9 =	vld [tilespmem:s30+$0xFFFFFF70]  }
0x58: {  	v53 =	vld [tilespmem:s30+$0xFFFFFF10]  }
0x59: {  	v55 =	vld [tilespmem:s30+$0xFFFFFF20]  }
0x5a: {  	v57 =	vld [tilespmem:s30+$0xFFFFFF30]  }
0x5b: {  	v41 =	vadd.s32 $0x5000, v8;
	v59 =	vld [tilespmem:s30+$0xFFFFFF40]  }
0x5c: {  	v56 =	vadd.s32 $0x5000, v4;
	v61 =	vld [tilespmem:s30+$0xFFFFFF50]  }
0x5d: {  	v58 =	vadd.s32 $0x5000, v5;
	v63 =	vld [tilespmem:s30+$0xFFFFFF60]  }
0x5e: {  	v60 =	vadd.s32 $0x5000, v6;
	[tilespmem:v7+s22+$0x0] =	vst.idx.add.f32.msk $0xffff, v11  }
0x5f: {  	v62 =	vadd.s32 $0x5000, v3;
	v11 =	vld [tilespmem:s30+$0xFFFFFE80]  }
0x60: {  	v24 =	vadd.s32 $0x5000, v2;
	[tilespmem:v41+s22+$0x0] =	vst.idx.add.f32.msk $0xffff, v9  }
0x61: {  	v25 =	vadd.s32 $0x5000, v1;
	[tilespmem:v56+s22+$0x0] =	vst.idx.add.f32.msk $0xffff, v53  }
0x62: {  	[tilespmem:v58+s22+$0x0] =	vst.idx.add.f32.msk $0xffff, v55  }
0x63: {  	[tilespmem:v60+s22+$0x0] =	vst.idx.add.f32.msk $0xffff, v57  }
0x64: {  	[tilespmem:v62+s22+$0x0] =	vst.idx.add.f32.msk $0xffff, v59  }
0x65: {  	[tilespmem:v24+s22+$0x0] =	vst.idx.add.f32.msk $0xffff, v61  }
0x66: {  	[tilespmem:v25+s22+$0x0] =	vst.idx.add.f32.msk $0xffff, v63  }
0x67: {  	v45 =	vadd.s32 $0x2800, v7;
	v9 =	vld [tilespmem:s30+$0xFFFFFFF0]  }
0x68: {  	v13 =	vld [tilespmem:s30+$0xFFFFFFB0]  }
0x69: {  	v15 =	vld [tilespmem:s30+$0xFFFFFFC0]  }
0x6a: {  	v42 =	vadd.s32 $0x7800, v8;
	v17 =	vld [tilespmem:s30+$0xFFFFFFD0]  }
0x6b: {  	v30 =	vadd.s32 $0x7800, v6;
	v19 =	vld [tilespmem:s30+$0xFFFFFFE0]  }
0x6c: {  	v31 =	vadd.s32 $0x7800, v3;
	[tilespmem:v45+s22+$0x0] =	vst.idx.add.f32.msk $0xffff, v11  }
0x6d: {  	v32 =	vadd.s32 $0x7800, v2;
	v11 =	vld [tilespmem:s30+$0xFFFFFFA0]  }
0x6e: {  	v33 =	vadd.s32 $0x7800, v1;
	v52 =	vld [tilespmem:s30+$0xFFFFFF00]  }
0x6f: {  	[tilespmem:v42+s22+$0x0] =	vst.idx.add.f32.msk $0xffff, v9  }
0x70: {  	v29 =	vadd.s32 $0x7800, v5;
	[tilespmem:v30+s22+$0x0] =	vst.idx.add.f32.msk $0xffff, v13  }
0x71: {  	[tilespmem:v31+s22+$0x0] =	vst.idx.add.f32.msk $0xffff, v15  }
0x72: {  	[tilespmem:v32+s22+$0x0] =	vst.idx.add.f32.msk $0xffff, v17  }
0x73: {  	[tilespmem:v33+s22+$0x0] =	vst.idx.add.f32.msk $0xffff, v19  }
0x74: {  	v9 =	vld [tilespmem:s30+$0x70]  }
0x75: {  	v54 =	vadd.s32 $0x5000, v7;
	[tilespmem:v29+s22+$0x0] =	vst.idx.add.f32.msk $0xffff, v11  }
0x76: {  	v13 =	vld [tilespmem:s30+$0x30]  }
0x77: {  	v15 =	vld [tilespmem:s30+$0x40]  }
0x78: {  	v43 =	vadd.s32 $0xA000, v8;
	v17 =	vld [tilespmem:s30+$0x50]  }
0x79: {  	v38 =	vadd.s32 $0xA000, v6;
	v19 =	vld [tilespmem:s30+$0x60]  }
0x7a: {  	v39 =	vadd.s32 $0xA000, v3;
	[tilespmem:v54+s22+$0x0] =	vst.idx.add.f32.msk $0xffff, v52  }
0x7b: {  	v40 =	vadd.s32 $0xA000, v2;
	v11 =	vld [tilespmem:s30+$0x20]  }
0x7c: {  	v41 =	vadd.s32 $0xA000, v1;
	v26 =	vld [tilespmem:s30+$0xFFFFFF80]  }
0x7d: {  	[tilespmem:v43+s22+$0x0] =	vst.idx.add.f32.msk $0xffff, v9  }
0x7e: {  	v37 =	vadd.s32 $0xA000, v5;
	[tilespmem:v38+s22+$0x0] =	vst.idx.add.f32.msk $0xffff, v13  }
0x7f: {  	[tilespmem:v39+s22+$0x0] =	vst.idx.add.f32.msk $0xffff, v15  }
0x80: {  	[tilespmem:v40+s22+$0x0] =	vst.idx.add.f32.msk $0xffff, v17  }
0x81: {  	[tilespmem:v41+s22+$0x0] =	vst.idx.add.f32.msk $0xffff, v19  }
0x82: {  	v9 =	vld [tilespmem:s30+$0xF0]  }
0x83: {  	v27 =	vadd.s32 $0x7800, v7;
	[tilespmem:v37+s22+$0x0] =	vst.idx.add.f32.msk $0xffff, v11  }
0x84: {  	v13 =	vld [tilespmem:s30+$0xB0]  }
0x85: {  	v15 =	vld [tilespmem:s30+$0xC0]  }
0x86: {  	v44 =	vadd.s32 $0xC800, v8;
	v17 =	vld [tilespmem:s30+$0xD0]  }
0x87: {  	v46 =	vadd.s32 $0xC800, v6;
	v19 =	vld [tilespmem:s30+$0xE0]  }
0x88: {  	v47 =	vadd.s32 $0xC800, v3;
	[tilespmem:v27+s22+$0x0] =	vst.idx.add.f32.msk $0xffff, v26  }
0x89: {  	v49 =	vadd.s32 $0xC800, v1;
	v11 =	vld [tilespmem:s30+$0xA0]  }
0x8a: {  	v34 =	vld [tilespmem:s30+$0x0]  }
0x8b: {  	v45 =	vadd.s32 $0xC800, v5;
	[tilespmem:v44+s22+$0x0] =	vst.idx.add.f32.msk $0xffff, v9  }
0x8c: {  	[tilespmem:v46+s22+$0x0] =	vst.idx.add.f32.msk $0xffff, v13  }
0x8d: {  	[tilespmem:v47+s22+$0x0] =	vst.idx.add.f32.msk $0xffff, v15  }
0x8e: {  	[tilespmem:v49+s22+$0x0] =	vst.idx.add.f32.msk $0xffff, v19  }
0x8f: {  	v35 =	vadd.s32 $0xA000, v7;
	v9 =	vld [tilespmem:s30+$0x170]  }
0x90: {  	v48 =	vadd.s32 $0xF000, v8;
	[tilespmem:v45+s22+$0x0] =	vst.idx.add.f32.msk $0xffff, v11  }
0x91: {  	v13 =	vld [tilespmem:s30+$0x130]  }
0x92: {  	v15 =	vld [tilespmem:s30+$0x140]  }
0x93: {  	v19 =	vld [tilespmem:s30+$0x160]  }
0x94: {  	v54 =	vadd.s32 $0xF000, v6;
	[tilespmem:v35+s22+$0x0] =	vst.idx.add.f32.msk $0xffff, v34  }
0x95: {  	v55 =	vadd.s32 $0xF000, v3;
	[tilespmem:v48+s22+$0x0] =	vst.idx.add.f32.msk $0xffff, v9  }
0x96: {  	v8 =	vadd.s32 $0x11800, v8;
	v9 =	vld [tilespmem:s30+$0x1F0]  }
0x97: {  	v11 =	vld [tilespmem:s30+$0x120]  }
0x98: {  	v57 =	vadd.s32 $0xF000, v1;
	v42 =	vld [tilespmem:s30+$0x80]  }
0x99: {  	v53 =	vadd.s32 $0xF000, v5;
	[tilespmem:v54+s22+$0x0] =	vst.idx.add.f32.msk $0xffff, v13  }
0x9a: {  	[tilespmem:v55+s22+$0x0] =	vst.idx.add.f32.msk $0xffff, v15  }
0x9b: {  	[tilespmem:v8+s22+$0x0] =	vst.idx.add.f32.msk $0xffff, v9  }
0x9c: {  	v28 =	vadd.s32 $0x7800, v4;
	v9 =	vld [tilespmem:s30+$0xFFFFFF90]  }
0x9d: {  	[tilespmem:v57+s22+$0x0] =	vst.idx.add.f32.msk $0xffff, v19  }
0x9e: {  	[tilespmem:v53+s22+$0x0] =	vst.idx.add.f32.msk $0xffff, v11  }
0x9f: {  	v43 =	vadd.s32 $0xC800, v7;
	v60 =	vld [tilespmem:s30+$0x1B0]  }
0xa0: {  	v61 =	vld [tilespmem:s30+$0x1C0]  }
0xa1: {  	[tilespmem:v28+s22+$0x0] =	vst.idx.add.f32.msk $0xffff, v9  }
0xa2: {  	v36 =	vadd.s32 $0xA000, v4;
	v9 =	vld [tilespmem:s30+$0x10]  }
0xa3: {  	v63 =	vld [tilespmem:s30+$0x1E0]  }
0xa4: {  	v48 =	vadd.s32 $0xC800, v2;
	[tilespmem:v43+s22+$0x0] =	vst.idx.add.f32.msk $0xffff, v42  }
0xa5: {  	v59 =	vld [tilespmem:s30+$0x1A0]  }
0xa6: {  	v6 =	vadd.s32 $0x11800, v6;
	v50 =	vld [tilespmem:s30+$0x100]  }
0xa7: {  	v3 =	vadd.s32 $0x11800, v3;
	[tilespmem:v36+s22+$0x0] =	vst.idx.add.f32.msk $0xffff, v9  }
0xa8: {  	v44 =	vadd.s32 $0xC800, v4;
	v9 =	vld [tilespmem:s30+$0x90]  }
0xa9: {  	[tilespmem:v48+s22+$0x0] =	vst.idx.add.f32.msk $0xffff, v17  }
0xaa: {  	v51 =	vadd.s32 $0xF000, v7;
	v17 =	vld [tilespmem:s30+$0x150]  }
0xab: {  	[tilespmem:v6+s22+$0x0] =	vst.idx.add.f32.msk $0xffff, v60  }
0xac: {  	v56 =	vadd.s32 $0xF000, v2;
	[tilespmem:v3+s22+$0x0] =	vst.idx.add.f32.msk $0xffff, v61  }
0xad: {  	[tilespmem:v44+s22+$0x0] =	vst.idx.add.f32.msk $0xffff, v9  }
0xae: {  	v52 =	vadd.s32 $0xF000, v4;
	v9 =	vld [tilespmem:s30+$0x110]  }
0xaf: {  	[tilespmem:v51+s22+$0x0] =	vst.idx.add.f32.msk $0xffff, v50  }
0xb0: {  	v1 =	vadd.s32 $0x11800, v1;
	v58 =	vld [tilespmem:s30+$0x180]  }
0xb1: {  	v5 =	vadd.s32 $0x11800, v5;
	[tilespmem:v56+s22+$0x0] =	vst.idx.add.f32.msk $0xffff, v17  }
0xb2: {  	v7 =	vadd.s32 $0x11800, v7;
	v62 =	vld [tilespmem:s30+$0x1D0]  }
0xb3: {  	v2 =	vadd.s32 $0x11800, v2;
	[tilespmem:v52+s22+$0x0] =	vst.idx.add.f32.msk $0xffff, v9  }
0xb4: {  	v4 =	vadd.s32 $0x11800, v4;
	v9 =	vld [tilespmem:s30+$0x190]  }
0xb5: {  	[tilespmem:v1+s22+$0x0] =	vst.idx.add.f32.msk $0xffff, v63  }
0xb6: {  	[tilespmem:v5+s22+$0x0] =	vst.idx.add.f32.msk $0xffff, v59  }
0xb7: {  	[tilespmem:v7+s22+$0x0] =	vst.idx.add.f32.msk $0xffff, v58  }
0xb8: {  	[tilespmem:v2+s22+$0x0] =	vst.idx.add.f32.msk $0xffff, v62  }
0xb9: {  	s31 =	simm.s32 $0x0;
	s0 =	simm.s32 $0xC0;
	[tilespmem:v4+s22+$0x0] =	vst.idx.add.f32.msk $0xffff, v9  }
.LBB2_5:
0xba: {  	v38 =	vld [tilespmem:s0+$0x30];
	s31 =	sadd.s32 $0x8, s31  }
0xbb: {  	v7 =	vld [tilespmem:s0+$0xFFFFFFD0];
	p1 =	slt.u32 s31, $0x78  }
0xbc: {  	s30 =	sadd.s32 $0x400, s30;
	v45 =	vld [tilespmem:s0+$0xFFFFFFE0]  }
0xbd: {  	v2 =	vld [tilespmem:s30+$0xFFFFFE70]  }
0xbe: {  	v46 =	vld [tilespmem:s0+$0xFFFFFFF0]  }
0xbf: {  	v47 =	vld [tilespmem:s0+$0x0]  }
0xc0: {  	v44 =	vadd.s32 $0x2800, v7;
	v35 =	vadd.s32 $0x5000, v7;
	v24 =	vadd.s32 $0x7800, v7;
	v48 =	vld [tilespmem:s0+$0x10]  }
0xc1: {  	v43 =	vadd.s32 $0x2800, v45;
	v36 =	vadd.s32 $0x5000, v45;
	v28 =	vadd.s32 $0x7800, v45;
	v49 =	vld [tilespmem:s0+$0x20]  }
0xc2: {  	v16 =	vadd.s32 $0xA000, v7;
	v1 =	vadd.s32 $0xC800, v7;
	v17 =	vadd.s32 $0xA000, v45;
	[tilespmem:v38+s22+$0x0] =	vst.idx.add.f32.msk $0xffff, v2  }
0xc3: {  	v3 =	vadd.s32 $0x2800, v38;
	v50 =	vadd.s32 $0x2800, v46;
	v37 =	vadd.s32 $0x5000, v46;
	v2 =	vld [tilespmem:s30+$0xFFFFFEF0]  }
0xc4: {  	v30 =	vadd.s32 $0x7800, v46;
	v5 =	vld [tilespmem:s0+$0xFFFFFFC0];
	v51 =	vadd.s32 $0x2800, v47;
	v39 =	vadd.s32 $0x5000, v47  }
0xc5: {  	v31 =	vadd.s32 $0x7800, v47;
	v6 =	vld [tilespmem:s30+$0xFFFFFE00];
	v52 =	vadd.s32 $0x2800, v48;
	v40 =	vadd.s32 $0x5000, v48  }
0xc6: {  	v32 =	vadd.s32 $0x7800, v48;
	v53 =	vld [tilespmem:s30+$0xFFFFFE10];
	v54 =	vadd.s32 $0x2800, v49;
	v41 =	vadd.s32 $0x5000, v49  }
0xc7: {  	v26 =	vadd.s32 $0xA000, v46;
	v25 =	vadd.s32 $0xA000, v47;
	v34 =	vadd.s32 $0x7800, v49;
	v55 =	vld [tilespmem:s30+$0xFFFFFE20]  }
0xc8: {  	v18 =	vadd.s32 $0xC800, v45;
	v29 =	vadd.s32 $0xA000, v48;
	v27 =	vadd.s32 $0xA000, v49;
	[tilespmem:v3+s22+$0x0] =	vst.idx.add.f32.msk $0xffff, v2  }
0xc9: {  	v4 =	vadd.s32 $0x5000, v38;
	v56 =	vadd.s32 $0x2800, v5;
	v57 =	vadd.s32 $0x5000, v5;
	v3 =	vld [tilespmem:s30+$0xFFFFFF70]  }
0xca: {  	v42 =	vadd.s32 $0x7800, v5;
	v33 =	vadd.s32 $0xA000, v5;
	v23 =	vadd.s32 $0xC800, v5;
	v58 =	vld [tilespmem:s30+$0xFFFFFE30]  }
0xcb: {  	v20 =	vadd.s32 $0xC800, v46;
	v21 =	vadd.s32 $0xC800, v47;
	v19 =	vadd.s32 $0xC800, v48;
	v59 =	vld [tilespmem:s30+$0xFFFFFE40]  }
0xcc: {  	v9 =	vadd.s32 $0xF000, v7;
	v22 =	vadd.s32 $0xC800, v49;
	v11 =	vadd.s32 $0xF000, v5;
	v60 =	vld [tilespmem:s30+$0xFFFFFE50]  }
0xcd: {  	v14 =	vadd.s32 $0xF000, v45;
	v12 =	vadd.s32 $0xF000, v46;
	v10 =	vadd.s32 $0xF000, v47;
	v61 =	vld [tilespmem:s30+$0xFFFFFE60]  }
0xce: {  	v15 =	vadd.s32 $0xF000, v48;
	v13 =	vadd.s32 $0xF000, v49;
	v2 =	vadd.s32 $0x11800, v5;
	[tilespmem:v4+s22+$0x0] =	vst.idx.add.f32.msk $0xffff, v3  }
0xcf: {  	v63 =	vadd.s32 $0x7800, v38;
	v4 =	vadd.s32 $0x11800, v7;
	v3 =	vadd.s32 $0x11800, v45;
	v62 =	vld [tilespmem:s30+$0xFFFFFFF0]  }
0xd0: {  	v8 =	vadd.s32 $0x11800, v46;
	[tilespmem:v5+s22+$0x0] =	vst.idx.add.f32.msk $0xffff, v6;
	v6 =	vadd.s32 $0x11800, v47;
	v5 =	vadd.s32 $0x11800, v48  }
0xd1: {  	[tilespmem:v7+s22+$0x0] =	vst.idx.add.f32.msk $0xffff, v53;
	v7 =	vadd.s32 $0x11800, v49  }
0xd2: {  	[tilespmem:v45+s22+$0x0] =	vst.idx.add.f32.msk $0xffff, v55  }
0xd3: {  	[tilespmem:v46+s22+$0x0] =	vst.idx.add.f32.msk $0xffff, v58  }
0xd4: {  	[tilespmem:v63+s22+$0x0] =	vst.idx.add.f32.msk $0xffff, v62  }
0xd5: {  	v46 =	vadd.s32 $0xA000, v38;
	v45 =	vld [tilespmem:s30+$0x70]  }
0xd6: {  	[tilespmem:v47+s22+$0x0] =	vst.idx.add.f32.msk $0xffff, v59  }
0xd7: {  	[tilespmem:v48+s22+$0x0] =	vst.idx.add.f32.msk $0xffff, v60  }
0xd8: {  	[tilespmem:v49+s22+$0x0] =	vst.idx.add.f32.msk $0xffff, v61  }
0xd9: {  	v47 =	vld [tilespmem:s30+$0xFFFFFE80]  }
0xda: {  	[tilespmem:v46+s22+$0x0] =	vst.idx.add.f32.msk $0xffff, v45  }
0xdb: {  	v46 =	vadd.s32 $0xC800, v38;
	v45 =	vld [tilespmem:s30+$0xF0]  }
0xdc: {  	v48 =	vld [tilespmem:s30+$0xFFFFFE90]  }
0xdd: {  	v49 =	vld [tilespmem:s30+$0xFFFFFEA0]  }
0xde: {  	v53 =	vld [tilespmem:s30+$0xFFFFFEB0]  }
0xdf: {  	v55 =	vld [tilespmem:s30+$0xFFFFFEC0]  }
0xe0: {  	[tilespmem:v46+s22+$0x0] =	vst.idx.add.f32.msk $0xffff, v45  }
0xe1: {  	v46 =	vadd.s32 $0xF000, v38;
	v45 =	vld [tilespmem:s30+$0x170]  }
0xe2: {  	v58 =	vld [tilespmem:s30+$0xFFFFFED0]  }
0xe3: {  	v59 =	vld [tilespmem:s30+$0xFFFFFEE0]  }
0xe4: {  	[tilespmem:v56+s22+$0x0] =	vst.idx.add.f32.msk $0xffff, v47  }
0xe5: {  	[tilespmem:v44+s22+$0x0] =	vst.idx.add.f32.msk $0xffff, v48  }
0xe6: {  	[tilespmem:v46+s22+$0x0] =	vst.idx.add.f32.msk $0xffff, v45  }
0xe7: {  	v38 =	vadd.s32 $0x11800, v38;
	v44 =	vld [tilespmem:s30+$0x1F0]  }
0xe8: {  	[tilespmem:v43+s22+$0x0] =	vst.idx.add.f32.msk $0xffff, v49  }
0xe9: {  	[tilespmem:v50+s22+$0x0] =	vst.idx.add.f32.msk $0xffff, v53  }
0xea: {  	[tilespmem:v51+s22+$0x0] =	vst.idx.add.f32.msk $0xffff, v55  }
0xeb: {  	[tilespmem:v52+s22+$0x0] =	vst.idx.add.f32.msk $0xffff, v58  }
0xec: {  	[tilespmem:v38+s22+$0x0] =	vst.idx.add.f32.msk $0xffff, v44  }
0xed: {  	[tilespmem:v54+s22+$0x0] =	vst.idx.add.f32.msk $0xffff, v59  }
0xee: {  	v38 =	vld [tilespmem:s30+$0xFFFFFF00]  }
0xef: {  	v43 =	vld [tilespmem:s30+$0xFFFFFF10]  }
0xf0: {  	v44 =	vld [tilespmem:s30+$0xFFFFFF20]  }
0xf1: {  	v45 =	vld [tilespmem:s30+$0xFFFFFF30]  }
0xf2: {  	v46 =	vld [tilespmem:s30+$0xFFFFFF40]  }
0xf3: {  	v47 =	vld [tilespmem:s30+$0xFFFFFF50]  }
0xf4: {  	v48 =	vld [tilespmem:s30+$0xFFFFFF60]  }
0xf5: {  	[tilespmem:v57+s22+$0x0] =	vst.idx.add.f32.msk $0xffff, v38  }
0xf6: {  	[tilespmem:v35+s22+$0x0] =	vst.idx.add.f32.msk $0xffff, v43  }
0xf7: {  	[tilespmem:v36+s22+$0x0] =	vst.idx.add.f32.msk $0xffff, v44  }
0xf8: {  	[tilespmem:v37+s22+$0x0] =	vst.idx.add.f32.msk $0xffff, v45  }
0xf9: {  	[tilespmem:v39+s22+$0x0] =	vst.idx.add.f32.msk $0xffff, v46  }
0xfa: {  	[tilespmem:v40+s22+$0x0] =	vst.idx.add.f32.msk $0xffff, v47  }
0xfb: {  	[tilespmem:v41+s22+$0x0] =	vst.idx.add.f32.msk $0xffff, v48  }
0xfc: {  	v35 =	vld [tilespmem:s30+$0xFFFFFF80]  }
0xfd: {  	v36 =	vld [tilespmem:s30+$0xFFFFFF90]  }
0xfe: {  	v37 =	vld [tilespmem:s30+$0xFFFFFFA0]  }
0xff: {  	v38 =	vld [tilespmem:s30+$0xFFFFFFB0]  }
0x100: {  	v39 =	vld [tilespmem:s30+$0xFFFFFFC0]  }
0x101: {  	v40 =	vld [tilespmem:s30+$0xFFFFFFD0]  }
0x102: {  	v41 =	vld [tilespmem:s30+$0xFFFFFFE0]  }
0x103: {  	[tilespmem:v42+s22+$0x0] =	vst.idx.add.f32.msk $0xffff, v35  }
0x104: {  	[tilespmem:v24+s22+$0x0] =	vst.idx.add.f32.msk $0xffff, v36  }
0x105: {  	[tilespmem:v28+s22+$0x0] =	vst.idx.add.f32.msk $0xffff, v37  }
0x106: {  	[tilespmem:v30+s22+$0x0] =	vst.idx.add.f32.msk $0xffff, v38  }
0x107: {  	[tilespmem:v31+s22+$0x0] =	vst.idx.add.f32.msk $0xffff, v39  }
0x108: {  	[tilespmem:v32+s22+$0x0] =	vst.idx.add.f32.msk $0xffff, v40  }
0x109: {  	[tilespmem:v34+s22+$0x0] =	vst.idx.add.f32.msk $0xffff, v41  }
0x10a: {  	v24 =	vld [tilespmem:s30+$0x0]  }
0x10b: {  	v28 =	vld [tilespmem:s30+$0x10]  }
0x10c: {  	v30 =	vld [tilespmem:s30+$0x20]  }
0x10d: {  	v31 =	vld [tilespmem:s30+$0x30]  }
0x10e: {  	v32 =	vld [tilespmem:s30+$0x40]  }
0x10f: {  	v34 =	vld [tilespmem:s30+$0x50]  }
0x110: {  	v35 =	vld [tilespmem:s30+$0x60]  }
0x111: {  	[tilespmem:v33+s22+$0x0] =	vst.idx.add.f32.msk $0xffff, v24  }
0x112: {  	[tilespmem:v16+s22+$0x0] =	vst.idx.add.f32.msk $0xffff, v28  }
0x113: {  	[tilespmem:v17+s22+$0x0] =	vst.idx.add.f32.msk $0xffff, v30  }
0x114: {  	[tilespmem:v26+s22+$0x0] =	vst.idx.add.f32.msk $0xffff, v31  }
0x115: {  	[tilespmem:v25+s22+$0x0] =	vst.idx.add.f32.msk $0xffff, v32  }
0x116: {  	[tilespmem:v29+s22+$0x0] =	vst.idx.add.f32.msk $0xffff, v34  }
0x117: {  	[tilespmem:v27+s22+$0x0] =	vst.idx.add.f32.msk $0xffff, v35  }
0x118: {  	v16 =	vld [tilespmem:s30+$0x80]  }
0x119: {  	v17 =	vld [tilespmem:s30+$0x90]  }
0x11a: {  	v24 =	vld [tilespmem:s30+$0xA0]  }
0x11b: {  	v25 =	vld [tilespmem:s30+$0xB0]  }
0x11c: {  	v26 =	vld [tilespmem:s30+$0xC0]  }
0x11d: {  	v27 =	vld [tilespmem:s30+$0xD0]  }
0x11e: {  	v28 =	vld [tilespmem:s30+$0xE0]  }
0x11f: {  	[tilespmem:v23+s22+$0x0] =	vst.idx.add.f32.msk $0xffff, v16  }
0x120: {  	[tilespmem:v1+s22+$0x0] =	vst.idx.add.f32.msk $0xffff, v17  }
0x121: {  	[tilespmem:v18+s22+$0x0] =	vst.idx.add.f32.msk $0xffff, v24  }
0x122: {  	[tilespmem:v20+s22+$0x0] =	vst.idx.add.f32.msk $0xffff, v25  }
0x123: {  	[tilespmem:v21+s22+$0x0] =	vst.idx.add.f32.msk $0xffff, v26  }
0x124: {  	[tilespmem:v19+s22+$0x0] =	vst.idx.add.f32.msk $0xffff, v27  }
0x125: {  	[tilespmem:v22+s22+$0x0] =	vst.idx.add.f32.msk $0xffff, v28  }
0x126: {  	v1 =	vld [tilespmem:s30+$0x100]  }
0x127: {  	v16 =	vld [tilespmem:s30+$0x110]  }
0x128: {  	v17 =	vld [tilespmem:s30+$0x120]  }
0x129: {  	v18 =	vld [tilespmem:s30+$0x130]  }
0x12a: {  	v19 =	vld [tilespmem:s30+$0x140]  }
0x12b: {  	v20 =	vld [tilespmem:s30+$0x150]  }
0x12c: {  	v21 =	vld [tilespmem:s30+$0x160]  }
0x12d: {  	[tilespmem:v11+s22+$0x0] =	vst.idx.add.f32.msk $0xffff, v1  }
0x12e: {  	[tilespmem:v9+s22+$0x0] =	vst.idx.add.f32.msk $0xffff, v16  }
0x12f: {  	[tilespmem:v14+s22+$0x0] =	vst.idx.add.f32.msk $0xffff, v17  }
0x130: {  	[tilespmem:v12+s22+$0x0] =	vst.idx.add.f32.msk $0xffff, v18  }
0x131: {  	[tilespmem:v10+s22+$0x0] =	vst.idx.add.f32.msk $0xffff, v19  }
0x132: {  	[tilespmem:v15+s22+$0x0] =	vst.idx.add.f32.msk $0xffff, v20  }
0x133: {  	[tilespmem:v13+s22+$0x0] =	vst.idx.add.f32.msk $0xffff, v21  }
0x134: {  	v1 =	vld [tilespmem:s30+$0x180]  }
0x135: {  	v9 =	vld [tilespmem:s30+$0x190]  }
0x136: {  	v10 =	vld [tilespmem:s30+$0x1A0]  }
0x137: {  	v11 =	vld [tilespmem:s30+$0x1B0]  }
0x138: {  	v12 =	vld [tilespmem:s30+$0x1C0]  }
0x139: {  	v13 =	vld [tilespmem:s30+$0x1D0]  }
0x13a: {  	v14 =	vld [tilespmem:s30+$0x1E0]  }
0x13b: {  	[tilespmem:v2+s22+$0x0] =	vst.idx.add.f32.msk $0xffff, v1  }
0x13c: {  	[tilespmem:v4+s22+$0x0] =	vst.idx.add.f32.msk $0xffff, v9  }
.Ltmp3:
0x13d: {  	[tilespmem:v3+s22+$0x0] =	vst.idx.add.f32.msk $0xffff, v10;
	(pc) =	sbr.rel @p1 .LBB2_5-.Ltmp3, $4  }
0x13e: {  	[tilespmem:v8+s22+$0x0] =	vst.idx.add.f32.msk $0xffff, v11  }
0x13f: {  	[tilespmem:v6+s22+$0x0] =	vst.idx.add.f32.msk $0xffff, v12  }
0x140: {  	[tilespmem:v5+s22+$0x0] =	vst.idx.add.f32.msk $0xffff, v13  }
0x141: {  	s0 =	sadd.s32 $0x80, s0;
	[tilespmem:v7+s22+$0x0] =	vst.idx.add.f32.msk $0xffff, v14  }
0x142: {  	p1 =	seq.s32 s28, $0x27  }
0x143: {  	s0 =	sadd.s32 @!p1 $0x20, s29  }
0x144: {  	s1 =	sshll.u32 @!p1 s0, $0x4;
	s0 =	sshll.u32 @!p1 s0, $0xA  }
0x145: {  	s2 =	simm.s32 @!p1 $0x0;
	s1 =	sadd.s32 @!p1 s6, s1;
	s0 =	sadd.s32 @!p1 s7, s0  }
0x146: {  	[tilespmem:s2], [sflag:$0x1] =	stream.linear.gather @!p1 [hbm4b:s1+s2], $0x800, $0x38;
	[tilespmem:$0x1F000] =	vst v63  }
0x147: {  	s0 =	sshrl.u32 @!p1 s0, $0x3  }
0x148: {  	s1 =	simm.s32 @!p1 $0x800;
	s0 =	sadd.s32 @!p1 s4, s0  }
0x149: {  	[tilespmem:s1], [sflag:$0x1] =	stream.linear.gather @!p1 [hbm4b:s0+s2], $0x4000, $0x38;
	[tilespmem:$0x1F000] =	vst v63  }
0x14a: {  	_ =	swait.ge [sflag:s23], $0x800  }
0x14b: {  	[sflag:s23] =	ssyncset.done $0x0  }
0x14c: {  	[sflag:s23] =	ssyncadd.s32 $0xFFFFF800  }
0x14d: {  	_ =	swait.ge [sflag:s23], $0x4000  }
0x14e: {  	[sflag:s23] =	ssyncset.done $0x0  }
0x14f: {  	s31 =	simm.s32 $0x4840;
	[sflag:s23] =	ssyncadd.s32 $0xFFFFC000  }
0x150: {  	v8 =	vld [tilespmem:s31+$0x30]  }
0x151: {  	v4 =	vld [tilespmem:s31+$0xFFFFFFD0]  }
0x152: {  	s29 =	simm.s32 $0x5200;
	v5 =	vld [tilespmem:s31+$0xFFFFFFE0]  }
0x153: {  	v7 =	vld [tilespmem:s29+$0xFFFFFE70]  }
0x154: {  	v6 =	vld [tilespmem:s31+$0xFFFFFFF0]  }
0x155: {  	v3 =	vld [tilespmem:s31+$0x0]  }
0x156: {  	v2 =	vld [tilespmem:s31+$0x10]  }
0x157: {  	v1 =	vld [tilespmem:s31+$0x20]  }
0x158: {  	v11 =	vld [tilespmem:s29+$0xFFFFFE00]  }
0x159: {  	v12 =	vld [tilespmem:s29+$0xFFFFFE10]  }
0x15a: {  	v13 =	vld [tilespmem:s29+$0xFFFFFE20]  }
0x15b: {  	v14 =	vld [tilespmem:s29+$0xFFFFFE30]  }
0x15c: {  	v15 =	vld [tilespmem:s29+$0xFFFFFE40]  }
0x15d: {  	v16 =	vld [tilespmem:s29+$0xFFFFFE50]  }
0x15e: {  	v17 =	vld [tilespmem:s29+$0xFFFFFE60]  }
0x15f: {  	[tilespmem:v8+s22+$0x0] =	vst.idx.add.f32.msk $0xffff, v7  }
0x160: {  	v7 =	vld [tilespmem:s31+$0xFFFFFFC0]  }
0x161: {  	[tilespmem:v4+s22+$0x0] =	vst.idx.add.f32.msk $0xffff, v12  }
0x162: {  	[tilespmem:v5+s22+$0x0] =	vst.idx.add.f32.msk $0xffff, v13  }
0x163: {  	[tilespmem:v6+s22+$0x0] =	vst.idx.add.f32.msk $0xffff, v14  }
0x164: {  	[tilespmem:v3+s22+$0x0] =	vst.idx.add.f32.msk $0xffff, v15  }
0x165: {  	[tilespmem:v2+s22+$0x0] =	vst.idx.add.f32.msk $0xffff, v16  }
0x166: {  	[tilespmem:v1+s22+$0x0] =	vst.idx.add.f32.msk $0xffff, v17  }
0x167: {  	v9 =	vld [tilespmem:s29+$0xFFFFFEF0]  }
0x168: {  	v12 =	vld [tilespmem:s29+$0xFFFFFE90]  }
0x169: {  	v10 =	vadd.s32 $0x2800, v8;
	v13 =	vld [tilespmem:s29+$0xFFFFFEA0]  }
0x16a: {  	v47 =	vadd.s32 $0x2800, v4;
	v14 =	vld [tilespmem:s29+$0xFFFFFEB0]  }
0x16b: {  	v19 =	vadd.s32 $0x2800, v5;
	v46 =	vld [tilespmem:s29+$0xFFFFFEC0]  }
0x16c: {  	v21 =	vadd.s32 $0x2800, v6;
	v18 =	vld [tilespmem:s29+$0xFFFFFED0]  }
0x16d: {  	v49 =	vadd.s32 $0x2800, v3;
	v20 =	vld [tilespmem:s29+$0xFFFFFEE0]  }
0x16e: {  	v50 =	vadd.s32 $0x2800, v2;
	[tilespmem:v10+s22+$0x0] =	vst.idx.add.f32.msk $0xffff, v9  }
0x16f: {  	v51 =	vadd.s32 $0x2800, v1;
	[tilespmem:v47+s22+$0x0] =	vst.idx.add.f32.msk $0xffff, v12  }
0x170: {  	[tilespmem:v19+s22+$0x0] =	vst.idx.add.f32.msk $0xffff, v13  }
0x171: {  	[tilespmem:v21+s22+$0x0] =	vst.idx.add.f32.msk $0xffff, v14  }
0x172: {  	[tilespmem:v49+s22+$0x0] =	vst.idx.add.f32.msk $0xffff, v46  }
0x173: {  	[tilespmem:v50+s22+$0x0] =	vst.idx.add.f32.msk $0xffff, v18  }
0x174: {  	[tilespmem:v51+s22+$0x0] =	vst.idx.add.f32.msk $0xffff, v20  }
0x175: {  	v9 =	vld [tilespmem:s29+$0xFFFFFF70]  }
0x176: {  	v53 =	vld [tilespmem:s29+$0xFFFFFF10]  }
0x177: {  	v55 =	vld [tilespmem:s29+$0xFFFFFF20]  }
0x178: {  	v57 =	vld [tilespmem:s29+$0xFFFFFF30]  }
0x179: {  	v41 =	vadd.s32 $0x5000, v8;
	v59 =	vld [tilespmem:s29+$0xFFFFFF40]  }
0x17a: {  	v56 =	vadd.s32 $0x5000, v4;
	v61 =	vld [tilespmem:s29+$0xFFFFFF50]  }
0x17b: {  	v58 =	vadd.s32 $0x5000, v5;
	v63 =	vld [tilespmem:s29+$0xFFFFFF60]  }
0x17c: {  	v60 =	vadd.s32 $0x5000, v6;
	[tilespmem:v7+s22+$0x0] =	vst.idx.add.f32.msk $0xffff, v11  }
0x17d: {  	v62 =	vadd.s32 $0x5000, v3;
	v11 =	vld [tilespmem:s29+$0xFFFFFE80]  }
0x17e: {  	v24 =	vadd.s32 $0x5000, v2;
	[tilespmem:v41+s22+$0x0] =	vst.idx.add.f32.msk $0xffff, v9  }
0x17f: {  	v25 =	vadd.s32 $0x5000, v1;
	[tilespmem:v56+s22+$0x0] =	vst.idx.add.f32.msk $0xffff, v53  }
0x180: {  	[tilespmem:v58+s22+$0x0] =	vst.idx.add.f32.msk $0xffff, v55  }
0x181: {  	[tilespmem:v60+s22+$0x0] =	vst.idx.add.f32.msk $0xffff, v57  }
0x182: {  	[tilespmem:v62+s22+$0x0] =	vst.idx.add.f32.msk $0xffff, v59  }
0x183: {  	[tilespmem:v24+s22+$0x0] =	vst.idx.add.f32.msk $0xffff, v61  }
0x184: {  	[tilespmem:v25+s22+$0x0] =	vst.idx.add.f32.msk $0xffff, v63  }
0x185: {  	v45 =	vadd.s32 $0x2800, v7;
	v9 =	vld [tilespmem:s29+$0xFFFFFFF0]  }
0x186: {  	v13 =	vld [tilespmem:s29+$0xFFFFFFB0]  }
0x187: {  	v15 =	vld [tilespmem:s29+$0xFFFFFFC0]  }
0x188: {  	v42 =	vadd.s32 $0x7800, v8;
	v17 =	vld [tilespmem:s29+$0xFFFFFFD0]  }
0x189: {  	v30 =	vadd.s32 $0x7800, v6;
	v19 =	vld [tilespmem:s29+$0xFFFFFFE0]  }
0x18a: {  	v31 =	vadd.s32 $0x7800, v3;
	[tilespmem:v45+s22+$0x0] =	vst.idx.add.f32.msk $0xffff, v11  }
0x18b: {  	v32 =	vadd.s32 $0x7800, v2;
	v11 =	vld [tilespmem:s29+$0xFFFFFFA0]  }
0x18c: {  	v33 =	vadd.s32 $0x7800, v1;
	v52 =	vld [tilespmem:s29+$0xFFFFFF00]  }
0x18d: {  	[tilespmem:v42+s22+$0x0] =	vst.idx.add.f32.msk $0xffff, v9  }
0x18e: {  	v29 =	vadd.s32 $0x7800, v5;
	[tilespmem:v30+s22+$0x0] =	vst.idx.add.f32.msk $0xffff, v13  }
0x18f: {  	[tilespmem:v31+s22+$0x0] =	vst.idx.add.f32.msk $0xffff, v15  }
0x190: {  	[tilespmem:v32+s22+$0x0] =	vst.idx.add.f32.msk $0xffff, v17  }
0x191: {  	[tilespmem:v33+s22+$0x0] =	vst.idx.add.f32.msk $0xffff, v19  }
0x192: {  	v9 =	vld [tilespmem:s29+$0x70]  }
0x193: {  	v54 =	vadd.s32 $0x5000, v7;
	[tilespmem:v29+s22+$0x0] =	vst.idx.add.f32.msk $0xffff, v11  }
0x194: {  	v13 =	vld [tilespmem:s29+$0x30]  }
0x195: {  	v15 =	vld [tilespmem:s29+$0x40]  }
0x196: {  	v43 =	vadd.s32 $0xA000, v8;
	v17 =	vld [tilespmem:s29+$0x50]  }
0x197: {  	v38 =	vadd.s32 $0xA000, v6;
	v19 =	vld [tilespmem:s29+$0x60]  }
0x198: {  	v39 =	vadd.s32 $0xA000, v3;
	[tilespmem:v54+s22+$0x0] =	vst.idx.add.f32.msk $0xffff, v52  }
0x199: {  	v40 =	vadd.s32 $0xA000, v2;
	v11 =	vld [tilespmem:s29+$0x20]  }
0x19a: {  	v41 =	vadd.s32 $0xA000, v1;
	v26 =	vld [tilespmem:s29+$0xFFFFFF80]  }
0x19b: {  	[tilespmem:v43+s22+$0x0] =	vst.idx.add.f32.msk $0xffff, v9  }
0x19c: {  	v37 =	vadd.s32 $0xA000, v5;
	[tilespmem:v38+s22+$0x0] =	vst.idx.add.f32.msk $0xffff, v13  }
0x19d: {  	[tilespmem:v39+s22+$0x0] =	vst.idx.add.f32.msk $0xffff, v15  }
0x19e: {  	[tilespmem:v40+s22+$0x0] =	vst.idx.add.f32.msk $0xffff, v17  }
0x19f: {  	[tilespmem:v41+s22+$0x0] =	vst.idx.add.f32.msk $0xffff, v19  }
0x1a0: {  	v9 =	vld [tilespmem:s29+$0xF0]  }
0x1a1: {  	v27 =	vadd.s32 $0x7800, v7;
	[tilespmem:v37+s22+$0x0] =	vst.idx.add.f32.msk $0xffff, v11  }
0x1a2: {  	v13 =	vld [tilespmem:s29+$0xB0]  }
0x1a3: {  	v15 =	vld [tilespmem:s29+$0xC0]  }
0x1a4: {  	v44 =	vadd.s32 $0xC800, v8;
	v17 =	vld [tilespmem:s29+$0xD0]  }
0x1a5: {  	v46 =	vadd.s32 $0xC800, v6;
	v19 =	vld [tilespmem:s29+$0xE0]  }
0x1a6: {  	v47 =	vadd.s32 $0xC800, v3;
	[tilespmem:v27+s22+$0x0] =	vst.idx.add.f32.msk $0xffff, v26  }
0x1a7: {  	v49 =	vadd.s32 $0xC800, v1;
	v11 =	vld [tilespmem:s29+$0xA0]  }
0x1a8: {  	v34 =	vld [tilespmem:s29+$0x0]  }
0x1a9: {  	v45 =	vadd.s32 $0xC800, v5;
	[tilespmem:v44+s22+$0x0] =	vst.idx.add.f32.msk $0xffff, v9  }
0x1aa: {  	[tilespmem:v46+s22+$0x0] =	vst.idx.add.f32.msk $0xffff, v13  }
0x1ab: {  	[tilespmem:v47+s22+$0x0] =	vst.idx.add.f32.msk $0xffff, v15  }
0x1ac: {  	[tilespmem:v49+s22+$0x0] =	vst.idx.add.f32.msk $0xffff, v19  }
0x1ad: {  	v35 =	vadd.s32 $0xA000, v7;
	v9 =	vld [tilespmem:s29+$0x170]  }
0x1ae: {  	v48 =	vadd.s32 $0xF000, v8;
	[tilespmem:v45+s22+$0x0] =	vst.idx.add.f32.msk $0xffff, v11  }
0x1af: {  	v13 =	vld [tilespmem:s29+$0x130]  }
0x1b0: {  	v15 =	vld [tilespmem:s29+$0x140]  }
0x1b1: {  	v19 =	vld [tilespmem:s29+$0x160]  }
0x1b2: {  	v54 =	vadd.s32 $0xF000, v6;
	[tilespmem:v35+s22+$0x0] =	vst.idx.add.f32.msk $0xffff, v34  }
0x1b3: {  	v55 =	vadd.s32 $0xF000, v3;
	[tilespmem:v48+s22+$0x0] =	vst.idx.add.f32.msk $0xffff, v9  }
0x1b4: {  	v8 =	vadd.s32 $0x11800, v8;
	v9 =	vld [tilespmem:s29+$0x1F0]  }
0x1b5: {  	v11 =	vld [tilespmem:s29+$0x120]  }
0x1b6: {  	v57 =	vadd.s32 $0xF000, v1;
	v42 =	vld [tilespmem:s29+$0x80]  }
0x1b7: {  	v53 =	vadd.s32 $0xF000, v5;
	[tilespmem:v54+s22+$0x0] =	vst.idx.add.f32.msk $0xffff, v13  }
0x1b8: {  	[tilespmem:v55+s22+$0x0] =	vst.idx.add.f32.msk $0xffff, v15  }
0x1b9: {  	[tilespmem:v8+s22+$0x0] =	vst.idx.add.f32.msk $0xffff, v9  }
0x1ba: {  	v28 =	vadd.s32 $0x7800, v4;
	v9 =	vld [tilespmem:s29+$0xFFFFFF90]  }
0x1bb: {  	[tilespmem:v57+s22+$0x0] =	vst.idx.add.f32.msk $0xffff, v19  }
0x1bc: {  	[tilespmem:v53+s22+$0x0] =	vst.idx.add.f32.msk $0xffff, v11  }
0x1bd: {  	v43 =	vadd.s32 $0xC800, v7;
	v60 =	vld [tilespmem:s29+$0x1B0]  }
0x1be: {  	v61 =	vld [tilespmem:s29+$0x1C0]  }
0x1bf: {  	[tilespmem:v28+s22+$0x0] =	vst.idx.add.f32.msk $0xffff, v9  }
0x1c0: {  	v36 =	vadd.s32 $0xA000, v4;
	v9 =	vld [tilespmem:s29+$0x10]  }
0x1c1: {  	v63 =	vld [tilespmem:s29+$0x1E0]  }
0x1c2: {  	v48 =	vadd.s32 $0xC800, v2;
	[tilespmem:v43+s22+$0x0] =	vst.idx.add.f32.msk $0xffff, v42  }
0x1c3: {  	v59 =	vld [tilespmem:s29+$0x1A0]  }
0x1c4: {  	v6 =	vadd.s32 $0x11800, v6;
	v50 =	vld [tilespmem:s29+$0x100]  }
0x1c5: {  	v3 =	vadd.s32 $0x11800, v3;
	[tilespmem:v36+s22+$0x0] =	vst.idx.add.f32.msk $0xffff, v9  }
0x1c6: {  	v44 =	vadd.s32 $0xC800, v4;
	v9 =	vld [tilespmem:s29+$0x90]  }
0x1c7: {  	[tilespmem:v48+s22+$0x0] =	vst.idx.add.f32.msk $0xffff, v17  }
0x1c8: {  	v51 =	vadd.s32 $0xF000, v7;
	v17 =	vld [tilespmem:s29+$0x150]  }
0x1c9: {  	[tilespmem:v6+s22+$0x0] =	vst.idx.add.f32.msk $0xffff, v60  }
0x1ca: {  	v56 =	vadd.s32 $0xF000, v2;
	[tilespmem:v3+s22+$0x0] =	vst.idx.add.f32.msk $0xffff, v61  }
0x1cb: {  	[tilespmem:v44+s22+$0x0] =	vst.idx.add.f32.msk $0xffff, v9  }
0x1cc: {  	v52 =	vadd.s32 $0xF000, v4;
	v9 =	vld [tilespmem:s29+$0x110]  }
0x1cd: {  	[tilespmem:v51+s22+$0x0] =	vst.idx.add.f32.msk $0xffff, v50  }
0x1ce: {  	v1 =	vadd.s32 $0x11800, v1;
	v58 =	vld [tilespmem:s29+$0x180]  }
0x1cf: {  	v5 =	vadd.s32 $0x11800, v5;
	[tilespmem:v56+s22+$0x0] =	vst.idx.add.f32.msk $0xffff, v17  }
0x1d0: {  	v7 =	vadd.s32 $0x11800, v7;
	v62 =	vld [tilespmem:s29+$0x1D0]  }
0x1d1: {  	v2 =	vadd.s32 $0x11800, v2;
	[tilespmem:v52+s22+$0x0] =	vst.idx.add.f32.msk $0xffff, v9  }
0x1d2: {  	v4 =	vadd.s32 $0x11800, v4;
	v9 =	vld [tilespmem:s29+$0x190]  }
0x1d3: {  	[tilespmem:v1+s22+$0x0] =	vst.idx.add.f32.msk $0xffff, v63  }
0x1d4: {  	[tilespmem:v5+s22+$0x0] =	vst.idx.add.f32.msk $0xffff, v59  }
0x1d5: {  	[tilespmem:v7+s22+$0x0] =	vst.idx.add.f32.msk $0xffff, v58  }
0x1d6: {  	[tilespmem:v2+s22+$0x0] =	vst.idx.add.f32.msk $0xffff, v62  }
0x1d7: {  	s30 =	simm.s32 $0x0;
	s0 =	simm.s32 $0x48C0;
	[tilespmem:v4+s22+$0x0] =	vst.idx.add.f32.msk $0xffff, v9  }
.LBB2_7:
0x1d8: {  	v38 =	vld [tilespmem:s0+$0x30];
	s30 =	sadd.s32 $0x8, s30  }
0x1d9: {  	v7 =	vld [tilespmem:s0+$0xFFFFFFD0];
	p1 =	slt.u32 s30, $0x78  }
0x1da: {  	s29 =	sadd.s32 $0x400, s29;
	v45 =	vld [tilespmem:s0+$0xFFFFFFE0]  }
0x1db: {  	v2 =	vld [tilespmem:s29+$0xFFFFFE70]  }
0x1dc: {  	v46 =	vld [tilespmem:s0+$0xFFFFFFF0]  }
0x1dd: {  	v47 =	vld [tilespmem:s0+$0x0]  }
0x1de: {  	v44 =	vadd.s32 $0x2800, v7;
	v35 =	vadd.s32 $0x5000, v7;
	v24 =	vadd.s32 $0x7800, v7;
	v48 =	vld [tilespmem:s0+$0x10]  }
0x1df: {  	v43 =	vadd.s32 $0x2800, v45;
	v36 =	vadd.s32 $0x5000, v45;
	v28 =	vadd.s32 $0x7800, v45;
	v49 =	vld [tilespmem:s0+$0x20]  }
0x1e0: {  	v16 =	vadd.s32 $0xA000, v7;
	v1 =	vadd.s32 $0xC800, v7;
	v17 =	vadd.s32 $0xA000, v45;
	[tilespmem:v38+s22+$0x0] =	vst.idx.add.f32.msk $0xffff, v2  }
0x1e1: {  	v3 =	vadd.s32 $0x2800, v38;
	v50 =	vadd.s32 $0x2800, v46;
	v37 =	vadd.s32 $0x5000, v46;
	v2 =	vld [tilespmem:s29+$0xFFFFFEF0]  }
0x1e2: {  	v30 =	vadd.s32 $0x7800, v46;
	v5 =	vld [tilespmem:s0+$0xFFFFFFC0];
	v51 =	vadd.s32 $0x2800, v47;
	v39 =	vadd.s32 $0x5000, v47  }
0x1e3: {  	v31 =	vadd.s32 $0x7800, v47;
	v6 =	vld [tilespmem:s29+$0xFFFFFE00];
	v52 =	vadd.s32 $0x2800, v48;
	v40 =	vadd.s32 $0x5000, v48  }
0x1e4: {  	v32 =	vadd.s32 $0x7800, v48;
	v53 =	vld [tilespmem:s29+$0xFFFFFE10];
	v54 =	vadd.s32 $0x2800, v49;
	v41 =	vadd.s32 $0x5000, v49  }
0x1e5: {  	v26 =	vadd.s32 $0xA000, v46;
	v25 =	vadd.s32 $0xA000, v47;
	v34 =	vadd.s32 $0x7800, v49;
	v55 =	vld [tilespmem:s29+$0xFFFFFE20]  }
0x1e6: {  	v18 =	vadd.s32 $0xC800, v45;
	v29 =	vadd.s32 $0xA000, v48;
	v27 =	vadd.s32 $0xA000, v49;
	[tilespmem:v3+s22+$0x0] =	vst.idx.add.f32.msk $0xffff, v2  }
0x1e7: {  	v4 =	vadd.s32 $0x5000, v38;
	v56 =	vadd.s32 $0x2800, v5;
	v57 =	vadd.s32 $0x5000, v5;
	v3 =	vld [tilespmem:s29+$0xFFFFFF70]  }
0x1e8: {  	v42 =	vadd.s32 $0x7800, v5;
	v33 =	vadd.s32 $0xA000, v5;
	v23 =	vadd.s32 $0xC800, v5;
	v58 =	vld [tilespmem:s29+$0xFFFFFE30]  }
0x1e9: {  	v20 =	vadd.s32 $0xC800, v46;
	v21 =	vadd.s32 $0xC800, v47;
	v19 =	vadd.s32 $0xC800, v48;
	v59 =	vld [tilespmem:s29+$0xFFFFFE40]  }
0x1ea: {  	v9 =	vadd.s32 $0xF000, v7;
	v22 =	vadd.s32 $0xC800, v49;
	v11 =	vadd.s32 $0xF000, v5;
	v60 =	vld [tilespmem:s29+$0xFFFFFE50]  }
0x1eb: {  	v14 =	vadd.s32 $0xF000, v45;
	v12 =	vadd.s32 $0xF000, v46;
	v10 =	vadd.s32 $0xF000, v47;
	v61 =	vld [tilespmem:s29+$0xFFFFFE60]  }
0x1ec: {  	v15 =	vadd.s32 $0xF000, v48;
	v13 =	vadd.s32 $0xF000, v49;
	v2 =	vadd.s32 $0x11800, v5;
	[tilespmem:v4+s22+$0x0] =	vst.idx.add.f32.msk $0xffff, v3  }
0x1ed: {  	v63 =	vadd.s32 $0x7800, v38;
	v4 =	vadd.s32 $0x11800, v7;
	v3 =	vadd.s32 $0x11800, v45;
	v62 =	vld [tilespmem:s29+$0xFFFFFFF0]  }
0x1ee: {  	v8 =	vadd.s32 $0x11800, v46;
	[tilespmem:v5+s22+$0x0] =	vst.idx.add.f32.msk $0xffff, v6;
	v6 =	vadd.s32 $0x11800, v47;
	v5 =	vadd.s32 $0x11800, v48  }
0x1ef: {  	[tilespmem:v7+s22+$0x0] =	vst.idx.add.f32.msk $0xffff, v53;
	v7 =	vadd.s32 $0x11800, v49  }
0x1f0: {  	[tilespmem:v45+s22+$0x0] =	vst.idx.add.f32.msk $0xffff, v55  }
0x1f1: {  	[tilespmem:v46+s22+$0x0] =	vst.idx.add.f32.msk $0xffff, v58  }
0x1f2: {  	[tilespmem:v63+s22+$0x0] =	vst.idx.add.f32.msk $0xffff, v62  }
0x1f3: {  	v46 =	vadd.s32 $0xA000, v38;
	v45 =	vld [tilespmem:s29+$0x70]  }
0x1f4: {  	[tilespmem:v47+s22+$0x0] =	vst.idx.add.f32.msk $0xffff, v59  }
0x1f5: {  	[tilespmem:v48+s22+$0x0] =	vst.idx.add.f32.msk $0xffff, v60  }
0x1f6: {  	[tilespmem:v49+s22+$0x0] =	vst.idx.add.f32.msk $0xffff, v61  }
0x1f7: {  	v47 =	vld [tilespmem:s29+$0xFFFFFE80]  }
0x1f8: {  	[tilespmem:v46+s22+$0x0] =	vst.idx.add.f32.msk $0xffff, v45  }
0x1f9: {  	v46 =	vadd.s32 $0xC800, v38;
	v45 =	vld [tilespmem:s29+$0xF0]  }
0x1fa: {  	v48 =	vld [tilespmem:s29+$0xFFFFFE90]  }
0x1fb: {  	v49 =	vld [tilespmem:s29+$0xFFFFFEA0]  }
0x1fc: {  	v53 =	vld [tilespmem:s29+$0xFFFFFEB0]  }
0x1fd: {  	v55 =	vld [tilespmem:s29+$0xFFFFFEC0]  }
0x1fe: {  	[tilespmem:v46+s22+$0x0] =	vst.idx.add.f32.msk $0xffff, v45  }
0x1ff: {  	v46 =	vadd.s32 $0xF000, v38;
	v45 =	vld [tilespmem:s29+$0x170]  }
0x200: {  	v58 =	vld [tilespmem:s29+$0xFFFFFED0]  }
0x201: {  	v59 =	vld [tilespmem:s29+$0xFFFFFEE0]  }
0x202: {  	[tilespmem:v56+s22+$0x0] =	vst.idx.add.f32.msk $0xffff, v47  }
0x203: {  	[tilespmem:v44+s22+$0x0] =	vst.idx.add.f32.msk $0xffff, v48  }
0x204: {  	[tilespmem:v46+s22+$0x0] =	vst.idx.add.f32.msk $0xffff, v45  }
0x205: {  	v38 =	vadd.s32 $0x11800, v38;
	v44 =	vld [tilespmem:s29+$0x1F0]  }
0x206: {  	[tilespmem:v43+s22+$0x0] =	vst.idx.add.f32.msk $0xffff, v49  }
0x207: {  	[tilespmem:v50+s22+$0x0] =	vst.idx.add.f32.msk $0xffff, v53  }
0x208: {  	[tilespmem:v51+s22+$0x0] =	vst.idx.add.f32.msk $0xffff, v55  }
0x209: {  	[tilespmem:v52+s22+$0x0] =	vst.idx.add.f32.msk $0xffff, v58  }
0x20a: {  	[tilespmem:v38+s22+$0x0] =	vst.idx.add.f32.msk $0xffff, v44  }
0x20b: {  	[tilespmem:v54+s22+$0x0] =	vst.idx.add.f32.msk $0xffff, v59  }
0x20c: {  	v38 =	vld [tilespmem:s29+$0xFFFFFF00]  }
0x20d: {  	v43 =	vld [tilespmem:s29+$0xFFFFFF10]  }
0x20e: {  	v44 =	vld [tilespmem:s29+$0xFFFFFF20]  }
0x20f: {  	v45 =	vld [tilespmem:s29+$0xFFFFFF30]  }
0x210: {  	v46 =	vld [tilespmem:s29+$0xFFFFFF40]  }
0x211: {  	v47 =	vld [tilespmem:s29+$0xFFFFFF50]  }
0x212: {  	v48 =	vld [tilespmem:s29+$0xFFFFFF60]  }
0x213: {  	[tilespmem:v57+s22+$0x0] =	vst.idx.add.f32.msk $0xffff, v38  }
0x214: {  	[tilespmem:v35+s22+$0x0] =	vst.idx.add.f32.msk $0xffff, v43  }
0x215: {  	[tilespmem:v36+s22+$0x0] =	vst.idx.add.f32.msk $0xffff, v44  }
0x216: {  	[tilespmem:v37+s22+$0x0] =	vst.idx.add.f32.msk $0xffff, v45  }
0x217: {  	[tilespmem:v39+s22+$0x0] =	vst.idx.add.f32.msk $0xffff, v46  }
0x218: {  	[tilespmem:v40+s22+$0x0] =	vst.idx.add.f32.msk $0xffff, v47  }
0x219: {  	[tilespmem:v41+s22+$0x0] =	vst.idx.add.f32.msk $0xffff, v48  }
0x21a: {  	v35 =	vld [tilespmem:s29+$0xFFFFFF80]  }
0x21b: {  	v36 =	vld [tilespmem:s29+$0xFFFFFF90]  }
0x21c: {  	v37 =	vld [tilespmem:s29+$0xFFFFFFA0]  }
0x21d: {  	v38 =	vld [tilespmem:s29+$0xFFFFFFB0]  }
0x21e: {  	v39 =	vld [tilespmem:s29+$0xFFFFFFC0]  }
0x21f: {  	v40 =	vld [tilespmem:s29+$0xFFFFFFD0]  }
0x220: {  	v41 =	vld [tilespmem:s29+$0xFFFFFFE0]  }
0x221: {  	[tilespmem:v42+s22+$0x0] =	vst.idx.add.f32.msk $0xffff, v35  }
0x222: {  	[tilespmem:v24+s22+$0x0] =	vst.idx.add.f32.msk $0xffff, v36  }
0x223: {  	[tilespmem:v28+s22+$0x0] =	vst.idx.add.f32.msk $0xffff, v37  }
0x224: {  	[tilespmem:v30+s22+$0x0] =	vst.idx.add.f32.msk $0xffff, v38  }
0x225: {  	[tilespmem:v31+s22+$0x0] =	vst.idx.add.f32.msk $0xffff, v39  }
0x226: {  	[tilespmem:v32+s22+$0x0] =	vst.idx.add.f32.msk $0xffff, v40  }
0x227: {  	[tilespmem:v34+s22+$0x0] =	vst.idx.add.f32.msk $0xffff, v41  }
0x228: {  	v24 =	vld [tilespmem:s29+$0x0]  }
0x229: {  	v28 =	vld [tilespmem:s29+$0x10]  }
0x22a: {  	v30 =	vld [tilespmem:s29+$0x20]  }
0x22b: {  	v31 =	vld [tilespmem:s29+$0x30]  }
0x22c: {  	v32 =	vld [tilespmem:s29+$0x40]  }
0x22d: {  	v34 =	vld [tilespmem:s29+$0x50]  }
0x22e: {  	v35 =	vld [tilespmem:s29+$0x60]  }
0x22f: {  	[tilespmem:v33+s22+$0x0] =	vst.idx.add.f32.msk $0xffff, v24  }
0x230: {  	[tilespmem:v16+s22+$0x0] =	vst.idx.add.f32.msk $0xffff, v28  }
0x231: {  	[tilespmem:v17+s22+$0x0] =	vst.idx.add.f32.msk $0xffff, v30  }
0x232: {  	[tilespmem:v26+s22+$0x0] =	vst.idx.add.f32.msk $0xffff, v31  }
0x233: {  	[tilespmem:v25+s22+$0x0] =	vst.idx.add.f32.msk $0xffff, v32  }
0x234: {  	[tilespmem:v29+s22+$0x0] =	vst.idx.add.f32.msk $0xffff, v34  }
0x235: {  	[tilespmem:v27+s22+$0x0] =	vst.idx.add.f32.msk $0xffff, v35  }
0x236: {  	v16 =	vld [tilespmem:s29+$0x80]  }
0x237: {  	v17 =	vld [tilespmem:s29+$0x90]  }
0x238: {  	v24 =	vld [tilespmem:s29+$0xA0]  }
0x239: {  	v25 =	vld [tilespmem:s29+$0xB0]  }
0x23a: {  	v26 =	vld [tilespmem:s29+$0xC0]  }
0x23b: {  	v27 =	vld [tilespmem:s29+$0xD0]  }
0x23c: {  	v28 =	vld [tilespmem:s29+$0xE0]  }
0x23d: {  	[tilespmem:v23+s22+$0x0] =	vst.idx.add.f32.msk $0xffff, v16  }
0x23e: {  	[tilespmem:v1+s22+$0x0] =	vst.idx.add.f32.msk $0xffff, v17  }
0x23f: {  	[tilespmem:v18+s22+$0x0] =	vst.idx.add.f32.msk $0xffff, v24  }
0x240: {  	[tilespmem:v20+s22+$0x0] =	vst.idx.add.f32.msk $0xffff, v25  }
0x241: {  	[tilespmem:v21+s22+$0x0] =	vst.idx.add.f32.msk $0xffff, v26  }
0x242: {  	[tilespmem:v19+s22+$0x0] =	vst.idx.add.f32.msk $0xffff, v27  }
0x243: {  	[tilespmem:v22+s22+$0x0] =	vst.idx.add.f32.msk $0xffff, v28  }
0x244: {  	v1 =	vld [tilespmem:s29+$0x100]  }
0x245: {  	v16 =	vld [tilespmem:s29+$0x110]  }
0x246: {  	v17 =	vld [tilespmem:s29+$0x120]  }
0x247: {  	v18 =	vld [tilespmem:s29+$0x130]  }
0x248: {  	v19 =	vld [tilespmem:s29+$0x140]  }
0x249: {  	v20 =	vld [tilespmem:s29+$0x150]  }
0x24a: {  	v21 =	vld [tilespmem:s29+$0x160]  }
0x24b: {  	[tilespmem:v11+s22+$0x0] =	vst.idx.add.f32.msk $0xffff, v1  }
0x24c: {  	[tilespmem:v9+s22+$0x0] =	vst.idx.add.f32.msk $0xffff, v16  }
0x24d: {  	[tilespmem:v14+s22+$0x0] =	vst.idx.add.f32.msk $0xffff, v17  }
0x24e: {  	[tilespmem:v12+s22+$0x0] =	vst.idx.add.f32.msk $0xffff, v18  }
0x24f: {  	[tilespmem:v10+s22+$0x0] =	vst.idx.add.f32.msk $0xffff, v19  }
0x250: {  	[tilespmem:v15+s22+$0x0] =	vst.idx.add.f32.msk $0xffff, v20  }
0x251: {  	[tilespmem:v13+s22+$0x0] =	vst.idx.add.f32.msk $0xffff, v21  }
0x252: {  	v1 =	vld [tilespmem:s29+$0x180]  }
0x253: {  	v9 =	vld [tilespmem:s29+$0x190]  }
0x254: {  	v10 =	vld [tilespmem:s29+$0x1A0]  }
0x255: {  	v11 =	vld [tilespmem:s29+$0x1B0]  }
0x256: {  	v12 =	vld [tilespmem:s29+$0x1C0]  }
0x257: {  	v13 =	vld [tilespmem:s29+$0x1D0]  }
0x258: {  	v14 =	vld [tilespmem:s29+$0x1E0]  }
0x259: {  	[tilespmem:v2+s22+$0x0] =	vst.idx.add.f32.msk $0xffff, v1  }
0x25a: {  	[tilespmem:v4+s22+$0x0] =	vst.idx.add.f32.msk $0xffff, v9  }
.Ltmp4:
0x25b: {  	[tilespmem:v3+s22+$0x0] =	vst.idx.add.f32.msk $0xffff, v10;
	(pc) =	sbr.rel @p1 .LBB2_7-.Ltmp4, $4  }
0x25c: {  	[tilespmem:v8+s22+$0x0] =	vst.idx.add.f32.msk $0xffff, v11  }
0x25d: {  	[tilespmem:v6+s22+$0x0] =	vst.idx.add.f32.msk $0xffff, v12  }
0x25e: {  	[tilespmem:v5+s22+$0x0] =	vst.idx.add.f32.msk $0xffff, v13  }
0x25f: {  	s0 =	sadd.s32 $0x80, s0;
	[tilespmem:v7+s22+$0x0] =	vst.idx.add.f32.msk $0xffff, v14  }
0x260: {  	s28 =	sadd.s32 $0x1, s28  }
0x261: {  	p1 =	seq.s32 s28, $0x28  }
.Ltmp5:
0x262: {  	_ = 	snop;
	(pc) =	sbr.rel @!p1 .LBB2_4-.Ltmp5, $1  }
0x263: {  	_ =	sdelay $0x3  }
0x264: {  	s0 =	simm.s32 $0x0;
	s28 =	simm.s32 $0x0  }
.LBB2_10:
0x265: {  	s1 =	sshll.u32 s28, $0xA  }
0x266: {  	s1 =	sand.u32 $0x3FFFFC00, s1  }
0x267: {  	s12 =	sand.u32 $0x380, s0;
	s30 =	sadd.s32 $0x9000, s1  }
0x268: {  	s17 =	sand.u32 $0x70, s0;
	s2 =	sadd.s32 s12, s30  }
0x269: {  	s2 =	sadd.s32 s17, s2  }
0x26a: {  	v1 =	vld [tilespmem:s2+$0x0];
	_ =	sdelay $0x2  }
0x26b: {  	s16 =	sand.u32 $0x1C00, s0;
	s29 =	sadd.s32 $0xB800, s1  }
0x26c: {  	s11 =	sadd.s32 s12, s29;
	s2 =	sor.u32 s17, s16  }
0x26d: {  	s11 =	sadd.s32 s17, s11;
	[tilespmem:s2+$0x1D000] =	vst v1  }
0x26e: {  	v1 =	vld [tilespmem:s11+$0x0];
	_ =	sdelay $0x2  }
0x26f: {  	s31 =	sadd.s32 $0xE000, s1  }
0x270: {  	s18 =	sadd.s32 s12, s31;
	s20 =	sadd.s32 $0x1D000, s2  }
0x271: {  	s2 =	sadd.s32 s17, s18;
	[tilespmem:s20+$0x80] =	vst v1  }
0x272: {  	v1 =	vld [tilespmem:s2+$0x0];
	_ =	sdelay $0x2  }
0x273: {  	s2 =	sadd.s32 $0x10800, s1  }
0x274: {  	s19 =	sadd.s32 s12, s2  }
0x275: {  	s11 =	sadd.s32 s17, s19;
	[tilespmem:s20+$0x100] =	vst v1  }
0x276: {  	v1 =	vld [tilespmem:s11+$0x0];
	_ =	sdelay $0x2  }
0x277: {  	s16 =	sadd.s32 $0x13000, s1  }
0x278: {  	s21 =	sadd.s32 s12, s16  }
0x279: {  	s11 =	sadd.s32 s17, s21;
	[tilespmem:s20+$0x180] =	vst v1  }
0x27a: {  	v1 =	vld [tilespmem:s11+$0x0];
	_ =	sdelay $0x2  }
0x27b: {  	s19 =	sadd.s32 $0x15800, s1  }
0x27c: {  	s26 =	sadd.s32 s12, s19  }
0x27d: {  	s11 =	sadd.s32 s17, s26;
	[tilespmem:s20+$0x200] =	vst v1  }
0x27e: {  	v1 =	vld [tilespmem:s11+$0x0];
	_ =	sdelay $0x2  }
0x27f: {  	s11 =	sadd.s32 $0x18000, s1  }
0x280: {  	s15 =	sadd.s32 s12, s11  }
0x281: {  	s15 =	sadd.s32 s17, s15;
	[tilespmem:s20+$0x280] =	vst v1  }
0x282: {  	v1 =	vld [tilespmem:s15+$0x0];
	_ =	sdelay $0x2  }
0x283: {  	s18 =	sadd.s32 $0x1A800, s1  }
0x284: {  	s1 =	sadd.s32 s12, s18  }
0x285: {  	s12 =	sadd.s32 s17, s1;
	[tilespmem:s20+$0x300] =	vst v1  }
0x286: {  	v1 =	vld [tilespmem:s12+$0x0]  }
0x287: {  	s15 =	simm.s32 $0x10  }
0x288: {  	s17 =	simm.s32 $0x20;
	s26 =	sand.u32 $0x70, s15  }
0x289: {  	s1 =	sand.u32 $0x380, s15;
	s20 =	sor.u32 s0, s0;
	s12 =	simm.s32 $0x0  }
.LBB2_11:
0x28a: {  	p1 =	sne.s32 s17, $0x3F0;
	s21 =	sadd.s32 s1, s30;
	s20 =	sor.u32 $0x380, s20  }
0x28b: {  	s21 =	sadd.s32 s26, s21;
	[tilespmem:s20+$0x1D000] =	vst v1;
	s20 =	smov.u32 s15;
	s15 =	smov.u32 s17  }
0x28c: {  	v1 =	vld [tilespmem:s21+$0x0];
	_ =	sdelay $0x1  }
0x28d: {  	s12 =	sadd.s32 $0x80, s12  }
0x28e: {  	s21 =	sand.u32 $0x1C00, s12  }
0x28f: {  	s5 =	sadd.s32 s1, s29;
	s21 =	sor.u32 s26, s21  }
0x290: {  	s5 =	sadd.s32 s26, s5;
	[tilespmem:s21+$0x1D000] =	vst v1  }
0x291: {  	v1 =	vld [tilespmem:s5+$0x0];
	_ =	sdelay $0x3  }
0x292: {  	s5 =	sadd.s32 $0x1D000, s21;
	s21 =	sadd.s32 s1, s31  }
0x293: {  	s21 =	sadd.s32 s26, s21;
	[tilespmem:s5+$0x80] =	vst v1  }
0x294: {  	v1 =	vld [tilespmem:s21+$0x0];
	_ =	sdelay $0x3  }
0x295: {  	s21 =	sadd.s32 s1, s2  }
0x296: {  	s21 =	sadd.s32 s26, s21;
	[tilespmem:s5+$0x100] =	vst v1  }
0x297: {  	v1 =	vld [tilespmem:s21+$0x0];
	_ =	sdelay $0x3  }
0x298: {  	s21 =	sadd.s32 s1, s16  }
0x299: {  	s21 =	sadd.s32 s26, s21;
	[tilespmem:s5+$0x180] =	vst v1  }
0x29a: {  	v1 =	vld [tilespmem:s21+$0x0];
	_ =	sdelay $0x3  }
0x29b: {  	s21 =	sadd.s32 s1, s19  }
0x29c: {  	s21 =	sadd.s32 s26, s21;
	[tilespmem:s5+$0x200] =	vst v1  }
0x29d: {  	v1 =	vld [tilespmem:s21+$0x0];
	_ =	sdelay $0x3  }
0x29e: {  	s21 =	sadd.s32 s1, s11  }
0x29f: {  	s21 =	sadd.s32 s26, s21;
	[tilespmem:s5+$0x280] =	vst v1  }
0x2a0: {  	v1 =	vld [tilespmem:s21+$0x0];
	_ =	sdelay $0x3  }
0x2a1: {  	s1 =	sadd.s32 s1, s18  }
.Ltmp6:
0x2a2: {  	s1 =	sadd.s32 s26, s1;
	[tilespmem:s5+$0x300] =	vst v1;
	(pc) =	sbr.rel @p1 .LBB2_11-.Ltmp6, $3  }
0x2a3: {  	v1 =	vld [tilespmem:s1+$0x0];
	_ =	sdelay $0x1  }
0x2a4: {  	s26 =	sand.u32 $0x70, s17  }
0x2a5: {  	s20 =	sor.u32 s12, s20;
	s17 =	sadd.s32 $0x10, s17;
	s1 =	sand.u32 $0x380, s15  }
0x2a6: {  	s5 =	sadd.s32 s1, s30;
	s17 =	sor.u32 $0x380, s20  }
0x2a7: {  	s5 =	sadd.s32 s26, s5;
	[tilespmem:s17+$0x1D000] =	vst v1  }
0x2a8: {  	v1 =	vld [tilespmem:s5+$0x0];
	_ =	sdelay $0x1  }
0x2a9: {  	s5 =	sadd.s32 $0x80, s12  }
0x2aa: {  	s12 =	sand.u32 $0x1C00, s5  }
0x2ab: {  	s30 =	sadd.s32 s1, s29;
	s12 =	sor.u32 s26, s12  }
0x2ac: {  	s17 =	sadd.s32 s26, s30;
	[tilespmem:s12+$0x1D000] =	vst v1  }
0x2ad: {  	v1 =	vld [tilespmem:s17+$0x0];
	_ =	sdelay $0x3  }
0x2ae: {  	s31 =	sadd.s32 s1, s31;
	s12 =	sadd.s32 $0x1D000, s12  }
0x2af: {  	s17 =	sadd.s32 s26, s31;
	[tilespmem:s12+$0x80] =	vst v1  }
0x2b0: {  	v1 =	vld [tilespmem:s17+$0x0];
	_ =	sdelay $0x3  }
0x2b1: {  	s2 =	sadd.s32 s1, s2  }
0x2b2: {  	s2 =	sadd.s32 s26, s2;
	[tilespmem:s12+$0x100] =	vst v1  }
0x2b3: {  	v1 =	vld [tilespmem:s2+$0x0];
	_ =	sdelay $0x3  }
0x2b4: {  	s17 =	sadd.s32 s1, s16  }
0x2b5: {  	s2 =	sadd.s32 s26, s17;
	[tilespmem:s12+$0x180] =	vst v1  }
0x2b6: {  	v1 =	vld [tilespmem:s2+$0x0];
	_ =	sdelay $0x3  }
0x2b7: {  	s20 =	sadd.s32 s1, s19  }
0x2b8: {  	s2 =	sadd.s32 s26, s20;
	[tilespmem:s12+$0x200] =	vst v1  }
0x2b9: {  	v1 =	vld [tilespmem:s2+$0x0];
	_ =	sdelay $0x3  }
0x2ba: {  	s21 =	sadd.s32 s1, s11  }
0x2bb: {  	s2 =	sadd.s32 s26, s21;
	[tilespmem:s12+$0x280] =	vst v1  }
0x2bc: {  	v1 =	vld [tilespmem:s2+$0x0];
	_ =	sdelay $0x3  }
0x2bd: {  	s29 =	sadd.s32 s1, s18  }
0x2be: {  	s1 =	sadd.s32 s26, s29;
	[tilespmem:s12+$0x300] =	vst v1  }
0x2bf: {  	v1 =	vld [tilespmem:s1+$0x0];
	_ =	sdelay $0x1  }
0x2c0: {  	s30 =	sshll.u32 s28, $0xD  }
0x2c1: {  	s28 =	sadd.s32 $0x1, s28;
	s31 =	sor.u32 s5, s15;
	s1 =	sadd.s32 s8, s30  }
0x2c2: {  	p1 =	sne.s32 s28, $0xA;
	s2 =	sor.u32 $0x380, s31;
	s1 =	sshrl.u32 s1, $0x3  }
.Ltmp7:
0x2c3: {  	s1 =	sadd.s32 s9, s1;
	[tilespmem:s2+$0x1D000] =	vst v1;
	(pc) =	sbr.rel @p1 .LBB2_10-.Ltmp7, $4  }
0x2c4: {  	[hbm4b:s1+s3] =	stream.linear.scatter [tilespmem:s24], [sflag:$0x3], $0x2000, $0x38;
	[tilespmem:$0x1F000] =	vst v63  }
0x2c5: {  	_ =	swait.ge [sflag:s25], $0x2000  }
0x2c6: {  	[sflag:s25] =	ssyncset.done $0x0  }
0x2c7: {  	[sflag:s25] =	ssyncadd.s32 $0xFFFFE000  }
.Ltmp8:
0x2c8: {  	(pc) =	sbr.rel @p0 .LBB2_27-.Ltmp8, $1  }
0x2c9: {  	_ =	sdelay $0x3  }
0x2ca: {  	s0 =	simm.s32 $0x40;
	s1 =	simm.s32 $0x0  }
.LBB2_15:
0x2cb: {  	p1 =	sne.s32 s0, $0x4FFC0;
	[tilespmem:s1+$0x9000] =	vst v0;
	s1 =	smov.u32 s0;
	s0 =	sadd.s32 $0x40, s0  }
.Ltmp9:
0x2cc: {  	(pc) =	sbr.rel @p1 .LBB2_15-.Ltmp9, $2  }
0x2cd: {  	_ =	sdelay $0x2  }
0x2ce: {  	s1 =	sshra.s32 s1, $0x2  }
0x2cf: {  	s0 =	rddreg [dreg:$0x6]  }
.Ltmp10:
0x2d0: {  	s30 =	rddreg [dreg:$0x7];
	(pc) =	sbr.rel .LBB2_17-.Ltmp10, $4  }
0x2d1: {  	[tilespmem:s1+$0x9000] =	vst v0;
	s28 =	simm.s32 $0x0;
	s11 =	rddreg [dreg:$0x3]  }
0x2d2: {  	[tilespmem:s28], [sflag:$0x1] =	stream.linear.gather [hbm4b:s0+s28], $0x800, $0x38;
	[tilespmem:$0x1F000] =	vst v63  }
0x2d3: {  	s31 =	simm.s32 $0x800;
	s12 =	rddreg [dreg:$0x5]  }
0x2d4: {  	[tilespmem:s31], [sflag:$0x1] =	stream.linear.gather [hbm4b:s30+s28], $0x4000, $0x38;
	[tilespmem:$0x1F000] =	vst v63  }
.LBB2_22:
0x2d5: {  	s28 =	sadd.s32 $0x1, s28  }
0x2d6: {  	p1 =	sne.s32 s28, $0x5  }
.Ltmp11:
0x2d7: {  	_ = 	snop;
	(pc) =	sbr.rel @!p1 .LBB2_23-.Ltmp11, $2  }
0x2d8: {  	_ =	sdelay $0x2  }
0x2d9: {  	s0 =	simm.s32 $0x0  }
.LBB2_17:
0x2da: {  	s0 =	sshll.u32 s28, $0x1  }
0x2db: {  	s29 =	sadd.s32 s12, s0  }
0x2dc: {  	s0 =	sor.u32 $0x1, s29  }
0x2dd: {  	p1 =	sge.s32 s0, s14  }
0x2de: {  	s1 =	sshll.u32 @!p1 s0, $0x8;
	s0 =	sshll.u32 @!p1 s0, $0xE  }
0x2df: {  	s2 =	simm.s32 @!p1 $0x0;
	s1 =	sand.u32 @!p1 $0x1FFFFF00, s1;
	s0 =	sadd.s32 @!p1 s10, s0  }
0x2e0: {  	s5 =	simm.s32 @!p1 $0x4800;
	s1 =	sadd.s32 @!p1 s6, s1;
	s0 =	sshrl.u32 @!p1 s0, $0x3  }
0x2e1: {  	[tilespmem:s5], [sflag:$0x2] =	stream.linear.gather @!p1 [hbm4b:s1+s2], $0x800, $0x38;
	[tilespmem:$0x1F000] =	vst v63  }
0x2e2: {  	s0 =	sadd.s32 @!p1 s11, s0;
	s1 =	simm.s32 @!p1 $0x5000  }
0x2e3: {  	[tilespmem:s1], [sflag:$0x2] =	stream.linear.gather @!p1 [hbm4b:s0+s2], $0x4000, $0x38;
	[tilespmem:$0x1F000] =	vst v63  }
0x2e4: {  	_ =	swait.ge [sflag:s13], $0x800  }
0x2e5: {  	[sflag:s13] =	ssyncset.done $0x0  }
0x2e6: {  	[sflag:s13] =	ssyncadd.s32 $0xFFFFF800  }
0x2e7: {  	_ =	swait.ge [sflag:s13], $0x4000  }
0x2e8: {  	[sflag:s13] =	ssyncset.done $0x0  }
0x2e9: {  	s26 =	simm.s32 $0x40;
	[sflag:s13] =	ssyncadd.s32 $0xFFFFC000  }
0x2ea: {  	v8 =	vld [tilespmem:s26+$0x30]  }
0x2eb: {  	v4 =	vld [tilespmem:s26+$0xFFFFFFD0]  }
0x2ec: {  	s30 =	simm.s32 $0xA00;
	v5 =	vld [tilespmem:s26+$0xFFFFFFE0]  }
0x2ed: {  	v7 =	vld [tilespmem:s30+$0xFFFFFE70]  }
0x2ee: {  	v6 =	vld [tilespmem:s26+$0xFFFFFFF0]  }
0x2ef: {  	v3 =	vld [tilespmem:s26+$0x0]  }
0x2f0: {  	v2 =	vld [tilespmem:s26+$0x10]  }
0x2f1: {  	v1 =	vld [tilespmem:s26+$0x20]  }
0x2f2: {  	v11 =	vld [tilespmem:s30+$0xFFFFFE00]  }
0x2f3: {  	v12 =	vld [tilespmem:s30+$0xFFFFFE10]  }
0x2f4: {  	v13 =	vld [tilespmem:s30+$0xFFFFFE20]  }
0x2f5: {  	v14 =	vld [tilespmem:s30+$0xFFFFFE30]  }
0x2f6: {  	v15 =	vld [tilespmem:s30+$0xFFFFFE40]  }
0x2f7: {  	v16 =	vld [tilespmem:s30+$0xFFFFFE50]  }
0x2f8: {  	v17 =	vld [tilespmem:s30+$0xFFFFFE60]  }
0x2f9: {  	[tilespmem:v8+s22+$0x0] =	vst.idx.add.f32.msk $0xffff, v7  }
0x2fa: {  	v7 =	vld [tilespmem:s26+$0xFFFFFFC0]  }
0x2fb: {  	[tilespmem:v4+s22+$0x0] =	vst.idx.add.f32.msk $0xffff, v12  }
0x2fc: {  	[tilespmem:v5+s22+$0x0] =	vst.idx.add.f32.msk $0xffff, v13  }
0x2fd: {  	[tilespmem:v6+s22+$0x0] =	vst.idx.add.f32.msk $0xffff, v14  }
0x2fe: {  	[tilespmem:v3+s22+$0x0] =	vst.idx.add.f32.msk $0xffff, v15  }
0x2ff: {  	[tilespmem:v2+s22+$0x0] =	vst.idx.add.f32.msk $0xffff, v16  }
0x300: {  	[tilespmem:v1+s22+$0x0] =	vst.idx.add.f32.msk $0xffff, v17  }
0x301: {  	v9 =	vld [tilespmem:s30+$0xFFFFFEF0]  }
0x302: {  	v12 =	vld [tilespmem:s30+$0xFFFFFE90]  }
0x303: {  	v10 =	vadd.s32 $0x2800, v8;
	v13 =	vld [tilespmem:s30+$0xFFFFFEA0]  }
0x304: {  	v47 =	vadd.s32 $0x2800, v4;
	v14 =	vld [tilespmem:s30+$0xFFFFFEB0]  }
0x305: {  	v19 =	vadd.s32 $0x2800, v5;
	v46 =	vld [tilespmem:s30+$0xFFFFFEC0]  }
0x306: {  	v21 =	vadd.s32 $0x2800, v6;
	v18 =	vld [tilespmem:s30+$0xFFFFFED0]  }
0x307: {  	v49 =	vadd.s32 $0x2800, v3;
	v20 =	vld [tilespmem:s30+$0xFFFFFEE0]  }
0x308: {  	v50 =	vadd.s32 $0x2800, v2;
	[tilespmem:v10+s22+$0x0] =	vst.idx.add.f32.msk $0xffff, v9  }
0x309: {  	v51 =	vadd.s32 $0x2800, v1;
	[tilespmem:v47+s22+$0x0] =	vst.idx.add.f32.msk $0xffff, v12  }
0x30a: {  	[tilespmem:v19+s22+$0x0] =	vst.idx.add.f32.msk $0xffff, v13  }
0x30b: {  	[tilespmem:v21+s22+$0x0] =	vst.idx.add.f32.msk $0xffff, v14  }
0x30c: {  	[tilespmem:v49+s22+$0x0] =	vst.idx.add.f32.msk $0xffff, v46  }
0x30d: {  	[tilespmem:v50+s22+$0x0] =	vst.idx.add.f32.msk $0xffff, v18  }
0x30e: {  	[tilespmem:v51+s22+$0x0] =	vst.idx.add.f32.msk $0xffff, v20  }
0x30f: {  	v9 =	vld [tilespmem:s30+$0xFFFFFF70]  }
0x310: {  	v53 =	vld [tilespmem:s30+$0xFFFFFF10]  }
0x311: {  	v55 =	vld [tilespmem:s30+$0xFFFFFF20]  }
0x312: {  	v57 =	vld [tilespmem:s30+$0xFFFFFF30]  }
0x313: {  	v41 =	vadd.s32 $0x5000, v8;
	v59 =	vld [tilespmem:s30+$0xFFFFFF40]  }
0x314: {  	v56 =	vadd.s32 $0x5000, v4;
	v61 =	vld [tilespmem:s30+$0xFFFFFF50]  }
0x315: {  	v58 =	vadd.s32 $0x5000, v5;
	v63 =	vld [tilespmem:s30+$0xFFFFFF60]  }
0x316: {  	v60 =	vadd.s32 $0x5000, v6;
	[tilespmem:v7+s22+$0x0] =	vst.idx.add.f32.msk $0xffff, v11  }
0x317: {  	v62 =	vadd.s32 $0x5000, v3;
	v11 =	vld [tilespmem:s30+$0xFFFFFE80]  }
0x318: {  	v24 =	vadd.s32 $0x5000, v2;
	[tilespmem:v41+s22+$0x0] =	vst.idx.add.f32.msk $0xffff, v9  }
0x319: {  	v25 =	vadd.s32 $0x5000, v1;
	[tilespmem:v56+s22+$0x0] =	vst.idx.add.f32.msk $0xffff, v53  }
0x31a: {  	[tilespmem:v58+s22+$0x0] =	vst.idx.add.f32.msk $0xffff, v55  }
0x31b: {  	[tilespmem:v60+s22+$0x0] =	vst.idx.add.f32.msk $0xffff, v57  }
0x31c: {  	[tilespmem:v62+s22+$0x0] =	vst.idx.add.f32.msk $0xffff, v59  }
0x31d: {  	[tilespmem:v24+s22+$0x0] =	vst.idx.add.f32.msk $0xffff, v61  }
0x31e: {  	[tilespmem:v25+s22+$0x0] =	vst.idx.add.f32.msk $0xffff, v63  }
0x31f: {  	v45 =	vadd.s32 $0x2800, v7;
	v9 =	vld [tilespmem:s30+$0xFFFFFFF0]  }
0x320: {  	v13 =	vld [tilespmem:s30+$0xFFFFFFB0]  }
0x321: {  	v15 =	vld [tilespmem:s30+$0xFFFFFFC0]  }
0x322: {  	v42 =	vadd.s32 $0x7800, v8;
	v17 =	vld [tilespmem:s30+$0xFFFFFFD0]  }
0x323: {  	v30 =	vadd.s32 $0x7800, v6;
	v19 =	vld [tilespmem:s30+$0xFFFFFFE0]  }
0x324: {  	v31 =	vadd.s32 $0x7800, v3;
	[tilespmem:v45+s22+$0x0] =	vst.idx.add.f32.msk $0xffff, v11  }
0x325: {  	v32 =	vadd.s32 $0x7800, v2;
	v11 =	vld [tilespmem:s30+$0xFFFFFFA0]  }
0x326: {  	v33 =	vadd.s32 $0x7800, v1;
	v52 =	vld [tilespmem:s30+$0xFFFFFF00]  }
0x327: {  	[tilespmem:v42+s22+$0x0] =	vst.idx.add.f32.msk $0xffff, v9  }
0x328: {  	v29 =	vadd.s32 $0x7800, v5;
	[tilespmem:v30+s22+$0x0] =	vst.idx.add.f32.msk $0xffff, v13  }
0x329: {  	[tilespmem:v31+s22+$0x0] =	vst.idx.add.f32.msk $0xffff, v15  }
0x32a: {  	[tilespmem:v32+s22+$0x0] =	vst.idx.add.f32.msk $0xffff, v17  }
0x32b: {  	[tilespmem:v33+s22+$0x0] =	vst.idx.add.f32.msk $0xffff, v19  }
0x32c: {  	v9 =	vld [tilespmem:s30+$0x70]  }
0x32d: {  	v54 =	vadd.s32 $0x5000, v7;
	[tilespmem:v29+s22+$0x0] =	vst.idx.add.f32.msk $0xffff, v11  }
0x32e: {  	v13 =	vld [tilespmem:s30+$0x30]  }
0x32f: {  	v15 =	vld [tilespmem:s30+$0x40]  }
0x330: {  	v43 =	vadd.s32 $0xA000, v8;
	v17 =	vld [tilespmem:s30+$0x50]  }
0x331: {  	v38 =	vadd.s32 $0xA000, v6;
	v19 =	vld [tilespmem:s30+$0x60]  }
0x332: {  	v39 =	vadd.s32 $0xA000, v3;
	[tilespmem:v54+s22+$0x0] =	vst.idx.add.f32.msk $0xffff, v52  }
0x333: {  	v40 =	vadd.s32 $0xA000, v2;
	v11 =	vld [tilespmem:s30+$0x20]  }
0x334: {  	v41 =	vadd.s32 $0xA000, v1;
	v26 =	vld [tilespmem:s30+$0xFFFFFF80]  }
0x335: {  	[tilespmem:v43+s22+$0x0] =	vst.idx.add.f32.msk $0xffff, v9  }
0x336: {  	v37 =	vadd.s32 $0xA000, v5;
	[tilespmem:v38+s22+$0x0] =	vst.idx.add.f32.msk $0xffff, v13  }
0x337: {  	[tilespmem:v39+s22+$0x0] =	vst.idx.add.f32.msk $0xffff, v15  }
0x338: {  	[tilespmem:v40+s22+$0x0] =	vst.idx.add.f32.msk $0xffff, v17  }
0x339: {  	[tilespmem:v41+s22+$0x0] =	vst.idx.add.f32.msk $0xffff, v19  }
0x33a: {  	v9 =	vld [tilespmem:s30+$0xF0]  }
0x33b: {  	v27 =	vadd.s32 $0x7800, v7;
	[tilespmem:v37+s22+$0x0] =	vst.idx.add.f32.msk $0xffff, v11  }
0x33c: {  	v13 =	vld [tilespmem:s30+$0xB0]  }
0x33d: {  	v15 =	vld [tilespmem:s30+$0xC0]  }
0x33e: {  	v44 =	vadd.s32 $0xC800, v8;
	v17 =	vld [tilespmem:s30+$0xD0]  }
0x33f: {  	v46 =	vadd.s32 $0xC800, v6;
	v19 =	vld [tilespmem:s30+$0xE0]  }
0x340: {  	v47 =	vadd.s32 $0xC800, v3;
	[tilespmem:v27+s22+$0x0] =	vst.idx.add.f32.msk $0xffff, v26  }
0x341: {  	v49 =	vadd.s32 $0xC800, v1;
	v11 =	vld [tilespmem:s30+$0xA0]  }
0x342: {  	v34 =	vld [tilespmem:s30+$0x0]  }
0x343: {  	v45 =	vadd.s32 $0xC800, v5;
	[tilespmem:v44+s22+$0x0] =	vst.idx.add.f32.msk $0xffff, v9  }
0x344: {  	[tilespmem:v46+s22+$0x0] =	vst.idx.add.f32.msk $0xffff, v13  }
0x345: {  	[tilespmem:v47+s22+$0x0] =	vst.idx.add.f32.msk $0xffff, v15  }
0x346: {  	[tilespmem:v49+s22+$0x0] =	vst.idx.add.f32.msk $0xffff, v19  }
0x347: {  	v35 =	vadd.s32 $0xA000, v7;
	v9 =	vld [tilespmem:s30+$0x170]  }
0x348: {  	v48 =	vadd.s32 $0xF000, v8;
	[tilespmem:v45+s22+$0x0] =	vst.idx.add.f32.msk $0xffff, v11  }
0x349: {  	v13 =	vld [tilespmem:s30+$0x130]  }
0x34a: {  	v15 =	vld [tilespmem:s30+$0x140]  }
0x34b: {  	v19 =	vld [tilespmem:s30+$0x160]  }
0x34c: {  	v54 =	vadd.s32 $0xF000, v6;
	[tilespmem:v35+s22+$0x0] =	vst.idx.add.f32.msk $0xffff, v34  }
0x34d: {  	v55 =	vadd.s32 $0xF000, v3;
	[tilespmem:v48+s22+$0x0] =	vst.idx.add.f32.msk $0xffff, v9  }
0x34e: {  	v8 =	vadd.s32 $0x11800, v8;
	v9 =	vld [tilespmem:s30+$0x1F0]  }
0x34f: {  	v11 =	vld [tilespmem:s30+$0x120]  }
0x350: {  	v57 =	vadd.s32 $0xF000, v1;
	v42 =	vld [tilespmem:s30+$0x80]  }
0x351: {  	v53 =	vadd.s32 $0xF000, v5;
	[tilespmem:v54+s22+$0x0] =	vst.idx.add.f32.msk $0xffff, v13  }
0x352: {  	[tilespmem:v55+s22+$0x0] =	vst.idx.add.f32.msk $0xffff, v15  }
0x353: {  	[tilespmem:v8+s22+$0x0] =	vst.idx.add.f32.msk $0xffff, v9  }
0x354: {  	v28 =	vadd.s32 $0x7800, v4;
	v9 =	vld [tilespmem:s30+$0xFFFFFF90]  }
0x355: {  	[tilespmem:v57+s22+$0x0] =	vst.idx.add.f32.msk $0xffff, v19  }
0x356: {  	[tilespmem:v53+s22+$0x0] =	vst.idx.add.f32.msk $0xffff, v11  }
0x357: {  	v43 =	vadd.s32 $0xC800, v7;
	v60 =	vld [tilespmem:s30+$0x1B0]  }
0x358: {  	v61 =	vld [tilespmem:s30+$0x1C0]  }
0x359: {  	[tilespmem:v28+s22+$0x0] =	vst.idx.add.f32.msk $0xffff, v9  }
0x35a: {  	v36 =	vadd.s32 $0xA000, v4;
	v9 =	vld [tilespmem:s30+$0x10]  }
0x35b: {  	v63 =	vld [tilespmem:s30+$0x1E0]  }
0x35c: {  	v48 =	vadd.s32 $0xC800, v2;
	[tilespmem:v43+s22+$0x0] =	vst.idx.add.f32.msk $0xffff, v42  }
0x35d: {  	v59 =	vld [tilespmem:s30+$0x1A0]  }
0x35e: {  	v6 =	vadd.s32 $0x11800, v6;
	v50 =	vld [tilespmem:s30+$0x100]  }
0x35f: {  	v3 =	vadd.s32 $0x11800, v3;
	[tilespmem:v36+s22+$0x0] =	vst.idx.add.f32.msk $0xffff, v9  }
0x360: {  	v44 =	vadd.s32 $0xC800, v4;
	v9 =	vld [tilespmem:s30+$0x90]  }
0x361: {  	[tilespmem:v48+s22+$0x0] =	vst.idx.add.f32.msk $0xffff, v17  }
0x362: {  	v51 =	vadd.s32 $0xF000, v7;
	v17 =	vld [tilespmem:s30+$0x150]  }
0x363: {  	[tilespmem:v6+s22+$0x0] =	vst.idx.add.f32.msk $0xffff, v60  }
0x364: {  	v56 =	vadd.s32 $0xF000, v2;
	[tilespmem:v3+s22+$0x0] =	vst.idx.add.f32.msk $0xffff, v61  }
0x365: {  	[tilespmem:v44+s22+$0x0] =	vst.idx.add.f32.msk $0xffff, v9  }
0x366: {  	v52 =	vadd.s32 $0xF000, v4;
	v9 =	vld [tilespmem:s30+$0x110]  }
0x367: {  	[tilespmem:v51+s22+$0x0] =	vst.idx.add.f32.msk $0xffff, v50  }
0x368: {  	v1 =	vadd.s32 $0x11800, v1;
	v58 =	vld [tilespmem:s30+$0x180]  }
0x369: {  	v5 =	vadd.s32 $0x11800, v5;
	[tilespmem:v56+s22+$0x0] =	vst.idx.add.f32.msk $0xffff, v17  }
0x36a: {  	v7 =	vadd.s32 $0x11800, v7;
	v62 =	vld [tilespmem:s30+$0x1D0]  }
0x36b: {  	v2 =	vadd.s32 $0x11800, v2;
	[tilespmem:v52+s22+$0x0] =	vst.idx.add.f32.msk $0xffff, v9  }
0x36c: {  	v4 =	vadd.s32 $0x11800, v4;
	v9 =	vld [tilespmem:s30+$0x190]  }
0x36d: {  	[tilespmem:v1+s22+$0x0] =	vst.idx.add.f32.msk $0xffff, v63  }
0x36e: {  	[tilespmem:v5+s22+$0x0] =	vst.idx.add.f32.msk $0xffff, v59  }
0x36f: {  	[tilespmem:v7+s22+$0x0] =	vst.idx.add.f32.msk $0xffff, v58  }
0x370: {  	[tilespmem:v2+s22+$0x0] =	vst.idx.add.f32.msk $0xffff, v62  }
0x371: {  	s31 =	simm.s32 $0x0;
	s0 =	simm.s32 $0xC0;
	[tilespmem:v4+s22+$0x0] =	vst.idx.add.f32.msk $0xffff, v9  }
.LBB2_18:
0x372: {  	v38 =	vld [tilespmem:s0+$0x30];
	s31 =	sadd.s32 $0x8, s31  }
0x373: {  	v7 =	vld [tilespmem:s0+$0xFFFFFFD0];
	p2 =	slt.u32 s31, $0x78  }
0x374: {  	s30 =	sadd.s32 $0x400, s30;
	v45 =	vld [tilespmem:s0+$0xFFFFFFE0]  }
0x375: {  	v2 =	vld [tilespmem:s30+$0xFFFFFE70]  }
0x376: {  	v46 =	vld [tilespmem:s0+$0xFFFFFFF0]  }
0x377: {  	v47 =	vld [tilespmem:s0+$0x0]  }
0x378: {  	v44 =	vadd.s32 $0x2800, v7;
	v35 =	vadd.s32 $0x5000, v7;
	v24 =	vadd.s32 $0x7800, v7;
	v48 =	vld [tilespmem:s0+$0x10]  }
0x379: {  	v43 =	vadd.s32 $0x2800, v45;
	v36 =	vadd.s32 $0x5000, v45;
	v28 =	vadd.s32 $0x7800, v45;
	v49 =	vld [tilespmem:s0+$0x20]  }
0x37a: {  	v16 =	vadd.s32 $0xA000, v7;
	v1 =	vadd.s32 $0xC800, v7;
	v17 =	vadd.s32 $0xA000, v45;
	[tilespmem:v38+s22+$0x0] =	vst.idx.add.f32.msk $0xffff, v2  }
0x37b: {  	v3 =	vadd.s32 $0x2800, v38;
	v50 =	vadd.s32 $0x2800, v46;
	v37 =	vadd.s32 $0x5000, v46;
	v2 =	vld [tilespmem:s30+$0xFFFFFEF0]  }
0x37c: {  	v30 =	vadd.s32 $0x7800, v46;
	v5 =	vld [tilespmem:s0+$0xFFFFFFC0];
	v51 =	vadd.s32 $0x2800, v47;
	v39 =	vadd.s32 $0x5000, v47  }
0x37d: {  	v31 =	vadd.s32 $0x7800, v47;
	v6 =	vld [tilespmem:s30+$0xFFFFFE00];
	v52 =	vadd.s32 $0x2800, v48;
	v40 =	vadd.s32 $0x5000, v48  }
0x37e: {  	v32 =	vadd.s32 $0x7800, v48;
	v53 =	vld [tilespmem:s30+$0xFFFFFE10];
	v54 =	vadd.s32 $0x2800, v49;
	v41 =	vadd.s32 $0x5000, v49  }
0x37f: {  	v26 =	vadd.s32 $0xA000, v46;
	v25 =	vadd.s32 $0xA000, v47;
	v34 =	vadd.s32 $0x7800, v49;
	v55 =	vld [tilespmem:s30+$0xFFFFFE20]  }
0x380: {  	v18 =	vadd.s32 $0xC800, v45;
	v29 =	vadd.s32 $0xA000, v48;
	v27 =	vadd.s32 $0xA000, v49;
	[tilespmem:v3+s22+$0x0] =	vst.idx.add.f32.msk $0xffff, v2  }
0x381: {  	v4 =	vadd.s32 $0x5000, v38;
	v56 =	vadd.s32 $0x2800, v5;
	v57 =	vadd.s32 $0x5000, v5;
	v3 =	vld [tilespmem:s30+$0xFFFFFF70]  }
0x382: {  	v42 =	vadd.s32 $0x7800, v5;
	v33 =	vadd.s32 $0xA000, v5;
	v23 =	vadd.s32 $0xC800, v5;
	v58 =	vld [tilespmem:s30+$0xFFFFFE30]  }
0x383: {  	v20 =	vadd.s32 $0xC800, v46;
	v21 =	vadd.s32 $0xC800, v47;
	v19 =	vadd.s32 $0xC800, v48;
	v59 =	vld [tilespmem:s30+$0xFFFFFE40]  }
0x384: {  	v9 =	vadd.s32 $0xF000, v7;
	v22 =	vadd.s32 $0xC800, v49;
	v11 =	vadd.s32 $0xF000, v5;
	v60 =	vld [tilespmem:s30+$0xFFFFFE50]  }
0x385: {  	v14 =	vadd.s32 $0xF000, v45;
	v12 =	vadd.s32 $0xF000, v46;
	v10 =	vadd.s32 $0xF000, v47;
	v61 =	vld [tilespmem:s30+$0xFFFFFE60]  }
0x386: {  	v15 =	vadd.s32 $0xF000, v48;
	v13 =	vadd.s32 $0xF000, v49;
	v2 =	vadd.s32 $0x11800, v5;
	[tilespmem:v4+s22+$0x0] =	vst.idx.add.f32.msk $0xffff, v3  }
0x387: {  	v63 =	vadd.s32 $0x7800, v38;
	v4 =	vadd.s32 $0x11800, v7;
	v3 =	vadd.s32 $0x11800, v45;
	v62 =	vld [tilespmem:s30+$0xFFFFFFF0]  }
0x388: {  	v8 =	vadd.s32 $0x11800, v46;
	[tilespmem:v5+s22+$0x0] =	vst.idx.add.f32.msk $0xffff, v6;
	v6 =	vadd.s32 $0x11800, v47;
	v5 =	vadd.s32 $0x11800, v48  }
0x389: {  	[tilespmem:v7+s22+$0x0] =	vst.idx.add.f32.msk $0xffff, v53;
	v7 =	vadd.s32 $0x11800, v49  }
0x38a: {  	[tilespmem:v45+s22+$0x0] =	vst.idx.add.f32.msk $0xffff, v55  }
0x38b: {  	[tilespmem:v46+s22+$0x0] =	vst.idx.add.f32.msk $0xffff, v58  }
0x38c: {  	[tilespmem:v63+s22+$0x0] =	vst.idx.add.f32.msk $0xffff, v62  }
0x38d: {  	v46 =	vadd.s32 $0xA000, v38;
	v45 =	vld [tilespmem:s30+$0x70]  }
0x38e: {  	[tilespmem:v47+s22+$0x0] =	vst.idx.add.f32.msk $0xffff, v59  }
0x38f: {  	[tilespmem:v48+s22+$0x0] =	vst.idx.add.f32.msk $0xffff, v60  }
0x390: {  	[tilespmem:v49+s22+$0x0] =	vst.idx.add.f32.msk $0xffff, v61  }
0x391: {  	v47 =	vld [tilespmem:s30+$0xFFFFFE80]  }
0x392: {  	[tilespmem:v46+s22+$0x0] =	vst.idx.add.f32.msk $0xffff, v45  }
0x393: {  	v46 =	vadd.s32 $0xC800, v38;
	v45 =	vld [tilespmem:s30+$0xF0]  }
0x394: {  	v48 =	vld [tilespmem:s30+$0xFFFFFE90]  }
0x395: {  	v49 =	vld [tilespmem:s30+$0xFFFFFEA0]  }
0x396: {  	v53 =	vld [tilespmem:s30+$0xFFFFFEB0]  }
0x397: {  	v55 =	vld [tilespmem:s30+$0xFFFFFEC0]  }
0x398: {  	[tilespmem:v46+s22+$0x0] =	vst.idx.add.f32.msk $0xffff, v45  }
0x399: {  	v46 =	vadd.s32 $0xF000, v38;
	v45 =	vld [tilespmem:s30+$0x170]  }
0x39a: {  	v58 =	vld [tilespmem:s30+$0xFFFFFED0]  }
0x39b: {  	v59 =	vld [tilespmem:s30+$0xFFFFFEE0]  }
0x39c: {  	[tilespmem:v56+s22+$0x0] =	vst.idx.add.f32.msk $0xffff, v47  }
0x39d: {  	[tilespmem:v44+s22+$0x0] =	vst.idx.add.f32.msk $0xffff, v48  }
0x39e: {  	[tilespmem:v46+s22+$0x0] =	vst.idx.add.f32.msk $0xffff, v45  }
0x39f: {  	v38 =	vadd.s32 $0x11800, v38;
	v44 =	vld [tilespmem:s30+$0x1F0]  }
0x3a0: {  	[tilespmem:v43+s22+$0x0] =	vst.idx.add.f32.msk $0xffff, v49  }
0x3a1: {  	[tilespmem:v50+s22+$0x0] =	vst.idx.add.f32.msk $0xffff, v53  }
0x3a2: {  	[tilespmem:v51+s22+$0x0] =	vst.idx.add.f32.msk $0xffff, v55  }
0x3a3: {  	[tilespmem:v52+s22+$0x0] =	vst.idx.add.f32.msk $0xffff, v58  }
0x3a4: {  	[tilespmem:v38+s22+$0x0] =	vst.idx.add.f32.msk $0xffff, v44  }
0x3a5: {  	[tilespmem:v54+s22+$0x0] =	vst.idx.add.f32.msk $0xffff, v59  }
0x3a6: {  	v38 =	vld [tilespmem:s30+$0xFFFFFF00]  }
0x3a7: {  	v43 =	vld [tilespmem:s30+$0xFFFFFF10]  }
0x3a8: {  	v44 =	vld [tilespmem:s30+$0xFFFFFF20]  }
0x3a9: {  	v45 =	vld [tilespmem:s30+$0xFFFFFF30]  }
0x3aa: {  	v46 =	vld [tilespmem:s30+$0xFFFFFF40]  }
0x3ab: {  	v47 =	vld [tilespmem:s30+$0xFFFFFF50]  }
0x3ac: {  	v48 =	vld [tilespmem:s30+$0xFFFFFF60]  }
0x3ad: {  	[tilespmem:v57+s22+$0x0] =	vst.idx.add.f32.msk $0xffff, v38  }
0x3ae: {  	[tilespmem:v35+s22+$0x0] =	vst.idx.add.f32.msk $0xffff, v43  }
0x3af: {  	[tilespmem:v36+s22+$0x0] =	vst.idx.add.f32.msk $0xffff, v44  }
0x3b0: {  	[tilespmem:v37+s22+$0x0] =	vst.idx.add.f32.msk $0xffff, v45  }
0x3b1: {  	[tilespmem:v39+s22+$0x0] =	vst.idx.add.f32.msk $0xffff, v46  }
0x3b2: {  	[tilespmem:v40+s22+$0x0] =	vst.idx.add.f32.msk $0xffff, v47  }
0x3b3: {  	[tilespmem:v41+s22+$0x0] =	vst.idx.add.f32.msk $0xffff, v48  }
0x3b4: {  	v35 =	vld [tilespmem:s30+$0xFFFFFF80]  }
0x3b5: {  	v36 =	vld [tilespmem:s30+$0xFFFFFF90]  }
0x3b6: {  	v37 =	vld [tilespmem:s30+$0xFFFFFFA0]  }
0x3b7: {  	v38 =	vld [tilespmem:s30+$0xFFFFFFB0]  }
0x3b8: {  	v39 =	vld [tilespmem:s30+$0xFFFFFFC0]  }
0x3b9: {  	v40 =	vld [tilespmem:s30+$0xFFFFFFD0]  }
0x3ba: {  	v41 =	vld [tilespmem:s30+$0xFFFFFFE0]  }
0x3bb: {  	[tilespmem:v42+s22+$0x0] =	vst.idx.add.f32.msk $0xffff, v35  }
0x3bc: {  	[tilespmem:v24+s22+$0x0] =	vst.idx.add.f32.msk $0xffff, v36  }
0x3bd: {  	[tilespmem:v28+s22+$0x0] =	vst.idx.add.f32.msk $0xffff, v37  }
0x3be: {  	[tilespmem:v30+s22+$0x0] =	vst.idx.add.f32.msk $0xffff, v38  }
0x3bf: {  	[tilespmem:v31+s22+$0x0] =	vst.idx.add.f32.msk $0xffff, v39  }
0x3c0: {  	[tilespmem:v32+s22+$0x0] =	vst.idx.add.f32.msk $0xffff, v40  }
0x3c1: {  	[tilespmem:v34+s22+$0x0] =	vst.idx.add.f32.msk $0xffff, v41  }
0x3c2: {  	v24 =	vld [tilespmem:s30+$0x0]  }
0x3c3: {  	v28 =	vld [tilespmem:s30+$0x10]  }
0x3c4: {  	v30 =	vld [tilespmem:s30+$0x20]  }
0x3c5: {  	v31 =	vld [tilespmem:s30+$0x30]  }
0x3c6: {  	v32 =	vld [tilespmem:s30+$0x40]  }
0x3c7: {  	v34 =	vld [tilespmem:s30+$0x50]  }
0x3c8: {  	v35 =	vld [tilespmem:s30+$0x60]  }
0x3c9: {  	[tilespmem:v33+s22+$0x0] =	vst.idx.add.f32.msk $0xffff, v24  }
0x3ca: {  	[tilespmem:v16+s22+$0x0] =	vst.idx.add.f32.msk $0xffff, v28  }
0x3cb: {  	[tilespmem:v17+s22+$0x0] =	vst.idx.add.f32.msk $0xffff, v30  }
0x3cc: {  	[tilespmem:v26+s22+$0x0] =	vst.idx.add.f32.msk $0xffff, v31  }
0x3cd: {  	[tilespmem:v25+s22+$0x0] =	vst.idx.add.f32.msk $0xffff, v32  }
0x3ce: {  	[tilespmem:v29+s22+$0x0] =	vst.idx.add.f32.msk $0xffff, v34  }
0x3cf: {  	[tilespmem:v27+s22+$0x0] =	vst.idx.add.f32.msk $0xffff, v35  }
0x3d0: {  	v16 =	vld [tilespmem:s30+$0x80]  }
0x3d1: {  	v17 =	vld [tilespmem:s30+$0x90]  }
0x3d2: {  	v24 =	vld [tilespmem:s30+$0xA0]  }
0x3d3: {  	v25 =	vld [tilespmem:s30+$0xB0]  }
0x3d4: {  	v26 =	vld [tilespmem:s30+$0xC0]  }
0x3d5: {  	v27 =	vld [tilespmem:s30+$0xD0]  }
0x3d6: {  	v28 =	vld [tilespmem:s30+$0xE0]  }
0x3d7: {  	[tilespmem:v23+s22+$0x0] =	vst.idx.add.f32.msk $0xffff, v16  }
0x3d8: {  	[tilespmem:v1+s22+$0x0] =	vst.idx.add.f32.msk $0xffff, v17  }
0x3d9: {  	[tilespmem:v18+s22+$0x0] =	vst.idx.add.f32.msk $0xffff, v24  }
0x3da: {  	[tilespmem:v20+s22+$0x0] =	vst.idx.add.f32.msk $0xffff, v25  }
0x3db: {  	[tilespmem:v21+s22+$0x0] =	vst.idx.add.f32.msk $0xffff, v26  }
0x3dc: {  	[tilespmem:v19+s22+$0x0] =	vst.idx.add.f32.msk $0xffff, v27  }
0x3dd: {  	[tilespmem:v22+s22+$0x0] =	vst.idx.add.f32.msk $0xffff, v28  }
0x3de: {  	v1 =	vld [tilespmem:s30+$0x100]  }
0x3df: {  	v16 =	vld [tilespmem:s30+$0x110]  }
0x3e0: {  	v17 =	vld [tilespmem:s30+$0x120]  }
0x3e1: {  	v18 =	vld [tilespmem:s30+$0x130]  }
0x3e2: {  	v19 =	vld [tilespmem:s30+$0x140]  }
0x3e3: {  	v20 =	vld [tilespmem:s30+$0x150]  }
0x3e4: {  	v21 =	vld [tilespmem:s30+$0x160]  }
0x3e5: {  	[tilespmem:v11+s22+$0x0] =	vst.idx.add.f32.msk $0xffff, v1  }
0x3e6: {  	[tilespmem:v9+s22+$0x0] =	vst.idx.add.f32.msk $0xffff, v16  }
0x3e7: {  	[tilespmem:v14+s22+$0x0] =	vst.idx.add.f32.msk $0xffff, v17  }
0x3e8: {  	[tilespmem:v12+s22+$0x0] =	vst.idx.add.f32.msk $0xffff, v18  }
0x3e9: {  	[tilespmem:v10+s22+$0x0] =	vst.idx.add.f32.msk $0xffff, v19  }
0x3ea: {  	[tilespmem:v15+s22+$0x0] =	vst.idx.add.f32.msk $0xffff, v20  }
0x3eb: {  	[tilespmem:v13+s22+$0x0] =	vst.idx.add.f32.msk $0xffff, v21  }
0x3ec: {  	v1 =	vld [tilespmem:s30+$0x180]  }
0x3ed: {  	v9 =	vld [tilespmem:s30+$0x190]  }
0x3ee: {  	v10 =	vld [tilespmem:s30+$0x1A0]  }
0x3ef: {  	v11 =	vld [tilespmem:s30+$0x1B0]  }
0x3f0: {  	v12 =	vld [tilespmem:s30+$0x1C0]  }
0x3f1: {  	v13 =	vld [tilespmem:s30+$0x1D0]  }
0x3f2: {  	v14 =	vld [tilespmem:s30+$0x1E0]  }
0x3f3: {  	[tilespmem:v2+s22+$0x0] =	vst.idx.add.f32.msk $0xffff, v1  }
0x3f4: {  	[tilespmem:v4+s22+$0x0] =	vst.idx.add.f32.msk $0xffff, v9  }
.Ltmp12:
0x3f5: {  	[tilespmem:v3+s22+$0x0] =	vst.idx.add.f32.msk $0xffff, v10;
	(pc) =	sbr.rel @p2 .LBB2_18-.Ltmp12, $4  }
0x3f6: {  	[tilespmem:v8+s22+$0x0] =	vst.idx.add.f32.msk $0xffff, v11  }
0x3f7: {  	[tilespmem:v6+s22+$0x0] =	vst.idx.add.f32.msk $0xffff, v12  }
0x3f8: {  	[tilespmem:v5+s22+$0x0] =	vst.idx.add.f32.msk $0xffff, v13  }
0x3f9: {  	s0 =	sadd.s32 $0x80, s0;
	[tilespmem:v7+s22+$0x0] =	vst.idx.add.f32.msk $0xffff, v14  }
.Ltmp13:
0x3fa: {  	(pc) =	sbr.rel @p1 .LBB2_22-.Ltmp13, $1  }
0x3fb: {  	_ =	sdelay $0x3  }
0x3fc: {  	s0 =	sadd.s32 $0x2, s29  }
0x3fd: {  	p1 =	sge.s32 s0, s14  }
0x3fe: {  	s0 =	sshll.u32 @!p1 s0, $0x4  }
0x3ff: {  	s0 =	sand.u32 @!p1 $0x1FFFFE0, s0  }
0x400: {  	s1 =	sshll.u32 @!p1 s0, $0x4;
	s0 =	sshll.u32 @!p1 s0, $0xA  }
0x401: {  	s2 =	simm.s32 @!p1 $0x0;
	s1 =	sadd.s32 @!p1 s6, s1;
	s0 =	sadd.s32 @!p1 s10, s0  }
0x402: {  	[tilespmem:s2], [sflag:$0x1] =	stream.linear.gather @!p1 [hbm4b:s1+s2], $0x800, $0x38;
	[tilespmem:$0x1F000] =	vst v63  }
0x403: {  	s0 =	sshrl.u32 @!p1 s0, $0x3  }
0x404: {  	s1 =	simm.s32 @!p1 $0x800;
	s0 =	sadd.s32 @!p1 s11, s0  }
0x405: {  	[tilespmem:s1], [sflag:$0x1] =	stream.linear.gather @!p1 [hbm4b:s0+s2], $0x4000, $0x38;
	[tilespmem:$0x1F000] =	vst v63  }
0x406: {  	_ =	swait.ge [sflag:s23], $0x800  }
0x407: {  	[sflag:s23] =	ssyncset.done $0x0  }
0x408: {  	[sflag:s23] =	ssyncadd.s32 $0xFFFFF800  }
0x409: {  	_ =	swait.ge [sflag:s23], $0x4000  }
0x40a: {  	[sflag:s23] =	ssyncset.done $0x0  }
0x40b: {  	s31 =	simm.s32 $0x4840;
	[sflag:s23] =	ssyncadd.s32 $0xFFFFC000  }
0x40c: {  	v8 =	vld [tilespmem:s31+$0x30]  }
0x40d: {  	v4 =	vld [tilespmem:s31+$0xFFFFFFD0]  }
0x40e: {  	s29 =	simm.s32 $0x5200;
	v5 =	vld [tilespmem:s31+$0xFFFFFFE0]  }
0x40f: {  	v7 =	vld [tilespmem:s29+$0xFFFFFE70]  }
0x410: {  	v6 =	vld [tilespmem:s31+$0xFFFFFFF0]  }
0x411: {  	v3 =	vld [tilespmem:s31+$0x0]  }
0x412: {  	v2 =	vld [tilespmem:s31+$0x10]  }
0x413: {  	v1 =	vld [tilespmem:s31+$0x20]  }
0x414: {  	v11 =	vld [tilespmem:s29+$0xFFFFFE00]  }
0x415: {  	v12 =	vld [tilespmem:s29+$0xFFFFFE10]  }
0x416: {  	v13 =	vld [tilespmem:s29+$0xFFFFFE20]  }
0x417: {  	v14 =	vld [tilespmem:s29+$0xFFFFFE30]  }
0x418: {  	v15 =	vld [tilespmem:s29+$0xFFFFFE40]  }
0x419: {  	v16 =	vld [tilespmem:s29+$0xFFFFFE50]  }
0x41a: {  	v17 =	vld [tilespmem:s29+$0xFFFFFE60]  }
0x41b: {  	[tilespmem:v8+s22+$0x0] =	vst.idx.add.f32.msk $0xffff, v7  }
0x41c: {  	v7 =	vld [tilespmem:s31+$0xFFFFFFC0]  }
0x41d: {  	[tilespmem:v4+s22+$0x0] =	vst.idx.add.f32.msk $0xffff, v12  }
0x41e: {  	[tilespmem:v5+s22+$0x0] =	vst.idx.add.f32.msk $0xffff, v13  }
0x41f: {  	[tilespmem:v6+s22+$0x0] =	vst.idx.add.f32.msk $0xffff, v14  }
0x420: {  	[tilespmem:v3+s22+$0x0] =	vst.idx.add.f32.msk $0xffff, v15  }
0x421: {  	[tilespmem:v2+s22+$0x0] =	vst.idx.add.f32.msk $0xffff, v16  }
0x422: {  	[tilespmem:v1+s22+$0x0] =	vst.idx.add.f32.msk $0xffff, v17  }
0x423: {  	v9 =	vld [tilespmem:s29+$0xFFFFFEF0]  }
0x424: {  	v12 =	vld [tilespmem:s29+$0xFFFFFE90]  }
0x425: {  	v10 =	vadd.s32 $0x2800, v8;
	v13 =	vld [tilespmem:s29+$0xFFFFFEA0]  }
0x426: {  	v47 =	vadd.s32 $0x2800, v4;
	v14 =	vld [tilespmem:s29+$0xFFFFFEB0]  }
0x427: {  	v19 =	vadd.s32 $0x2800, v5;
	v46 =	vld [tilespmem:s29+$0xFFFFFEC0]  }
0x428: {  	v21 =	vadd.s32 $0x2800, v6;
	v18 =	vld [tilespmem:s29+$0xFFFFFED0]  }
0x429: {  	v49 =	vadd.s32 $0x2800, v3;
	v20 =	vld [tilespmem:s29+$0xFFFFFEE0]  }
0x42a: {  	v50 =	vadd.s32 $0x2800, v2;
	[tilespmem:v10+s22+$0x0] =	vst.idx.add.f32.msk $0xffff, v9  }
0x42b: {  	v51 =	vadd.s32 $0x2800, v1;
	[tilespmem:v47+s22+$0x0] =	vst.idx.add.f32.msk $0xffff, v12  }
0x42c: {  	[tilespmem:v19+s22+$0x0] =	vst.idx.add.f32.msk $0xffff, v13  }
0x42d: {  	[tilespmem:v21+s22+$0x0] =	vst.idx.add.f32.msk $0xffff, v14  }
0x42e: {  	[tilespmem:v49+s22+$0x0] =	vst.idx.add.f32.msk $0xffff, v46  }
0x42f: {  	[tilespmem:v50+s22+$0x0] =	vst.idx.add.f32.msk $0xffff, v18  }
0x430: {  	[tilespmem:v51+s22+$0x0] =	vst.idx.add.f32.msk $0xffff, v20  }
0x431: {  	v9 =	vld [tilespmem:s29+$0xFFFFFF70]  }
0x432: {  	v53 =	vld [tilespmem:s29+$0xFFFFFF10]  }
0x433: {  	v55 =	vld [tilespmem:s29+$0xFFFFFF20]  }
0x434: {  	v57 =	vld [tilespmem:s29+$0xFFFFFF30]  }
0x435: {  	v41 =	vadd.s32 $0x5000, v8;
	v59 =	vld [tilespmem:s29+$0xFFFFFF40]  }
0x436: {  	v56 =	vadd.s32 $0x5000, v4;
	v61 =	vld [tilespmem:s29+$0xFFFFFF50]  }
0x437: {  	v58 =	vadd.s32 $0x5000, v5;
	v63 =	vld [tilespmem:s29+$0xFFFFFF60]  }
0x438: {  	v60 =	vadd.s32 $0x5000, v6;
	[tilespmem:v7+s22+$0x0] =	vst.idx.add.f32.msk $0xffff, v11  }
0x439: {  	v62 =	vadd.s32 $0x5000, v3;
	v11 =	vld [tilespmem:s29+$0xFFFFFE80]  }
0x43a: {  	v24 =	vadd.s32 $0x5000, v2;
	[tilespmem:v41+s22+$0x0] =	vst.idx.add.f32.msk $0xffff, v9  }
0x43b: {  	v25 =	vadd.s32 $0x5000, v1;
	[tilespmem:v56+s22+$0x0] =	vst.idx.add.f32.msk $0xffff, v53  }
0x43c: {  	[tilespmem:v58+s22+$0x0] =	vst.idx.add.f32.msk $0xffff, v55  }
0x43d: {  	[tilespmem:v60+s22+$0x0] =	vst.idx.add.f32.msk $0xffff, v57  }
0x43e: {  	[tilespmem:v62+s22+$0x0] =	vst.idx.add.f32.msk $0xffff, v59  }
0x43f: {  	[tilespmem:v24+s22+$0x0] =	vst.idx.add.f32.msk $0xffff, v61  }
0x440: {  	[tilespmem:v25+s22+$0x0] =	vst.idx.add.f32.msk $0xffff, v63  }
0x441: {  	v45 =	vadd.s32 $0x2800, v7;
	v9 =	vld [tilespmem:s29+$0xFFFFFFF0]  }
0x442: {  	v13 =	vld [tilespmem:s29+$0xFFFFFFB0]  }
0x443: {  	v15 =	vld [tilespmem:s29+$0xFFFFFFC0]  }
0x444: {  	v42 =	vadd.s32 $0x7800, v8;
	v17 =	vld [tilespmem:s29+$0xFFFFFFD0]  }
0x445: {  	v30 =	vadd.s32 $0x7800, v6;
	v19 =	vld [tilespmem:s29+$0xFFFFFFE0]  }
0x446: {  	v31 =	vadd.s32 $0x7800, v3;
	[tilespmem:v45+s22+$0x0] =	vst.idx.add.f32.msk $0xffff, v11  }
0x447: {  	v32 =	vadd.s32 $0x7800, v2;
	v11 =	vld [tilespmem:s29+$0xFFFFFFA0]  }
0x448: {  	v33 =	vadd.s32 $0x7800, v1;
	v52 =	vld [tilespmem:s29+$0xFFFFFF00]  }
0x449: {  	[tilespmem:v42+s22+$0x0] =	vst.idx.add.f32.msk $0xffff, v9  }
0x44a: {  	v29 =	vadd.s32 $0x7800, v5;
	[tilespmem:v30+s22+$0x0] =	vst.idx.add.f32.msk $0xffff, v13  }
0x44b: {  	[tilespmem:v31+s22+$0x0] =	vst.idx.add.f32.msk $0xffff, v15  }
0x44c: {  	[tilespmem:v32+s22+$0x0] =	vst.idx.add.f32.msk $0xffff, v17  }
0x44d: {  	[tilespmem:v33+s22+$0x0] =	vst.idx.add.f32.msk $0xffff, v19  }
0x44e: {  	v9 =	vld [tilespmem:s29+$0x70]  }
0x44f: {  	v54 =	vadd.s32 $0x5000, v7;
	[tilespmem:v29+s22+$0x0] =	vst.idx.add.f32.msk $0xffff, v11  }
0x450: {  	v13 =	vld [tilespmem:s29+$0x30]  }
0x451: {  	v15 =	vld [tilespmem:s29+$0x40]  }
0x452: {  	v43 =	vadd.s32 $0xA000, v8;
	v17 =	vld [tilespmem:s29+$0x50]  }
0x453: {  	v38 =	vadd.s32 $0xA000, v6;
	v19 =	vld [tilespmem:s29+$0x60]  }
0x454: {  	v39 =	vadd.s32 $0xA000, v3;
	[tilespmem:v54+s22+$0x0] =	vst.idx.add.f32.msk $0xffff, v52  }
0x455: {  	v40 =	vadd.s32 $0xA000, v2;
	v11 =	vld [tilespmem:s29+$0x20]  }
0x456: {  	v41 =	vadd.s32 $0xA000, v1;
	v26 =	vld [tilespmem:s29+$0xFFFFFF80]  }
0x457: {  	[tilespmem:v43+s22+$0x0] =	vst.idx.add.f32.msk $0xffff, v9  }
0x458: {  	v37 =	vadd.s32 $0xA000, v5;
	[tilespmem:v38+s22+$0x0] =	vst.idx.add.f32.msk $0xffff, v13  }
0x459: {  	[tilespmem:v39+s22+$0x0] =	vst.idx.add.f32.msk $0xffff, v15  }
0x45a: {  	[tilespmem:v40+s22+$0x0] =	vst.idx.add.f32.msk $0xffff, v17  }
0x45b: {  	[tilespmem:v41+s22+$0x0] =	vst.idx.add.f32.msk $0xffff, v19  }
0x45c: {  	v9 =	vld [tilespmem:s29+$0xF0]  }
0x45d: {  	v27 =	vadd.s32 $0x7800, v7;
	[tilespmem:v37+s22+$0x0] =	vst.idx.add.f32.msk $0xffff, v11  }
0x45e: {  	v13 =	vld [tilespmem:s29+$0xB0]  }
0x45f: {  	v15 =	vld [tilespmem:s29+$0xC0]  }
0x460: {  	v44 =	vadd.s32 $0xC800, v8;
	v17 =	vld [tilespmem:s29+$0xD0]  }
0x461: {  	v46 =	vadd.s32 $0xC800, v6;
	v19 =	vld [tilespmem:s29+$0xE0]  }
0x462: {  	v47 =	vadd.s32 $0xC800, v3;
	[tilespmem:v27+s22+$0x0] =	vst.idx.add.f32.msk $0xffff, v26  }
0x463: {  	v49 =	vadd.s32 $0xC800, v1;
	v11 =	vld [tilespmem:s29+$0xA0]  }
0x464: {  	v34 =	vld [tilespmem:s29+$0x0]  }
0x465: {  	v45 =	vadd.s32 $0xC800, v5;
	[tilespmem:v44+s22+$0x0] =	vst.idx.add.f32.msk $0xffff, v9  }
0x466: {  	[tilespmem:v46+s22+$0x0] =	vst.idx.add.f32.msk $0xffff, v13  }
0x467: {  	[tilespmem:v47+s22+$0x0] =	vst.idx.add.f32.msk $0xffff, v15  }
0x468: {  	[tilespmem:v49+s22+$0x0] =	vst.idx.add.f32.msk $0xffff, v19  }
0x469: {  	v35 =	vadd.s32 $0xA000, v7;
	v9 =	vld [tilespmem:s29+$0x170]  }
0x46a: {  	v48 =	vadd.s32 $0xF000, v8;
	[tilespmem:v45+s22+$0x0] =	vst.idx.add.f32.msk $0xffff, v11  }
0x46b: {  	v13 =	vld [tilespmem:s29+$0x130]  }
0x46c: {  	v15 =	vld [tilespmem:s29+$0x140]  }
0x46d: {  	v19 =	vld [tilespmem:s29+$0x160]  }
0x46e: {  	v54 =	vadd.s32 $0xF000, v6;
	[tilespmem:v35+s22+$0x0] =	vst.idx.add.f32.msk $0xffff, v34  }
0x46f: {  	v55 =	vadd.s32 $0xF000, v3;
	[tilespmem:v48+s22+$0x0] =	vst.idx.add.f32.msk $0xffff, v9  }
0x470: {  	v8 =	vadd.s32 $0x11800, v8;
	v9 =	vld [tilespmem:s29+$0x1F0]  }
0x471: {  	v11 =	vld [tilespmem:s29+$0x120]  }
0x472: {  	v57 =	vadd.s32 $0xF000, v1;
	v42 =	vld [tilespmem:s29+$0x80]  }
0x473: {  	v53 =	vadd.s32 $0xF000, v5;
	[tilespmem:v54+s22+$0x0] =	vst.idx.add.f32.msk $0xffff, v13  }
0x474: {  	[tilespmem:v55+s22+$0x0] =	vst.idx.add.f32.msk $0xffff, v15  }
0x475: {  	[tilespmem:v8+s22+$0x0] =	vst.idx.add.f32.msk $0xffff, v9  }
0x476: {  	v28 =	vadd.s32 $0x7800, v4;
	v9 =	vld [tilespmem:s29+$0xFFFFFF90]  }
0x477: {  	[tilespmem:v57+s22+$0x0] =	vst.idx.add.f32.msk $0xffff, v19  }
0x478: {  	[tilespmem:v53+s22+$0x0] =	vst.idx.add.f32.msk $0xffff, v11  }
0x479: {  	v43 =	vadd.s32 $0xC800, v7;
	v60 =	vld [tilespmem:s29+$0x1B0]  }
0x47a: {  	v61 =	vld [tilespmem:s29+$0x1C0]  }
0x47b: {  	[tilespmem:v28+s22+$0x0] =	vst.idx.add.f32.msk $0xffff, v9  }
0x47c: {  	v36 =	vadd.s32 $0xA000, v4;
	v9 =	vld [tilespmem:s29+$0x10]  }
0x47d: {  	v63 =	vld [tilespmem:s29+$0x1E0]  }
0x47e: {  	v48 =	vadd.s32 $0xC800, v2;
	[tilespmem:v43+s22+$0x0] =	vst.idx.add.f32.msk $0xffff, v42  }
0x47f: {  	v59 =	vld [tilespmem:s29+$0x1A0]  }
0x480: {  	v6 =	vadd.s32 $0x11800, v6;
	v50 =	vld [tilespmem:s29+$0x100]  }
0x481: {  	v3 =	vadd.s32 $0x11800, v3;
	[tilespmem:v36+s22+$0x0] =	vst.idx.add.f32.msk $0xffff, v9  }
0x482: {  	v44 =	vadd.s32 $0xC800, v4;
	v9 =	vld [tilespmem:s29+$0x90]  }
0x483: {  	[tilespmem:v48+s22+$0x0] =	vst.idx.add.f32.msk $0xffff, v17  }
0x484: {  	v51 =	vadd.s32 $0xF000, v7;
	v17 =	vld [tilespmem:s29+$0x150]  }
0x485: {  	[tilespmem:v6+s22+$0x0] =	vst.idx.add.f32.msk $0xffff, v60  }
0x486: {  	v56 =	vadd.s32 $0xF000, v2;
	[tilespmem:v3+s22+$0x0] =	vst.idx.add.f32.msk $0xffff, v61  }
0x487: {  	[tilespmem:v44+s22+$0x0] =	vst.idx.add.f32.msk $0xffff, v9  }
0x488: {  	v52 =	vadd.s32 $0xF000, v4;
	v9 =	vld [tilespmem:s29+$0x110]  }
0x489: {  	[tilespmem:v51+s22+$0x0] =	vst.idx.add.f32.msk $0xffff, v50  }
0x48a: {  	v1 =	vadd.s32 $0x11800, v1;
	v58 =	vld [tilespmem:s29+$0x180]  }
0x48b: {  	v5 =	vadd.s32 $0x11800, v5;
	[tilespmem:v56+s22+$0x0] =	vst.idx.add.f32.msk $0xffff, v17  }
0x48c: {  	v7 =	vadd.s32 $0x11800, v7;
	v62 =	vld [tilespmem:s29+$0x1D0]  }
0x48d: {  	v2 =	vadd.s32 $0x11800, v2;
	[tilespmem:v52+s22+$0x0] =	vst.idx.add.f32.msk $0xffff, v9  }
0x48e: {  	v4 =	vadd.s32 $0x11800, v4;
	v9 =	vld [tilespmem:s29+$0x190]  }
0x48f: {  	[tilespmem:v1+s22+$0x0] =	vst.idx.add.f32.msk $0xffff, v63  }
0x490: {  	[tilespmem:v5+s22+$0x0] =	vst.idx.add.f32.msk $0xffff, v59  }
0x491: {  	[tilespmem:v7+s22+$0x0] =	vst.idx.add.f32.msk $0xffff, v58  }
0x492: {  	[tilespmem:v2+s22+$0x0] =	vst.idx.add.f32.msk $0xffff, v62  }
0x493: {  	s30 =	simm.s32 $0x0;
	s0 =	simm.s32 $0x48C0;
	[tilespmem:v4+s22+$0x0] =	vst.idx.add.f32.msk $0xffff, v9  }
.LBB2_21:
0x494: {  	v38 =	vld [tilespmem:s0+$0x30];
	s30 =	sadd.s32 $0x8, s30  }
0x495: {  	v7 =	vld [tilespmem:s0+$0xFFFFFFD0];
	p1 =	slt.u32 s30, $0x78  }
0x496: {  	s29 =	sadd.s32 $0x400, s29;
	v45 =	vld [tilespmem:s0+$0xFFFFFFE0]  }
0x497: {  	v2 =	vld [tilespmem:s29+$0xFFFFFE70]  }
0x498: {  	v46 =	vld [tilespmem:s0+$0xFFFFFFF0]  }
0x499: {  	v47 =	vld [tilespmem:s0+$0x0]  }
0x49a: {  	v44 =	vadd.s32 $0x2800, v7;
	v35 =	vadd.s32 $0x5000, v7;
	v24 =	vadd.s32 $0x7800, v7;
	v48 =	vld [tilespmem:s0+$0x10]  }
0x49b: {  	v43 =	vadd.s32 $0x2800, v45;
	v36 =	vadd.s32 $0x5000, v45;
	v28 =	vadd.s32 $0x7800, v45;
	v49 =	vld [tilespmem:s0+$0x20]  }
0x49c: {  	v16 =	vadd.s32 $0xA000, v7;
	v1 =	vadd.s32 $0xC800, v7;
	v17 =	vadd.s32 $0xA000, v45;
	[tilespmem:v38+s22+$0x0] =	vst.idx.add.f32.msk $0xffff, v2  }
0x49d: {  	v3 =	vadd.s32 $0x2800, v38;
	v50 =	vadd.s32 $0x2800, v46;
	v37 =	vadd.s32 $0x5000, v46;
	v2 =	vld [tilespmem:s29+$0xFFFFFEF0]  }
0x49e: {  	v30 =	vadd.s32 $0x7800, v46;
	v5 =	vld [tilespmem:s0+$0xFFFFFFC0];
	v51 =	vadd.s32 $0x2800, v47;
	v39 =	vadd.s32 $0x5000, v47  }
0x49f: {  	v31 =	vadd.s32 $0x7800, v47;
	v6 =	vld [tilespmem:s29+$0xFFFFFE00];
	v52 =	vadd.s32 $0x2800, v48;
	v40 =	vadd.s32 $0x5000, v48  }
0x4a0: {  	v32 =	vadd.s32 $0x7800, v48;
	v53 =	vld [tilespmem:s29+$0xFFFFFE10];
	v54 =	vadd.s32 $0x2800, v49;
	v41 =	vadd.s32 $0x5000, v49  }
0x4a1: {  	v26 =	vadd.s32 $0xA000, v46;
	v25 =	vadd.s32 $0xA000, v47;
	v34 =	vadd.s32 $0x7800, v49;
	v55 =	vld [tilespmem:s29+$0xFFFFFE20]  }
0x4a2: {  	v18 =	vadd.s32 $0xC800, v45;
	v29 =	vadd.s32 $0xA000, v48;
	v27 =	vadd.s32 $0xA000, v49;
	[tilespmem:v3+s22+$0x0] =	vst.idx.add.f32.msk $0xffff, v2  }
0x4a3: {  	v4 =	vadd.s32 $0x5000, v38;
	v56 =	vadd.s32 $0x2800, v5;
	v57 =	vadd.s32 $0x5000, v5;
	v3 =	vld [tilespmem:s29+$0xFFFFFF70]  }
0x4a4: {  	v42 =	vadd.s32 $0x7800, v5;
	v33 =	vadd.s32 $0xA000, v5;
	v23 =	vadd.s32 $0xC800, v5;
	v58 =	vld [tilespmem:s29+$0xFFFFFE30]  }
0x4a5: {  	v20 =	vadd.s32 $0xC800, v46;
	v21 =	vadd.s32 $0xC800, v47;
	v19 =	vadd.s32 $0xC800, v48;
	v59 =	vld [tilespmem:s29+$0xFFFFFE40]  }
0x4a6: {  	v9 =	vadd.s32 $0xF000, v7;
	v22 =	vadd.s32 $0xC800, v49;
	v11 =	vadd.s32 $0xF000, v5;
	v60 =	vld [tilespmem:s29+$0xFFFFFE50]  }
0x4a7: {  	v14 =	vadd.s32 $0xF000, v45;
	v12 =	vadd.s32 $0xF000, v46;
	v10 =	vadd.s32 $0xF000, v47;
	v61 =	vld [tilespmem:s29+$0xFFFFFE60]  }
0x4a8: {  	v15 =	vadd.s32 $0xF000, v48;
	v13 =	vadd.s32 $0xF000, v49;
	v2 =	vadd.s32 $0x11800, v5;
	[tilespmem:v4+s22+$0x0] =	vst.idx.add.f32.msk $0xffff, v3  }
0x4a9: {  	v63 =	vadd.s32 $0x7800, v38;
	v4 =	vadd.s32 $0x11800, v7;
	v3 =	vadd.s32 $0x11800, v45;
	v62 =	vld [tilespmem:s29+$0xFFFFFFF0]  }
0x4aa: {  	v8 =	vadd.s32 $0x11800, v46;
	[tilespmem:v5+s22+$0x0] =	vst.idx.add.f32.msk $0xffff, v6;
	v6 =	vadd.s32 $0x11800, v47;
	v5 =	vadd.s32 $0x11800, v48  }
0x4ab: {  	[tilespmem:v7+s22+$0x0] =	vst.idx.add.f32.msk $0xffff, v53;
	v7 =	vadd.s32 $0x11800, v49  }
0x4ac: {  	[tilespmem:v45+s22+$0x0] =	vst.idx.add.f32.msk $0xffff, v55  }
0x4ad: {  	[tilespmem:v46+s22+$0x0] =	vst.idx.add.f32.msk $0xffff, v58  }
0x4ae: {  	[tilespmem:v63+s22+$0x0] =	vst.idx.add.f32.msk $0xffff, v62  }
0x4af: {  	v46 =	vadd.s32 $0xA000, v38;
	v45 =	vld [tilespmem:s29+$0x70]  }
0x4b0: {  	[tilespmem:v47+s22+$0x0] =	vst.idx.add.f32.msk $0xffff, v59  }
0x4b1: {  	[tilespmem:v48+s22+$0x0] =	vst.idx.add.f32.msk $0xffff, v60  }
0x4b2: {  	[tilespmem:v49+s22+$0x0] =	vst.idx.add.f32.msk $0xffff, v61  }
0x4b3: {  	v47 =	vld [tilespmem:s29+$0xFFFFFE80]  }
0x4b4: {  	[tilespmem:v46+s22+$0x0] =	vst.idx.add.f32.msk $0xffff, v45  }
0x4b5: {  	v46 =	vadd.s32 $0xC800, v38;
	v45 =	vld [tilespmem:s29+$0xF0]  }
0x4b6: {  	v48 =	vld [tilespmem:s29+$0xFFFFFE90]  }
0x4b7: {  	v49 =	vld [tilespmem:s29+$0xFFFFFEA0]  }
0x4b8: {  	v53 =	vld [tilespmem:s29+$0xFFFFFEB0]  }
0x4b9: {  	v55 =	vld [tilespmem:s29+$0xFFFFFEC0]  }
0x4ba: {  	[tilespmem:v46+s22+$0x0] =	vst.idx.add.f32.msk $0xffff, v45  }
0x4bb: {  	v46 =	vadd.s32 $0xF000, v38;
	v45 =	vld [tilespmem:s29+$0x170]  }
0x4bc: {  	v58 =	vld [tilespmem:s29+$0xFFFFFED0]  }
0x4bd: {  	v59 =	vld [tilespmem:s29+$0xFFFFFEE0]  }
0x4be: {  	[tilespmem:v56+s22+$0x0] =	vst.idx.add.f32.msk $0xffff, v47  }
0x4bf: {  	[tilespmem:v44+s22+$0x0] =	vst.idx.add.f32.msk $0xffff, v48  }
0x4c0: {  	[tilespmem:v46+s22+$0x0] =	vst.idx.add.f32.msk $0xffff, v45  }
0x4c1: {  	v38 =	vadd.s32 $0x11800, v38;
	v44 =	vld [tilespmem:s29+$0x1F0]  }
0x4c2: {  	[tilespmem:v43+s22+$0x0] =	vst.idx.add.f32.msk $0xffff, v49  }
0x4c3: {  	[tilespmem:v50+s22+$0x0] =	vst.idx.add.f32.msk $0xffff, v53  }
0x4c4: {  	[tilespmem:v51+s22+$0x0] =	vst.idx.add.f32.msk $0xffff, v55  }
0x4c5: {  	[tilespmem:v52+s22+$0x0] =	vst.idx.add.f32.msk $0xffff, v58  }
0x4c6: {  	[tilespmem:v38+s22+$0x0] =	vst.idx.add.f32.msk $0xffff, v44  }
0x4c7: {  	[tilespmem:v54+s22+$0x0] =	vst.idx.add.f32.msk $0xffff, v59  }
0x4c8: {  	v38 =	vld [tilespmem:s29+$0xFFFFFF00]  }
0x4c9: {  	v43 =	vld [tilespmem:s29+$0xFFFFFF10]  }
0x4ca: {  	v44 =	vld [tilespmem:s29+$0xFFFFFF20]  }
0x4cb: {  	v45 =	vld [tilespmem:s29+$0xFFFFFF30]  }
0x4cc: {  	v46 =	vld [tilespmem:s29+$0xFFFFFF40]  }
0x4cd: {  	v47 =	vld [tilespmem:s29+$0xFFFFFF50]  }
0x4ce: {  	v48 =	vld [tilespmem:s29+$0xFFFFFF60]  }
0x4cf: {  	[tilespmem:v57+s22+$0x0] =	vst.idx.add.f32.msk $0xffff, v38  }
0x4d0: {  	[tilespmem:v35+s22+$0x0] =	vst.idx.add.f32.msk $0xffff, v43  }
0x4d1: {  	[tilespmem:v36+s22+$0x0] =	vst.idx.add.f32.msk $0xffff, v44  }
0x4d2: {  	[tilespmem:v37+s22+$0x0] =	vst.idx.add.f32.msk $0xffff, v45  }
0x4d3: {  	[tilespmem:v39+s22+$0x0] =	vst.idx.add.f32.msk $0xffff, v46  }
0x4d4: {  	[tilespmem:v40+s22+$0x0] =	vst.idx.add.f32.msk $0xffff, v47  }
0x4d5: {  	[tilespmem:v41+s22+$0x0] =	vst.idx.add.f32.msk $0xffff, v48  }
0x4d6: {  	v35 =	vld [tilespmem:s29+$0xFFFFFF80]  }
0x4d7: {  	v36 =	vld [tilespmem:s29+$0xFFFFFF90]  }
0x4d8: {  	v37 =	vld [tilespmem:s29+$0xFFFFFFA0]  }
0x4d9: {  	v38 =	vld [tilespmem:s29+$0xFFFFFFB0]  }
0x4da: {  	v39 =	vld [tilespmem:s29+$0xFFFFFFC0]  }
0x4db: {  	v40 =	vld [tilespmem:s29+$0xFFFFFFD0]  }
0x4dc: {  	v41 =	vld [tilespmem:s29+$0xFFFFFFE0]  }
0x4dd: {  	[tilespmem:v42+s22+$0x0] =	vst.idx.add.f32.msk $0xffff, v35  }
0x4de: {  	[tilespmem:v24+s22+$0x0] =	vst.idx.add.f32.msk $0xffff, v36  }
0x4df: {  	[tilespmem:v28+s22+$0x0] =	vst.idx.add.f32.msk $0xffff, v37  }
0x4e0: {  	[tilespmem:v30+s22+$0x0] =	vst.idx.add.f32.msk $0xffff, v38  }
0x4e1: {  	[tilespmem:v31+s22+$0x0] =	vst.idx.add.f32.msk $0xffff, v39  }
0x4e2: {  	[tilespmem:v32+s22+$0x0] =	vst.idx.add.f32.msk $0xffff, v40  }
0x4e3: {  	[tilespmem:v34+s22+$0x0] =	vst.idx.add.f32.msk $0xffff, v41  }
0x4e4: {  	v24 =	vld [tilespmem:s29+$0x0]  }
0x4e5: {  	v28 =	vld [tilespmem:s29+$0x10]  }
0x4e6: {  	v30 =	vld [tilespmem:s29+$0x20]  }
0x4e7: {  	v31 =	vld [tilespmem:s29+$0x30]  }
0x4e8: {  	v32 =	vld [tilespmem:s29+$0x40]  }
0x4e9: {  	v34 =	vld [tilespmem:s29+$0x50]  }
0x4ea: {  	v35 =	vld [tilespmem:s29+$0x60]  }
0x4eb: {  	[tilespmem:v33+s22+$0x0] =	vst.idx.add.f32.msk $0xffff, v24  }
0x4ec: {  	[tilespmem:v16+s22+$0x0] =	vst.idx.add.f32.msk $0xffff, v28  }
0x4ed: {  	[tilespmem:v17+s22+$0x0] =	vst.idx.add.f32.msk $0xffff, v30  }
0x4ee: {  	[tilespmem:v26+s22+$0x0] =	vst.idx.add.f32.msk $0xffff, v31  }
0x4ef: {  	[tilespmem:v25+s22+$0x0] =	vst.idx.add.f32.msk $0xffff, v32  }
0x4f0: {  	[tilespmem:v29+s22+$0x0] =	vst.idx.add.f32.msk $0xffff, v34  }
0x4f1: {  	[tilespmem:v27+s22+$0x0] =	vst.idx.add.f32.msk $0xffff, v35  }
0x4f2: {  	v16 =	vld [tilespmem:s29+$0x80]  }
0x4f3: {  	v17 =	vld [tilespmem:s29+$0x90]  }
0x4f4: {  	v24 =	vld [tilespmem:s29+$0xA0]  }
0x4f5: {  	v25 =	vld [tilespmem:s29+$0xB0]  }
0x4f6: {  	v26 =	vld [tilespmem:s29+$0xC0]  }
0x4f7: {  	v27 =	vld [tilespmem:s29+$0xD0]  }
0x4f8: {  	v28 =	vld [tilespmem:s29+$0xE0]  }
0x4f9: {  	[tilespmem:v23+s22+$0x0] =	vst.idx.add.f32.msk $0xffff, v16  }
0x4fa: {  	[tilespmem:v1+s22+$0x0] =	vst.idx.add.f32.msk $0xffff, v17  }
0x4fb: {  	[tilespmem:v18+s22+$0x0] =	vst.idx.add.f32.msk $0xffff, v24  }
0x4fc: {  	[tilespmem:v20+s22+$0x0] =	vst.idx.add.f32.msk $0xffff, v25  }
0x4fd: {  	[tilespmem:v21+s22+$0x0] =	vst.idx.add.f32.msk $0xffff, v26  }
0x4fe: {  	[tilespmem:v19+s22+$0x0] =	vst.idx.add.f32.msk $0xffff, v27  }
0x4ff: {  	[tilespmem:v22+s22+$0x0] =	vst.idx.add.f32.msk $0xffff, v28  }
0x500: {  	v1 =	vld [tilespmem:s29+$0x100]  }
0x501: {  	v16 =	vld [tilespmem:s29+$0x110]  }
0x502: {  	v17 =	vld [tilespmem:s29+$0x120]  }
0x503: {  	v18 =	vld [tilespmem:s29+$0x130]  }
0x504: {  	v19 =	vld [tilespmem:s29+$0x140]  }
0x505: {  	v20 =	vld [tilespmem:s29+$0x150]  }
0x506: {  	v21 =	vld [tilespmem:s29+$0x160]  }
0x507: {  	[tilespmem:v11+s22+$0x0] =	vst.idx.add.f32.msk $0xffff, v1  }
0x508: {  	[tilespmem:v9+s22+$0x0] =	vst.idx.add.f32.msk $0xffff, v16  }
0x509: {  	[tilespmem:v14+s22+$0x0] =	vst.idx.add.f32.msk $0xffff, v17  }
0x50a: {  	[tilespmem:v12+s22+$0x0] =	vst.idx.add.f32.msk $0xffff, v18  }
0x50b: {  	[tilespmem:v10+s22+$0x0] =	vst.idx.add.f32.msk $0xffff, v19  }
0x50c: {  	[tilespmem:v15+s22+$0x0] =	vst.idx.add.f32.msk $0xffff, v20  }
0x50d: {  	[tilespmem:v13+s22+$0x0] =	vst.idx.add.f32.msk $0xffff, v21  }
0x50e: {  	v1 =	vld [tilespmem:s29+$0x180]  }
0x50f: {  	v9 =	vld [tilespmem:s29+$0x190]  }
0x510: {  	v10 =	vld [tilespmem:s29+$0x1A0]  }
0x511: {  	v11 =	vld [tilespmem:s29+$0x1B0]  }
0x512: {  	v12 =	vld [tilespmem:s29+$0x1C0]  }
0x513: {  	v13 =	vld [tilespmem:s29+$0x1D0]  }
0x514: {  	v14 =	vld [tilespmem:s29+$0x1E0]  }
0x515: {  	[tilespmem:v2+s22+$0x0] =	vst.idx.add.f32.msk $0xffff, v1  }
0x516: {  	[tilespmem:v4+s22+$0x0] =	vst.idx.add.f32.msk $0xffff, v9  }
.Ltmp14:
0x517: {  	[tilespmem:v3+s22+$0x0] =	vst.idx.add.f32.msk $0xffff, v10;
	(pc) =	sbr.rel @p1 .LBB2_21-.Ltmp14, $4  }
0x518: {  	[tilespmem:v8+s22+$0x0] =	vst.idx.add.f32.msk $0xffff, v11  }
0x519: {  	[tilespmem:v6+s22+$0x0] =	vst.idx.add.f32.msk $0xffff, v12  }
0x51a: {  	[tilespmem:v5+s22+$0x0] =	vst.idx.add.f32.msk $0xffff, v13  }
0x51b: {  	s0 =	sadd.s32 $0x80, s0;
	[tilespmem:v7+s22+$0x0] =	vst.idx.add.f32.msk $0xffff, v14  }
.Ltmp15:
0x51c: {  	_ = 	snop;
	(pc) =	sbr.rel .LBB2_22-.Ltmp15, $1  }
0x51d: {  	_ =	sdelay $0x3  }
.LBB2_23:
0x51e: {  	s28 =	simm.s32 $0x0  }
.LBB2_24:
0x51f: {  	s1 =	sshll.u32 s28, $0xA  }
0x520: {  	s1 =	sand.u32 $0x3FFFFC00, s1  }
0x521: {  	s5 =	sand.u32 $0x380, s0;
	s30 =	sadd.s32 $0x9000, s1  }
0x522: {  	s12 =	sand.u32 $0x70, s0;
	s2 =	sadd.s32 s5, s30  }
0x523: {  	s2 =	sadd.s32 s12, s2  }
0x524: {  	v1 =	vld [tilespmem:s2+$0x0];
	_ =	sdelay $0x2  }
0x525: {  	s18 =	sand.u32 $0x1C00, s0;
	s29 =	sadd.s32 $0xB800, s1  }
0x526: {  	s11 =	sadd.s32 s5, s29;
	s2 =	sor.u32 s12, s18  }
0x527: {  	s11 =	sadd.s32 s12, s11;
	[tilespmem:s2+$0x1D000] =	vst v1  }
0x528: {  	v1 =	vld [tilespmem:s11+$0x0];
	_ =	sdelay $0x2  }
0x529: {  	s31 =	sadd.s32 $0xE000, s1  }
0x52a: {  	s19 =	sadd.s32 s5, s31;
	s17 =	sadd.s32 $0x1D000, s2  }
0x52b: {  	s2 =	sadd.s32 s12, s19;
	[tilespmem:s17+$0x80] =	vst v1  }
0x52c: {  	v1 =	vld [tilespmem:s2+$0x0];
	_ =	sdelay $0x2  }
0x52d: {  	s2 =	sadd.s32 $0x10800, s1  }
0x52e: {  	s20 =	sadd.s32 s5, s2  }
0x52f: {  	s11 =	sadd.s32 s12, s20;
	[tilespmem:s17+$0x100] =	vst v1  }
0x530: {  	v1 =	vld [tilespmem:s11+$0x0];
	_ =	sdelay $0x2  }
0x531: {  	s16 =	sadd.s32 $0x13000, s1  }
0x532: {  	s21 =	sadd.s32 s5, s16  }
0x533: {  	s11 =	sadd.s32 s12, s21;
	[tilespmem:s17+$0x180] =	vst v1  }
0x534: {  	v1 =	vld [tilespmem:s11+$0x0];
	_ =	sdelay $0x2  }
0x535: {  	s19 =	sadd.s32 $0x15800, s1  }
0x536: {  	s26 =	sadd.s32 s5, s19  }
0x537: {  	s11 =	sadd.s32 s12, s26;
	[tilespmem:s17+$0x200] =	vst v1  }
0x538: {  	v1 =	vld [tilespmem:s11+$0x0];
	_ =	sdelay $0x2  }
0x539: {  	s11 =	sadd.s32 $0x18000, s1  }
0x53a: {  	s15 =	sadd.s32 s5, s11  }
0x53b: {  	s15 =	sadd.s32 s12, s15;
	[tilespmem:s17+$0x280] =	vst v1  }
0x53c: {  	v1 =	vld [tilespmem:s15+$0x0];
	_ =	sdelay $0x2  }
0x53d: {  	s18 =	sadd.s32 $0x1A800, s1  }
0x53e: {  	s1 =	sadd.s32 s5, s18  }
0x53f: {  	s5 =	sadd.s32 s12, s1;
	[tilespmem:s17+$0x300] =	vst v1  }
0x540: {  	v1 =	vld [tilespmem:s5+$0x0];
	_ =	sdelay $0x1  }
0x541: {  	s20 =	sor.u32 s0, s0;
	s12 =	simm.s32 $0x0;
	s15 =	simm.s32 $0x10  }
0x542: {  	s26 =	sand.u32 $0x70, s15;
	s1 =	sand.u32 $0x380, s15;
	s17 =	simm.s32 $0x20  }
.LBB2_25:
0x543: {  	p1 =	sne.s32 s17, $0x3F0;
	s5 =	sadd.s32 s1, s30;
	s20 =	sor.u32 $0x380, s20  }
0x544: {  	s5 =	sadd.s32 s26, s5;
	[tilespmem:s20+$0x1D000] =	vst v1;
	s20 =	smov.u32 s15;
	s15 =	smov.u32 s17  }
0x545: {  	v1 =	vld [tilespmem:s5+$0x0];
	_ =	sdelay $0x1  }
0x546: {  	s12 =	sadd.s32 $0x80, s12  }
0x547: {  	s5 =	sand.u32 $0x1C00, s12  }
0x548: {  	s21 =	sadd.s32 s1, s29;
	s5 =	sor.u32 s26, s5  }
0x549: {  	s21 =	sadd.s32 s26, s21;
	[tilespmem:s5+$0x1D000] =	vst v1  }
0x54a: {  	v1 =	vld [tilespmem:s21+$0x0];
	_ =	sdelay $0x3  }
0x54b: {  	s5 =	sadd.s32 $0x1D000, s5;
	s21 =	sadd.s32 s1, s31  }
0x54c: {  	s21 =	sadd.s32 s26, s21;
	[tilespmem:s5+$0x80] =	vst v1  }
0x54d: {  	v1 =	vld [tilespmem:s21+$0x0];
	_ =	sdelay $0x3  }
0x54e: {  	s21 =	sadd.s32 s1, s2  }
0x54f: {  	s21 =	sadd.s32 s26, s21;
	[tilespmem:s5+$0x100] =	vst v1  }
0x550: {  	v1 =	vld [tilespmem:s21+$0x0];
	_ =	sdelay $0x3  }
0x551: {  	s21 =	sadd.s32 s1, s16  }
0x552: {  	s21 =	sadd.s32 s26, s21;
	[tilespmem:s5+$0x180] =	vst v1  }
0x553: {  	v1 =	vld [tilespmem:s21+$0x0];
	_ =	sdelay $0x3  }
0x554: {  	s21 =	sadd.s32 s1, s19  }
0x555: {  	s21 =	sadd.s32 s26, s21;
	[tilespmem:s5+$0x200] =	vst v1  }
0x556: {  	v1 =	vld [tilespmem:s21+$0x0];
	_ =	sdelay $0x3  }
0x557: {  	s21 =	sadd.s32 s1, s11  }
0x558: {  	s21 =	sadd.s32 s26, s21;
	[tilespmem:s5+$0x280] =	vst v1  }
0x559: {  	v1 =	vld [tilespmem:s21+$0x0];
	_ =	sdelay $0x3  }
0x55a: {  	s1 =	sadd.s32 s1, s18  }
.Ltmp16:
0x55b: {  	s1 =	sadd.s32 s26, s1;
	[tilespmem:s5+$0x300] =	vst v1;
	(pc) =	sbr.rel @p1 .LBB2_25-.Ltmp16, $3  }
0x55c: {  	v1 =	vld [tilespmem:s1+$0x0];
	_ =	sdelay $0x1  }
0x55d: {  	s26 =	sand.u32 $0x70, s17  }
0x55e: {  	s20 =	sor.u32 s12, s20;
	s17 =	sadd.s32 $0x10, s17;
	s1 =	sand.u32 $0x380, s15  }
0x55f: {  	s5 =	sadd.s32 s1, s30;
	s17 =	sor.u32 $0x380, s20  }
0x560: {  	s5 =	sadd.s32 s26, s5;
	[tilespmem:s17+$0x1D000] =	vst v1  }
0x561: {  	v1 =	vld [tilespmem:s5+$0x0];
	_ =	sdelay $0x1  }
0x562: {  	s5 =	sadd.s32 $0x80, s12  }
0x563: {  	s12 =	sand.u32 $0x1C00, s5  }
0x564: {  	s30 =	sadd.s32 s1, s29;
	s12 =	sor.u32 s26, s12  }
0x565: {  	s17 =	sadd.s32 s26, s30;
	[tilespmem:s12+$0x1D000] =	vst v1  }
0x566: {  	v1 =	vld [tilespmem:s17+$0x0];
	_ =	sdelay $0x3  }
0x567: {  	s31 =	sadd.s32 s1, s31;
	s12 =	sadd.s32 $0x1D000, s12  }
0x568: {  	s17 =	sadd.s32 s26, s31;
	[tilespmem:s12+$0x80] =	vst v1  }
0x569: {  	v1 =	vld [tilespmem:s17+$0x0];
	_ =	sdelay $0x3  }
0x56a: {  	s2 =	sadd.s32 s1, s2  }
0x56b: {  	s2 =	sadd.s32 s26, s2;
	[tilespmem:s12+$0x100] =	vst v1  }
0x56c: {  	v1 =	vld [tilespmem:s2+$0x0];
	_ =	sdelay $0x3  }
0x56d: {  	s17 =	sadd.s32 s1, s16  }
0x56e: {  	s2 =	sadd.s32 s26, s17;
	[tilespmem:s12+$0x180] =	vst v1  }
0x56f: {  	v1 =	vld [tilespmem:s2+$0x0];
	_ =	sdelay $0x3  }
0x570: {  	s19 =	sadd.s32 s1, s19  }
0x571: {  	s2 =	sadd.s32 s26, s19;
	[tilespmem:s12+$0x200] =	vst v1  }
0x572: {  	v1 =	vld [tilespmem:s2+$0x0];
	_ =	sdelay $0x3  }
0x573: {  	s20 =	sadd.s32 s1, s11  }
0x574: {  	s2 =	sadd.s32 s26, s20;
	[tilespmem:s12+$0x280] =	vst v1  }
0x575: {  	v1 =	vld [tilespmem:s2+$0x0];
	_ =	sdelay $0x3  }
0x576: {  	s21 =	sadd.s32 s1, s18  }
0x577: {  	s1 =	sadd.s32 s26, s21;
	[tilespmem:s12+$0x300] =	vst v1  }
0x578: {  	v1 =	vld [tilespmem:s1+$0x0];
	_ =	sdelay $0x1  }
0x579: {  	s30 =	rddreg [dreg:$0x8];
	s26 =	sshll.u32 s28, $0xD  }
0x57a: {  	s29 =	sor.u32 s5, s15;
	s31 =	rddreg [dreg:$0x1];
	s1 =	sadd.s32 s30, s26  }
0x57b: {  	s28 =	sadd.s32 $0x1, s28;
	s2 =	sor.u32 $0x380, s29;
	s1 =	sshrl.u32 s1, $0x3  }
0x57c: {  	p1 =	sne.s32 s28, $0xA;
	s1 =	sadd.s32 s31, s1;
	[tilespmem:s2+$0x1D000] =	vst v1  }
0x57d: {  	[hbm4b:s1+s3] =	stream.linear.scatter [tilespmem:s24], [sflag:$0x3], $0x2000, $0x38;
	[tilespmem:$0x1F000] =	vst v63  }
.Ltmp17:
0x57e: {  	_ = 	snop;
	(pc) =	sbr.rel @p1 .LBB2_24-.Ltmp17, $4  }
.Ltmp18:
0x57f: {  	_ = 	snop;
	(pc) =	sbr.rel @!p1 .LBB2_27-.Ltmp18, $4  }
0x580: {  	_ =	swait.ge [sflag:s25], $0x2000  }
0x581: {  	[sflag:s25] =	ssyncset.done $0x0  }
0x582: {  	[sflag:s25] =	ssyncadd.s32 $0xFFFFE000  }
0x583: {  	_ = 	snop  }
.LBB2_28:
0x584: {  	_ =	sfence.sel $0x180000  }
0x585: {  	[bflag:$0x0] =	sbarrier.arrive $0xFFFF  }
0x586: {  	_ =	strace $0x9000004A  }
0x587: {  	s0 =	stileid.u32;
	[bflag:$0x2] =	sbarrier.arrive $0xFFFF  }
0x588: {  	p0 =	sne.s32 s0, $0x0;
	s0 =	rddreg [dreg:$0x2]  }
0x589: {  	s0 =	sadd.s32 @!p0 $0x100000, s0  }
0x58a: {  	[sflag:s0] =	ssyncadd.tile.s32 @!p0 $0x1;
	_ =	shalt  }
.Lfunc_end2:
_tile_overlayer_lowered:
.L_overlay_start_2:
0x58b: {  	(tag) =	ssettag $0x2  }
0x58c: {  	s0 =	rddreg [dreg:$0x0];
	s2 =	stileid.u32  }
0x58d: {  	s1 =	rddreg [dreg:$0x1];
	p0 =	sne.s32 s2, $0x0  }
0x58e: {  	s3 =	rddreg [dreg:$0x2];
	[bflag:$0x3] =	sbarrier.arrive $0xFFFF;
	s2 =	simm.s32 @!p0 $0x1C03  }
0x58f: {  	[timem:s3], [sflag:s2] =	dma.local @!p0 [hbm:s0], s1  }
0x590: {  	s0 =	simm.s32 @!p0 $0x3  }
0x591: {  	_ =	swait.ge @!p0 [sflag:s0], s1  }
0x592: {  	s1 =	ssub.s32 @!p0 $0x0, s1;
	[sflag:s0] =	ssyncset.done @!p0 $0x0  }
0x593: {  	[sflag:s0] =	ssyncadd.s32 @!p0 s1  }
0x594: {  	[bflag:$0x3] =	sbarrier.arrive $0xFFFF  }
0x595: {  	_ =	shalt  }

// kernel: kernel.7.cloned.1.call-start
scs
__scs_entry_jumppad:
0x0: {  	(pc) =	sbr.rel $0x88, $3  }
0x1: {  	(tag) =	ssettag $0x0;
	lr =	simm.s32 $0x1  }
0x2: {  	[smem:$0x3F91] =	sst lr;
	_ =	strace $0xD0000000  }
0x3: {  	_ = 	snop  }
0x4: {  	_ = 	snop  }
0x5: {  	_ = 	snop  }
0x6: {  	_ = 	snop  }
0x7: {  	_ = 	snop  }
__scs_overlays_trampoline_lowered:
0x8: {  	[smem:$0x3FA0] =	sst s0  }
0x9: {  	[smem:$0x3FA1] =	sst s1  }
0xa: {  	[smem:$0x3FA2] =	sst s2  }
0xb: {  	[smem:$0x3FA3] =	sst s3  }
0xc: {  	[smem:$0x3FA4] =	sst s4  }
0xd: {  	[smem:$0x3FA5] =	sst s5  }
0xe: {  	[smem:$0x3FA6] =	sst s6  }
0xf: {  	[smem:$0x3FA7] =	sst s7  }
0x10: {  	[smem:$0x3FA8] =	sst s8  }
0x11: {  	[smem:$0x3FA9] =	sst s9;
	s0 =	simm.s32 @!p0 $0x0  }
0x12: {  	s1 =	sld [smem:$0x3F8F];
	s0 =	simm.s32 @p0 $0x1  }
0x13: {  	[smem:$0x3FAA] =	sst s0;
	s0 =	simm.s32 @!p1 $0x0  }
0x14: {  	s2 =	sld [smem:$0x3F8E];
	s0 =	simm.s32 @p1 $0x1  }
0x15: {  	[smem:$0x3FAB] =	sst s0;
	s0 =	simm.s32 @!p2 $0x0  }
0x16: {  	s3 =	sld [smem:$0x3FDB];
	s0 =	simm.s32 @p2 $0x1  }
0x17: {  	s4 =	simm.s32 $0x1BF5;
	[smem:$0x3FAD] =	sst s0  }
0x18: {  	s0 =	sld [smem:$0x3F90];
	_ =	swait.ge [sflag:s4], $0x0  }
0x19: {  	s7 =	sld [smem:$0x3F91]  }
0x1a: {  	s8 =	sadd.s32 $0xFFFFE003, lr  }
0x1b: {  	s9 =	sadd.s32 $0xFFFFFEF7, lr;
	s5 =	simm.s32 $0xFFFFFFFF;
	p2 =	slt.u32 s8, $0xFFFFF086  }
0x1c: {  	p1 =	slt.u32 s9, $0xF7A;
	s5 =	simm.s32 @!p2 $0x0  }
0x1d: {  	s5 =	simm.s32 @p1 $0x1;
	p0 =	seq.s32 s7, s2  }
0x1e: {  	s7 =	smul.u32 @!p0 $0xF7A, s2;
	p2 =	seq.s32 @!p0 s5, $0x0  }
0x1f: {  	s9 =	smul.u32 $0xF7A, s1;
	s8 =	simm.s32 @!p0 $0x1BF5;
	p2 =	por !p2, p0  }
0x20: {  	[sflag:s8] =	ssyncset.s32 @!p0 $0xFFFFF086;
	s6 =	sadd.s32 @!p0 s3, s7;
	s7 =	simm.s32 @!p0 $0x108  }
0x21: {  	s3 =	sadd.s32 s3, s9;
	s6 =	sadd.s32 @!p0 $0x88, s6;
	s7 =	simm.s32 @p2 $0x1082  }
0x22: {  	[simem:s7], [sflag:s8] =	dma.local @!p0 [hbm:s6], $0xF7A  }
0x23: {  	s9 =	sor.u32 $0xD0000000, s2;
	s6 =	simm.s32 $0x108;
	_ =	swait.ge @!p0 [sflag:s8], $0x0  }
0x24: {  	s3 =	sadd.s32 $0x88, s3;
	s6 =	simm.s32 @!p1 $0x1082;
	[sflag:s4] =	ssyncset.s32 $0xFFFFF086  }
0x25: {  	[simem:s6], [sflag:s4] =	dma.local [hbm:s3], $0xF7A  }
0x26: {  	[smem:$0x3F91] =	sst s1;
	(tag) =	ssettag s2;
	_ =	strace s9  }
0x27: {  	s1 =	sld [smem:$0x3FA1]  }
0x28: {  	s2 =	sld [smem:$0x3FA2]  }
0x29: {  	s4 =	sld [smem:$0x3FA4]  }
0x2a: {  	p0 =	seq.s32 s5, $0x0;
	s5 =	sld [smem:$0x3FA5]  }
0x2b: {  	s6 =	sld [smem:$0x3FA6]  }
0x2c: {  	s7 =	sld [smem:$0x3FA7]  }
0x2d: {  	s3 =	simm.s32 $0x108;
	s8 =	sld [smem:$0x3FA8]  }
0x2e: {  	s3 =	simm.s32 @!p0 $0x1082;
	s9 =	sld [smem:$0x3FA9]  }
0x2f: {  	lr =	sadd.s32 s0, s3;
	s0 =	sld [smem:$0x3FA0]  }
0x30: {  	s3 =	sld [smem:$0x3FA3]  }
0x31: {  	[smem:$0x3FAC] =	sst s10  }
0x32: {  	s10 =	sld [smem:$0x3FAA];
	_ =	sdelay $0x3  }
0x33: {  	p0 =	seq.s32 s10, $0x1;
	s10 =	sld [smem:$0x3FAC];
	_ =	sdelay $0x3  }
0x34: {  	[smem:$0x3FAC] =	sst s10  }
0x35: {  	s10 =	sld [smem:$0x3FAB];
	_ =	sdelay $0x3  }
0x36: {  	p1 =	seq.s32 s10, $0x1;
	s10 =	sld [smem:$0x3FAC];
	_ =	sdelay $0x3  }
0x37: {  	[smem:$0x3FAC] =	sst s10  }
0x38: {  	s10 =	sld [smem:$0x3FAD]  }
0x39: {  	_ = 	snop;
	(pc) =	sbr.ind lr, $3  }
0x3a: {  	_ = 	snop  }
0x3b: {  	_ = 	snop  }
0x3c: {  	p2 =	seq.s32 s10, $0x1;
	s10 =	sld [smem:$0x3FAC]  }
0x3d: {  	_ =	shalt  }
0x3e: {  	_ =	shalt  }
0x3f: {  	_ =	shalt  }
0x40: {  	_ =	shalt  }
0x41: {  	_ =	shalt  }
0x42: {  	_ =	shalt  }
0x43: {  	_ =	shalt  }
0x44: {  	_ =	shalt  }
0x45: {  	_ =	shalt  }
0x46: {  	_ =	shalt  }
0x47: {  	_ =	shalt  }
0x48: {  	_ =	shalt  }
0x49: {  	_ =	shalt  }
0x4a: {  	_ =	shalt  }
0x4b: {  	_ =	shalt  }
0x4c: {  	_ =	shalt  }
0x4d: {  	_ =	shalt  }
0x4e: {  	_ =	shalt  }
0x4f: {  	_ =	shalt  }
0x50: {  	_ =	shalt  }
0x51: {  	_ =	shalt  }
0x52: {  	_ =	shalt  }
0x53: {  	_ =	shalt  }
0x54: {  	_ =	shalt  }
0x55: {  	_ =	shalt  }
0x56: {  	_ =	shalt  }
0x57: {  	_ =	shalt  }
0x58: {  	_ =	shalt  }
0x59: {  	_ =	shalt  }
0x5a: {  	_ =	shalt  }
0x5b: {  	_ =	shalt  }
0x5c: {  	_ =	shalt  }
0x5d: {  	_ =	shalt  }
0x5e: {  	_ =	shalt  }
0x5f: {  	_ =	shalt  }
0x60: {  	_ =	shalt  }
0x61: {  	_ =	shalt  }
0x62: {  	_ =	shalt  }
0x63: {  	_ =	shalt  }
0x64: {  	_ =	shalt  }
0x65: {  	_ =	shalt  }
0x66: {  	_ =	shalt  }
0x67: {  	_ =	shalt  }
0x68: {  	_ =	shalt  }
0x69: {  	_ =	shalt  }
0x6a: {  	_ =	shalt  }
0x6b: {  	_ =	shalt  }
0x6c: {  	_ =	shalt  }
0x6d: {  	_ =	shalt  }
0x6e: {  	_ =	shalt  }
0x6f: {  	_ =	shalt  }
0x70: {  	_ =	shalt  }
0x71: {  	_ =	shalt  }
0x72: {  	_ =	shalt  }
0x73: {  	_ =	shalt  }
0x74: {  	_ =	shalt  }
0x75: {  	_ =	shalt  }
0x76: {  	_ =	shalt  }
0x77: {  	_ =	shalt  }
0x78: {  	_ =	shalt  }
0x79: {  	_ =	shalt  }
0x7a: {  	_ =	shalt  }
0x7b: {  	_ =	shalt  }
0x7c: {  	_ =	shalt  }
0x7d: {  	_ =	shalt  }
0x7e: {  	_ =	shalt  }
0x7f: {  	_ =	shalt  }
0x80: {  	_ =	shalt  }
0x81: {  	_ =	shalt  }
0x82: {  	_ =	shalt  }
0x83: {  	_ =	shalt  }
0x84: {  	_ =	shalt  }
0x85: {  	_ =	shalt  }
0x86: {  	_ =	shalt  }
0x87: {  	_ =	shalt  }
.Lfunc_end0:
.L_simem_size_0:
called_computation_lowered:
.L_overlay_start_0:
0x88: {  	s2 =	sld [smem:$0x3FD9]  }
0x89: {  	s3 =	sld [smem:$0x3FFE];
	_ =	sdelay $0x1  }
0x8a: {  	s1 =	srdreg.scid  }
0x8b: {  	s0 =	sand.u32 $0x1, s1  }
0x8c: {  	s17 =	sshll.u32 s0, $0xA;
	s2 =	sadd.s32 s3, s2  }
0x8d: {  	s2 =	sadd.s32 s2, s17  }
0x8e: {  	[smem:$0x3FB8] =	sst s2  }
0x8f: {  	_ = 	snop  }
0x90: {  	s2 =	sld [smem:$0x3FD0];
	(tm) =	ssettm $0x1  }
0x91: {  	s18 =	sld [smem:$0x3FFB];
	_ =	sdelay $0x3  }
0x92: {  	_ =	strace s18  }
0x93: {  	s3 =	sld [smem:$0x3FFC];
	_ =	sdelay $0x3  }
0x94: {  	_ =	strace s3  }
0x95: {  	s3 =	sld [smem:$0x3FFD];
	_ =	sdelay $0x3  }
0x96: {  	_ =	strace s3  }
0x97: {  	_ =	strace $0x8FFFFFFF  }
0x98: {  	s19 =	sld [smem:$0x3FDB];
	_ =	sdelay $0x1  }
0x99: {  	s4 =	simm.s32 $_scs_section_size  }
0x9a: {  	s5 =	simm.s32 $_size__tile_overlayer_lowered;
	s6 =	simm.s32 $_tile_overlayer_lowered  }
0x9b: {  	s22 =	simm.s32 $0x1BFF;
	s21 =	sshll.u32 s6, $0x1;
	s3 =	sadd.s32 s4, s19  }
0x9c: {  	s7 =	simm.s32 $0x0;
	s20 =	sshll.u32 s5, $0x1;
	s5 =	sadd.s32 s21, s3  }
0x9d: {  	[timem:s7], [sflag:s22] =	dma.local [hbm:s5], s20  }
0x9e: {  	_ =	swait.ge [sflag:s22], s20  }
0x9f: {  	s4 =	ssub.s32 $0x0, s20;
	[sflag:s22] =	ssyncset.done $0x0  }
0xa0: {  	[sflag:s22] =	ssyncadd.s32 s4;
	_ =	sdelay $0x1  }
0xa1: {  	s23 =	simm.s32 $0x1B8B  }
0xa2: {  	_ =	swait.ge [sflag:s23], $0x1  }
0xa3: {  	[sflag:s23] =	ssyncset.done $0x0  }
0xa4: {  	s25 =	simm.s32 $0x1B8E;
	s24 =	sld [smem:$0x3FFE];
	[sflag:s23] =	ssyncadd.s32 $0xFFFFFFFF  }
0xa5: {  	s26 =	simm.s32 $execute0_lowered;
	[smem:$0x3FD2] =	sst s25  }
0xa6: {  	s5 =	sshll.u32 s26, $0x1;
	_ =	strace $0x80000046;
	[dreg:$0x1] =	wrdreg $0xFFFFFFFF  }
0xa7: {  	s28 =	simm.s32 $_size_execute0_lowered;
	s3 =	sadd.s32 s3, s5;
	[dreg:$0x0] =	wrdreg $0x0  }
0xa8: {  	s5 =	sshll.u32 s28, $0x1;
	[dreg:$0x2] =	wrdreg s3  }
0xa9: {  	[dreg:$0x3] =	wrdreg s5  }
0xaa: {  	[dreg:$0x4] =	wrdreg $0xC0  }
0xab: {  	_ =	task [dreg:s7], $0x5FFFF  }
0xac: {  	[dreg:$0x1] =	wrdreg $0xFFFFFFFF  }
0xad: {  	[dreg:$0x0] =	wrdreg $0x60  }
0xae: {  	[dreg:$0x2] =	wrdreg s2  }
0xaf: {  	[dreg:$0x3] =	wrdreg s24  }
0xb0: {  	[dreg:$0x4] =	wrdreg $0x9  }
0xb1: {  	_ =	task.clear_ibuf [dreg:s7], $0x5FFFF;
	_ =	strace $0x90000046  }
0xb2: {  	s29 =	simm.s32 $0x9;
	_ =	strace $0x80000048  }
0xb3: {  	_ =	swait.ge [sflag:s29], $0x1  }
0xb4: {  	[sflag:s29] =	ssyncadd.s32 $0xFFFFFFFF  }
0xb5: {  	_ =	strace $0x90000048  }
0xb6: {  	_ =	sfence  }
0xb7: {  	s30 =	sld [smem:$0x0];
	_ =	sdelay $0x2  }
0xb8: {  	s31 =	sshll.u32 s1, $0xD;
	s1 =	sshrl.u32 s1, $0x2  }
0xb9: {  	s3 =	sand.u32 $0x4000, s31;
	s1 =	sadd.s32 s1, s30  }
0xba: {  	s0 =	sor.u32 s3, s0;
	s1 =	sshll.u32 s1, $0x11  }
0xbb: {  	s0 =	sor.u32 s1, s0  }
0xbc: {  	s0 =	sadd.s32 $0x8F2B, s0  }
0xbd: {  	[sflag:s0] =	ssyncadd.remote.s32 $0x1  }
0xbe: {  	_ =	sfence.sel $0xFFFF  }
0xbf: {  	[dreg:$0x0] =	wrdreg $0xFFFFFFFF;
	(pc) =	sbr.abs _section_cstart, $3  }
0xc0: {  	[dreg:$0x1] =	wrdreg $0xFFFFFFFF  }
0xc1: {  	_ =	task.clear_ibuf [dreg:s7], $0x2FFFF;
	_ =	strace $0x9FFFFFFF  }
0xc2: {  	(tm) =	ssettm $0x7FFFFFFF  }
0xc3: {  	_ =	shalt  }
tec
execute0_lowered:
.L_overlay_start_1:
0x0: {  	(tag) =	ssettag $0x1  }
0x1: {  	s1 =	rddreg [dreg:$0x0]  }
0x2: {  	s0 =	rddreg [dreg:$0x1]  }
0x3: {  	s2 =	srdreg.scid;
	s12 =	stileid.u32  }
0x4: {  	s3 =	simm.s32 $0x0;
	s28 =	simm.s32 $0x15A00;
	s11 =	smul.u32 $0x1400, s12  }
0x5: {  	s29 =	simm.s32 $0x16200;
	s30 =	simm.s32 $0x16A00;
	s18 =	smul.u32 $0x28000, s12  }
0x6: {  	s31 =	simm.s32 $0x17200;
	s2 =	sand.u32 $0x1, s2;
	s20 =	smul.u32 $0x14000, s12  }
0x7: {  	[smem:$0x7FF] =	sst s3;
	s8 =	sadd.s32 $0x4000, s0;
	s5 =	smul.u32 $0x140000, s2  }
0x8: {  	s10 =	sadd.s32 $0x9000, s0;
	s4 =	sshll.u32 s2, $0x4;
	s6 =	smul.u32 $0x280000, s2  }
0x9: {  	s9 =	smul.u32 $0x14000, s2;
	s2 =	ssub.s32 $0x2, s2;
	s4 =	sor.u32 s12, s4  }
0xa: {  	_ =	strace $0x80000047;
	s13 =	sshrl.u32 s2, $0x1;
	s7 =	smul.u32 $0x1400, s4  }
0xb: {  	s4 =	sadd.s32 $0xE000, s0;
	s5 =	sadd.s32 s5, s0;
	s0 =	sadd.s32 s6, s0  }
0xc: {  	s2 =	ssub.s32 s2, s13;
	s15 =	sadd.s32 s11, s9;
	s9 =	simm.s32 $0x3  }
0xd: {  	s17 =	sor.u32 $0x100, s15;
	s2 =	smax.u32 s2, $0x1;
	s0 =	sadd.s32 s18, s0  }
0xe: {  	s23 =	sadd.s32 s20, s5;
	s24 =	sor.u32 $0x80, s15;
	s15 =	simm.s32 $0x80  }
0xf: {  	s5 =	simm.s32 $0xC100;
	s18 =	simm.s32 $0x0;
	s20 =	simm.s32 $0xC180  }
0x10: {  	s14 =	sshrl.u32 s7, $0x3;
	s19 =	sshrl.u32 s17, $0x3;
	[dreg:$0x5] =	wrdreg s2  }
0x11: {  	s0 =	sadd.s32 $0x2DE000, s0;
	s25 =	sadd.s32 $0x5E000, s23;
	s26 =	sshrl.u32 s24, $0x3  }
0x12: {  	s17 =	simm.s32 $0x4100;
	s7 =	simm.s32 $0xC200;
	s23 =	simm.s32 $0x13A00  }
0x13: {  	s24 =	simm.s32 $0x14200;
	s2 =	simm.s32 $0x1;
	s16 =	sadd.s32 s8, s14  }
0x14: {  	s6 =	sadd.s32 s10, s14;
	s21 =	sadd.s32 s19, s10;
	[dreg:$0x8] =	wrdreg s0  }
0x15: {  	s22 =	sadd.s32 s19, s8;
	[dreg:$0x9] =	wrdreg s25;
	s12 =	sadd.s32 s26, s10  }
.Ltmp0:
0x16: {  	s13 =	sadd.s32 s26, s8;
	[dreg:$0x3] =	wrdreg s16;
	(pc) =	sbr.rel .LBB2_1-.Ltmp0, $4  }
0x17: {  	s14 =	simm.s32 $0x5;
	s10 =	simm.s32 $0x10200;
	[dreg:$0x4] =	wrdreg s6  }
0x18: {  	v2 =	vlaneseq.u32;
	s25 =	simm.s32 $0x14A00;
	s26 =	simm.s32 $0x15200;
	[dreg:$0x6] =	wrdreg s21  }
0x19: {  	vm0 =	vmmov $0xffff;
	v1 =	vshrl.u32 v2, $0x3;
	s0 =	simm.s32 $0x17A00;
	s8 =	simm.s32 $0x2;
	[dreg:$0x7] =	wrdreg s22  }
0x1a: {  	v0 =	vand.u32 $0x7, v2;
	v2 =	vor.u32 $0x8, v2;
	v1 =	vmul.u32 $0x8, v1;
	s16 =	simm.s32 $0x100;
	s21 =	simm.s32 $0x12A00;
	s22 =	simm.s32 $0x13200  }
.LBB2_5:
0x1b: {  	_ =	swait.ge [sflag:s9], $0x4000  }
0x1c: {  	[sflag:s9] =	ssyncset.done $0x0  }
0x1d: {  	[sflag:s9] =	ssyncadd.s32 $0xFFFFC000  }
0x1e: {  	_ =	swait.ge [sflag:s9], $0x8000  }
0x1f: {  	[sflag:s9] =	ssyncset.done $0x0  }
0x20: {  	s11 =	simm.s32 $0x4;
	[sflag:s9] =	ssyncadd.s32 $0xFFFF8000  }
0x21: {  	_ =	swait.ge [sflag:s11], $0x4000  }
0x22: {  	[sflag:s11] =	ssyncset.done $0x0  }
0x23: {  	[sflag:s11] =	ssyncadd.s32 $0xFFFFC000  }
0x24: {  	_ =	swait.ge [sflag:s11], $0x8000  }
0x25: {  	s18 =	rddreg [dreg:$0xa]  }
0x26: {  	s6 =	rddreg [dreg:$0x5];
	s18 =	sadd.s32 $0x1, s18  }
0x27: {  	p0 =	sne.s32 s18, s6  }
.Ltmp1:
0x28: {  	_ = 	snop;
	(pc) =	sbr.rel @!p0 .LBB2_6-.Ltmp1, $3  }
0x29: {  	_ =	sdelay $0x1  }
0x2a: {  	[sflag:s11] =	ssyncset.done $0x0  }
0x2b: {  	[sflag:s11] =	ssyncadd.s32 $0xFFFF8000  }
.LBB2_1:
0x2c: {  	[dreg:$0xa] =	wrdreg s18  }
0x2d: {  	s6 =	rddreg [dreg:$0x3]  }
0x2e: {  	[tilespmem:s3], [sflag:$0x5] =	stream.linear.gather [hbm4b:s6+s3], $0x80, $0x38;
	[tilespmem:$0x18200] =	vst v63  }
0x2f: {  	_ =	swait.ge [sflag:s14], $0x80  }
0x30: {  	[sflag:s14] =	ssyncset.done $0x0  }
0x31: {  	s19 =	rddreg [dreg:$0x4];
	[sflag:s14] =	ssyncadd.s32 $0xFFFFFF80  }
0x32: {  	[tilespmem:s15], [sflag:$0x5] =	stream.linear.gather [hbm4b:s19+s3], $0x80, $0x38;
	[tilespmem:$0x18200] =	vst v63  }
0x33: {  	_ =	swait.ge [sflag:s14], $0x80  }
0x34: {  	[sflag:s14] =	ssyncset.done $0x0  }
0x35: {  	[sflag:s14] =	ssyncadd.s32 $0xFFFFFF80  }
0x36: {  	[tilespmem:s16], [sflag:$0x1] =	stream.indirect.gather [hbm4b:s1+s15], $0x80, s3, s15, $0xb8;
	[tilespmem:$0x18200] =	vst v63  }
0x37: {  	v3 =	vld [tilespmem:$0x80];
	_ =	sdelay $0x4  }
0x38: {  	v4 =	vshll.u32 v3, $0x1  }
0x39: {  	v3 =	vand.u32 $0x7, v3;
	v4 =	vand.u32 $0xFFFFFFF0, v4  }
0x3a: {  	v3 =	vor.u32 v3, v4  }
0x3b: {  	v4 =	vperm.xlane v3, v0;
	_ =	sdelay $0x1  }
0x3c: {  	v3 =	vperm.xlane v3, v2;
	v4 =	vadd.s32 v1, v4;
	_ =	sdelay $0x1  }
0x3d: {  	v3 =	vadd.s32 v1, v3;
	_ =	sdelay $0x2  }
0x3e: {  	[tilespmem:s17], [sflag:$0x1] =	stream.indirect_vreg.gather [hbm4b:s4+s3], $0x80, v4, vm0, $0xb8;
	[tilespmem:$0x18200] =	vst v63  }
0x3f: {  	s11 =	simm.s32 $0x4900  }
0x40: {  	[tilespmem:s11], [sflag:$0x1] =	stream.indirect_vreg.gather [hbm4b:s4+s3], $0x80, v3, vm0, $0xb8;
	[tilespmem:$0x18200] =	vst v63  }
0x41: {  	v3 =	vld [tilespmem:$0x90];
	_ =	sdelay $0x4  }
0x42: {  	v57 =	vshll.u32 v3, $0x1  }
0x43: {  	v3 =	vand.u32 $0x7, v3;
	v4 =	vand.u32 $0xFFFFFFF0, v57  }
0x44: {  	v3 =	vor.u32 v3, v4  }
0x45: {  	v4 =	vperm.xlane v3, v0;
	_ =	sdelay $0x1  }
0x46: {  	v3 =	vperm.xlane v3, v2;
	v4 =	vadd.s32 v1, v4;
	_ =	sdelay $0x1  }
0x47: {  	v3 =	vadd.s32 v1, v3;
	_ =	sdelay $0x1  }
0x48: {  	s18 =	simm.s32 $0x5100  }
0x49: {  	[tilespmem:s18], [sflag:$0x1] =	stream.indirect_vreg.gather [hbm4b:s4+s3], $0x80, v4, vm0, $0xb8;
	[tilespmem:$0x18200] =	vst v63  }
0x4a: {  	s19 =	simm.s32 $0x5900  }
0x4b: {  	[tilespmem:s19], [sflag:$0x1] =	stream.indirect_vreg.gather [hbm4b:s4+s3], $0x80, v3, vm0, $0xb8;
	[tilespmem:$0x18200] =	vst v63  }
0x4c: {  	v3 =	vld [tilespmem:$0xA0];
	_ =	sdelay $0x4  }
0x4d: {  	v58 =	vshll.u32 v3, $0x1  }
0x4e: {  	v3 =	vand.u32 $0x7, v3;
	v4 =	vand.u32 $0xFFFFFFF0, v58  }
0x4f: {  	v3 =	vor.u32 v3, v4  }
0x50: {  	v4 =	vperm.xlane v3, v0;
	_ =	sdelay $0x1  }
0x51: {  	v3 =	vperm.xlane v3, v2;
	v4 =	vadd.s32 v1, v4;
	_ =	sdelay $0x1  }
0x52: {  	v3 =	vadd.s32 v1, v3;
	_ =	sdelay $0x1  }
0x53: {  	s11 =	simm.s32 $0x6100  }
0x54: {  	[tilespmem:s11], [sflag:$0x1] =	stream.indirect_vreg.gather [hbm4b:s4+s3], $0x80, v4, vm0, $0xb8;
	[tilespmem:$0x18200] =	vst v63  }
0x55: {  	s18 =	simm.s32 $0x6900  }
0x56: {  	[tilespmem:s18], [sflag:$0x1] =	stream.indirect_vreg.gather [hbm4b:s4+s3], $0x80, v3, vm0, $0xb8;
	[tilespmem:$0x18200] =	vst v63  }
0x57: {  	v3 =	vld [tilespmem:$0xB0];
	_ =	sdelay $0x4  }
0x58: {  	v59 =	vshll.u32 v3, $0x1  }
0x59: {  	v3 =	vand.u32 $0x7, v3;
	v4 =	vand.u32 $0xFFFFFFF0, v59  }
0x5a: {  	v3 =	vor.u32 v3, v4  }
0x5b: {  	v4 =	vperm.xlane v3, v0;
	_ =	sdelay $0x1  }
0x5c: {  	v3 =	vperm.xlane v3, v2;
	v4 =	vadd.s32 v1, v4;
	_ =	sdelay $0x1  }
0x5d: {  	v3 =	vadd.s32 v1, v3;
	_ =	sdelay $0x1  }
0x5e: {  	s19 =	simm.s32 $0x7100  }
0x5f: {  	[tilespmem:s19], [sflag:$0x1] =	stream.indirect_vreg.gather [hbm4b:s4+s3], $0x80, v4, vm0, $0xb8;
	[tilespmem:$0x18200] =	vst v63  }
0x60: {  	s11 =	simm.s32 $0x7900  }
0x61: {  	[tilespmem:s11], [sflag:$0x1] =	stream.indirect_vreg.gather [hbm4b:s4+s3], $0x80, v3, vm0, $0xb8;
	[tilespmem:$0x18200] =	vst v63  }
0x62: {  	v3 =	vld [tilespmem:$0xC0];
	_ =	sdelay $0x4  }
0x63: {  	v60 =	vshll.u32 v3, $0x1  }
0x64: {  	v3 =	vand.u32 $0x7, v3;
	v4 =	vand.u32 $0xFFFFFFF0, v60  }
0x65: {  	v3 =	vor.u32 v3, v4  }
0x66: {  	v4 =	vperm.xlane v3, v0;
	_ =	sdelay $0x1  }
0x67: {  	v3 =	vperm.xlane v3, v2;
	v4 =	vadd.s32 v1, v4;
	_ =	sdelay $0x1  }
0x68: {  	v3 =	vadd.s32 v1, v3;
	_ =	sdelay $0x1  }
0x69: {  	s18 =	simm.s32 $0x8100  }
0x6a: {  	[tilespmem:s18], [sflag:$0x1] =	stream.indirect_vreg.gather [hbm4b:s4+s3], $0x80, v4, vm0, $0xb8;
	[tilespmem:$0x18200] =	vst v63  }
0x6b: {  	s19 =	simm.s32 $0x8900  }
0x6c: {  	[tilespmem:s19], [sflag:$0x1] =	stream.indirect_vreg.gather [hbm4b:s4+s3], $0x80, v3, vm0, $0xb8;
	[tilespmem:$0x18200] =	vst v63  }
0x6d: {  	v3 =	vld [tilespmem:$0xD0];
	_ =	sdelay $0x4  }
0x6e: {  	v61 =	vshll.u32 v3, $0x1  }
0x6f: {  	v3 =	vand.u32 $0x7, v3;
	v4 =	vand.u32 $0xFFFFFFF0, v61  }
0x70: {  	v3 =	vor.u32 v3, v4  }
0x71: {  	v4 =	vperm.xlane v3, v0;
	_ =	sdelay $0x1  }
0x72: {  	v3 =	vperm.xlane v3, v2;
	v4 =	vadd.s32 v1, v4;
	_ =	sdelay $0x1  }
0x73: {  	v3 =	vadd.s32 v1, v3;
	_ =	sdelay $0x1  }
0x74: {  	s11 =	simm.s32 $0x9100  }
0x75: {  	[tilespmem:s11], [sflag:$0x1] =	stream.indirect_vreg.gather [hbm4b:s4+s3], $0x80, v4, vm0, $0xb8;
	[tilespmem:$0x18200] =	vst v63  }
0x76: {  	s18 =	simm.s32 $0x9900  }
0x77: {  	[tilespmem:s18], [sflag:$0x1] =	stream.indirect_vreg.gather [hbm4b:s4+s3], $0x80, v3, vm0, $0xb8;
	[tilespmem:$0x18200] =	vst v63  }
0x78: {  	v3 =	vld [tilespmem:$0xE0];
	_ =	sdelay $0x4  }
0x79: {  	v62 =	vshll.u32 v3, $0x1  }
0x7a: {  	v3 =	vand.u32 $0x7, v3;
	v4 =	vand.u32 $0xFFFFFFF0, v62  }
0x7b: {  	v3 =	vor.u32 v3, v4  }
0x7c: {  	v4 =	vperm.xlane v3, v0;
	_ =	sdelay $0x1  }
0x7d: {  	v3 =	vperm.xlane v3, v2;
	v4 =	vadd.s32 v1, v4;
	_ =	sdelay $0x1  }
0x7e: {  	v3 =	vadd.s32 v1, v3;
	_ =	sdelay $0x1  }
0x7f: {  	s19 =	simm.s32 $0xA100  }
0x80: {  	[tilespmem:s19], [sflag:$0x1] =	stream.indirect_vreg.gather [hbm4b:s4+s3], $0x80, v4, vm0, $0xb8;
	[tilespmem:$0x18200] =	vst v63  }
0x81: {  	s11 =	simm.s32 $0xA900  }
0x82: {  	[tilespmem:s11], [sflag:$0x1] =	stream.indirect_vreg.gather [hbm4b:s4+s3], $0x80, v3, vm0, $0xb8;
	[tilespmem:$0x18200] =	vst v63  }
0x83: {  	v3 =	vld [tilespmem:$0xF0];
	_ =	sdelay $0x4  }
0x84: {  	v63 =	vshll.u32 v3, $0x1  }
0x85: {  	v3 =	vand.u32 $0x7, v3;
	v4 =	vand.u32 $0xFFFFFFF0, v63  }
0x86: {  	v3 =	vor.u32 v3, v4  }
0x87: {  	v4 =	vperm.xlane v3, v0;
	_ =	sdelay $0x1  }
0x88: {  	v3 =	vperm.xlane v3, v2;
	v4 =	vadd.s32 v1, v4;
	_ =	sdelay $0x1  }
0x89: {  	v3 =	vadd.s32 v1, v3  }
.Ltmp2:
0x8a: {  	_ = 	snop;
	(pc) =	sbr.rel .LBB2_2-.Ltmp2, $4  }
0x8b: {  	s6 =	rddreg [dreg:$0x9];
	s18 =	simm.s32 $0xB100  }
0x8c: {  	[tilespmem:s18], [sflag:$0x1] =	stream.indirect_vreg.gather [hbm4b:s4+s3], $0x80, v4, vm0, $0xb8;
	[tilespmem:$0x18200] =	vst v63  }
0x8d: {  	s19 =	simm.s32 $0xB900;
	s11 =	rddreg [dreg:$0x8];
	s18 =	simm.s32 $0x0  }
0x8e: {  	[tilespmem:s19], [sflag:$0x1] =	stream.indirect_vreg.gather [hbm4b:s4+s3], $0x80, v3, vm0, $0xb8;
	[tilespmem:$0x18200] =	vst v63  }
.LBB2_4:
0x8f: {  	_ =	swait.ge [sflag:s8], $0x4000  }
0x90: {  	[sflag:s8] =	ssyncset.done $0x0  }
0x91: {  	s18 =	sadd.s32 $0x20, s18;
	[sflag:s8] =	ssyncadd.s32 $0xFFFFC000  }
0x92: {  	p0 =	sne.s32 s18, $0x280;
	_ =	swait.ge [sflag:s8], $0x8000  }
.Ltmp3:
0x93: {  	[sflag:s8] =	ssyncset.done $0x0;
	(pc) =	sbr.rel @!p0 .LBB2_5-.Ltmp3, $4  }
0x94: {  	s19 =	sadd.s32 $0x800, s6;
	[sflag:s8] =	ssyncadd.s32 $0xFFFF8000  }
0x95: {  	[hbm4b:s19+s3] =	stream.linear.scatter [tilespmem:s7], [sflag:$0x4], $0x4000, $0x38;
	[tilespmem:$0x18200] =	vst v63  }
0x96: {  	s6 =	sadd.s32 $0x1000, s6;
	s19 =	sadd.s32 $0x1000, s11;
	s11 =	sadd.s32 $0x2000, s11  }
0x97: {  	[hbm4b:s19+s3] =	stream.linear.scatter [tilespmem:s10], [sflag:$0x4], $0x8000, $0x38;
	[tilespmem:$0x18200] =	vst v63  }
.LBB2_2:
0x98: {  	p0 =	seq.s32 s18, $0x0  }
0x99: {  	s19 =	simm.s32 @!p0 $0x4  }
0x9a: {  	_ =	swait.ge @!p0 [sflag:s19], $0x4000  }
0x9b: {  	[sflag:s19] =	ssyncset.done @!p0 $0x0  }
0x9c: {  	[sflag:s19] =	ssyncadd.s32 @!p0 $0xFFFFC000  }
0x9d: {  	_ =	swait.ge @!p0 [sflag:s19], $0x8000  }
0x9e: {  	[sflag:s19] =	ssyncset.done @!p0 $0x0  }
0x9f: {  	[sflag:s19] =	ssyncadd.s32 @!p0 $0xFFFF8000;
	s19 =	sadd.s32 s18, s13  }
0xa0: {  	[tilespmem:s5], [sflag:$0x5] =	stream.linear.gather [hbm4b:s19+s3], $0x80, $0x38;
	[tilespmem:$0x18200] =	vst v63  }
0xa1: {  	_ =	swait.ge [sflag:s14], $0x80  }
0xa2: {  	[sflag:s14] =	ssyncset.done $0x0  }
0xa3: {  	s19 =	sadd.s32 s18, s12;
	[sflag:s14] =	ssyncadd.s32 $0xFFFFFF80  }
0xa4: {  	[tilespmem:s20], [sflag:$0x5] =	stream.linear.gather [hbm4b:s19+s3], $0x80, $0x38;
	[tilespmem:$0x18200] =	vst v63  }
0xa5: {  	_ =	swait.ge [sflag:s14], $0x80  }
0xa6: {  	[sflag:s14] =	ssyncset.done $0x0  }
0xa7: {  	[sflag:s14] =	ssyncadd.s32 $0xFFFFFF80  }
0xa8: {  	[tilespmem:s7], [sflag:$0x2] =	stream.indirect.gather [hbm4b:s1+s15], $0x80, s5, s15, $0xb8;
	[tilespmem:$0x18200] =	vst v63  }
0xa9: {  	v3 =	vld [tilespmem:$0xC180];
	_ =	sdelay $0x4  }
0xaa: {  	v4 =	vshll.u32 v3, $0x1  }
0xab: {  	v3 =	vand.u32 $0x7, v3;
	v4 =	vand.u32 $0xFFFFFFF0, v4  }
0xac: {  	v3 =	vor.u32 v3, v4  }
0xad: {  	v4 =	vperm.xlane v3, v0;
	_ =	sdelay $0x1  }
0xae: {  	v3 =	vperm.xlane v3, v2;
	v4 =	vadd.s32 v1, v4;
	_ =	sdelay $0x1  }
0xaf: {  	v3 =	vadd.s32 v1, v3;
	_ =	sdelay $0x2  }
0xb0: {  	[tilespmem:s10], [sflag:$0x2] =	stream.indirect_vreg.gather [hbm4b:s4+s3], $0x80, v4, vm0, $0xb8;
	[tilespmem:$0x18200] =	vst v63  }
0xb1: {  	s19 =	simm.s32 $0x10A00  }
0xb2: {  	[tilespmem:s19], [sflag:$0x2] =	stream.indirect_vreg.gather [hbm4b:s4+s3], $0x80, v3, vm0, $0xb8;
	[tilespmem:$0x18200] =	vst v63  }
0xb3: {  	v3 =	vld [tilespmem:$0xC190];
	_ =	sdelay $0x4  }
0xb4: {  	v57 =	vshll.u32 v3, $0x1  }
0xb5: {  	v3 =	vand.u32 $0x7, v3;
	v4 =	vand.u32 $0xFFFFFFF0, v57  }
0xb6: {  	v3 =	vor.u32 v3, v4  }
0xb7: {  	v4 =	vperm.xlane v3, v0;
	_ =	sdelay $0x1  }
0xb8: {  	v3 =	vperm.xlane v3, v2;
	v4 =	vadd.s32 v1, v4;
	_ =	sdelay $0x1  }
0xb9: {  	v3 =	vadd.s32 v1, v3;
	_ =	sdelay $0x1  }
0xba: {  	s19 =	simm.s32 $0x11200  }
0xbb: {  	[tilespmem:s19], [sflag:$0x2] =	stream.indirect_vreg.gather [hbm4b:s4+s3], $0x80, v4, vm0, $0xb8;
	[tilespmem:$0x18200] =	vst v63  }
0xbc: {  	s19 =	simm.s32 $0x11A00  }
0xbd: {  	[tilespmem:s19], [sflag:$0x2] =	stream.indirect_vreg.gather [hbm4b:s4+s3], $0x80, v3, vm0, $0xb8;
	[tilespmem:$0x18200] =	vst v63  }
0xbe: {  	v3 =	vld [tilespmem:$0xC1A0];
	_ =	sdelay $0x4  }
0xbf: {  	v58 =	vshll.u32 v3, $0x1  }
0xc0: {  	v3 =	vand.u32 $0x7, v3;
	v4 =	vand.u32 $0xFFFFFFF0, v58  }
0xc1: {  	v3 =	vor.u32 v3, v4  }
0xc2: {  	v4 =	vperm.xlane v3, v0;
	_ =	sdelay $0x1  }
0xc3: {  	v3 =	vperm.xlane v3, v2;
	v4 =	vadd.s32 v1, v4;
	_ =	sdelay $0x1  }
0xc4: {  	v3 =	vadd.s32 v1, v3;
	_ =	sdelay $0x1  }
0xc5: {  	s19 =	simm.s32 $0x12200  }
0xc6: {  	[tilespmem:s19], [sflag:$0x2] =	stream.indirect_vreg.gather [hbm4b:s4+s3], $0x80, v4, vm0, $0xb8;
	[tilespmem:$0x18200] =	vst v63  }
0xc7: {  	_ = 	snop  }
0xc8: {  	[tilespmem:s21], [sflag:$0x2] =	stream.indirect_vreg.gather [hbm4b:s4+s3], $0x80, v3, vm0, $0xb8;
	[tilespmem:$0x18200] =	vst v63  }
0xc9: {  	v3 =	vld [tilespmem:$0xC1B0];
	_ =	sdelay $0x4  }
0xca: {  	v59 =	vshll.u32 v3, $0x1  }
0xcb: {  	v3 =	vand.u32 $0x7, v3;
	v4 =	vand.u32 $0xFFFFFFF0, v59  }
0xcc: {  	v3 =	vor.u32 v3, v4  }
0xcd: {  	v4 =	vperm.xlane v3, v0;
	_ =	sdelay $0x1  }
0xce: {  	v3 =	vperm.xlane v3, v2;
	v4 =	vadd.s32 v1, v4;
	_ =	sdelay $0x1  }
0xcf: {  	v3 =	vadd.s32 v1, v3;
	_ =	sdelay $0x2  }
0xd0: {  	[tilespmem:s22], [sflag:$0x2] =	stream.indirect_vreg.gather [hbm4b:s4+s3], $0x80, v4, vm0, $0xb8;
	[tilespmem:$0x18200] =	vst v63  }
0xd1: {  	_ = 	snop  }
0xd2: {  	[tilespmem:s23], [sflag:$0x2] =	stream.indirect_vreg.gather [hbm4b:s4+s3], $0x80, v3, vm0, $0xb8;
	[tilespmem:$0x18200] =	vst v63  }
0xd3: {  	v3 =	vld [tilespmem:$0xC1C0];
	_ =	sdelay $0x4  }
0xd4: {  	v60 =	vshll.u32 v3, $0x1  }
0xd5: {  	v3 =	vand.u32 $0x7, v3;
	v4 =	vand.u32 $0xFFFFFFF0, v60  }
0xd6: {  	v3 =	vor.u32 v3, v4  }
0xd7: {  	v4 =	vperm.xlane v3, v0;
	_ =	sdelay $0x1  }
0xd8: {  	v3 =	vperm.xlane v3, v2;
	v4 =	vadd.s32 v1, v4;
	_ =	sdelay $0x1  }
0xd9: {  	v3 =	vadd.s32 v1, v3;
	_ =	sdelay $0x2  }
0xda: {  	[tilespmem:s24], [sflag:$0x2] =	stream.indirect_vreg.gather [hbm4b:s4+s3], $0x80, v4, vm0, $0xb8;
	[tilespmem:$0x18200] =	vst v63  }
0xdb: {  	_ = 	snop  }
0xdc: {  	[tilespmem:s25], [sflag:$0x2] =	stream.indirect_vreg.gather [hbm4b:s4+s3], $0x80, v3, vm0, $0xb8;
	[tilespmem:$0x18200] =	vst v63  }
0xdd: {  	v3 =	vld [tilespmem:$0xC1D0];
	_ =	sdelay $0x4  }
0xde: {  	v61 =	vshll.u32 v3, $0x1  }
0xdf: {  	v3 =	vand.u32 $0x7, v3;
	v4 =	vand.u32 $0xFFFFFFF0, v61  }
0xe0: {  	v3 =	vor.u32 v3, v4  }
0xe1: {  	v4 =	vperm.xlane v3, v0;
	_ =	sdelay $0x1  }
0xe2: {  	v3 =	vperm.xlane v3, v2;
	v4 =	vadd.s32 v1, v4;
	_ =	sdelay $0x1  }
0xe3: {  	v3 =	vadd.s32 v1, v3;
	_ =	sdelay $0x2  }
0xe4: {  	[tilespmem:s26], [sflag:$0x2] =	stream.indirect_vreg.gather [hbm4b:s4+s3], $0x80, v4, vm0, $0xb8;
	[tilespmem:$0x18200] =	vst v63  }
0xe5: {  	_ = 	snop  }
0xe6: {  	[tilespmem:s28], [sflag:$0x2] =	stream.indirect_vreg.gather [hbm4b:s4+s3], $0x80, v3, vm0, $0xb8;
	[tilespmem:$0x18200] =	vst v63  }
0xe7: {  	v3 =	vld [tilespmem:$0xC1E0];
	_ =	sdelay $0x4  }
0xe8: {  	v62 =	vshll.u32 v3, $0x1  }
0xe9: {  	v3 =	vand.u32 $0x7, v3;
	v4 =	vand.u32 $0xFFFFFFF0, v62  }
0xea: {  	v3 =	vor.u32 v3, v4  }
0xeb: {  	v4 =	vperm.xlane v3, v0;
	_ =	sdelay $0x1  }
0xec: {  	v3 =	vperm.xlane v3, v2;
	v4 =	vadd.s32 v1, v4;
	_ =	sdelay $0x1  }
0xed: {  	v3 =	vadd.s32 v1, v3;
	_ =	sdelay $0x2  }
0xee: {  	[tilespmem:s29], [sflag:$0x2] =	stream.indirect_vreg.gather [hbm4b:s4+s3], $0x80, v4, vm0, $0xb8;
	[tilespmem:$0x18200] =	vst v63  }
0xef: {  	_ = 	snop  }
0xf0: {  	[tilespmem:s30], [sflag:$0x2] =	stream.indirect_vreg.gather [hbm4b:s4+s3], $0x80, v3, vm0, $0xb8;
	[tilespmem:$0x18200] =	vst v63  }
0xf1: {  	v3 =	vld [tilespmem:$0xC1F0];
	_ =	sdelay $0x4  }
0xf2: {  	v63 =	vshll.u32 v3, $0x1  }
0xf3: {  	v3 =	vand.u32 $0x7, v3;
	v4 =	vand.u32 $0xFFFFFFF0, v63  }
0xf4: {  	v3 =	vor.u32 v3, v4  }
0xf5: {  	v4 =	vperm.xlane v3, v0;
	_ =	sdelay $0x1  }
0xf6: {  	v3 =	vperm.xlane v3, v2;
	v4 =	vadd.s32 v1, v4;
	_ =	sdelay $0x1  }
0xf7: {  	v3 =	vadd.s32 v1, v3;
	_ =	sdelay $0x2  }
0xf8: {  	[tilespmem:s31], [sflag:$0x2] =	stream.indirect_vreg.gather [hbm4b:s4+s3], $0x80, v4, vm0, $0xb8;
	[tilespmem:$0x18200] =	vst v63  }
0xf9: {  	_ = 	snop  }
0xfa: {  	[tilespmem:s0], [sflag:$0x2] =	stream.indirect_vreg.gather [hbm4b:s4+s3], $0x80, v3, vm0, $0xb8;
	[tilespmem:$0x18200] =	vst v63  }
0xfb: {  	_ =	swait.ge [sflag:s2], $0x4000  }
0xfc: {  	[sflag:s2] =	ssyncset.done $0x0  }
0xfd: {  	[sflag:s2] =	ssyncadd.s32 $0xFFFFC000  }
0xfe: {  	p0 =	seq.s32 s18, $0x260;
	_ =	swait.ge [sflag:s2], $0x8000  }
.Ltmp4:
0xff: {  	[sflag:s2] =	ssyncset.done $0x0;
	(pc) =	sbr.rel @p0 .LBB2_4-.Ltmp4, $4  }
0x100: {  	[sflag:s2] =	ssyncadd.s32 $0xFFFF8000  }
0x101: {  	[hbm4b:s6+s3] =	stream.linear.scatter [tilespmem:s16], [sflag:$0x3], $0x4000, $0x38;
	[tilespmem:$0x18200] =	vst v63  }
0x102: {  	_ = 	snop  }
0x103: {  	[hbm4b:s11+s3] =	stream.linear.scatter [tilespmem:s17], [sflag:$0x3], $0x8000, $0x38;
	[tilespmem:$0x18200] =	vst v63  }
0x104: {  	_ =	swait.ge [sflag:s9], $0x4000  }
0x105: {  	[sflag:s9] =	ssyncset.done $0x0  }
0x106: {  	[sflag:s9] =	ssyncadd.s32 $0xFFFFC000  }
0x107: {  	_ =	swait.ge [sflag:s9], $0x8000  }
0x108: {  	[sflag:s9] =	ssyncset.done $0x0;
	s19 =	rddreg [dreg:$0x7]  }
0x109: {  	[sflag:s9] =	ssyncadd.s32 $0xFFFF8000;
	s19 =	sadd.s32 s18, s19  }
0x10a: {  	[tilespmem:s3], [sflag:$0x5] =	stream.linear.gather [hbm4b:s19+s3], $0x80, $0x38;
	[tilespmem:$0x18200] =	vst v63  }
0x10b: {  	_ =	swait.ge [sflag:s14], $0x80  }
0x10c: {  	[sflag:s14] =	ssyncset.done $0x0;
	s19 =	rddreg [dreg:$0x6]  }
0x10d: {  	[sflag:s14] =	ssyncadd.s32 $0xFFFFFF80;
	s19 =	sadd.s32 s18, s19  }
0x10e: {  	[tilespmem:s15], [sflag:$0x5] =	stream.linear.gather [hbm4b:s19+s3], $0x80, $0x38;
	[tilespmem:$0x18200] =	vst v63  }
0x10f: {  	_ =	swait.ge [sflag:s14], $0x80  }
0x110: {  	[sflag:s14] =	ssyncset.done $0x0  }
0x111: {  	[sflag:s14] =	ssyncadd.s32 $0xFFFFFF80  }
0x112: {  	[tilespmem:s16], [sflag:$0x1] =	stream.indirect.gather [hbm4b:s1+s15], $0x80, s3, s15, $0xb8;
	[tilespmem:$0x18200] =	vst v63  }
0x113: {  	v3 =	vld [tilespmem:$0x80];
	_ =	sdelay $0x4  }
0x114: {  	v4 =	vshll.u32 v3, $0x1  }
0x115: {  	v3 =	vand.u32 $0x7, v3;
	v4 =	vand.u32 $0xFFFFFFF0, v4  }
0x116: {  	v3 =	vor.u32 v3, v4  }
0x117: {  	v4 =	vperm.xlane v3, v0;
	_ =	sdelay $0x1  }
0x118: {  	v3 =	vperm.xlane v3, v2;
	v4 =	vadd.s32 v1, v4;
	_ =	sdelay $0x1  }
0x119: {  	v3 =	vadd.s32 v1, v3;
	_ =	sdelay $0x2  }
0x11a: {  	[tilespmem:s17], [sflag:$0x1] =	stream.indirect_vreg.gather [hbm4b:s4+s3], $0x80, v4, vm0, $0xb8;
	[tilespmem:$0x18200] =	vst v63  }
0x11b: {  	s19 =	simm.s32 $0x4900  }
0x11c: {  	[tilespmem:s19], [sflag:$0x1] =	stream.indirect_vreg.gather [hbm4b:s4+s3], $0x80, v3, vm0, $0xb8;
	[tilespmem:$0x18200] =	vst v63  }
0x11d: {  	v3 =	vld [tilespmem:$0x90];
	_ =	sdelay $0x4  }
0x11e: {  	v57 =	vshll.u32 v3, $0x1  }
0x11f: {  	v3 =	vand.u32 $0x7, v3;
	v4 =	vand.u32 $0xFFFFFFF0, v57  }
0x120: {  	v3 =	vor.u32 v3, v4  }
0x121: {  	v4 =	vperm.xlane v3, v0;
	_ =	sdelay $0x1  }
0x122: {  	v3 =	vperm.xlane v3, v2;
	v4 =	vadd.s32 v1, v4;
	_ =	sdelay $0x1  }
0x123: {  	v3 =	vadd.s32 v1, v3;
	_ =	sdelay $0x1  }
0x124: {  	s19 =	simm.s32 $0x5100  }
0x125: {  	[tilespmem:s19], [sflag:$0x1] =	stream.indirect_vreg.gather [hbm4b:s4+s3], $0x80, v4, vm0, $0xb8;
	[tilespmem:$0x18200] =	vst v63  }
0x126: {  	s19 =	simm.s32 $0x5900  }
0x127: {  	[tilespmem:s19], [sflag:$0x1] =	stream.indirect_vreg.gather [hbm4b:s4+s3], $0x80, v3, vm0, $0xb8;
	[tilespmem:$0x18200] =	vst v63  }
0x128: {  	v3 =	vld [tilespmem:$0xA0];
	_ =	sdelay $0x4  }
0x129: {  	v58 =	vshll.u32 v3, $0x1  }
0x12a: {  	v3 =	vand.u32 $0x7, v3;
	v4 =	vand.u32 $0xFFFFFFF0, v58  }
0x12b: {  	v3 =	vor.u32 v3, v4  }
0x12c: {  	v4 =	vperm.xlane v3, v0;
	_ =	sdelay $0x1  }
0x12d: {  	v3 =	vperm.xlane v3, v2;
	v4 =	vadd.s32 v1, v4;
	_ =	sdelay $0x1  }
0x12e: {  	v3 =	vadd.s32 v1, v3;
	_ =	sdelay $0x1  }
0x12f: {  	s19 =	simm.s32 $0x6100  }
0x130: {  	[tilespmem:s19], [sflag:$0x1] =	stream.indirect_vreg.gather [hbm4b:s4+s3], $0x80, v4, vm0, $0xb8;
	[tilespmem:$0x18200] =	vst v63  }
0x131: {  	s19 =	simm.s32 $0x6900  }
0x132: {  	[tilespmem:s19], [sflag:$0x1] =	stream.indirect_vreg.gather [hbm4b:s4+s3], $0x80, v3, vm0, $0xb8;
	[tilespmem:$0x18200] =	vst v63  }
0x133: {  	v3 =	vld [tilespmem:$0xB0];
	_ =	sdelay $0x4  }
0x134: {  	v59 =	vshll.u32 v3, $0x1  }
0x135: {  	v3 =	vand.u32 $0x7, v3;
	v4 =	vand.u32 $0xFFFFFFF0, v59  }
0x136: {  	v3 =	vor.u32 v3, v4  }
0x137: {  	v4 =	vperm.xlane v3, v0;
	_ =	sdelay $0x1  }
0x138: {  	v3 =	vperm.xlane v3, v2;
	v4 =	vadd.s32 v1, v4;
	_ =	sdelay $0x1  }
0x139: {  	v3 =	vadd.s32 v1, v3;
	_ =	sdelay $0x1  }
0x13a: {  	s19 =	simm.s32 $0x7100  }
0x13b: {  	[tilespmem:s19], [sflag:$0x1] =	stream.indirect_vreg.gather [hbm4b:s4+s3], $0x80, v4, vm0, $0xb8;
	[tilespmem:$0x18200] =	vst v63  }
0x13c: {  	s19 =	simm.s32 $0x7900  }
0x13d: {  	[tilespmem:s19], [sflag:$0x1] =	stream.indirect_vreg.gather [hbm4b:s4+s3], $0x80, v3, vm0, $0xb8;
	[tilespmem:$0x18200] =	vst v63  }
0x13e: {  	v3 =	vld [tilespmem:$0xC0];
	_ =	sdelay $0x4  }
0x13f: {  	v60 =	vshll.u32 v3, $0x1  }
0x140: {  	v3 =	vand.u32 $0x7, v3;
	v4 =	vand.u32 $0xFFFFFFF0, v60  }
0x141: {  	v3 =	vor.u32 v3, v4  }
0x142: {  	v4 =	vperm.xlane v3, v0;
	_ =	sdelay $0x1  }
0x143: {  	v3 =	vperm.xlane v3, v2;
	v4 =	vadd.s32 v1, v4;
	_ =	sdelay $0x1  }
0x144: {  	v3 =	vadd.s32 v1, v3;
	_ =	sdelay $0x1  }
0x145: {  	s19 =	simm.s32 $0x8100  }
0x146: {  	[tilespmem:s19], [sflag:$0x1] =	stream.indirect_vreg.gather [hbm4b:s4+s3], $0x80, v4, vm0, $0xb8;
	[tilespmem:$0x18200] =	vst v63  }
0x147: {  	s19 =	simm.s32 $0x8900  }
0x148: {  	[tilespmem:s19], [sflag:$0x1] =	stream.indirect_vreg.gather [hbm4b:s4+s3], $0x80, v3, vm0, $0xb8;
	[tilespmem:$0x18200] =	vst v63  }
0x149: {  	v3 =	vld [tilespmem:$0xD0];
	_ =	sdelay $0x4  }
0x14a: {  	v61 =	vshll.u32 v3, $0x1  }
0x14b: {  	v3 =	vand.u32 $0x7, v3;
	v4 =	vand.u32 $0xFFFFFFF0, v61  }
0x14c: {  	v3 =	vor.u32 v3, v4  }
0x14d: {  	v4 =	vperm.xlane v3, v0;
	_ =	sdelay $0x1  }
0x14e: {  	v3 =	vperm.xlane v3, v2;
	v4 =	vadd.s32 v1, v4;
	_ =	sdelay $0x1  }
0x14f: {  	v3 =	vadd.s32 v1, v3;
	_ =	sdelay $0x1  }
0x150: {  	s19 =	simm.s32 $0x9100  }
0x151: {  	[tilespmem:s19], [sflag:$0x1] =	stream.indirect_vreg.gather [hbm4b:s4+s3], $0x80, v4, vm0, $0xb8;
	[tilespmem:$0x18200] =	vst v63  }
0x152: {  	s19 =	simm.s32 $0x9900  }
0x153: {  	[tilespmem:s19], [sflag:$0x1] =	stream.indirect_vreg.gather [hbm4b:s4+s3], $0x80, v3, vm0, $0xb8;
	[tilespmem:$0x18200] =	vst v63  }
0x154: {  	v3 =	vld [tilespmem:$0xE0];
	_ =	sdelay $0x4  }
0x155: {  	v62 =	vshll.u32 v3, $0x1  }
0x156: {  	v3 =	vand.u32 $0x7, v3;
	v4 =	vand.u32 $0xFFFFFFF0, v62  }
0x157: {  	v3 =	vor.u32 v3, v4  }
0x158: {  	v4 =	vperm.xlane v3, v0;
	_ =	sdelay $0x1  }
0x159: {  	v3 =	vperm.xlane v3, v2;
	v4 =	vadd.s32 v1, v4;
	_ =	sdelay $0x1  }
0x15a: {  	v3 =	vadd.s32 v1, v3;
	_ =	sdelay $0x1  }
0x15b: {  	s19 =	simm.s32 $0xA100  }
0x15c: {  	[tilespmem:s19], [sflag:$0x1] =	stream.indirect_vreg.gather [hbm4b:s4+s3], $0x80, v4, vm0, $0xb8;
	[tilespmem:$0x18200] =	vst v63  }
0x15d: {  	s19 =	simm.s32 $0xA900  }
0x15e: {  	[tilespmem:s19], [sflag:$0x1] =	stream.indirect_vreg.gather [hbm4b:s4+s3], $0x80, v3, vm0, $0xb8;
	[tilespmem:$0x18200] =	vst v63  }
0x15f: {  	v3 =	vld [tilespmem:$0xF0];
	_ =	sdelay $0x4  }
0x160: {  	v63 =	vshll.u32 v3, $0x1  }
0x161: {  	v3 =	vand.u32 $0x7, v3;
	v4 =	vand.u32 $0xFFFFFFF0, v63  }
0x162: {  	v3 =	vor.u32 v3, v4  }
0x163: {  	v4 =	vperm.xlane v3, v0;
	_ =	sdelay $0x1  }
0x164: {  	v3 =	vperm.xlane v3, v2;
	v4 =	vadd.s32 v1, v4;
	_ =	sdelay $0x1  }
0x165: {  	v3 =	vadd.s32 v1, v3  }
.Ltmp5:
0x166: {  	_ = 	snop;
	(pc) =	sbr.rel .LBB2_4-.Ltmp5, $4  }
0x167: {  	s19 =	simm.s32 $0xB100  }
0x168: {  	[tilespmem:s19], [sflag:$0x1] =	stream.indirect_vreg.gather [hbm4b:s4+s3], $0x80, v4, vm0, $0xb8;
	[tilespmem:$0x18200] =	vst v63  }
0x169: {  	s19 =	simm.s32 $0xB900  }
0x16a: {  	[tilespmem:s19], [sflag:$0x1] =	stream.indirect_vreg.gather [hbm4b:s4+s3], $0x80, v3, vm0, $0xb8;
	[tilespmem:$0x18200] =	vst v63  }
.LBB2_6:
0x16b: {  	_ =	sfence.sel $0x180000  }
0x16c: {  	[bflag:$0x0] =	sbarrier.arrive $0xFFFF  }
0x16d: {  	_ =	strace $0x90000047  }
0x16e: {  	s0 =	stileid.u32;
	[bflag:$0x2] =	sbarrier.arrive $0xFFFF  }
0x16f: {  	p0 =	sne.s32 s0, $0x0;
	s0 =	rddreg [dreg:$0x2]  }
0x170: {  	s0 =	sadd.s32 @!p0 $0x100000, s0  }
0x171: {  	[sflag:s0] =	ssyncadd.tile.s32 @!p0 $0x1;
	_ =	shalt  }
.Lfunc_end2:
_tile_overlayer_lowered:
.L_overlay_start_2:
0x172: {  	(tag) =	ssettag $0x2  }
0x173: {  	s0 =	rddreg [dreg:$0x0];
	s2 =	stileid.u32  }
0x174: {  	s1 =	rddreg [dreg:$0x1];
	p0 =	sne.s32 s2, $0x0  }
0x175: {  	s3 =	rddreg [dreg:$0x2];
	[bflag:$0x3] =	sbarrier.arrive $0xFFFF;
	s2 =	simm.s32 @!p0 $0x1C05  }
0x176: {  	[timem:s3], [sflag:s2] =	dma.local @!p0 [hbm:s0], s1  }
0x177: {  	s0 =	simm.s32 @!p0 $0x5  }
0x178: {  	_ =	swait.ge @!p0 [sflag:s0], s1  }
0x179: {  	s1 =	ssub.s32 @!p0 $0x0, s1;
	[sflag:s0] =	ssyncset.done @!p0 $0x0  }
0x17a: {  	[sflag:s0] =	ssyncadd.s32 @!p0 s1  }
0x17b: {  	[bflag:$0x3] =	sbarrier.arrive $0xFFFF  }
0x17c: {  	_ =	shalt  }

</sc_bundles>
